<compile_context>
chip_gen: v7x
topology: tpu7x:2x2x1
jax: 0.10.2.dev20260603
libtpu: 0.0.44.dev20260713+nightly
codegen_flags: <defaults>
</compile_context>

<pallas_src>
import functools

import jax
import jax.numpy as jnp
from jax import lax
from jax.experimental import pallas as pl
from jax.experimental.pallas import tpu as pltpu
from jax.experimental.pallas import tpu_sc as plsc

NC = 2
NS = 16
CH = 128
AW = 16


def _sc_segment_sums(x2, srcp2, dstp, z128, *, NP, EPW):
    nch = EPW // CH
    rows_per = NP // NS
    nzc = rows_per // CH

    def body(x2h, srch, dsth, z128h, s0h, s1h,
             sidx, didx, rows, acc, sem):
        cid = lax.axis_index("c")
        sid = lax.axis_index("s")
        r0 = sid * rows_per
        pltpu.sync_copy(z128h, rows.at[0])
        for j in range(nzc):
            pltpu.sync_copy(rows.at[0], acc.at[pl.ds(r0 + j * CH, CH)])

        plsc.subcore_barrier()

        def load_chunk(c, b):
            base = sid * EPW + c * CH
            pltpu.sync_copy(srch.at[pl.ds(base, CH)], sidx.at[b])
            pltpu.sync_copy(dsth.at[pl.ds(base, CH)], didx.at[b])
            for j in range(CH // 16):
                sl = pl.ds(j * 16, 16)
                sidx[b, sl] = sidx[b, sl] + cid
            pltpu.async_copy(x2h.at[sidx.at[b]], rows.at[b], sem)

        load_chunk(0, 0)

        @pl.loop(0, nch, step=2)
        def chunk(i):
            for b in range(2):
                load_chunk(i + b + 1, 1 - b)
                pltpu.make_async_copy(x2h.at[sidx.at[b]],
                                      rows.at[b], sem).wait()
                pltpu.sync_copy(rows.at[b], acc.at[didx.at[b]], add=True)

        pltpu.make_async_copy(x2h.at[sidx.at[0]], rows.at[0], sem).wait()

        plsc.subcore_barrier()

        for j in range(nzc):
            sl = pl.ds(r0 + j * CH, CH)
            pltpu.sync_copy(acc.at[sl], rows.at[0])

            @pl.when(cid == 0)
            def _():
                pltpu.sync_copy(rows.at[0], s0h.at[sl])

            @pl.when(cid == 1)
            def _():
                pltpu.sync_copy(rows.at[0], s1h.at[sl])

    f = pl.kernel(
        body,
        out_type=[
            jax.ShapeDtypeStruct((NP, 128), jnp.float32),
            jax.ShapeDtypeStruct((NP, 128), jnp.float32),
        ],
        mesh=plsc.VectorSubcoreMesh(core_axis_name="c", subcore_axis_name="s"),
        scratch_types=[
            pltpu.VMEM((2, CH), jnp.int32),
            pltpu.VMEM((2, CH), jnp.int32),
            pltpu.VMEM((2, CH, 128), jnp.float32),
            pltpu.VMEM_SHARED((NP, 128), jnp.float32),
            pltpu.SemaphoreType.DMA,
        ],
    )
    return f(x2, srcp2, dstp, z128)


def _sc_attr_sums(dstp, eap128, z128, *, NP, EPW2):
    nch = EPW2 // CH
    rows_per = NP // NS
    nzc = rows_per // CH

    def body(dsth, eah, z128h, a0h, a1h,
             didx, eav, a1acc, sem):
        cid = lax.axis_index("c")
        sid = lax.axis_index("s")
        wid = sid * NC + cid
        r0 = sid * rows_per
        pltpu.sync_copy(z128h, eav.at[0])
        for j in range(nzc):
            pltpu.sync_copy(eav.at[0], a1acc.at[pl.ds(r0 + j * CH, CH)])

        plsc.subcore_barrier()

        def load_chunk(c, b):
            base = wid * EPW2 + c * CH
            pltpu.sync_copy(dsth.at[pl.ds(base, CH)], didx.at[b])
            pltpu.async_copy(eah.at[pl.ds(base, CH)], eav.at[b], sem)

        load_chunk(0, 0)

        @pl.loop(0, nch, step=2)
        def chunk(i):
            for b in range(2):
                load_chunk(i + b + 1, 1 - b)
                pltpu.make_async_copy(eah.at[pl.ds(0, CH)],
                                      eav.at[b], sem).wait()
                pltpu.sync_copy(eav.at[b], a1acc.at[didx.at[b]], add=True)

        pltpu.make_async_copy(eah.at[pl.ds(0, CH)], eav.at[0], sem).wait()

        plsc.subcore_barrier()

        for j in range(nzc):
            sl = pl.ds(r0 + j * CH, CH)
            pltpu.sync_copy(a1acc.at[sl], eav.at[0])

            @pl.when(cid == 0)
            def _():
                pltpu.sync_copy(eav.at[0], a0h.at[sl])

            @pl.when(cid == 1)
            def _():
                pltpu.sync_copy(eav.at[0], a1h.at[sl])

    f = pl.kernel(
        body,
        out_type=[
            jax.ShapeDtypeStruct((NP, 128), jnp.float32),
            jax.ShapeDtypeStruct((NP, 128), jnp.float32),
        ],
        mesh=plsc.VectorSubcoreMesh(core_axis_name="c", subcore_axis_name="s"),
        scratch_types=[
            pltpu.VMEM((2, CH), jnp.int32),
            pltpu.VMEM((2, CH, 128), jnp.float32),
            pltpu.VMEM_SHARED((NP, 128), jnp.float32),
            pltpu.SemaphoreType.DMA,
        ],
    )
    return f(dstp, eap128, z128)


def _tc_pass1(x, s0, s1, a1, w_ext, w1t, csl_r, b1_r, *, R):
    N, D = x.shape
    H2 = w1t.shape[1]
    G = N // R

    def body(xb, s0b, s1b, a1b, web, w1b, cslb, b1b, zb, momb, accs):
        i = pl.program_id(0)

        @pl.when(i == 0)
        def _():
            accs[...] = jnp.zeros_like(accs)

        sx = jnp.concatenate([s0b[...], s1b[...]], axis=1)
        agg = (xb[...] + sx + cslb[0:1, :]
               + jnp.dot(a1b[...], web[...],
                         preferred_element_type=jnp.float32))
        z = jnp.dot(agg, w1b[...],
                    preferred_element_type=jnp.float32) + b1b[0:1, :]
        zb[...] = z
        accs[0:1, :] = accs[0:1, :] + jnp.sum(z, axis=0, keepdims=True)
        accs[1:2, :] = accs[1:2, :] + jnp.sum(z * z, axis=0, keepdims=True)

        @pl.when(i == pl.num_programs(0) - 1)
        def _():
            momb[...] = accs[...]

    full = lambda shape: pl.BlockSpec(shape, lambda i: (0, 0))
    return pl.pallas_call(
        body,
        grid=(G,),
        in_specs=[
            pl.BlockSpec((R, D), lambda i: (i, 0)),
            pl.BlockSpec((R, 128), lambda i: (i, 0)),
            pl.BlockSpec((R, 128), lambda i: (i, 0)),
            pl.BlockSpec((R, AW), lambda i: (i, 0)),
            full((AW, D)),
            full((D, H2)),
            full((8, D)),
            full((8, H2)),
        ],
        out_specs=[
            pl.BlockSpec((R, H2), lambda i: (i, 0)),
            full((8, H2)),
        ],
        out_shape=[
            jax.ShapeDtypeStruct((N, H2), jnp.float32),
            jax.ShapeDtypeStruct((8, H2), jnp.float32),
        ],
        scratch_shapes=[pltpu.VMEM((8, H2), jnp.float32)],
    )(x, s0, s1, a1, w_ext, w1t, csl_r, b1_r)


def _tc_pass2(z, mom, gb_r, w2t, b2_r, *, R):
    N, H2 = z.shape
    D = w2t.shape[1]
    G = N // R
    inv_n = 1.0 / N

    def body(zb, momb, gbb, w2b, b2b, outb):
        mean = momb[0:1, :] * inv_n
        var = momb[1:2, :] * inv_n - mean * mean
        scale = lax.rsqrt(var + 1e-5) * gbb[0:1, :]
        shift = gbb[1:2, :] - mean * scale
        zn = jnp.maximum(zb[...] * scale + shift, 0.0)
        outb[...] = jnp.dot(zn, w2b[...],
                            preferred_element_type=jnp.float32) + b2b[0:1, :]

    full = lambda shape: pl.BlockSpec(shape, lambda i: (0, 0))
    return pl.pallas_call(
        body,
        grid=(G,),
        in_specs=[
            pl.BlockSpec((R, H2), lambda i: (i, 0)),
            full((8, H2)),
            full((8, H2)),
            full((H2, D)),
            full((8, D)),
        ],
        out_specs=pl.BlockSpec((R, D), lambda i: (i, 0)),
        out_shape=jax.ShapeDtypeStruct((N, D), jnp.float32),
    )(z, mom, gb_r, w2t, b2_r)


def kernel(x, edge_index, edge_attr, self_loop_index, self_loop_type,
           W_edge, b_edge, W1, b1, gamma, beta, W2, b2):
    N, D = x.shape
    E = edge_index.shape[1]
    DE = edge_attr.shape[1]
    H2 = W1.shape[0]
    f32 = jnp.float32

    E_pad = -(-E // (NC * NS * CH)) * (NC * NS * CH)
    EPW = E_pad // NS
    EPW2 = E_pad // (NC * NS)
    NP = -(-(N + 1) // (NS * CH)) * (NS * CH)

    src = edge_index[1]
    dst = edge_index[0]
    pad_e = E_pad - E
    srcp = jnp.concatenate([src, jnp.full((pad_e + CH,), N, jnp.int32)])
    dstp = jnp.concatenate([dst, jnp.full((pad_e + CH,), N, jnp.int32)])
    src2 = jnp.stack([srcp * 2, srcp * 2 + 1], axis=0)
    eap128 = jnp.zeros((E_pad + CH, 128), f32).at[:E, :DE].set(edge_attr)
    xp = jnp.concatenate([x, jnp.zeros((8, D), f32)], axis=0)
    x2 = xp.reshape(2 * (N + 8), 128)
    z128 = jnp.zeros((CH, 128), f32)

    srcp2 = srcp * 2
    s0, s1 = _sc_segment_sums(x2, srcp2, dstp, z128, NP=NP, EPW=EPW)
    s0, s1, dstp2, eap128, z128b = lax.optimization_barrier(
        (s0, s1, dstp, eap128, z128))
    aa, ab = _sc_attr_sums(dstp2, eap128, z128b, NP=NP, EPW2=EPW2)
    s0, s1 = s0[:N], s1[:N]
    a1 = aa[:N, :DE] + ab[:N, :DE]

    sl_t = jnp.asarray(self_loop_type).astype(f32)
    onehot = (jnp.arange(DE) == self_loop_index).astype(f32) * sl_t
    c_sl = onehot @ W_edge.T + b_edge
    w_ext = W_edge.T
    csl_r = jnp.zeros((8, D), f32).at[0].set(c_sl)
    b1_r = jnp.zeros((8, H2), f32).at[0].set(b1)
    gb_r = jnp.zeros((8, H2), f32).at[0].set(gamma).at[1].set(beta)
    b2_r = jnp.zeros((8, D), f32).at[0].set(b2)

    R = 1000
    z, mom = _tc_pass1(x, s0, s1, a1, w_ext, W1.T, csl_r, b1_r, R=R)
    out = _tc_pass2(z, mom, gb_r, W2.T, b2_r, R=R)
    return out

# --- scband reference (transcript-rebuilt; emitter-appended) ---
"""Pipeline reference for scband-ginconv-69707319214463 (READ-ONLY COPY).

The authoritative reference and input builder live on the scoring server;
editing this copy changes nothing except your own understanding.
"""

import jax, jax.numpy as jnp
import numpy as np


def setup_inputs(seed: int = 0) -> dict:
    key = jax.random.key(seed)
    N, E, D, DE, H2 = 10000, 160000, 256, 16, 512
    ks = jax.random.split(key, 8)
    x = jax.random.normal(ks[0], (N, D), dtype=jnp.float32)
    edge_index = jax.random.randint(ks[1], (2, E), 0, N, dtype=jnp.int32)
    edge_attr = jax.random.normal(ks[2], (E, DE), dtype=jnp.float32)
    W_edge = jax.random.normal(ks[3], (D, DE), dtype=jnp.float32) * 0.05
    b_edge = jnp.zeros((D,), dtype=jnp.float32)
    W1 = jax.random.normal(ks[4], (H2, D), dtype=jnp.float32) * 0.05
    b1 = jnp.zeros((H2,), dtype=jnp.float32)
    gamma = jnp.ones((H2,), dtype=jnp.float32)
    beta = jnp.zeros((H2,), dtype=jnp.float32)
    W2 = jax.random.normal(ks[5], (D, H2), dtype=jnp.float32) * 0.05
    b2 = jnp.zeros((D,), dtype=jnp.float32)
    return {"x": x, "edge_index": edge_index, "edge_attr": edge_attr,
            "self_loop_index": 15, "self_loop_type": 1,
            "W_edge": W_edge, "b_edge": b_edge, "W1": W1, "b1": b1,
            "gamma": gamma, "beta": beta, "W2": W2, "b2": b2}


def reference(x, edge_index, edge_attr, self_loop_index, self_loop_type,
              W_edge, b_edge, W1, b1, gamma, beta, W2, b2):
    N = x.shape[0]
    loops = jnp.arange(N, dtype=edge_index.dtype)
    ei = jnp.concatenate([edge_index, jnp.stack([loops, loops], axis=0)], axis=1)
    sl_attr = jnp.zeros((N, edge_attr.shape[1]), dtype=edge_attr.dtype)
    sl_attr = sl_attr.at[:, self_loop_index].set(jnp.asarray(self_loop_type).astype(edge_attr.dtype))
    ea = jnp.concatenate([edge_attr, sl_attr], axis=0)
    edge_emb = ea @ W_edge.T + b_edge
    h = x[ei[1]] + edge_emb
    agg = jax.ops.segment_sum(h, ei[0], num_segments=N)
    z = agg @ W1.T + b1
    mean = jnp.mean(z, axis=0)
    var = jnp.mean((z - mean) ** 2, axis=0)
    z = (z - mean) / jnp.sqrt(var + 1e-5) * gamma + beta
    z = jax.nn.relu(z)
    out = z @ W2.T + b2
    return out

if __name__ == "__main__":
    import jax
    _d = setup_inputs()
    print(jax.jit(kernel)(*tuple(_d.values())))

</pallas_src>

<mosaic_0001>
#map = affine_map<(d0, d1) -> (0)>
#map1 = affine_map<(d0, d1) -> (0, 0)>
module attributes {stable_mosaic.version = 14 : i64} {
  func.func @body(%arg0: i32, %arg1: i32, %arg2: memref<163968xi32, #tpu.memory_space<hbm>>, %arg3: memref<163968x128xf32, #tpu.memory_space<hbm>>, %arg4: memref<128x128xf32, #tpu.memory_space<hbm>>, %arg5: memref<10240x128xf32, #tpu.memory_space<hbm>>, %arg6: memref<10240x128xf32, #tpu.memory_space<hbm>>, %arg7: memref<2x128xi32, #tpu.memory_space<vmem>>, %arg8: memref<2x128x128xf32, #tpu.memory_space<vmem>>, %arg9: memref<10240x128xf32, #tpu.memory_space<vmem_shared>>, %arg10: memref<!tpu.dma_semaphore, #tpu.memory_space<semaphore_mem>>) attributes {dimension_semantics = [#tpu.dimension_semantics<core_parallel>, #tpu.dimension_semantics<subcore_parallel>], iteration_bounds = array<i64: 2, 16>, scalar_prefetch = 0 : i64, scratch_operands = 4 : i64, tpu.core_type = #tpu.core_type<sc_vector_subcore>, window_params = [{transform_indices = #map}, {transform_indices = #map1}, {transform_indices = #map1}, {transform_indices = #map1}, {transform_indices = #map1}]} {
    %mul3A = arith.constant 2 : i32
    %mul3A_0 = arith.muli %arg1, %mul3A : i32
    %add3A = arith.addi %mul3A_0, %arg0 : i32
    %mul3A_1 = arith.constant 640 : i32
    %mul3A_2 = arith.muli %arg1, %mul3A_1 : i32
    %run_scoped3A = arith.constant 0 : i32
    "tpu.region"() ({
      %run_scoped3A_116 = tpu.sem_alloc : memref<!tpu.dma_semaphore, #tpu.memory_space<semaphore_mem>>
      %dma_start3A_117 = arith.constant 0 : i32
      %dma_start3A_118 = arith.constant 0 : i32
      %dma_start3A_119 = tpu.memref_slice %arg8[%run_scoped3A, %dma_start3A_117, %dma_start3A_118] : memref<2x128x128xf32, #tpu.memory_space<vmem>> -> memref<1x128x128xf32, #tpu.memory_space<vmem>>
      %dma_start3A_120 = tpu.memref_squeeze %dma_start3A_119 : memref<1x128x128xf32, #tpu.memory_space<vmem>> -> memref<128x128xf32, #tpu.memory_space<vmem>>
      %dma_start3A_121 = arith.constant 0 : i32
      %dma_start3A_122 = arith.constant 0 : i32
      %dma_start3A_123 = tpu.memref_slice %arg8[%run_scoped3A, %dma_start3A_121, %dma_start3A_122] : memref<2x128x128xf32, #tpu.memory_space<vmem>> -> memref<1x128x128xf32, #tpu.memory_space<vmem>>
      %dma_start3A_124 = tpu.memref_squeeze %dma_start3A_123 : memref<1x128x128xf32, #tpu.memory_space<vmem>> -> memref<128x128xf32, #tpu.memory_space<vmem>>
      tpu.enqueue_dma source(%arg4 : memref<128x128xf32, #tpu.memory_space<hbm>>) target(%dma_start3A_124 : memref<128x128xf32, #tpu.memory_space<vmem>>) target_semaphore(%run_scoped3A_116 : memref<!tpu.dma_semaphore, #tpu.memory_space<semaphore_mem>>)
      %dma_wait3A_125 = arith.constant 0 : i32
      %dma_wait3A_126 = arith.constant 0 : i32
      %dma_wait3A_127 = tpu.memref_slice %arg8[%run_scoped3A, %dma_wait3A_125, %dma_wait3A_126] : memref<2x128x128xf32, #tpu.memory_space<vmem>> -> memref<1x128x128xf32, #tpu.memory_space<vmem>>
      %dma_wait3A_128 = tpu.memref_squeeze %dma_wait3A_127 : memref<1x128x128xf32, #tpu.memory_space<vmem>> -> memref<128x128xf32, #tpu.memory_space<vmem>>
      %dma_wait3A_129 = arith.constant 0 : i32
      %dma_wait3A_130 = arith.constant 0 : i32
      %dma_wait3A_131 = tpu.memref_slice %arg8[%run_scoped3A, %dma_wait3A_129, %dma_wait3A_130] : memref<2x128x128xf32, #tpu.memory_space<vmem>> -> memref<1x128x128xf32, #tpu.memory_space<vmem>>
      %dma_wait3A_132 = tpu.memref_squeeze %dma_wait3A_131 : memref<1x128x128xf32, #tpu.memory_space<vmem>> -> memref<128x128xf32, #tpu.memory_space<vmem>>
      tpu.wait_dma2 semaphore(%run_scoped3A_116 : memref<!tpu.dma_semaphore, #tpu.memory_space<semaphore_mem>>) src(%arg4 : memref<128x128xf32, #tpu.memory_space<hbm>>) dst(%dma_wait3A_132 : memref<128x128xf32, #tpu.memory_space<vmem>>)
      tpu.yield
    }) : () -> ()
    %add3A_3 = arith.constant 0 : i32
    %add3A_4 = arith.addi %mul3A_2, %add3A_3 : i32
    %run_scoped3A_5 = arith.constant 0 : i32
    "tpu.region"() ({
      %run_scoped3A_116 = tpu.sem_alloc : memref<!tpu.dma_semaphore, #tpu.memory_space<semaphore_mem>>
      %dma_start3A_117 = arith.constant 0 : i32
      %dma_start3A_118 = arith.constant 0 : i32
      %dma_start3A_119 = tpu.memref_slice %arg8[%run_scoped3A_5, %dma_start3A_117, %dma_start3A_118] : memref<2x128x128xf32, #tpu.memory_space<vmem>> -> memref<1x128x128xf32, #tpu.memory_space<vmem>>
      %dma_start3A_120 = tpu.memref_squeeze %dma_start3A_119 : memref<1x128x128xf32, #tpu.memory_space<vmem>> -> memref<128x128xf32, #tpu.memory_space<vmem>>
      %dma_start3A_121 = arith.constant 0 : i32
      %dma_start3A_122 = tpu.memref_slice %arg9[%add3A_4, %dma_start3A_121] : memref<10240x128xf32, #tpu.memory_space<vmem_shared>> -> memref<128x128xf32, #tpu.memory_space<vmem_shared>>
      %dma_start3A_123 = arith.constant 0 : i32
      %dma_start3A_124 = tpu.memref_slice %arg9[%add3A_4, %dma_start3A_123] : memref<10240x128xf32, #tpu.memory_space<vmem_shared>> -> memref<128x128xf32, #tpu.memory_space<vmem_shared>>
      %dma_start3A_125 = arith.constant 0 : i32
      %dma_start3A_126 = arith.constant 0 : i32
      %dma_start3A_127 = tpu.memref_slice %arg8[%run_scoped3A_5, %dma_start3A_125, %dma_start3A_126] : memref<2x128x128xf32, #tpu.memory_space<vmem>> -> memref<1x128x128xf32, #tpu.memory_space<vmem>>
      %dma_start3A_128 = tpu.memref_squeeze %dma_start3A_127 : memref<1x128x128xf32, #tpu.memory_space<vmem>> -> memref<128x128xf32, #tpu.memory_space<vmem>>
      tpu.enqueue_dma source(%dma_start3A_128 : memref<128x128xf32, #tpu.memory_space<vmem>>) target(%dma_start3A_124 : memref<128x128xf32, #tpu.memory_space<vmem_shared>>) target_semaphore(%run_scoped3A_116 : memref<!tpu.dma_semaphore, #tpu.memory_space<semaphore_mem>>)
      %dma_wait3A_129 = arith.constant 0 : i32
      %dma_wait3A_130 = arith.constant 0 : i32
      %dma_wait3A_131 = tpu.memref_slice %arg8[%run_scoped3A_5, %dma_wait3A_129, %dma_wait3A_130] : memref<2x128x128xf32, #tpu.memory_space<vmem>> -> memref<1x128x128xf32, #tpu.memory_space<vmem>>
      %dma_wait3A_132 = tpu.memref_squeeze %dma_wait3A_131 : memref<1x128x128xf32, #tpu.memory_space<vmem>> -> memref<128x128xf32, #tpu.memory_space<vmem>>
      %dma_wait3A_133 = arith.constant 0 : i32
      %dma_wait3A_134 = tpu.memref_slice %arg9[%add3A_4, %dma_wait3A_133] : memref<10240x128xf32, #tpu.memory_space<vmem_shared>> -> memref<128x128xf32, #tpu.memory_space<vmem_shared>>
      %dma_wait3A_135 = arith.constant 0 : i32
      %dma_wait3A_136 = tpu.memref_slice %arg9[%add3A_4, %dma_wait3A_135] : memref<10240x128xf32, #tpu.memory_space<vmem_shared>> -> memref<128x128xf32, #tpu.memory_space<vmem_shared>>
      %dma_wait3A_137 = arith.constant 0 : i32
      %dma_wait3A_138 = arith.constant 0 : i32
      %dma_wait3A_139 = tpu.memref_slice %arg8[%run_scoped3A_5, %dma_wait3A_137, %dma_wait3A_138] : memref<2x128x128xf32, #tpu.memory_space<vmem>> -> memref<1x128x128xf32, #tpu.memory_space<vmem>>
      %dma_wait3A_140 = tpu.memref_squeeze %dma_wait3A_139 : memref<1x128x128xf32, #tpu.memory_space<vmem>> -> memref<128x128xf32, #tpu.memory_space<vmem>>
      tpu.wait_dma2 semaphore(%run_scoped3A_116 : memref<!tpu.dma_semaphore, #tpu.memory_space<semaphore_mem>>) src(%dma_wait3A_140 : memref<128x128xf32, #tpu.memory_space<vmem>>) dst(%dma_wait3A_136 : memref<128x128xf32, #tpu.memory_space<vmem_shared>>)
      tpu.yield
    }) : () -> ()
    %add3A_6 = arith.constant 128 : i32
    %add3A_7 = arith.addi %mul3A_2, %add3A_6 : i32
    %run_scoped3A_8 = arith.constant 0 : i32
    "tpu.region"() ({
      %run_scoped3A_116 = tpu.sem_alloc : memref<!tpu.dma_semaphore, #tpu.memory_space<semaphore_mem>>
      %dma_start3A_117 = arith.constant 0 : i32
      %dma_start3A_118 = arith.constant 0 : i32
      %dma_start3A_119 = tpu.memref_slice %arg8[%run_scoped3A_8, %dma_start3A_117, %dma_start3A_118] : memref<2x128x128xf32, #tpu.memory_space<vmem>> -> memref<1x128x128xf32, #tpu.memory_space<vmem>>
      %dma_start3A_120 = tpu.memref_squeeze %dma_start3A_119 : memref<1x128x128xf32, #tpu.memory_space<vmem>> -> memref<128x128xf32, #tpu.memory_space<vmem>>
      %dma_start3A_121 = arith.constant 0 : i32
      %dma_start3A_122 = tpu.memref_slice %arg9[%add3A_7, %dma_start3A_121] : memref<10240x128xf32, #tpu.memory_space<vmem_shared>> -> memref<128x128xf32, #tpu.memory_space<vmem_shared>>
      %dma_start3A_123 = arith.constant 0 : i32
      %dma_start3A_124 = tpu.memref_slice %arg9[%add3A_7, %dma_start3A_123] : memref<10240x128xf32, #tpu.memory_space<vmem_shared>> -> memref<128x128xf32, #tpu.memory_space<vmem_shared>>
      %dma_start3A_125 = arith.constant 0 : i32
      %dma_start3A_126 = arith.constant 0 : i32
      %dma_start3A_127 = tpu.memref_slice %arg8[%run_scoped3A_8, %dma_start3A_125, %dma_start3A_126] : memref<2x128x128xf32, #tpu.memory_space<vmem>> -> memref<1x128x128xf32, #tpu.memory_space<vmem>>
      %dma_start3A_128 = tpu.memref_squeeze %dma_start3A_127 : memref<1x128x128xf32, #tpu.memory_space<vmem>> -> memref<128x128xf32, #tpu.memory_space<vmem>>
      tpu.enqueue_dma source(%dma_start3A_128 : memref<128x128xf32, #tpu.memory_space<vmem>>) target(%dma_start3A_124 : memref<128x128xf32, #tpu.memory_space<vmem_shared>>) target_semaphore(%run_scoped3A_116 : memref<!tpu.dma_semaphore, #tpu.memory_space<semaphore_mem>>)
      %dma_wait3A_129 = arith.constant 0 : i32
      %dma_wait3A_130 = arith.constant 0 : i32
      %dma_wait3A_131 = tpu.memref_slice %arg8[%run_scoped3A_8, %dma_wait3A_129, %dma_wait3A_130] : memref<2x128x128xf32, #tpu.memory_space<vmem>> -> memref<1x128x128xf32, #tpu.memory_space<vmem>>
      %dma_wait3A_132 = tpu.memref_squeeze %dma_wait3A_131 : memref<1x128x128xf32, #tpu.memory_space<vmem>> -> memref<128x128xf32, #tpu.memory_space<vmem>>
      %dma_wait3A_133 = arith.constant 0 : i32
      %dma_wait3A_134 = tpu.memref_slice %arg9[%add3A_7, %dma_wait3A_133] : memref<10240x128xf32, #tpu.memory_space<vmem_shared>> -> memref<128x128xf32, #tpu.memory_space<vmem_shared>>
      %dma_wait3A_135 = arith.constant 0 : i32
      %dma_wait3A_136 = tpu.memref_slice %arg9[%add3A_7, %dma_wait3A_135] : memref<10240x128xf32, #tpu.memory_space<vmem_shared>> -> memref<128x128xf32, #tpu.memory_space<vmem_shared>>
      %dma_wait3A_137 = arith.constant 0 : i32
      %dma_wait3A_138 = arith.constant 0 : i32
      %dma_wait3A_139 = tpu.memref_slice %arg8[%run_scoped3A_8, %dma_wait3A_137, %dma_wait3A_138] : memref<2x128x128xf32, #tpu.memory_space<vmem>> -> memref<1x128x128xf32, #tpu.memory_space<vmem>>
      %dma_wait3A_140 = tpu.memref_squeeze %dma_wait3A_139 : memref<1x128x128xf32, #tpu.memory_space<vmem>> -> memref<128x128xf32, #tpu.memory_space<vmem>>
      tpu.wait_dma2 semaphore(%run_scoped3A_116 : memref<!tpu.dma_semaphore, #tpu.memory_space<semaphore_mem>>) src(%dma_wait3A_140 : memref<128x128xf32, #tpu.memory_space<vmem>>) dst(%dma_wait3A_136 : memref<128x128xf32, #tpu.memory_space<vmem_shared>>)
      tpu.yield
    }) : () -> ()
    %add3A_9 = arith.constant 256 : i32
    %add3A_10 = arith.addi %mul3A_2, %add3A_9 : i32
    %run_scoped3A_11 = arith.constant 0 : i32
    "tpu.region"() ({
      %run_scoped3A_116 = tpu.sem_alloc : memref<!tpu.dma_semaphore, #tpu.memory_space<semaphore_mem>>
      %dma_start3A_117 = arith.constant 0 : i32
      %dma_start3A_118 = arith.constant 0 : i32
      %dma_start3A_119 = tpu.memref_slice %arg8[%run_scoped3A_11, %dma_start3A_117, %dma_start3A_118] : memref<2x128x128xf32, #tpu.memory_space<vmem>> -> memref<1x128x128xf32, #tpu.memory_space<vmem>>
      %dma_start3A_120 = tpu.memref_squeeze %dma_start3A_119 : memref<1x128x128xf32, #tpu.memory_space<vmem>> -> memref<128x128xf32, #tpu.memory_space<vmem>>
      %dma_start3A_121 = arith.constant 0 : i32
      %dma_start3A_122 = tpu.memref_slice %arg9[%add3A_10, %dma_start3A_121] : memref<10240x128xf32, #tpu.memory_space<vmem_shared>> -> memref<128x128xf32, #tpu.memory_space<vmem_shared>>
      %dma_start3A_123 = arith.constant 0 : i32
      %dma_start3A_124 = tpu.memref_slice %arg9[%add3A_10, %dma_start3A_123] : memref<10240x128xf32, #tpu.memory_space<vmem_shared>> -> memref<128x128xf32, #tpu.memory_space<vmem_shared>>
      %dma_start3A_125 = arith.constant 0 : i32
      %dma_start3A_126 = arith.constant 0 : i32
      %dma_start3A_127 = tpu.memref_slice %arg8[%run_scoped3A_11, %dma_start3A_125, %dma_start3A_126] : memref<2x128x128xf32, #tpu.memory_space<vmem>> -> memref<1x128x128xf32, #tpu.memory_space<vmem>>
      %dma_start3A_128 = tpu.memref_squeeze %dma_start3A_127 : memref<1x128x128xf32, #tpu.memory_space<vmem>> -> memref<128x128xf32, #tpu.memory_space<vmem>>
      tpu.enqueue_dma source(%dma_start3A_128 : memref<128x128xf32, #tpu.memory_space<vmem>>) target(%dma_start3A_124 : memref<128x128xf32, #tpu.memory_space<vmem_shared>>) target_semaphore(%run_scoped3A_116 : memref<!tpu.dma_semaphore, #tpu.memory_space<semaphore_mem>>)
      %dma_wait3A_129 = arith.constant 0 : i32
      %dma_wait3A_130 = arith.constant 0 : i32
      %dma_wait3A_131 = tpu.memref_slice %arg8[%run_scoped3A_11, %dma_wait3A_129, %dma_wait3A_130] : memref<2x128x128xf32, #tpu.memory_space<vmem>> -> memref<1x128x128xf32, #tpu.memory_space<vmem>>
      %dma_wait3A_132 = tpu.memref_squeeze %dma_wait3A_131 : memref<1x128x128xf32, #tpu.memory_space<vmem>> -> memref<128x128xf32, #tpu.memory_space<vmem>>
      %dma_wait3A_133 = arith.constant 0 : i32
      %dma_wait3A_134 = tpu.memref_slice %arg9[%add3A_10, %dma_wait3A_133] : memref<10240x128xf32, #tpu.memory_space<vmem_shared>> -> memref<128x128xf32, #tpu.memory_space<vmem_shared>>
      %dma_wait3A_135 = arith.constant 0 : i32
      %dma_wait3A_136 = tpu.memref_slice %arg9[%add3A_10, %dma_wait3A_135] : memref<10240x128xf32, #tpu.memory_space<vmem_shared>> -> memref<128x128xf32, #tpu.memory_space<vmem_shared>>
      %dma_wait3A_137 = arith.constant 0 : i32
      %dma_wait3A_138 = arith.constant 0 : i32
      %dma_wait3A_139 = tpu.memref_slice %arg8[%run_scoped3A_11, %dma_wait3A_137, %dma_wait3A_138] : memref<2x128x128xf32, #tpu.memory_space<vmem>> -> memref<1x128x128xf32, #tpu.memory_space<vmem>>
      %dma_wait3A_140 = tpu.memref_squeeze %dma_wait3A_139 : memref<1x128x128xf32, #tpu.memory_space<vmem>> -> memref<128x128xf32, #tpu.memory_space<vmem>>
      tpu.wait_dma2 semaphore(%run_scoped3A_116 : memref<!tpu.dma_semaphore, #tpu.memory_space<semaphore_mem>>) src(%dma_wait3A_140 : memref<128x128xf32, #tpu.memory_space<vmem>>) dst(%dma_wait3A_136 : memref<128x128xf32, #tpu.memory_space<vmem_shared>>)
      tpu.yield
    }) : () -> ()
    %add3A_12 = arith.constant 384 : i32
    %add3A_13 = arith.addi %mul3A_2, %add3A_12 : i32
    %run_scoped3A_14 = arith.constant 0 : i32
    "tpu.region"() ({
      %run_scoped3A_116 = tpu.sem_alloc : memref<!tpu.dma_semaphore, #tpu.memory_space<semaphore_mem>>
      %dma_start3A_117 = arith.constant 0 : i32
      %dma_start3A_118 = arith.constant 0 : i32
      %dma_start3A_119 = tpu.memref_slice %arg8[%run_scoped3A_14, %dma_start3A_117, %dma_start3A_118] : memref<2x128x128xf32, #tpu.memory_space<vmem>> -> memref<1x128x128xf32, #tpu.memory_space<vmem>>
      %dma_start3A_120 = tpu.memref_squeeze %dma_start3A_119 : memref<1x128x128xf32, #tpu.memory_space<vmem>> -> memref<128x128xf32, #tpu.memory_space<vmem>>
      %dma_start3A_121 = arith.constant 0 : i32
      %dma_start3A_122 = tpu.memref_slice %arg9[%add3A_13, %dma_start3A_121] : memref<10240x128xf32, #tpu.memory_space<vmem_shared>> -> memref<128x128xf32, #tpu.memory_space<vmem_shared>>
      %dma_start3A_123 = arith.constant 0 : i32
      %dma_start3A_124 = tpu.memref_slice %arg9[%add3A_13, %dma_start3A_123] : memref<10240x128xf32, #tpu.memory_space<vmem_shared>> -> memref<128x128xf32, #tpu.memory_space<vmem_shared>>
      %dma_start3A_125 = arith.constant 0 : i32
      %dma_start3A_126 = arith.constant 0 : i32
      %dma_start3A_127 = tpu.memref_slice %arg8[%run_scoped3A_14, %dma_start3A_125, %dma_start3A_126] : memref<2x128x128xf32, #tpu.memory_space<vmem>> -> memref<1x128x128xf32, #tpu.memory_space<vmem>>
      %dma_start3A_128 = tpu.memref_squeeze %dma_start3A_127 : memref<1x128x128xf32, #tpu.memory_space<vmem>> -> memref<128x128xf32, #tpu.memory_space<vmem>>
      tpu.enqueue_dma source(%dma_start3A_128 : memref<128x128xf32, #tpu.memory_space<vmem>>) target(%dma_start3A_124 : memref<128x128xf32, #tpu.memory_space<vmem_shared>>) target_semaphore(%run_scoped3A_116 : memref<!tpu.dma_semaphore, #tpu.memory_space<semaphore_mem>>)
      %dma_wait3A_129 = arith.constant 0 : i32
      %dma_wait3A_130 = arith.constant 0 : i32
      %dma_wait3A_131 = tpu.memref_slice %arg8[%run_scoped3A_14, %dma_wait3A_129, %dma_wait3A_130] : memref<2x128x128xf32, #tpu.memory_space<vmem>> -> memref<1x128x128xf32, #tpu.memory_space<vmem>>
      %dma_wait3A_132 = tpu.memref_squeeze %dma_wait3A_131 : memref<1x128x128xf32, #tpu.memory_space<vmem>> -> memref<128x128xf32, #tpu.memory_space<vmem>>
      %dma_wait3A_133 = arith.constant 0 : i32
      %dma_wait3A_134 = tpu.memref_slice %arg9[%add3A_13, %dma_wait3A_133] : memref<10240x128xf32, #tpu.memory_space<vmem_shared>> -> memref<128x128xf32, #tpu.memory_space<vmem_shared>>
      %dma_wait3A_135 = arith.constant 0 : i32
      %dma_wait3A_136 = tpu.memref_slice %arg9[%add3A_13, %dma_wait3A_135] : memref<10240x128xf32, #tpu.memory_space<vmem_shared>> -> memref<128x128xf32, #tpu.memory_space<vmem_shared>>
      %dma_wait3A_137 = arith.constant 0 : i32
      %dma_wait3A_138 = arith.constant 0 : i32
      %dma_wait3A_139 = tpu.memref_slice %arg8[%run_scoped3A_14, %dma_wait3A_137, %dma_wait3A_138] : memref<2x128x128xf32, #tpu.memory_space<vmem>> -> memref<1x128x128xf32, #tpu.memory_space<vmem>>
      %dma_wait3A_140 = tpu.memref_squeeze %dma_wait3A_139 : memref<1x128x128xf32, #tpu.memory_space<vmem>> -> memref<128x128xf32, #tpu.memory_space<vmem>>
      tpu.wait_dma2 semaphore(%run_scoped3A_116 : memref<!tpu.dma_semaphore, #tpu.memory_space<semaphore_mem>>) src(%dma_wait3A_140 : memref<128x128xf32, #tpu.memory_space<vmem>>) dst(%dma_wait3A_136 : memref<128x128xf32, #tpu.memory_space<vmem_shared>>)
      tpu.yield
    }) : () -> ()
    %add3A_15 = arith.constant 512 : i32
    %add3A_16 = arith.addi %mul3A_2, %add3A_15 : i32
    %run_scoped3A_17 = arith.constant 0 : i32
    "tpu.region"() ({
      %run_scoped3A_116 = tpu.sem_alloc : memref<!tpu.dma_semaphore, #tpu.memory_space<semaphore_mem>>
      %dma_start3A_117 = arith.constant 0 : i32
      %dma_start3A_118 = arith.constant 0 : i32
      %dma_start3A_119 = tpu.memref_slice %arg8[%run_scoped3A_17, %dma_start3A_117, %dma_start3A_118] : memref<2x128x128xf32, #tpu.memory_space<vmem>> -> memref<1x128x128xf32, #tpu.memory_space<vmem>>
      %dma_start3A_120 = tpu.memref_squeeze %dma_start3A_119 : memref<1x128x128xf32, #tpu.memory_space<vmem>> -> memref<128x128xf32, #tpu.memory_space<vmem>>
      %dma_start3A_121 = arith.constant 0 : i32
      %dma_start3A_122 = tpu.memref_slice %arg9[%add3A_16, %dma_start3A_121] : memref<10240x128xf32, #tpu.memory_space<vmem_shared>> -> memref<128x128xf32, #tpu.memory_space<vmem_shared>>
      %dma_start3A_123 = arith.constant 0 : i32
      %dma_start3A_124 = tpu.memref_slice %arg9[%add3A_16, %dma_start3A_123] : memref<10240x128xf32, #tpu.memory_space<vmem_shared>> -> memref<128x128xf32, #tpu.memory_space<vmem_shared>>
      %dma_start3A_125 = arith.constant 0 : i32
      %dma_start3A_126 = arith.constant 0 : i32
      %dma_start3A_127 = tpu.memref_slice %arg8[%run_scoped3A_17, %dma_start3A_125, %dma_start3A_126] : memref<2x128x128xf32, #tpu.memory_space<vmem>> -> memref<1x128x128xf32, #tpu.memory_space<vmem>>
      %dma_start3A_128 = tpu.memref_squeeze %dma_start3A_127 : memref<1x128x128xf32, #tpu.memory_space<vmem>> -> memref<128x128xf32, #tpu.memory_space<vmem>>
      tpu.enqueue_dma source(%dma_start3A_128 : memref<128x128xf32, #tpu.memory_space<vmem>>) target(%dma_start3A_124 : memref<128x128xf32, #tpu.memory_space<vmem_shared>>) target_semaphore(%run_scoped3A_116 : memref<!tpu.dma_semaphore, #tpu.memory_space<semaphore_mem>>)
      %dma_wait3A_129 = arith.constant 0 : i32
      %dma_wait3A_130 = arith.constant 0 : i32
      %dma_wait3A_131 = tpu.memref_slice %arg8[%run_scoped3A_17, %dma_wait3A_129, %dma_wait3A_130] : memref<2x128x128xf32, #tpu.memory_space<vmem>> -> memref<1x128x128xf32, #tpu.memory_space<vmem>>
      %dma_wait3A_132 = tpu.memref_squeeze %dma_wait3A_131 : memref<1x128x128xf32, #tpu.memory_space<vmem>> -> memref<128x128xf32, #tpu.memory_space<vmem>>
      %dma_wait3A_133 = arith.constant 0 : i32
      %dma_wait3A_134 = tpu.memref_slice %arg9[%add3A_16, %dma_wait3A_133] : memref<10240x128xf32, #tpu.memory_space<vmem_shared>> -> memref<128x128xf32, #tpu.memory_space<vmem_shared>>
      %dma_wait3A_135 = arith.constant 0 : i32
      %dma_wait3A_136 = tpu.memref_slice %arg9[%add3A_16, %dma_wait3A_135] : memref<10240x128xf32, #tpu.memory_space<vmem_shared>> -> memref<128x128xf32, #tpu.memory_space<vmem_shared>>
      %dma_wait3A_137 = arith.constant 0 : i32
      %dma_wait3A_138 = arith.constant 0 : i32
      %dma_wait3A_139 = tpu.memref_slice %arg8[%run_scoped3A_17, %dma_wait3A_137, %dma_wait3A_138] : memref<2x128x128xf32, #tpu.memory_space<vmem>> -> memref<1x128x128xf32, #tpu.memory_space<vmem>>
      %dma_wait3A_140 = tpu.memref_squeeze %dma_wait3A_139 : memref<1x128x128xf32, #tpu.memory_space<vmem>> -> memref<128x128xf32, #tpu.memory_space<vmem>>
      tpu.wait_dma2 semaphore(%run_scoped3A_116 : memref<!tpu.dma_semaphore, #tpu.memory_space<semaphore_mem>>) src(%dma_wait3A_140 : memref<128x128xf32, #tpu.memory_space<vmem>>) dst(%dma_wait3A_136 : memref<128x128xf32, #tpu.memory_space<vmem_shared>>)
      tpu.yield
    }) : () -> ()
    %barrier3A = arith.constant 0 : index
    tpu.barrier barrier_id(%barrier3A)
    %mul3A_18 = arith.constant 5120 : i32
    %mul3A_19 = arith.muli %add3A, %mul3A_18 : i32
    %add3A_20 = arith.constant 0 : i32
    %add3A_21 = arith.addi %mul3A_19, %add3A_20 : i32
    %run_scoped3A_22 = arith.constant 0 : i32
    "tpu.region"() ({
      %run_scoped3A_116 = tpu.sem_alloc : memref<!tpu.dma_semaphore, #tpu.memory_space<semaphore_mem>>
      %dma_start3A_117 = arith.constant 0 : i32
      %dma_start3A_118 = tpu.memref_slice %arg7[%run_scoped3A_22, %dma_start3A_117] : memref<2x128xi32, #tpu.memory_space<vmem>> -> memref<1x128xi32, #tpu.memory_space<vmem>>
      %dma_start3A_119 = tpu.memref_squeeze %dma_start3A_118 : memref<1x128xi32, #tpu.memory_space<vmem>> -> memref<128xi32, #tpu.memory_space<vmem>>
      %dma_start3A_120 = tpu.memref_slice %arg2[%add3A_21] : memref<163968xi32, #tpu.memory_space<hbm>> -> memref<128xi32, #tpu.memory_space<hbm>>
      %dma_start3A_121 = arith.constant 0 : i32
      %dma_start3A_122 = tpu.memref_slice %arg7[%run_scoped3A_22, %dma_start3A_121] : memref<2x128xi32, #tpu.memory_space<vmem>> -> memref<1x128xi32, #tpu.memory_space<vmem>>
      %dma_start3A_123 = tpu.memref_squeeze %dma_start3A_122 : memref<1x128xi32, #tpu.memory_space<vmem>> -> memref<128xi32, #tpu.memory_space<vmem>>
      %dma_start3A_124 = tpu.memref_slice %arg2[%add3A_21] : memref<163968xi32, #tpu.memory_space<hbm>> -> memref<128xi32, #tpu.memory_space<hbm>>
      tpu.enqueue_dma source(%dma_start3A_124 : memref<128xi32, #tpu.memory_space<hbm>>) target(%dma_start3A_123 : memref<128xi32, #tpu.memory_space<vmem>>) target_semaphore(%run_scoped3A_116 : memref<!tpu.dma_semaphore, #tpu.memory_space<semaphore_mem>>)
      %dma_wait3A_125 = arith.constant 0 : i32
      %dma_wait3A_126 = tpu.memref_slice %arg7[%run_scoped3A_22, %dma_wait3A_125] : memref<2x128xi32, #tpu.memory_space<vmem>> -> memref<1x128xi32, #tpu.memory_space<vmem>>
      %dma_wait3A_127 = tpu.memref_squeeze %dma_wait3A_126 : memref<1x128xi32, #tpu.memory_space<vmem>> -> memref<128xi32, #tpu.memory_space<vmem>>
      %dma_wait3A_128 = tpu.memref_slice %arg2[%add3A_21] : memref<163968xi32, #tpu.memory_space<hbm>> -> memref<128xi32, #tpu.memory_space<hbm>>
      %dma_wait3A_129 = arith.constant 0 : i32
      %dma_wait3A_130 = tpu.memref_slice %arg7[%run_scoped3A_22, %dma_wait3A_129] : memref<2x128xi32, #tpu.memory_space<vmem>> -> memref<1x128xi32, #tpu.memory_space<vmem>>
      %dma_wait3A_131 = tpu.memref_squeeze %dma_wait3A_130 : memref<1x128xi32, #tpu.memory_space<vmem>> -> memref<128xi32, #tpu.memory_space<vmem>>
      %dma_wait3A_132 = tpu.memref_slice %arg2[%add3A_21] : memref<163968xi32, #tpu.memory_space<hbm>> -> memref<128xi32, #tpu.memory_space<hbm>>
      tpu.wait_dma2 semaphore(%run_scoped3A_116 : memref<!tpu.dma_semaphore, #tpu.memory_space<semaphore_mem>>) src(%dma_wait3A_132 : memref<128xi32, #tpu.memory_space<hbm>>) dst(%dma_wait3A_131 : memref<128xi32, #tpu.memory_space<vmem>>)
      tpu.yield
    }) : () -> ()
    %dma_start3A = arith.constant 0 : i32
    %dma_start3A_23 = arith.constant 0 : i32
    %dma_start3A_24 = arith.constant 0 : i32
    %dma_start3A_25 = tpu.memref_slice %arg8[%dma_start3A, %dma_start3A_23, %dma_start3A_24] : memref<2x128x128xf32, #tpu.memory_space<vmem>> -> memref<1x128x128xf32, #tpu.memory_space<vmem>>
    %dma_start3A_26 = tpu.memref_squeeze %dma_start3A_25 : memref<1x128x128xf32, #tpu.memory_space<vmem>> -> memref<128x128xf32, #tpu.memory_space<vmem>>
    %dma_start3A_27 = arith.constant 0 : i32
    %dma_start3A_28 = tpu.memref_slice %arg3[%add3A_21, %dma_start3A_27] : memref<163968x128xf32, #tpu.memory_space<hbm>> -> memref<128x128xf32, #tpu.memory_space<hbm>>
    %dma_start3A_29 = arith.constant 0 : i32
    %dma_start3A_30 = arith.constant 0 : i32
    %dma_start3A_31 = tpu.memref_slice %arg8[%dma_start3A, %dma_start3A_29, %dma_start3A_30] : memref<2x128x128xf32, #tpu.memory_space<vmem>> -> memref<1x128x128xf32, #tpu.memory_space<vmem>>
    %dma_start3A_32 = tpu.memref_squeeze %dma_start3A_31 : memref<1x128x128xf32, #tpu.memory_space<vmem>> -> memref<128x128xf32, #tpu.memory_space<vmem>>
    %dma_start3A_33 = arith.constant 0 : i32
    %dma_start3A_34 = tpu.memref_slice %arg3[%add3A_21, %dma_start3A_33] : memref<163968x128xf32, #tpu.memory_space<hbm>> -> memref<128x128xf32, #tpu.memory_space<hbm>>
    tpu.enqueue_dma source(%dma_start3A_34 : memref<128x128xf32, #tpu.memory_space<hbm>>) target(%dma_start3A_32 : memref<128x128xf32, #tpu.memory_space<vmem>>) target_semaphore(%arg10 : memref<!tpu.dma_semaphore, #tpu.memory_space<semaphore_mem>>)
    %scan3A = arith.constant 0 : i32
    %scan3A_35 = arith.constant 20 : i32
    %scan3A_36 = arith.addi %scan3A, %scan3A_35 : i32
    %scan3A_37 = arith.constant 1 : i32
    scf.for %scan3A_116 = %scan3A to %scan3A_36 step %scan3A_37  : i32 {
      %mul3A_117 = arith.constant 2 : i32
      %mul3A_118 = arith.muli %scan3A_116, %mul3A_117 : i32
      %add3A_119 = arith.constant 0 : i32
      %add3A_120 = arith.addi %add3A_119, %mul3A_118 : i32
      %add3A_121 = arith.constant 0 : i32
      %add3A_122 = arith.addi %add3A_120, %add3A_121 : i32
      %add3A_123 = arith.constant 1 : i32
      %add3A_124 = arith.addi %add3A_122, %add3A_123 : i32
      %mul3A_125 = arith.constant 5120 : i32
      %mul3A_126 = arith.muli %add3A, %mul3A_125 : i32
      %mul3A_127 = arith.constant 128 : i32
      %mul3A_128 = arith.muli %add3A_124, %mul3A_127 : i32
      %add3A_129 = arith.addi %mul3A_126, %mul3A_128 : i32
      %run_scoped3A_130 = arith.constant 1 : i32
      "tpu.region"() ({
        %run_scoped3A_201 = tpu.sem_alloc : memref<!tpu.dma_semaphore, #tpu.memory_space<semaphore_mem>>
        %dma_start3A_202 = arith.constant 0 : i32
        %dma_start3A_203 = tpu.memref_slice %arg7[%run_scoped3A_130, %dma_start3A_202] : memref<2x128xi32, #tpu.memory_space<vmem>> -> memref<1x128xi32, #tpu.memory_space<vmem>>
        %dma_start3A_204 = tpu.memref_squeeze %dma_start3A_203 : memref<1x128xi32, #tpu.memory_space<vmem>> -> memref<128xi32, #tpu.memory_space<vmem>>
        %dma_start3A_205 = tpu.memref_slice %arg2[%add3A_129] : memref<163968xi32, #tpu.memory_space<hbm>> -> memref<128xi32, #tpu.memory_space<hbm>>
        %dma_start3A_206 = arith.constant 0 : i32
        %dma_start3A_207 = tpu.memref_slice %arg7[%run_scoped3A_130, %dma_start3A_206] : memref<2x128xi32, #tpu.memory_space<vmem>> -> memref<1x128xi32, #tpu.memory_space<vmem>>
        %dma_start3A_208 = tpu.memref_squeeze %dma_start3A_207 : memref<1x128xi32, #tpu.memory_space<vmem>> -> memref<128xi32, #tpu.memory_space<vmem>>
        %dma_start3A_209 = tpu.memref_slice %arg2[%add3A_129] : memref<163968xi32, #tpu.memory_space<hbm>> -> memref<128xi32, #tpu.memory_space<hbm>>
        tpu.enqueue_dma source(%dma_start3A_209 : memref<128xi32, #tpu.memory_space<hbm>>) target(%dma_start3A_208 : memref<128xi32, #tpu.memory_space<vmem>>) target_semaphore(%run_scoped3A_201 : memref<!tpu.dma_semaphore, #tpu.memory_space<semaphore_mem>>)
        %dma_wait3A_210 = arith.constant 0 : i32
        %dma_wait3A_211 = tpu.memref_slice %arg7[%run_scoped3A_130, %dma_wait3A_210] : memref<2x128xi32, #tpu.memory_space<vmem>> -> memref<1x128xi32, #tpu.memory_space<vmem>>
        %dma_wait3A_212 = tpu.memref_squeeze %dma_wait3A_211 : memref<1x128xi32, #tpu.memory_space<vmem>> -> memref<128xi32, #tpu.memory_space<vmem>>
        %dma_wait3A_213 = tpu.memref_slice %arg2[%add3A_129] : memref<163968xi32, #tpu.memory_space<hbm>> -> memref<128xi32, #tpu.memory_space<hbm>>
        %dma_wait3A_214 = arith.constant 0 : i32
        %dma_wait3A_215 = tpu.memref_slice %arg7[%run_scoped3A_130, %dma_wait3A_214] : memref<2x128xi32, #tpu.memory_space<vmem>> -> memref<1x128xi32, #tpu.memory_space<vmem>>
        %dma_wait3A_216 = tpu.memref_squeeze %dma_wait3A_215 : memref<1x128xi32, #tpu.memory_space<vmem>> -> memref<128xi32, #tpu.memory_space<vmem>>
        %dma_wait3A_217 = tpu.memref_slice %arg2[%add3A_129] : memref<163968xi32, #tpu.memory_space<hbm>> -> memref<128xi32, #tpu.memory_space<hbm>>
        tpu.wait_dma2 semaphore(%run_scoped3A_201 : memref<!tpu.dma_semaphore, #tpu.memory_space<semaphore_mem>>) src(%dma_wait3A_217 : memref<128xi32, #tpu.memory_space<hbm>>) dst(%dma_wait3A_216 : memref<128xi32, #tpu.memory_space<vmem>>)
        tpu.yield
      }) : () -> ()
      %dma_start3A_131 = arith.constant 1 : i32
      %dma_start3A_132 = arith.constant 0 : i32
      %dma_start3A_133 = arith.constant 0 : i32
      %dma_start3A_134 = tpu.memref_slice %arg8[%dma_start3A_131, %dma_start3A_132, %dma_start3A_133] : memref<2x128x128xf32, #tpu.memory_space<vmem>> -> memref<1x128x128xf32, #tpu.memory_space<vmem>>
      %dma_start3A_135 = tpu.memref_squeeze %dma_start3A_134 : memref<1x128x128xf32, #tpu.memory_space<vmem>> -> memref<128x128xf32, #tpu.memory_space<vmem>>
      %dma_start3A_136 = arith.constant 0 : i32
      %dma_start3A_137 = tpu.memref_slice %arg3[%add3A_129, %dma_start3A_136] : memref<163968x128xf32, #tpu.memory_space<hbm>> -> memref<128x128xf32, #tpu.memory_space<hbm>>
      %dma_start3A_138 = arith.constant 0 : i32
      %dma_start3A_139 = arith.constant 0 : i32
      %dma_start3A_140 = tpu.memref_slice %arg8[%dma_start3A_131, %dma_start3A_138, %dma_start3A_139] : memref<2x128x128xf32, #tpu.memory_space<vmem>> -> memref<1x128x128xf32, #tpu.memory_space<vmem>>
      %dma_start3A_141 = tpu.memref_squeeze %dma_start3A_140 : memref<1x128x128xf32, #tpu.memory_space<vmem>> -> memref<128x128xf32, #tpu.memory_space<vmem>>
      %dma_start3A_142 = arith.constant 0 : i32
      %dma_start3A_143 = tpu.memref_slice %arg3[%add3A_129, %dma_start3A_142] : memref<163968x128xf32, #tpu.memory_space<hbm>> -> memref<128x128xf32, #tpu.memory_space<hbm>>
      tpu.enqueue_dma source(%dma_start3A_143 : memref<128x128xf32, #tpu.memory_space<hbm>>) target(%dma_start3A_141 : memref<128x128xf32, #tpu.memory_space<vmem>>) target_semaphore(%arg10 : memref<!tpu.dma_semaphore, #tpu.memory_space<semaphore_mem>>)
      %dma_wait3A_144 = arith.constant 0 : i32
      %dma_wait3A_145 = arith.constant 0 : i32
      %dma_wait3A_146 = arith.constant 0 : i32
      %dma_wait3A_147 = tpu.memref_slice %arg8[%dma_wait3A_144, %dma_wait3A_145, %dma_wait3A_146] : memref<2x128x128xf32, #tpu.memory_space<vmem>> -> memref<1x128x128xf32, #tpu.memory_space<vmem>>
      %dma_wait3A_148 = tpu.memref_squeeze %dma_wait3A_147 : memref<1x128x128xf32, #tpu.memory_space<vmem>> -> memref<128x128xf32, #tpu.memory_space<vmem>>
      %dma_wait3A_149 = arith.constant 0 : i32
      %dma_wait3A_150 = arith.constant 0 : i32
      %dma_wait3A_151 = tpu.memref_slice %arg3[%dma_wait3A_149, %dma_wait3A_150] : memref<163968x128xf32, #tpu.memory_space<hbm>> -> memref<128x128xf32, #tpu.memory_space<hbm>>
      %dma_wait3A_152 = arith.constant 0 : i32
      %dma_wait3A_153 = arith.constant 0 : i32
      %dma_wait3A_154 = tpu.memref_slice %arg8[%dma_wait3A_144, %dma_wait3A_152, %dma_wait3A_153] : memref<2x128x128xf32, #tpu.memory_space<vmem>> -> memref<1x128x128xf32, #tpu.memory_space<vmem>>
      %dma_wait3A_155 = tpu.memref_squeeze %dma_wait3A_154 : memref<1x128x128xf32, #tpu.memory_space<vmem>> -> memref<128x128xf32, #tpu.memory_space<vmem>>
      %dma_wait3A_156 = arith.constant 0 : i32
      %dma_wait3A_157 = arith.constant 0 : i32
      %dma_wait3A_158 = tpu.memref_slice %arg3[%dma_wait3A_156, %dma_wait3A_157] : memref<163968x128xf32, #tpu.memory_space<hbm>> -> memref<128x128xf32, #tpu.memory_space<hbm>>
      tpu.wait_dma2 semaphore(%arg10 : memref<!tpu.dma_semaphore, #tpu.memory_space<semaphore_mem>>) src(%dma_wait3A_158 : memref<128x128xf32, #tpu.memory_space<hbm>>) dst(%dma_wait3A_155 : memref<128x128xf32, #tpu.memory_space<vmem>>)
      %run_scoped3A_159 = arith.constant 0 : i32
      %run_scoped3A_160 = arith.constant 0 : i32
      "tpu.region"() ({
        %run_scoped3A_201 = tpu.sem_alloc : memref<!tpu.dma_semaphore, #tpu.memory_space<semaphore_mem>>
        %dma_start3A_202 = arith.constant 0 : i32
        %dma_start3A_203 = arith.constant 0 : i32
        %dma_start3A_204 = tpu.memref_slice %arg8[%run_scoped3A_159, %dma_start3A_202, %dma_start3A_203] : memref<2x128x128xf32, #tpu.memory_space<vmem>> -> memref<1x128x128xf32, #tpu.memory_space<vmem>>
        %dma_start3A_205 = tpu.memref_squeeze %dma_start3A_204 : memref<1x128x128xf32, #tpu.memory_space<vmem>> -> memref<128x128xf32, #tpu.memory_space<vmem>>
        %dma_start3A_206 = arith.constant 0 : i32
        %dma_start3A_207 = tpu.memref_slice %arg7[%run_scoped3A_160, %dma_start3A_206] : memref<2x128xi32, #tpu.memory_space<vmem>> -> memref<1x128xi32, #tpu.memory_space<vmem>>
        %dma_start3A_208 = tpu.memref_squeeze %dma_start3A_207 : memref<1x128xi32, #tpu.memory_space<vmem>> -> memref<128xi32, #tpu.memory_space<vmem>>
        %dma_start3A_209 = arith.constant 0 : i32
        %dma_start3A_210 = arith.constant 0 : i32
        %dma_start3A_211 = tpu.memref_slice %arg9[%dma_start3A_209, %dma_start3A_210] : memref<10240x128xf32, #tpu.memory_space<vmem_shared>> -> memref<10240x128xf32, #tpu.memory_space<vmem_shared>>
        tpu.enqueue_indirect_dma source(%dma_start3A_205 : memref<128x128xf32, #tpu.memory_space<vmem>>) target(%dma_start3A_211 : memref<10240x128xf32, #tpu.memory_space<vmem_shared>>) offsets(%dma_start3A_208 : memref<128xi32, #tpu.memory_space<vmem>>) semaphore(%run_scoped3A_201 : memref<!tpu.dma_semaphore, #tpu.memory_space<semaphore_mem>>) {add = true}
        %dma_wait3A_212 = arith.constant 0 : i32
        %dma_wait3A_213 = arith.constant 0 : i32
        %dma_wait3A_214 = tpu.memref_slice %arg8[%run_scoped3A_159, %dma_wait3A_212, %dma_wait3A_213] : memref<2x128x128xf32, #tpu.memory_space<vmem>> -> memref<1x128x128xf32, #tpu.memory_space<vmem>>
        %dma_wait3A_215 = tpu.memref_squeeze %dma_wait3A_214 : memref<1x128x128xf32, #tpu.memory_space<vmem>> -> memref<128x128xf32, #tpu.memory_space<vmem>>
        %dma_wait3A_216 = arith.constant 0 : i32
        %dma_wait3A_217 = tpu.memref_slice %arg7[%run_scoped3A_160, %dma_wait3A_216] : memref<2x128xi32, #tpu.memory_space<vmem>> -> memref<1x128xi32, #tpu.memory_space<vmem>>
        %dma_wait3A_218 = tpu.memref_squeeze %dma_wait3A_217 : memref<1x128xi32, #tpu.memory_space<vmem>> -> memref<128xi32, #tpu.memory_space<vmem>>
        %dma_wait3A_219 = arith.constant 0 : i32
        %dma_wait3A_220 = arith.constant 0 : i32
        %dma_wait3A_221 = tpu.memref_slice %arg9[%dma_wait3A_219, %dma_wait3A_220] : memref<10240x128xf32, #tpu.memory_space<vmem_shared>> -> memref<10240x128xf32, #tpu.memory_space<vmem_shared>>
        tpu.wait_indirect_dma semaphore(%run_scoped3A_201 : memref<!tpu.dma_semaphore, #tpu.memory_space<semaphore_mem>>) src(%dma_wait3A_215 : memref<128x128xf32, #tpu.memory_space<vmem>>) dst(%dma_wait3A_221 : memref<10240x128xf32, #tpu.memory_space<vmem_shared>>)
        tpu.yield
      }) : () -> ()
      %add3A_161 = arith.constant 1 : i32
      %add3A_162 = arith.addi %add3A_120, %add3A_161 : i32
      %add3A_163 = arith.constant 1 : i32
      %add3A_164 = arith.addi %add3A_162, %add3A_163 : i32
      %mul3A_165 = arith.constant 5120 : i32
      %mul3A_166 = arith.muli %add3A, %mul3A_165 : i32
      %mul3A_167 = arith.constant 128 : i32
      %mul3A_168 = arith.muli %add3A_164, %mul3A_167 : i32
      %add3A_169 = arith.addi %mul3A_166, %mul3A_168 : i32
      %run_scoped3A_170 = arith.constant 0 : i32
      "tpu.region"() ({
        %run_scoped3A_201 = tpu.sem_alloc : memref<!tpu.dma_semaphore, #tpu.memory_space<semaphore_mem>>
        %dma_start3A_202 = arith.constant 0 : i32
        %dma_start3A_203 = tpu.memref_slice %arg7[%run_scoped3A_170, %dma_start3A_202] : memref<2x128xi32, #tpu.memory_space<vmem>> -> memref<1x128xi32, #tpu.memory_space<vmem>>
        %dma_start3A_204 = tpu.memref_squeeze %dma_start3A_203 : memref<1x128xi32, #tpu.memory_space<vmem>> -> memref<128xi32, #tpu.memory_space<vmem>>
        %dma_start3A_205 = tpu.memref_slice %arg2[%add3A_169] : memref<163968xi32, #tpu.memory_space<hbm>> -> memref<128xi32, #tpu.memory_space<hbm>>
        %dma_start3A_206 = arith.constant 0 : i32
        %dma_start3A_207 = tpu.memref_slice %arg7[%run_scoped3A_170, %dma_start3A_206] : memref<2x128xi32, #tpu.memory_space<vmem>> -> memref<1x128xi32, #tpu.memory_space<vmem>>
        %dma_start3A_208 = tpu.memref_squeeze %dma_start3A_207 : memref<1x128xi32, #tpu.memory_space<vmem>> -> memref<128xi32, #tpu.memory_space<vmem>>
        %dma_start3A_209 = tpu.memref_slice %arg2[%add3A_169] : memref<163968xi32, #tpu.memory_space<hbm>> -> memref<128xi32, #tpu.memory_space<hbm>>
        tpu.enqueue_dma source(%dma_start3A_209 : memref<128xi32, #tpu.memory_space<hbm>>) target(%dma_start3A_208 : memref<128xi32, #tpu.memory_space<vmem>>) target_semaphore(%run_scoped3A_201 : memref<!tpu.dma_semaphore, #tpu.memory_space<semaphore_mem>>)
        %dma_wait3A_210 = arith.constant 0 : i32
        %dma_wait3A_211 = tpu.memref_slice %arg7[%run_scoped3A_170, %dma_wait3A_210] : memref<2x128xi32, #tpu.memory_space<vmem>> -> memref<1x128xi32, #tpu.memory_space<vmem>>
        %dma_wait3A_212 = tpu.memref_squeeze %dma_wait3A_211 : memref<1x128xi32, #tpu.memory_space<vmem>> -> memref<128xi32, #tpu.memory_space<vmem>>
        %dma_wait3A_213 = tpu.memref_slice %arg2[%add3A_169] : memref<163968xi32, #tpu.memory_space<hbm>> -> memref<128xi32, #tpu.memory_space<hbm>>
        %dma_wait3A_214 = arith.constant 0 : i32
        %dma_wait3A_215 = tpu.memref_slice %arg7[%run_scoped3A_170, %dma_wait3A_214] : memref<2x128xi32, #tpu.memory_space<vmem>> -> memref<1x128xi32, #tpu.memory_space<vmem>>
        %dma_wait3A_216 = tpu.memref_squeeze %dma_wait3A_215 : memref<1x128xi32, #tpu.memory_space<vmem>> -> memref<128xi32, #tpu.memory_space<vmem>>
        %dma_wait3A_217 = tpu.memref_slice %arg2[%add3A_169] : memref<163968xi32, #tpu.memory_space<hbm>> -> memref<128xi32, #tpu.memory_space<hbm>>
        tpu.wait_dma2 semaphore(%run_scoped3A_201 : memref<!tpu.dma_semaphore, #tpu.memory_space<semaphore_mem>>) src(%dma_wait3A_217 : memref<128xi32, #tpu.memory_space<hbm>>) dst(%dma_wait3A_216 : memref<128xi32, #tpu.memory_space<vmem>>)
        tpu.yield
      }) : () -> ()
      %dma_start3A_171 = arith.constant 0 : i32
      %dma_start3A_172 = arith.constant 0 : i32
      %dma_start3A_173 = arith.constant 0 : i32
      %dma_start3A_174 = tpu.memref_slice %arg8[%dma_start3A_171, %dma_start3A_172, %dma_start3A_173] : memref<2x128x128xf32, #tpu.memory_space<vmem>> -> memref<1x128x128xf32, #tpu.memory_space<vmem>>
      %dma_start3A_175 = tpu.memref_squeeze %dma_start3A_174 : memref<1x128x128xf32, #tpu.memory_space<vmem>> -> memref<128x128xf32, #tpu.memory_space<vmem>>
      %dma_start3A_176 = arith.constant 0 : i32
      %dma_start3A_177 = tpu.memref_slice %arg3[%add3A_169, %dma_start3A_176] : memref<163968x128xf32, #tpu.memory_space<hbm>> -> memref<128x128xf32, #tpu.memory_space<hbm>>
      %dma_start3A_178 = arith.constant 0 : i32
      %dma_start3A_179 = arith.constant 0 : i32
      %dma_start3A_180 = tpu.memref_slice %arg8[%dma_start3A_171, %dma_start3A_178, %dma_start3A_179] : memref<2x128x128xf32, #tpu.memory_space<vmem>> -> memref<1x128x128xf32, #tpu.memory_space<vmem>>
      %dma_start3A_181 = tpu.memref_squeeze %dma_start3A_180 : memref<1x128x128xf32, #tpu.memory_space<vmem>> -> memref<128x128xf32, #tpu.memory_space<vmem>>
      %dma_start3A_182 = arith.constant 0 : i32
      %dma_start3A_183 = tpu.memref_slice %arg3[%add3A_169, %dma_start3A_182] : memref<163968x128xf32, #tpu.memory_space<hbm>> -> memref<128x128xf32, #tpu.memory_space<hbm>>
      tpu.enqueue_dma source(%dma_start3A_183 : memref<128x128xf32, #tpu.memory_space<hbm>>) target(%dma_start3A_181 : memref<128x128xf32, #tpu.memory_space<vmem>>) target_semaphore(%arg10 : memref<!tpu.dma_semaphore, #tpu.memory_space<semaphore_mem>>)
      %dma_wait3A_184 = arith.constant 1 : i32
      %dma_wait3A_185 = arith.constant 0 : i32
      %dma_wait3A_186 = arith.constant 0 : i32
      %dma_wait3A_187 = tpu.memref_slice %arg8[%dma_wait3A_184, %dma_wait3A_185, %dma_wait3A_186] : memref<2x128x128xf32, #tpu.memory_space<vmem>> -> memref<1x128x128xf32, #tpu.memory_space<vmem>>
      %dma_wait3A_188 = tpu.memref_squeeze %dma_wait3A_187 : memref<1x128x128xf32, #tpu.memory_space<vmem>> -> memref<128x128xf32, #tpu.memory_space<vmem>>
      %dma_wait3A_189 = arith.constant 0 : i32
      %dma_wait3A_190 = arith.constant 0 : i32
      %dma_wait3A_191 = tpu.memref_slice %arg3[%dma_wait3A_189, %dma_wait3A_190] : memref<163968x128xf32, #tpu.memory_space<hbm>> -> memref<128x128xf32, #tpu.memory_space<hbm>>
      %dma_wait3A_192 = arith.constant 0 : i32
      %dma_wait3A_193 = arith.constant 0 : i32
      %dma_wait3A_194 = tpu.memref_slice %arg8[%dma_wait3A_184, %dma_wait3A_192, %dma_wait3A_193] : memref<2x128x128xf32, #tpu.memory_space<vmem>> -> memref<1x128x128xf32, #tpu.memory_space<vmem>>
      %dma_wait3A_195 = tpu.memref_squeeze %dma_wait3A_194 : memref<1x128x128xf32, #tpu.memory_space<vmem>> -> memref<128x128xf32, #tpu.memory_space<vmem>>
      %dma_wait3A_196 = arith.constant 0 : i32
      %dma_wait3A_197 = arith.constant 0 : i32
      %dma_wait3A_198 = tpu.memref_slice %arg3[%dma_wait3A_196, %dma_wait3A_197] : memref<163968x128xf32, #tpu.memory_space<hbm>> -> memref<128x128xf32, #tpu.memory_space<hbm>>
      tpu.wait_dma2 semaphore(%arg10 : memref<!tpu.dma_semaphore, #tpu.memory_space<semaphore_mem>>) src(%dma_wait3A_198 : memref<128x128xf32, #tpu.memory_space<hbm>>) dst(%dma_wait3A_195 : memref<128x128xf32, #tpu.memory_space<vmem>>)
      %run_scoped3A_199 = arith.constant 1 : i32
      %run_scoped3A_200 = arith.constant 1 : i32
      "tpu.region"() ({
        %run_scoped3A_201 = tpu.sem_alloc : memref<!tpu.dma_semaphore, #tpu.memory_space<semaphore_mem>>
        %dma_start3A_202 = arith.constant 0 : i32
        %dma_start3A_203 = arith.constant 0 : i32
        %dma_start3A_204 = tpu.memref_slice %arg8[%run_scoped3A_199, %dma_start3A_202, %dma_start3A_203] : memref<2x128x128xf32, #tpu.memory_space<vmem>> -> memref<1x128x128xf32, #tpu.memory_space<vmem>>
        %dma_start3A_205 = tpu.memref_squeeze %dma_start3A_204 : memref<1x128x128xf32, #tpu.memory_space<vmem>> -> memref<128x128xf32, #tpu.memory_space<vmem>>
        %dma_start3A_206 = arith.constant 0 : i32
        %dma_start3A_207 = tpu.memref_slice %arg7[%run_scoped3A_200, %dma_start3A_206] : memref<2x128xi32, #tpu.memory_space<vmem>> -> memref<1x128xi32, #tpu.memory_space<vmem>>
        %dma_start3A_208 = tpu.memref_squeeze %dma_start3A_207 : memref<1x128xi32, #tpu.memory_space<vmem>> -> memref<128xi32, #tpu.memory_space<vmem>>
        %dma_start3A_209 = arith.constant 0 : i32
        %dma_start3A_210 = arith.constant 0 : i32
        %dma_start3A_211 = tpu.memref_slice %arg9[%dma_start3A_209, %dma_start3A_210] : memref<10240x128xf32, #tpu.memory_space<vmem_shared>> -> memref<10240x128xf32, #tpu.memory_space<vmem_shared>>
        tpu.enqueue_indirect_dma source(%dma_start3A_205 : memref<128x128xf32, #tpu.memory_space<vmem>>) target(%dma_start3A_211 : memref<10240x128xf32, #tpu.memory_space<vmem_shared>>) offsets(%dma_start3A_208 : memref<128xi32, #tpu.memory_space<vmem>>) semaphore(%run_scoped3A_201 : memref<!tpu.dma_semaphore, #tpu.memory_space<semaphore_mem>>) {add = true}
        %dma_wait3A_212 = arith.constant 0 : i32
        %dma_wait3A_213 = arith.constant 0 : i32
        %dma_wait3A_214 = tpu.memref_slice %arg8[%run_scoped3A_199, %dma_wait3A_212, %dma_wait3A_213] : memref<2x128x128xf32, #tpu.memory_space<vmem>> -> memref<1x128x128xf32, #tpu.memory_space<vmem>>
        %dma_wait3A_215 = tpu.memref_squeeze %dma_wait3A_214 : memref<1x128x128xf32, #tpu.memory_space<vmem>> -> memref<128x128xf32, #tpu.memory_space<vmem>>
        %dma_wait3A_216 = arith.constant 0 : i32
        %dma_wait3A_217 = tpu.memref_slice %arg7[%run_scoped3A_200, %dma_wait3A_216] : memref<2x128xi32, #tpu.memory_space<vmem>> -> memref<1x128xi32, #tpu.memory_space<vmem>>
        %dma_wait3A_218 = tpu.memref_squeeze %dma_wait3A_217 : memref<1x128xi32, #tpu.memory_space<vmem>> -> memref<128xi32, #tpu.memory_space<vmem>>
        %dma_wait3A_219 = arith.constant 0 : i32
        %dma_wait3A_220 = arith.constant 0 : i32
        %dma_wait3A_221 = tpu.memref_slice %arg9[%dma_wait3A_219, %dma_wait3A_220] : memref<10240x128xf32, #tpu.memory_space<vmem_shared>> -> memref<10240x128xf32, #tpu.memory_space<vmem_shared>>
        tpu.wait_indirect_dma semaphore(%run_scoped3A_201 : memref<!tpu.dma_semaphore, #tpu.memory_space<semaphore_mem>>) src(%dma_wait3A_215 : memref<128x128xf32, #tpu.memory_space<vmem>>) dst(%dma_wait3A_221 : memref<10240x128xf32, #tpu.memory_space<vmem_shared>>)
        tpu.yield
      }) : () -> ()
    }
    %scan3A_38 = arith.constant 20 : i32
    %dma_wait3A = arith.constant 0 : i32
    %dma_wait3A_39 = arith.constant 0 : i32
    %dma_wait3A_40 = arith.constant 0 : i32
    %dma_wait3A_41 = tpu.memref_slice %arg8[%dma_wait3A, %dma_wait3A_39, %dma_wait3A_40] : memref<2x128x128xf32, #tpu.memory_space<vmem>> -> memref<1x128x128xf32, #tpu.memory_space<vmem>>
    %dma_wait3A_42 = tpu.memref_squeeze %dma_wait3A_41 : memref<1x128x128xf32, #tpu.memory_space<vmem>> -> memref<128x128xf32, #tpu.memory_space<vmem>>
    %dma_wait3A_43 = arith.constant 0 : i32
    %dma_wait3A_44 = arith.constant 0 : i32
    %dma_wait3A_45 = tpu.memref_slice %arg3[%dma_wait3A_43, %dma_wait3A_44] : memref<163968x128xf32, #tpu.memory_space<hbm>> -> memref<128x128xf32, #tpu.memory_space<hbm>>
    %dma_wait3A_46 = arith.constant 0 : i32
    %dma_wait3A_47 = arith.constant 0 : i32
    %dma_wait3A_48 = tpu.memref_slice %arg8[%dma_wait3A, %dma_wait3A_46, %dma_wait3A_47] : memref<2x128x128xf32, #tpu.memory_space<vmem>> -> memref<1x128x128xf32, #tpu.memory_space<vmem>>
    %dma_wait3A_49 = tpu.memref_squeeze %dma_wait3A_48 : memref<1x128x128xf32, #tpu.memory_space<vmem>> -> memref<128x128xf32, #tpu.memory_space<vmem>>
    %dma_wait3A_50 = arith.constant 0 : i32
    %dma_wait3A_51 = arith.constant 0 : i32
    %dma_wait3A_52 = tpu.memref_slice %arg3[%dma_wait3A_50, %dma_wait3A_51] : memref<163968x128xf32, #tpu.memory_space<hbm>> -> memref<128x128xf32, #tpu.memory_space<hbm>>
    tpu.wait_dma2 semaphore(%arg10 : memref<!tpu.dma_semaphore, #tpu.memory_space<semaphore_mem>>) src(%dma_wait3A_52 : memref<128x128xf32, #tpu.memory_space<hbm>>) dst(%dma_wait3A_49 : memref<128x128xf32, #tpu.memory_space<vmem>>)
    %barrier3A_53 = arith.constant 0 : index
    tpu.barrier barrier_id(%barrier3A_53)
    %add3A_54 = arith.constant 0 : i32
    %add3A_55 = arith.addi %mul3A_2, %add3A_54 : i32
    %run_scoped3A_56 = arith.constant 0 : i32
    "tpu.region"() ({
      %run_scoped3A_116 = tpu.sem_alloc : memref<!tpu.dma_semaphore, #tpu.memory_space<semaphore_mem>>
      %dma_start3A_117 = arith.constant 0 : i32
      %dma_start3A_118 = arith.constant 0 : i32
      %dma_start3A_119 = tpu.memref_slice %arg8[%run_scoped3A_56, %dma_start3A_117, %dma_start3A_118] : memref<2x128x128xf32, #tpu.memory_space<vmem>> -> memref<1x128x128xf32, #tpu.memory_space<vmem>>
      %dma_start3A_120 = tpu.memref_squeeze %dma_start3A_119 : memref<1x128x128xf32, #tpu.memory_space<vmem>> -> memref<128x128xf32, #tpu.memory_space<vmem>>
      %dma_start3A_121 = arith.constant 0 : i32
      %dma_start3A_122 = tpu.memref_slice %arg9[%add3A_55, %dma_start3A_121] : memref<10240x128xf32, #tpu.memory_space<vmem_shared>> -> memref<128x128xf32, #tpu.memory_space<vmem_shared>>
      %dma_start3A_123 = arith.constant 0 : i32
      %dma_start3A_124 = arith.constant 0 : i32
      %dma_start3A_125 = tpu.memref_slice %arg8[%run_scoped3A_56, %dma_start3A_123, %dma_start3A_124] : memref<2x128x128xf32, #tpu.memory_space<vmem>> -> memref<1x128x128xf32, #tpu.memory_space<vmem>>
      %dma_start3A_126 = tpu.memref_squeeze %dma_start3A_125 : memref<1x128x128xf32, #tpu.memory_space<vmem>> -> memref<128x128xf32, #tpu.memory_space<vmem>>
      %dma_start3A_127 = arith.constant 0 : i32
      %dma_start3A_128 = tpu.memref_slice %arg9[%add3A_55, %dma_start3A_127] : memref<10240x128xf32, #tpu.memory_space<vmem_shared>> -> memref<128x128xf32, #tpu.memory_space<vmem_shared>>
      tpu.enqueue_dma source(%dma_start3A_128 : memref<128x128xf32, #tpu.memory_space<vmem_shared>>) target(%dma_start3A_126 : memref<128x128xf32, #tpu.memory_space<vmem>>) target_semaphore(%run_scoped3A_116 : memref<!tpu.dma_semaphore, #tpu.memory_space<semaphore_mem>>)
      %dma_wait3A_129 = arith.constant 0 : i32
      %dma_wait3A_130 = arith.constant 0 : i32
      %dma_wait3A_131 = tpu.memref_slice %arg8[%run_scoped3A_56, %dma_wait3A_129, %dma_wait3A_130] : memref<2x128x128xf32, #tpu.memory_space<vmem>> -> memref<1x128x128xf32, #tpu.memory_space<vmem>>
      %dma_wait3A_132 = tpu.memref_squeeze %dma_wait3A_131 : memref<1x128x128xf32, #tpu.memory_space<vmem>> -> memref<128x128xf32, #tpu.memory_space<vmem>>
      %dma_wait3A_133 = arith.constant 0 : i32
      %dma_wait3A_134 = tpu.memref_slice %arg9[%add3A_55, %dma_wait3A_133] : memref<10240x128xf32, #tpu.memory_space<vmem_shared>> -> memref<128x128xf32, #tpu.memory_space<vmem_shared>>
      %dma_wait3A_135 = arith.constant 0 : i32
      %dma_wait3A_136 = arith.constant 0 : i32
      %dma_wait3A_137 = tpu.memref_slice %arg8[%run_scoped3A_56, %dma_wait3A_135, %dma_wait3A_136] : memref<2x128x128xf32, #tpu.memory_space<vmem>> -> memref<1x128x128xf32, #tpu.memory_space<vmem>>
      %dma_wait3A_138 = tpu.memref_squeeze %dma_wait3A_137 : memref<1x128x128xf32, #tpu.memory_space<vmem>> -> memref<128x128xf32, #tpu.memory_space<vmem>>
      %dma_wait3A_139 = arith.constant 0 : i32
      %dma_wait3A_140 = tpu.memref_slice %arg9[%add3A_55, %dma_wait3A_139] : memref<10240x128xf32, #tpu.memory_space<vmem_shared>> -> memref<128x128xf32, #tpu.memory_space<vmem_shared>>
      tpu.wait_dma2 semaphore(%run_scoped3A_116 : memref<!tpu.dma_semaphore, #tpu.memory_space<semaphore_mem>>) src(%dma_wait3A_140 : memref<128x128xf32, #tpu.memory_space<vmem_shared>>) dst(%dma_wait3A_138 : memref<128x128xf32, #tpu.memory_space<vmem>>)
      tpu.yield
    }) : () -> ()
    %eq3A = arith.constant 0 : i32
    %eq3A_57 = arith.cmpi eq, %arg0, %eq3A : i32
    %convert_element_type3A = arith.extui %eq3A_57 : i1 to i32
    %cond3A = arith.constant 0 : i32
    %cond3A_58 = arith.cmpi ne, %convert_element_type3A, %cond3A : i32
    scf.if %cond3A_58 {
      %run_scoped3A_116 = arith.constant 0 : i32
      "tpu.region"() ({
        %run_scoped3A_117 = tpu.sem_alloc : memref<!tpu.dma_semaphore, #tpu.memory_space<semaphore_mem>>
        %dma_start3A_118 = arith.constant 0 : i32
        %dma_start3A_119 = arith.constant 0 : i32
        %dma_start3A_120 = tpu.memref_slice %arg8[%run_scoped3A_116, %dma_start3A_118, %dma_start3A_119] : memref<2x128x128xf32, #tpu.memory_space<vmem>> -> memref<1x128x128xf32, #tpu.memory_space<vmem>>
        %dma_start3A_121 = tpu.memref_squeeze %dma_start3A_120 : memref<1x128x128xf32, #tpu.memory_space<vmem>> -> memref<128x128xf32, #tpu.memory_space<vmem>>
        %dma_start3A_122 = arith.constant 0 : i32
        %dma_start3A_123 = tpu.memref_slice %arg5[%add3A_55, %dma_start3A_122] : memref<10240x128xf32, #tpu.memory_space<hbm>> -> memref<128x128xf32, #tpu.memory_space<hbm>>
        %dma_start3A_124 = arith.constant 0 : i32
        %dma_start3A_125 = tpu.memref_slice %arg5[%add3A_55, %dma_start3A_124] : memref<10240x128xf32, #tpu.memory_space<hbm>> -> memref<128x128xf32, #tpu.memory_space<hbm>>
        %dma_start3A_126 = arith.constant 0 : i32
        %dma_start3A_127 = arith.constant 0 : i32
        %dma_start3A_128 = tpu.memref_slice %arg8[%run_scoped3A_116, %dma_start3A_126, %dma_start3A_127] : memref<2x128x128xf32, #tpu.memory_space<vmem>> -> memref<1x128x128xf32, #tpu.memory_space<vmem>>
        %dma_start3A_129 = tpu.memref_squeeze %dma_start3A_128 : memref<1x128x128xf32, #tpu.memory_space<vmem>> -> memref<128x128xf32, #tpu.memory_space<vmem>>
        tpu.enqueue_dma source(%dma_start3A_129 : memref<128x128xf32, #tpu.memory_space<vmem>>) target(%dma_start3A_125 : memref<128x128xf32, #tpu.memory_space<hbm>>) target_semaphore(%run_scoped3A_117 : memref<!tpu.dma_semaphore, #tpu.memory_space<semaphore_mem>>)
        %dma_wait3A_130 = arith.constant 0 : i32
        %dma_wait3A_131 = arith.constant 0 : i32
        %dma_wait3A_132 = tpu.memref_slice %arg8[%run_scoped3A_116, %dma_wait3A_130, %dma_wait3A_131] : memref<2x128x128xf32, #tpu.memory_space<vmem>> -> memref<1x128x128xf32, #tpu.memory_space<vmem>>
        %dma_wait3A_133 = tpu.memref_squeeze %dma_wait3A_132 : memref<1x128x128xf32, #tpu.memory_space<vmem>> -> memref<128x128xf32, #tpu.memory_space<vmem>>
        %dma_wait3A_134 = arith.constant 0 : i32
        %dma_wait3A_135 = tpu.memref_slice %arg5[%add3A_55, %dma_wait3A_134] : memref<10240x128xf32, #tpu.memory_space<hbm>> -> memref<128x128xf32, #tpu.memory_space<hbm>>
        %dma_wait3A_136 = arith.constant 0 : i32
        %dma_wait3A_137 = tpu.memref_slice %arg5[%add3A_55, %dma_wait3A_136] : memref<10240x128xf32, #tpu.memory_space<hbm>> -> memref<128x128xf32, #tpu.memory_space<hbm>>
        %dma_wait3A_138 = arith.constant 0 : i32
        %dma_wait3A_139 = arith.constant 0 : i32
        %dma_wait3A_140 = tpu.memref_slice %arg8[%run_scoped3A_116, %dma_wait3A_138, %dma_wait3A_139] : memref<2x128x128xf32, #tpu.memory_space<vmem>> -> memref<1x128x128xf32, #tpu.memory_space<vmem>>
        %dma_wait3A_141 = tpu.memref_squeeze %dma_wait3A_140 : memref<1x128x128xf32, #tpu.memory_space<vmem>> -> memref<128x128xf32, #tpu.memory_space<vmem>>
        tpu.wait_dma2 semaphore(%run_scoped3A_117 : memref<!tpu.dma_semaphore, #tpu.memory_space<semaphore_mem>>) src(%dma_wait3A_141 : memref<128x128xf32, #tpu.memory_space<vmem>>) dst(%dma_wait3A_137 : memref<128x128xf32, #tpu.memory_space<hbm>>)
        tpu.yield
      }) : () -> ()
    } else {
    }
    %eq3A_59 = arith.constant 1 : i32
    %eq3A_60 = arith.cmpi eq, %arg0, %eq3A_59 : i32
    %convert_element_type3A_61 = arith.extui %eq3A_60 : i1 to i32
    %cond3A_62 = arith.constant 0 : i32
    %cond3A_63 = arith.cmpi ne, %convert_element_type3A_61, %cond3A_62 : i32
    scf.if %cond3A_63 {
      %run_scoped3A_116 = arith.constant 0 : i32
      "tpu.region"() ({
        %run_scoped3A_117 = tpu.sem_alloc : memref<!tpu.dma_semaphore, #tpu.memory_space<semaphore_mem>>
        %dma_start3A_118 = arith.constant 0 : i32
        %dma_start3A_119 = arith.constant 0 : i32
        %dma_start3A_120 = tpu.memref_slice %arg8[%run_scoped3A_116, %dma_start3A_118, %dma_start3A_119] : memref<2x128x128xf32, #tpu.memory_space<vmem>> -> memref<1x128x128xf32, #tpu.memory_space<vmem>>
        %dma_start3A_121 = tpu.memref_squeeze %dma_start3A_120 : memref<1x128x128xf32, #tpu.memory_space<vmem>> -> memref<128x128xf32, #tpu.memory_space<vmem>>
        %dma_start3A_122 = arith.constant 0 : i32
        %dma_start3A_123 = tpu.memref_slice %arg6[%add3A_55, %dma_start3A_122] : memref<10240x128xf32, #tpu.memory_space<hbm>> -> memref<128x128xf32, #tpu.memory_space<hbm>>
        %dma_start3A_124 = arith.constant 0 : i32
        %dma_start3A_125 = tpu.memref_slice %arg6[%add3A_55, %dma_start3A_124] : memref<10240x128xf32, #tpu.memory_space<hbm>> -> memref<128x128xf32, #tpu.memory_space<hbm>>
        %dma_start3A_126 = arith.constant 0 : i32
        %dma_start3A_127 = arith.constant 0 : i32
        %dma_start3A_128 = tpu.memref_slice %arg8[%run_scoped3A_116, %dma_start3A_126, %dma_start3A_127] : memref<2x128x128xf32, #tpu.memory_space<vmem>> -> memref<1x128x128xf32, #tpu.memory_space<vmem>>
        %dma_start3A_129 = tpu.memref_squeeze %dma_start3A_128 : memref<1x128x128xf32, #tpu.memory_space<vmem>> -> memref<128x128xf32, #tpu.memory_space<vmem>>
        tpu.enqueue_dma source(%dma_start3A_129 : memref<128x128xf32, #tpu.memory_space<vmem>>) target(%dma_start3A_125 : memref<128x128xf32, #tpu.memory_space<hbm>>) target_semaphore(%run_scoped3A_117 : memref<!tpu.dma_semaphore, #tpu.memory_space<semaphore_mem>>)
        %dma_wait3A_130 = arith.constant 0 : i32
        %dma_wait3A_131 = arith.constant 0 : i32
        %dma_wait3A_132 = tpu.memref_slice %arg8[%run_scoped3A_116, %dma_wait3A_130, %dma_wait3A_131] : memref<2x128x128xf32, #tpu.memory_space<vmem>> -> memref<1x128x128xf32, #tpu.memory_space<vmem>>
        %dma_wait3A_133 = tpu.memref_squeeze %dma_wait3A_132 : memref<1x128x128xf32, #tpu.memory_space<vmem>> -> memref<128x128xf32, #tpu.memory_space<vmem>>
        %dma_wait3A_134 = arith.constant 0 : i32
        %dma_wait3A_135 = tpu.memref_slice %arg6[%add3A_55, %dma_wait3A_134] : memref<10240x128xf32, #tpu.memory_space<hbm>> -> memref<128x128xf32, #tpu.memory_space<hbm>>
        %dma_wait3A_136 = arith.constant 0 : i32
        %dma_wait3A_137 = tpu.memref_slice %arg6[%add3A_55, %dma_wait3A_136] : memref<10240x128xf32, #tpu.memory_space<hbm>> -> memref<128x128xf32, #tpu.memory_space<hbm>>
        %dma_wait3A_138 = arith.constant 0 : i32
        %dma_wait3A_139 = arith.constant 0 : i32
        %dma_wait3A_140 = tpu.memref_slice %arg8[%run_scoped3A_116, %dma_wait3A_138, %dma_wait3A_139] : memref<2x128x128xf32, #tpu.memory_space<vmem>> -> memref<1x128x128xf32, #tpu.memory_space<vmem>>
        %dma_wait3A_141 = tpu.memref_squeeze %dma_wait3A_140 : memref<1x128x128xf32, #tpu.memory_space<vmem>> -> memref<128x128xf32, #tpu.memory_space<vmem>>
        tpu.wait_dma2 semaphore(%run_scoped3A_117 : memref<!tpu.dma_semaphore, #tpu.memory_space<semaphore_mem>>) src(%dma_wait3A_141 : memref<128x128xf32, #tpu.memory_space<vmem>>) dst(%dma_wait3A_137 : memref<128x128xf32, #tpu.memory_space<hbm>>)
        tpu.yield
      }) : () -> ()
    } else {
    }
    %add3A_64 = arith.constant 128 : i32
    %add3A_65 = arith.addi %mul3A_2, %add3A_64 : i32
    %run_scoped3A_66 = arith.constant 0 : i32
    "tpu.region"() ({
      %run_scoped3A_116 = tpu.sem_alloc : memref<!tpu.dma_semaphore, #tpu.memory_space<semaphore_mem>>
      %dma_start3A_117 = arith.constant 0 : i32
      %dma_start3A_118 = arith.constant 0 : i32
      %dma_start3A_119 = tpu.memref_slice %arg8[%run_scoped3A_66, %dma_start3A_117, %dma_start3A_118] : memref<2x128x128xf32, #tpu.memory_space<vmem>> -> memref<1x128x128xf32, #tpu.memory_space<vmem>>
      %dma_start3A_120 = tpu.memref_squeeze %dma_start3A_119 : memref<1x128x128xf32, #tpu.memory_space<vmem>> -> memref<128x128xf32, #tpu.memory_space<vmem>>
      %dma_start3A_121 = arith.constant 0 : i32
      %dma_start3A_122 = tpu.memref_slice %arg9[%add3A_65, %dma_start3A_121] : memref<10240x128xf32, #tpu.memory_space<vmem_shared>> -> memref<128x128xf32, #tpu.memory_space<vmem_shared>>
      %dma_start3A_123 = arith.constant 0 : i32
      %dma_start3A_124 = arith.constant 0 : i32
      %dma_start3A_125 = tpu.memref_slice %arg8[%run_scoped3A_66, %dma_start3A_123, %dma_start3A_124] : memref<2x128x128xf32, #tpu.memory_space<vmem>> -> memref<1x128x128xf32, #tpu.memory_space<vmem>>
      %dma_start3A_126 = tpu.memref_squeeze %dma_start3A_125 : memref<1x128x128xf32, #tpu.memory_space<vmem>> -> memref<128x128xf32, #tpu.memory_space<vmem>>
      %dma_start3A_127 = arith.constant 0 : i32
      %dma_start3A_128 = tpu.memref_slice %arg9[%add3A_65, %dma_start3A_127] : memref<10240x128xf32, #tpu.memory_space<vmem_shared>> -> memref<128x128xf32, #tpu.memory_space<vmem_shared>>
      tpu.enqueue_dma source(%dma_start3A_128 : memref<128x128xf32, #tpu.memory_space<vmem_shared>>) target(%dma_start3A_126 : memref<128x128xf32, #tpu.memory_space<vmem>>) target_semaphore(%run_scoped3A_116 : memref<!tpu.dma_semaphore, #tpu.memory_space<semaphore_mem>>)
      %dma_wait3A_129 = arith.constant 0 : i32
      %dma_wait3A_130 = arith.constant 0 : i32
      %dma_wait3A_131 = tpu.memref_slice %arg8[%run_scoped3A_66, %dma_wait3A_129, %dma_wait3A_130] : memref<2x128x128xf32, #tpu.memory_space<vmem>> -> memref<1x128x128xf32, #tpu.memory_space<vmem>>
      %dma_wait3A_132 = tpu.memref_squeeze %dma_wait3A_131 : memref<1x128x128xf32, #tpu.memory_space<vmem>> -> memref<128x128xf32, #tpu.memory_space<vmem>>
      %dma_wait3A_133 = arith.constant 0 : i32
      %dma_wait3A_134 = tpu.memref_slice %arg9[%add3A_65, %dma_wait3A_133] : memref<10240x128xf32, #tpu.memory_space<vmem_shared>> -> memref<128x128xf32, #tpu.memory_space<vmem_shared>>
      %dma_wait3A_135 = arith.constant 0 : i32
      %dma_wait3A_136 = arith.constant 0 : i32
      %dma_wait3A_137 = tpu.memref_slice %arg8[%run_scoped3A_66, %dma_wait3A_135, %dma_wait3A_136] : memref<2x128x128xf32, #tpu.memory_space<vmem>> -> memref<1x128x128xf32, #tpu.memory_space<vmem>>
      %dma_wait3A_138 = tpu.memref_squeeze %dma_wait3A_137 : memref<1x128x128xf32, #tpu.memory_space<vmem>> -> memref<128x128xf32, #tpu.memory_space<vmem>>
      %dma_wait3A_139 = arith.constant 0 : i32
      %dma_wait3A_140 = tpu.memref_slice %arg9[%add3A_65, %dma_wait3A_139] : memref<10240x128xf32, #tpu.memory_space<vmem_shared>> -> memref<128x128xf32, #tpu.memory_space<vmem_shared>>
      tpu.wait_dma2 semaphore(%run_scoped3A_116 : memref<!tpu.dma_semaphore, #tpu.memory_space<semaphore_mem>>) src(%dma_wait3A_140 : memref<128x128xf32, #tpu.memory_space<vmem_shared>>) dst(%dma_wait3A_138 : memref<128x128xf32, #tpu.memory_space<vmem>>)
      tpu.yield
    }) : () -> ()
    %eq3A_67 = arith.constant 0 : i32
    %eq3A_68 = arith.cmpi eq, %arg0, %eq3A_67 : i32
    %convert_element_type3A_69 = arith.extui %eq3A_68 : i1 to i32
    %cond3A_70 = arith.constant 0 : i32
    %cond3A_71 = arith.cmpi ne, %convert_element_type3A_69, %cond3A_70 : i32
    scf.if %cond3A_71 {
      %run_scoped3A_116 = arith.constant 0 : i32
      "tpu.region"() ({
        %run_scoped3A_117 = tpu.sem_alloc : memref<!tpu.dma_semaphore, #tpu.memory_space<semaphore_mem>>
        %dma_start3A_118 = arith.constant 0 : i32
        %dma_start3A_119 = arith.constant 0 : i32
        %dma_start3A_120 = tpu.memref_slice %arg8[%run_scoped3A_116, %dma_start3A_118, %dma_start3A_119] : memref<2x128x128xf32, #tpu.memory_space<vmem>> -> memref<1x128x128xf32, #tpu.memory_space<vmem>>
        %dma_start3A_121 = tpu.memref_squeeze %dma_start3A_120 : memref<1x128x128xf32, #tpu.memory_space<vmem>> -> memref<128x128xf32, #tpu.memory_space<vmem>>
        %dma_start3A_122 = arith.constant 0 : i32
        %dma_start3A_123 = tpu.memref_slice %arg5[%add3A_65, %dma_start3A_122] : memref<10240x128xf32, #tpu.memory_space<hbm>> -> memref<128x128xf32, #tpu.memory_space<hbm>>
        %dma_start3A_124 = arith.constant 0 : i32
        %dma_start3A_125 = tpu.memref_slice %arg5[%add3A_65, %dma_start3A_124] : memref<10240x128xf32, #tpu.memory_space<hbm>> -> memref<128x128xf32, #tpu.memory_space<hbm>>
        %dma_start3A_126 = arith.constant 0 : i32
        %dma_start3A_127 = arith.constant 0 : i32
        %dma_start3A_128 = tpu.memref_slice %arg8[%run_scoped3A_116, %dma_start3A_126, %dma_start3A_127] : memref<2x128x128xf32, #tpu.memory_space<vmem>> -> memref<1x128x128xf32, #tpu.memory_space<vmem>>
        %dma_start3A_129 = tpu.memref_squeeze %dma_start3A_128 : memref<1x128x128xf32, #tpu.memory_space<vmem>> -> memref<128x128xf32, #tpu.memory_space<vmem>>
        tpu.enqueue_dma source(%dma_start3A_129 : memref<128x128xf32, #tpu.memory_space<vmem>>) target(%dma_start3A_125 : memref<128x128xf32, #tpu.memory_space<hbm>>) target_semaphore(%run_scoped3A_117 : memref<!tpu.dma_semaphore, #tpu.memory_space<semaphore_mem>>)
        %dma_wait3A_130 = arith.constant 0 : i32
        %dma_wait3A_131 = arith.constant 0 : i32
        %dma_wait3A_132 = tpu.memref_slice %arg8[%run_scoped3A_116, %dma_wait3A_130, %dma_wait3A_131] : memref<2x128x128xf32, #tpu.memory_space<vmem>> -> memref<1x128x128xf32, #tpu.memory_space<vmem>>
        %dma_wait3A_133 = tpu.memref_squeeze %dma_wait3A_132 : memref<1x128x128xf32, #tpu.memory_space<vmem>> -> memref<128x128xf32, #tpu.memory_space<vmem>>
        %dma_wait3A_134 = arith.constant 0 : i32
        %dma_wait3A_135 = tpu.memref_slice %arg5[%add3A_65, %dma_wait3A_134] : memref<10240x128xf32, #tpu.memory_space<hbm>> -> memref<128x128xf32, #tpu.memory_space<hbm>>
        %dma_wait3A_136 = arith.constant 0 : i32
        %dma_wait3A_137 = tpu.memref_slice %arg5[%add3A_65, %dma_wait3A_136] : memref<10240x128xf32, #tpu.memory_space<hbm>> -> memref<128x128xf32, #tpu.memory_space<hbm>>
        %dma_wait3A_138 = arith.constant 0 : i32
        %dma_wait3A_139 = arith.constant 0 : i32
        %dma_wait3A_140 = tpu.memref_slice %arg8[%run_scoped3A_116, %dma_wait3A_138, %dma_wait3A_139] : memref<2x128x128xf32, #tpu.memory_space<vmem>> -> memref<1x128x128xf32, #tpu.memory_space<vmem>>
        %dma_wait3A_141 = tpu.memref_squeeze %dma_wait3A_140 : memref<1x128x128xf32, #tpu.memory_space<vmem>> -> memref<128x128xf32, #tpu.memory_space<vmem>>
        tpu.wait_dma2 semaphore(%run_scoped3A_117 : memref<!tpu.dma_semaphore, #tpu.memory_space<semaphore_mem>>) src(%dma_wait3A_141 : memref<128x128xf32, #tpu.memory_space<vmem>>) dst(%dma_wait3A_137 : memref<128x128xf32, #tpu.memory_space<hbm>>)
        tpu.yield
      }) : () -> ()
    } else {
    }
    %eq3A_72 = arith.constant 1 : i32
    %eq3A_73 = arith.cmpi eq, %arg0, %eq3A_72 : i32
    %convert_element_type3A_74 = arith.extui %eq3A_73 : i1 to i32
    %cond3A_75 = arith.constant 0 : i32
    %cond3A_76 = arith.cmpi ne, %convert_element_type3A_74, %cond3A_75 : i32
    scf.if %cond3A_76 {
      %run_scoped3A_116 = arith.constant 0 : i32
      "tpu.region"() ({
        %run_scoped3A_117 = tpu.sem_alloc : memref<!tpu.dma_semaphore, #tpu.memory_space<semaphore_mem>>
        %dma_start3A_118 = arith.constant 0 : i32
        %dma_start3A_119 = arith.constant 0 : i32
        %dma_start3A_120 = tpu.memref_slice %arg8[%run_scoped3A_116, %dma_start3A_118, %dma_start3A_119] : memref<2x128x128xf32, #tpu.memory_space<vmem>> -> memref<1x128x128xf32, #tpu.memory_space<vmem>>
        %dma_start3A_121 = tpu.memref_squeeze %dma_start3A_120 : memref<1x128x128xf32, #tpu.memory_space<vmem>> -> memref<128x128xf32, #tpu.memory_space<vmem>>
        %dma_start3A_122 = arith.constant 0 : i32
        %dma_start3A_123 = tpu.memref_slice %arg6[%add3A_65, %dma_start3A_122] : memref<10240x128xf32, #tpu.memory_space<hbm>> -> memref<128x128xf32, #tpu.memory_space<hbm>>
        %dma_start3A_124 = arith.constant 0 : i32
        %dma_start3A_125 = tpu.memref_slice %arg6[%add3A_65, %dma_start3A_124] : memref<10240x128xf32, #tpu.memory_space<hbm>> -> memref<128x128xf32, #tpu.memory_space<hbm>>
        %dma_start3A_126 = arith.constant 0 : i32
        %dma_start3A_127 = arith.constant 0 : i32
        %dma_start3A_128 = tpu.memref_slice %arg8[%run_scoped3A_116, %dma_start3A_126, %dma_start3A_127] : memref<2x128x128xf32, #tpu.memory_space<vmem>> -> memref<1x128x128xf32, #tpu.memory_space<vmem>>
        %dma_start3A_129 = tpu.memref_squeeze %dma_start3A_128 : memref<1x128x128xf32, #tpu.memory_space<vmem>> -> memref<128x128xf32, #tpu.memory_space<vmem>>
        tpu.enqueue_dma source(%dma_start3A_129 : memref<128x128xf32, #tpu.memory_space<vmem>>) target(%dma_start3A_125 : memref<128x128xf32, #tpu.memory_space<hbm>>) target_semaphore(%run_scoped3A_117 : memref<!tpu.dma_semaphore, #tpu.memory_space<semaphore_mem>>)
        %dma_wait3A_130 = arith.constant 0 : i32
        %dma_wait3A_131 = arith.constant 0 : i32
        %dma_wait3A_132 = tpu.memref_slice %arg8[%run_scoped3A_116, %dma_wait3A_130, %dma_wait3A_131] : memref<2x128x128xf32, #tpu.memory_space<vmem>> -> memref<1x128x128xf32, #tpu.memory_space<vmem>>
        %dma_wait3A_133 = tpu.memref_squeeze %dma_wait3A_132 : memref<1x128x128xf32, #tpu.memory_space<vmem>> -> memref<128x128xf32, #tpu.memory_space<vmem>>
        %dma_wait3A_134 = arith.constant 0 : i32
        %dma_wait3A_135 = tpu.memref_slice %arg6[%add3A_65, %dma_wait3A_134] : memref<10240x128xf32, #tpu.memory_space<hbm>> -> memref<128x128xf32, #tpu.memory_space<hbm>>
        %dma_wait3A_136 = arith.constant 0 : i32
        %dma_wait3A_137 = tpu.memref_slice %arg6[%add3A_65, %dma_wait3A_136] : memref<10240x128xf32, #tpu.memory_space<hbm>> -> memref<128x128xf32, #tpu.memory_space<hbm>>
        %dma_wait3A_138 = arith.constant 0 : i32
        %dma_wait3A_139 = arith.constant 0 : i32
        %dma_wait3A_140 = tpu.memref_slice %arg8[%run_scoped3A_116, %dma_wait3A_138, %dma_wait3A_139] : memref<2x128x128xf32, #tpu.memory_space<vmem>> -> memref<1x128x128xf32, #tpu.memory_space<vmem>>
        %dma_wait3A_141 = tpu.memref_squeeze %dma_wait3A_140 : memref<1x128x128xf32, #tpu.memory_space<vmem>> -> memref<128x128xf32, #tpu.memory_space<vmem>>
        tpu.wait_dma2 semaphore(%run_scoped3A_117 : memref<!tpu.dma_semaphore, #tpu.memory_space<semaphore_mem>>) src(%dma_wait3A_141 : memref<128x128xf32, #tpu.memory_space<vmem>>) dst(%dma_wait3A_137 : memref<128x128xf32, #tpu.memory_space<hbm>>)
        tpu.yield
      }) : () -> ()
    } else {
    }
    %add3A_77 = arith.constant 256 : i32
    %add3A_78 = arith.addi %mul3A_2, %add3A_77 : i32
    %run_scoped3A_79 = arith.constant 0 : i32
    "tpu.region"() ({
      %run_scoped3A_116 = tpu.sem_alloc : memref<!tpu.dma_semaphore, #tpu.memory_space<semaphore_mem>>
      %dma_start3A_117 = arith.constant 0 : i32
      %dma_start3A_118 = arith.constant 0 : i32
      %dma_start3A_119 = tpu.memref_slice %arg8[%run_scoped3A_79, %dma_start3A_117, %dma_start3A_118] : memref<2x128x128xf32, #tpu.memory_space<vmem>> -> memref<1x128x128xf32, #tpu.memory_space<vmem>>
      %dma_start3A_120 = tpu.memref_squeeze %dma_start3A_119 : memref<1x128x128xf32, #tpu.memory_space<vmem>> -> memref<128x128xf32, #tpu.memory_space<vmem>>
      %dma_start3A_121 = arith.constant 0 : i32
      %dma_start3A_122 = tpu.memref_slice %arg9[%add3A_78, %dma_start3A_121] : memref<10240x128xf32, #tpu.memory_space<vmem_shared>> -> memref<128x128xf32, #tpu.memory_space<vmem_shared>>
      %dma_start3A_123 = arith.constant 0 : i32
      %dma_start3A_124 = arith.constant 0 : i32
      %dma_start3A_125 = tpu.memref_slice %arg8[%run_scoped3A_79, %dma_start3A_123, %dma_start3A_124] : memref<2x128x128xf32, #tpu.memory_space<vmem>> -> memref<1x128x128xf32, #tpu.memory_space<vmem>>
      %dma_start3A_126 = tpu.memref_squeeze %dma_start3A_125 : memref<1x128x128xf32, #tpu.memory_space<vmem>> -> memref<128x128xf32, #tpu.memory_space<vmem>>
      %dma_start3A_127 = arith.constant 0 : i32
      %dma_start3A_128 = tpu.memref_slice %arg9[%add3A_78, %dma_start3A_127] : memref<10240x128xf32, #tpu.memory_space<vmem_shared>> -> memref<128x128xf32, #tpu.memory_space<vmem_shared>>
      tpu.enqueue_dma source(%dma_start3A_128 : memref<128x128xf32, #tpu.memory_space<vmem_shared>>) target(%dma_start3A_126 : memref<128x128xf32, #tpu.memory_space<vmem>>) target_semaphore(%run_scoped3A_116 : memref<!tpu.dma_semaphore, #tpu.memory_space<semaphore_mem>>)
      %dma_wait3A_129 = arith.constant 0 : i32
      %dma_wait3A_130 = arith.constant 0 : i32
      %dma_wait3A_131 = tpu.memref_slice %arg8[%run_scoped3A_79, %dma_wait3A_129, %dma_wait3A_130] : memref<2x128x128xf32, #tpu.memory_space<vmem>> -> memref<1x128x128xf32, #tpu.memory_space<vmem>>
      %dma_wait3A_132 = tpu.memref_squeeze %dma_wait3A_131 : memref<1x128x128xf32, #tpu.memory_space<vmem>> -> memref<128x128xf32, #tpu.memory_space<vmem>>
      %dma_wait3A_133 = arith.constant 0 : i32
      %dma_wait3A_134 = tpu.memref_slice %arg9[%add3A_78, %dma_wait3A_133] : memref<10240x128xf32, #tpu.memory_space<vmem_shared>> -> memref<128x128xf32, #tpu.memory_space<vmem_shared>>
      %dma_wait3A_135 = arith.constant 0 : i32
      %dma_wait3A_136 = arith.constant 0 : i32
      %dma_wait3A_137 = tpu.memref_slice %arg8[%run_scoped3A_79, %dma_wait3A_135, %dma_wait3A_136] : memref<2x128x128xf32, #tpu.memory_space<vmem>> -> memref<1x128x128xf32, #tpu.memory_space<vmem>>
      %dma_wait3A_138 = tpu.memref_squeeze %dma_wait3A_137 : memref<1x128x128xf32, #tpu.memory_space<vmem>> -> memref<128x128xf32, #tpu.memory_space<vmem>>
      %dma_wait3A_139 = arith.constant 0 : i32
      %dma_wait3A_140 = tpu.memref_slice %arg9[%add3A_78, %dma_wait3A_139] : memref<10240x128xf32, #tpu.memory_space<vmem_shared>> -> memref<128x128xf32, #tpu.memory_space<vmem_shared>>
      tpu.wait_dma2 semaphore(%run_scoped3A_116 : memref<!tpu.dma_semaphore, #tpu.memory_space<semaphore_mem>>) src(%dma_wait3A_140 : memref<128x128xf32, #tpu.memory_space<vmem_shared>>) dst(%dma_wait3A_138 : memref<128x128xf32, #tpu.memory_space<vmem>>)
      tpu.yield
    }) : () -> ()
    %eq3A_80 = arith.constant 0 : i32
    %eq3A_81 = arith.cmpi eq, %arg0, %eq3A_80 : i32
    %convert_element_type3A_82 = arith.extui %eq3A_81 : i1 to i32
    %cond3A_83 = arith.constant 0 : i32
    %cond3A_84 = arith.cmpi ne, %convert_element_type3A_82, %cond3A_83 : i32
    scf.if %cond3A_84 {
      %run_scoped3A_116 = arith.constant 0 : i32
      "tpu.region"() ({
        %run_scoped3A_117 = tpu.sem_alloc : memref<!tpu.dma_semaphore, #tpu.memory_space<semaphore_mem>>
        %dma_start3A_118 = arith.constant 0 : i32
        %dma_start3A_119 = arith.constant 0 : i32
        %dma_start3A_120 = tpu.memref_slice %arg8[%run_scoped3A_116, %dma_start3A_118, %dma_start3A_119] : memref<2x128x128xf32, #tpu.memory_space<vmem>> -> memref<1x128x128xf32, #tpu.memory_space<vmem>>
        %dma_start3A_121 = tpu.memref_squeeze %dma_start3A_120 : memref<1x128x128xf32, #tpu.memory_space<vmem>> -> memref<128x128xf32, #tpu.memory_space<vmem>>
        %dma_start3A_122 = arith.constant 0 : i32
        %dma_start3A_123 = tpu.memref_slice %arg5[%add3A_78, %dma_start3A_122] : memref<10240x128xf32, #tpu.memory_space<hbm>> -> memref<128x128xf32, #tpu.memory_space<hbm>>
        %dma_start3A_124 = arith.constant 0 : i32
        %dma_start3A_125 = tpu.memref_slice %arg5[%add3A_78, %dma_start3A_124] : memref<10240x128xf32, #tpu.memory_space<hbm>> -> memref<128x128xf32, #tpu.memory_space<hbm>>
        %dma_start3A_126 = arith.constant 0 : i32
        %dma_start3A_127 = arith.constant 0 : i32
        %dma_start3A_128 = tpu.memref_slice %arg8[%run_scoped3A_116, %dma_start3A_126, %dma_start3A_127] : memref<2x128x128xf32, #tpu.memory_space<vmem>> -> memref<1x128x128xf32, #tpu.memory_space<vmem>>
        %dma_start3A_129 = tpu.memref_squeeze %dma_start3A_128 : memref<1x128x128xf32, #tpu.memory_space<vmem>> -> memref<128x128xf32, #tpu.memory_space<vmem>>
        tpu.enqueue_dma source(%dma_start3A_129 : memref<128x128xf32, #tpu.memory_space<vmem>>) target(%dma_start3A_125 : memref<128x128xf32, #tpu.memory_space<hbm>>) target_semaphore(%run_scoped3A_117 : memref<!tpu.dma_semaphore, #tpu.memory_space<semaphore_mem>>)
        %dma_wait3A_130 = arith.constant 0 : i32
        %dma_wait3A_131 = arith.constant 0 : i32
        %dma_wait3A_132 = tpu.memref_slice %arg8[%run_scoped3A_116, %dma_wait3A_130, %dma_wait3A_131] : memref<2x128x128xf32, #tpu.memory_space<vmem>> -> memref<1x128x128xf32, #tpu.memory_space<vmem>>
        %dma_wait3A_133 = tpu.memref_squeeze %dma_wait3A_132 : memref<1x128x128xf32, #tpu.memory_space<vmem>> -> memref<128x128xf32, #tpu.memory_space<vmem>>
        %dma_wait3A_134 = arith.constant 0 : i32
        %dma_wait3A_135 = tpu.memref_slice %arg5[%add3A_78, %dma_wait3A_134] : memref<10240x128xf32, #tpu.memory_space<hbm>> -> memref<128x128xf32, #tpu.memory_space<hbm>>
        %dma_wait3A_136 = arith.constant 0 : i32
        %dma_wait3A_137 = tpu.memref_slice %arg5[%add3A_78, %dma_wait3A_136] : memref<10240x128xf32, #tpu.memory_space<hbm>> -> memref<128x128xf32, #tpu.memory_space<hbm>>
        %dma_wait3A_138 = arith.constant 0 : i32
        %dma_wait3A_139 = arith.constant 0 : i32
        %dma_wait3A_140 = tpu.memref_slice %arg8[%run_scoped3A_116, %dma_wait3A_138, %dma_wait3A_139] : memref<2x128x128xf32, #tpu.memory_space<vmem>> -> memref<1x128x128xf32, #tpu.memory_space<vmem>>
        %dma_wait3A_141 = tpu.memref_squeeze %dma_wait3A_140 : memref<1x128x128xf32, #tpu.memory_space<vmem>> -> memref<128x128xf32, #tpu.memory_space<vmem>>
        tpu.wait_dma2 semaphore(%run_scoped3A_117 : memref<!tpu.dma_semaphore, #tpu.memory_space<semaphore_mem>>) src(%dma_wait3A_141 : memref<128x128xf32, #tpu.memory_space<vmem>>) dst(%dma_wait3A_137 : memref<128x128xf32, #tpu.memory_space<hbm>>)
        tpu.yield
      }) : () -> ()
    } else {
    }
    %eq3A_85 = arith.constant 1 : i32
    %eq3A_86 = arith.cmpi eq, %arg0, %eq3A_85 : i32
    %convert_element_type3A_87 = arith.extui %eq3A_86 : i1 to i32
    %cond3A_88 = arith.constant 0 : i32
    %cond3A_89 = arith.cmpi ne, %convert_element_type3A_87, %cond3A_88 : i32
    scf.if %cond3A_89 {
      %run_scoped3A_116 = arith.constant 0 : i32
      "tpu.region"() ({
        %run_scoped3A_117 = tpu.sem_alloc : memref<!tpu.dma_semaphore, #tpu.memory_space<semaphore_mem>>
        %dma_start3A_118 = arith.constant 0 : i32
        %dma_start3A_119 = arith.constant 0 : i32
        %dma_start3A_120 = tpu.memref_slice %arg8[%run_scoped3A_116, %dma_start3A_118, %dma_start3A_119] : memref<2x128x128xf32, #tpu.memory_space<vmem>> -> memref<1x128x128xf32, #tpu.memory_space<vmem>>
        %dma_start3A_121 = tpu.memref_squeeze %dma_start3A_120 : memref<1x128x128xf32, #tpu.memory_space<vmem>> -> memref<128x128xf32, #tpu.memory_space<vmem>>
        %dma_start3A_122 = arith.constant 0 : i32
        %dma_start3A_123 = tpu.memref_slice %arg6[%add3A_78, %dma_start3A_122] : memref<10240x128xf32, #tpu.memory_space<hbm>> -> memref<128x128xf32, #tpu.memory_space<hbm>>
        %dma_start3A_124 = arith.constant 0 : i32
        %dma_start3A_125 = tpu.memref_slice %arg6[%add3A_78, %dma_start3A_124] : memref<10240x128xf32, #tpu.memory_space<hbm>> -> memref<128x128xf32, #tpu.memory_space<hbm>>
        %dma_start3A_126 = arith.constant 0 : i32
        %dma_start3A_127 = arith.constant 0 : i32
        %dma_start3A_128 = tpu.memref_slice %arg8[%run_scoped3A_116, %dma_start3A_126, %dma_start3A_127] : memref<2x128x128xf32, #tpu.memory_space<vmem>> -> memref<1x128x128xf32, #tpu.memory_space<vmem>>
        %dma_start3A_129 = tpu.memref_squeeze %dma_start3A_128 : memref<1x128x128xf32, #tpu.memory_space<vmem>> -> memref<128x128xf32, #tpu.memory_space<vmem>>
        tpu.enqueue_dma source(%dma_start3A_129 : memref<128x128xf32, #tpu.memory_space<vmem>>) target(%dma_start3A_125 : memref<128x128xf32, #tpu.memory_space<hbm>>) target_semaphore(%run_scoped3A_117 : memref<!tpu.dma_semaphore, #tpu.memory_space<semaphore_mem>>)
        %dma_wait3A_130 = arith.constant 0 : i32
        %dma_wait3A_131 = arith.constant 0 : i32
        %dma_wait3A_132 = tpu.memref_slice %arg8[%run_scoped3A_116, %dma_wait3A_130, %dma_wait3A_131] : memref<2x128x128xf32, #tpu.memory_space<vmem>> -> memref<1x128x128xf32, #tpu.memory_space<vmem>>
        %dma_wait3A_133 = tpu.memref_squeeze %dma_wait3A_132 : memref<1x128x128xf32, #tpu.memory_space<vmem>> -> memref<128x128xf32, #tpu.memory_space<vmem>>
        %dma_wait3A_134 = arith.constant 0 : i32
        %dma_wait3A_135 = tpu.memref_slice %arg6[%add3A_78, %dma_wait3A_134] : memref<10240x128xf32, #tpu.memory_space<hbm>> -> memref<128x128xf32, #tpu.memory_space<hbm>>
        %dma_wait3A_136 = arith.constant 0 : i32
        %dma_wait3A_137 = tpu.memref_slice %arg6[%add3A_78, %dma_wait3A_136] : memref<10240x128xf32, #tpu.memory_space<hbm>> -> memref<128x128xf32, #tpu.memory_space<hbm>>
        %dma_wait3A_138 = arith.constant 0 : i32
        %dma_wait3A_139 = arith.constant 0 : i32
        %dma_wait3A_140 = tpu.memref_slice %arg8[%run_scoped3A_116, %dma_wait3A_138, %dma_wait3A_139] : memref<2x128x128xf32, #tpu.memory_space<vmem>> -> memref<1x128x128xf32, #tpu.memory_space<vmem>>
        %dma_wait3A_141 = tpu.memref_squeeze %dma_wait3A_140 : memref<1x128x128xf32, #tpu.memory_space<vmem>> -> memref<128x128xf32, #tpu.memory_space<vmem>>
        tpu.wait_dma2 semaphore(%run_scoped3A_117 : memref<!tpu.dma_semaphore, #tpu.memory_space<semaphore_mem>>) src(%dma_wait3A_141 : memref<128x128xf32, #tpu.memory_space<vmem>>) dst(%dma_wait3A_137 : memref<128x128xf32, #tpu.memory_space<hbm>>)
        tpu.yield
      }) : () -> ()
    } else {
    }
    %add3A_90 = arith.constant 384 : i32
    %add3A_91 = arith.addi %mul3A_2, %add3A_90 : i32
    %run_scoped3A_92 = arith.constant 0 : i32
    "tpu.region"() ({
      %run_scoped3A_116 = tpu.sem_alloc : memref<!tpu.dma_semaphore, #tpu.memory_space<semaphore_mem>>
      %dma_start3A_117 = arith.constant 0 : i32
      %dma_start3A_118 = arith.constant 0 : i32
      %dma_start3A_119 = tpu.memref_slice %arg8[%run_scoped3A_92, %dma_start3A_117, %dma_start3A_118] : memref<2x128x128xf32, #tpu.memory_space<vmem>> -> memref<1x128x128xf32, #tpu.memory_space<vmem>>
      %dma_start3A_120 = tpu.memref_squeeze %dma_start3A_119 : memref<1x128x128xf32, #tpu.memory_space<vmem>> -> memref<128x128xf32, #tpu.memory_space<vmem>>
      %dma_start3A_121 = arith.constant 0 : i32
      %dma_start3A_122 = tpu.memref_slice %arg9[%add3A_91, %dma_start3A_121] : memref<10240x128xf32, #tpu.memory_space<vmem_shared>> -> memref<128x128xf32, #tpu.memory_space<vmem_shared>>
      %dma_start3A_123 = arith.constant 0 : i32
      %dma_start3A_124 = arith.constant 0 : i32
      %dma_start3A_125 = tpu.memref_slice %arg8[%run_scoped3A_92, %dma_start3A_123, %dma_start3A_124] : memref<2x128x128xf32, #tpu.memory_space<vmem>> -> memref<1x128x128xf32, #tpu.memory_space<vmem>>
      %dma_start3A_126 = tpu.memref_squeeze %dma_start3A_125 : memref<1x128x128xf32, #tpu.memory_space<vmem>> -> memref<128x128xf32, #tpu.memory_space<vmem>>
      %dma_start3A_127 = arith.constant 0 : i32
      %dma_start3A_128 = tpu.memref_slice %arg9[%add3A_91, %dma_start3A_127] : memref<10240x128xf32, #tpu.memory_space<vmem_shared>> -> memref<128x128xf32, #tpu.memory_space<vmem_shared>>
      tpu.enqueue_dma source(%dma_start3A_128 : memref<128x128xf32, #tpu.memory_space<vmem_shared>>) target(%dma_start3A_126 : memref<128x128xf32, #tpu.memory_space<vmem>>) target_semaphore(%run_scoped3A_116 : memref<!tpu.dma_semaphore, #tpu.memory_space<semaphore_mem>>)
      %dma_wait3A_129 = arith.constant 0 : i32
      %dma_wait3A_130 = arith.constant 0 : i32
      %dma_wait3A_131 = tpu.memref_slice %arg8[%run_scoped3A_92, %dma_wait3A_129, %dma_wait3A_130] : memref<2x128x128xf32, #tpu.memory_space<vmem>> -> memref<1x128x128xf32, #tpu.memory_space<vmem>>
      %dma_wait3A_132 = tpu.memref_squeeze %dma_wait3A_131 : memref<1x128x128xf32, #tpu.memory_space<vmem>> -> memref<128x128xf32, #tpu.memory_space<vmem>>
      %dma_wait3A_133 = arith.constant 0 : i32
      %dma_wait3A_134 = tpu.memref_slice %arg9[%add3A_91, %dma_wait3A_133] : memref<10240x128xf32, #tpu.memory_space<vmem_shared>> -> memref<128x128xf32, #tpu.memory_space<vmem_shared>>
      %dma_wait3A_135 = arith.constant 0 : i32
      %dma_wait3A_136 = arith.constant 0 : i32
      %dma_wait3A_137 = tpu.memref_slice %arg8[%run_scoped3A_92, %dma_wait3A_135, %dma_wait3A_136] : memref<2x128x128xf32, #tpu.memory_space<vmem>> -> memref<1x128x128xf32, #tpu.memory_space<vmem>>
      %dma_wait3A_138 = tpu.memref_squeeze %dma_wait3A_137 : memref<1x128x128xf32, #tpu.memory_space<vmem>> -> memref<128x128xf32, #tpu.memory_space<vmem>>
      %dma_wait3A_139 = arith.constant 0 : i32
      %dma_wait3A_140 = tpu.memref_slice %arg9[%add3A_91, %dma_wait3A_139] : memref<10240x128xf32, #tpu.memory_space<vmem_shared>> -> memref<128x128xf32, #tpu.memory_space<vmem_shared>>
      tpu.wait_dma2 semaphore(%run_scoped3A_116 : memref<!tpu.dma_semaphore, #tpu.memory_space<semaphore_mem>>) src(%dma_wait3A_140 : memref<128x128xf32, #tpu.memory_space<vmem_shared>>) dst(%dma_wait3A_138 : memref<128x128xf32, #tpu.memory_space<vmem>>)
      tpu.yield
    }) : () -> ()
    %eq3A_93 = arith.constant 0 : i32
    %eq3A_94 = arith.cmpi eq, %arg0, %eq3A_93 : i32
    %convert_element_type3A_95 = arith.extui %eq3A_94 : i1 to i32
    %cond3A_96 = arith.constant 0 : i32
    %cond3A_97 = arith.cmpi ne, %convert_element_type3A_95, %cond3A_96 : i32
    scf.if %cond3A_97 {
      %run_scoped3A_116 = arith.constant 0 : i32
      "tpu.region"() ({
        %run_scoped3A_117 = tpu.sem_alloc : memref<!tpu.dma_semaphore, #tpu.memory_space<semaphore_mem>>
        %dma_start3A_118 = arith.constant 0 : i32
        %dma_start3A_119 = arith.constant 0 : i32
        %dma_start3A_120 = tpu.memref_slice %arg8[%run_scoped3A_116, %dma_start3A_118, %dma_start3A_119] : memref<2x128x128xf32, #tpu.memory_space<vmem>> -> memref<1x128x128xf32, #tpu.memory_space<vmem>>
        %dma_start3A_121 = tpu.memref_squeeze %dma_start3A_120 : memref<1x128x128xf32, #tpu.memory_space<vmem>> -> memref<128x128xf32, #tpu.memory_space<vmem>>
        %dma_start3A_122 = arith.constant 0 : i32
        %dma_start3A_123 = tpu.memref_slice %arg5[%add3A_91, %dma_start3A_122] : memref<10240x128xf32, #tpu.memory_space<hbm>> -> memref<128x128xf32, #tpu.memory_space<hbm>>
        %dma_start3A_124 = arith.constant 0 : i32
        %dma_start3A_125 = tpu.memref_slice %arg5[%add3A_91, %dma_start3A_124] : memref<10240x128xf32, #tpu.memory_space<hbm>> -> memref<128x128xf32, #tpu.memory_space<hbm>>
        %dma_start3A_126 = arith.constant 0 : i32
        %dma_start3A_127 = arith.constant 0 : i32
        %dma_start3A_128 = tpu.memref_slice %arg8[%run_scoped3A_116, %dma_start3A_126, %dma_start3A_127] : memref<2x128x128xf32, #tpu.memory_space<vmem>> -> memref<1x128x128xf32, #tpu.memory_space<vmem>>
        %dma_start3A_129 = tpu.memref_squeeze %dma_start3A_128 : memref<1x128x128xf32, #tpu.memory_space<vmem>> -> memref<128x128xf32, #tpu.memory_space<vmem>>
        tpu.enqueue_dma source(%dma_start3A_129 : memref<128x128xf32, #tpu.memory_space<vmem>>) target(%dma_start3A_125 : memref<128x128xf32, #tpu.memory_space<hbm>>) target_semaphore(%run_scoped3A_117 : memref<!tpu.dma_semaphore, #tpu.memory_space<semaphore_mem>>)
        %dma_wait3A_130 = arith.constant 0 : i32
        %dma_wait3A_131 = arith.constant 0 : i32
        %dma_wait3A_132 = tpu.memref_slice %arg8[%run_scoped3A_116, %dma_wait3A_130, %dma_wait3A_131] : memref<2x128x128xf32, #tpu.memory_space<vmem>> -> memref<1x128x128xf32, #tpu.memory_space<vmem>>
        %dma_wait3A_133 = tpu.memref_squeeze %dma_wait3A_132 : memref<1x128x128xf32, #tpu.memory_space<vmem>> -> memref<128x128xf32, #tpu.memory_space<vmem>>
        %dma_wait3A_134 = arith.constant 0 : i32
        %dma_wait3A_135 = tpu.memref_slice %arg5[%add3A_91, %dma_wait3A_134] : memref<10240x128xf32, #tpu.memory_space<hbm>> -> memref<128x128xf32, #tpu.memory_space<hbm>>
        %dma_wait3A_136 = arith.constant 0 : i32
        %dma_wait3A_137 = tpu.memref_slice %arg5[%add3A_91, %dma_wait3A_136] : memref<10240x128xf32, #tpu.memory_space<hbm>> -> memref<128x128xf32, #tpu.memory_space<hbm>>
        %dma_wait3A_138 = arith.constant 0 : i32
        %dma_wait3A_139 = arith.constant 0 : i32
        %dma_wait3A_140 = tpu.memref_slice %arg8[%run_scoped3A_116, %dma_wait3A_138, %dma_wait3A_139] : memref<2x128x128xf32, #tpu.memory_space<vmem>> -> memref<1x128x128xf32, #tpu.memory_space<vmem>>
        %dma_wait3A_141 = tpu.memref_squeeze %dma_wait3A_140 : memref<1x128x128xf32, #tpu.memory_space<vmem>> -> memref<128x128xf32, #tpu.memory_space<vmem>>
        tpu.wait_dma2 semaphore(%run_scoped3A_117 : memref<!tpu.dma_semaphore, #tpu.memory_space<semaphore_mem>>) src(%dma_wait3A_141 : memref<128x128xf32, #tpu.memory_space<vmem>>) dst(%dma_wait3A_137 : memref<128x128xf32, #tpu.memory_space<hbm>>)
        tpu.yield
      }) : () -> ()
    } else {
    }
    %eq3A_98 = arith.constant 1 : i32
    %eq3A_99 = arith.cmpi eq, %arg0, %eq3A_98 : i32
    %convert_element_type3A_100 = arith.extui %eq3A_99 : i1 to i32
    %cond3A_101 = arith.constant 0 : i32
    %cond3A_102 = arith.cmpi ne, %convert_element_type3A_100, %cond3A_101 : i32
    scf.if %cond3A_102 {
      %run_scoped3A_116 = arith.constant 0 : i32
      "tpu.region"() ({
        %run_scoped3A_117 = tpu.sem_alloc : memref<!tpu.dma_semaphore, #tpu.memory_space<semaphore_mem>>
        %dma_start3A_118 = arith.constant 0 : i32
        %dma_start3A_119 = arith.constant 0 : i32
        %dma_start3A_120 = tpu.memref_slice %arg8[%run_scoped3A_116, %dma_start3A_118, %dma_start3A_119] : memref<2x128x128xf32, #tpu.memory_space<vmem>> -> memref<1x128x128xf32, #tpu.memory_space<vmem>>
        %dma_start3A_121 = tpu.memref_squeeze %dma_start3A_120 : memref<1x128x128xf32, #tpu.memory_space<vmem>> -> memref<128x128xf32, #tpu.memory_space<vmem>>
        %dma_start3A_122 = arith.constant 0 : i32
        %dma_start3A_123 = tpu.memref_slice %arg6[%add3A_91, %dma_start3A_122] : memref<10240x128xf32, #tpu.memory_space<hbm>> -> memref<128x128xf32, #tpu.memory_space<hbm>>
        %dma_start3A_124 = arith.constant 0 : i32
        %dma_start3A_125 = tpu.memref_slice %arg6[%add3A_91, %dma_start3A_124] : memref<10240x128xf32, #tpu.memory_space<hbm>> -> memref<128x128xf32, #tpu.memory_space<hbm>>
        %dma_start3A_126 = arith.constant 0 : i32
        %dma_start3A_127 = arith.constant 0 : i32
        %dma_start3A_128 = tpu.memref_slice %arg8[%run_scoped3A_116, %dma_start3A_126, %dma_start3A_127] : memref<2x128x128xf32, #tpu.memory_space<vmem>> -> memref<1x128x128xf32, #tpu.memory_space<vmem>>
        %dma_start3A_129 = tpu.memref_squeeze %dma_start3A_128 : memref<1x128x128xf32, #tpu.memory_space<vmem>> -> memref<128x128xf32, #tpu.memory_space<vmem>>
        tpu.enqueue_dma source(%dma_start3A_129 : memref<128x128xf32, #tpu.memory_space<vmem>>) target(%dma_start3A_125 : memref<128x128xf32, #tpu.memory_space<hbm>>) target_semaphore(%run_scoped3A_117 : memref<!tpu.dma_semaphore, #tpu.memory_space<semaphore_mem>>)
        %dma_wait3A_130 = arith.constant 0 : i32
        %dma_wait3A_131 = arith.constant 0 : i32
        %dma_wait3A_132 = tpu.memref_slice %arg8[%run_scoped3A_116, %dma_wait3A_130, %dma_wait3A_131] : memref<2x128x128xf32, #tpu.memory_space<vmem>> -> memref<1x128x128xf32, #tpu.memory_space<vmem>>
        %dma_wait3A_133 = tpu.memref_squeeze %dma_wait3A_132 : memref<1x128x128xf32, #tpu.memory_space<vmem>> -> memref<128x128xf32, #tpu.memory_space<vmem>>
        %dma_wait3A_134 = arith.constant 0 : i32
        %dma_wait3A_135 = tpu.memref_slice %arg6[%add3A_91, %dma_wait3A_134] : memref<10240x128xf32, #tpu.memory_space<hbm>> -> memref<128x128xf32, #tpu.memory_space<hbm>>
        %dma_wait3A_136 = arith.constant 0 : i32
        %dma_wait3A_137 = tpu.memref_slice %arg6[%add3A_91, %dma_wait3A_136] : memref<10240x128xf32, #tpu.memory_space<hbm>> -> memref<128x128xf32, #tpu.memory_space<hbm>>
        %dma_wait3A_138 = arith.constant 0 : i32
        %dma_wait3A_139 = arith.constant 0 : i32
        %dma_wait3A_140 = tpu.memref_slice %arg8[%run_scoped3A_116, %dma_wait3A_138, %dma_wait3A_139] : memref<2x128x128xf32, #tpu.memory_space<vmem>> -> memref<1x128x128xf32, #tpu.memory_space<vmem>>
        %dma_wait3A_141 = tpu.memref_squeeze %dma_wait3A_140 : memref<1x128x128xf32, #tpu.memory_space<vmem>> -> memref<128x128xf32, #tpu.memory_space<vmem>>
        tpu.wait_dma2 semaphore(%run_scoped3A_117 : memref<!tpu.dma_semaphore, #tpu.memory_space<semaphore_mem>>) src(%dma_wait3A_141 : memref<128x128xf32, #tpu.memory_space<vmem>>) dst(%dma_wait3A_137 : memref<128x128xf32, #tpu.memory_space<hbm>>)
        tpu.yield
      }) : () -> ()
    } else {
    }
    %add3A_103 = arith.constant 512 : i32
    %add3A_104 = arith.addi %mul3A_2, %add3A_103 : i32
    %run_scoped3A_105 = arith.constant 0 : i32
    "tpu.region"() ({
      %run_scoped3A_116 = tpu.sem_alloc : memref<!tpu.dma_semaphore, #tpu.memory_space<semaphore_mem>>
      %dma_start3A_117 = arith.constant 0 : i32
      %dma_start3A_118 = arith.constant 0 : i32
      %dma_start3A_119 = tpu.memref_slice %arg8[%run_scoped3A_105, %dma_start3A_117, %dma_start3A_118] : memref<2x128x128xf32, #tpu.memory_space<vmem>> -> memref<1x128x128xf32, #tpu.memory_space<vmem>>
      %dma_start3A_120 = tpu.memref_squeeze %dma_start3A_119 : memref<1x128x128xf32, #tpu.memory_space<vmem>> -> memref<128x128xf32, #tpu.memory_space<vmem>>
      %dma_start3A_121 = arith.constant 0 : i32
      %dma_start3A_122 = tpu.memref_slice %arg9[%add3A_104, %dma_start3A_121] : memref<10240x128xf32, #tpu.memory_space<vmem_shared>> -> memref<128x128xf32, #tpu.memory_space<vmem_shared>>
      %dma_start3A_123 = arith.constant 0 : i32
      %dma_start3A_124 = arith.constant 0 : i32
      %dma_start3A_125 = tpu.memref_slice %arg8[%run_scoped3A_105, %dma_start3A_123, %dma_start3A_124] : memref<2x128x128xf32, #tpu.memory_space<vmem>> -> memref<1x128x128xf32, #tpu.memory_space<vmem>>
      %dma_start3A_126 = tpu.memref_squeeze %dma_start3A_125 : memref<1x128x128xf32, #tpu.memory_space<vmem>> -> memref<128x128xf32, #tpu.memory_space<vmem>>
      %dma_start3A_127 = arith.constant 0 : i32
      %dma_start3A_128 = tpu.memref_slice %arg9[%add3A_104, %dma_start3A_127] : memref<10240x128xf32, #tpu.memory_space<vmem_shared>> -> memref<128x128xf32, #tpu.memory_space<vmem_shared>>
      tpu.enqueue_dma source(%dma_start3A_128 : memref<128x128xf32, #tpu.memory_space<vmem_shared>>) target(%dma_start3A_126 : memref<128x128xf32, #tpu.memory_space<vmem>>) target_semaphore(%run_scoped3A_116 : memref<!tpu.dma_semaphore, #tpu.memory_space<semaphore_mem>>)
      %dma_wait3A_129 = arith.constant 0 : i32
      %dma_wait3A_130 = arith.constant 0 : i32
      %dma_wait3A_131 = tpu.memref_slice %arg8[%run_scoped3A_105, %dma_wait3A_129, %dma_wait3A_130] : memref<2x128x128xf32, #tpu.memory_space<vmem>> -> memref<1x128x128xf32, #tpu.memory_space<vmem>>
      %dma_wait3A_132 = tpu.memref_squeeze %dma_wait3A_131 : memref<1x128x128xf32, #tpu.memory_space<vmem>> -> memref<128x128xf32, #tpu.memory_space<vmem>>
      %dma_wait3A_133 = arith.constant 0 : i32
      %dma_wait3A_134 = tpu.memref_slice %arg9[%add3A_104, %dma_wait3A_133] : memref<10240x128xf32, #tpu.memory_space<vmem_shared>> -> memref<128x128xf32, #tpu.memory_space<vmem_shared>>
      %dma_wait3A_135 = arith.constant 0 : i32
      %dma_wait3A_136 = arith.constant 0 : i32
      %dma_wait3A_137 = tpu.memref_slice %arg8[%run_scoped3A_105, %dma_wait3A_135, %dma_wait3A_136] : memref<2x128x128xf32, #tpu.memory_space<vmem>> -> memref<1x128x128xf32, #tpu.memory_space<vmem>>
      %dma_wait3A_138 = tpu.memref_squeeze %dma_wait3A_137 : memref<1x128x128xf32, #tpu.memory_space<vmem>> -> memref<128x128xf32, #tpu.memory_space<vmem>>
      %dma_wait3A_139 = arith.constant 0 : i32
      %dma_wait3A_140 = tpu.memref_slice %arg9[%add3A_104, %dma_wait3A_139] : memref<10240x128xf32, #tpu.memory_space<vmem_shared>> -> memref<128x128xf32, #tpu.memory_space<vmem_shared>>
      tpu.wait_dma2 semaphore(%run_scoped3A_116 : memref<!tpu.dma_semaphore, #tpu.memory_space<semaphore_mem>>) src(%dma_wait3A_140 : memref<128x128xf32, #tpu.memory_space<vmem_shared>>) dst(%dma_wait3A_138 : memref<128x128xf32, #tpu.memory_space<vmem>>)
      tpu.yield
    }) : () -> ()
    %eq3A_106 = arith.constant 0 : i32
    %eq3A_107 = arith.cmpi eq, %arg0, %eq3A_106 : i32
    %convert_element_type3A_108 = arith.extui %eq3A_107 : i1 to i32
    %cond3A_109 = arith.constant 0 : i32
    %cond3A_110 = arith.cmpi ne, %convert_element_type3A_108, %cond3A_109 : i32
    scf.if %cond3A_110 {
      %run_scoped3A_116 = arith.constant 0 : i32
      "tpu.region"() ({
        %run_scoped3A_117 = tpu.sem_alloc : memref<!tpu.dma_semaphore, #tpu.memory_space<semaphore_mem>>
        %dma_start3A_118 = arith.constant 0 : i32
        %dma_start3A_119 = arith.constant 0 : i32
        %dma_start3A_120 = tpu.memref_slice %arg8[%run_scoped3A_116, %dma_start3A_118, %dma_start3A_119] : memref<2x128x128xf32, #tpu.memory_space<vmem>> -> memref<1x128x128xf32, #tpu.memory_space<vmem>>
        %dma_start3A_121 = tpu.memref_squeeze %dma_start3A_120 : memref<1x128x128xf32, #tpu.memory_space<vmem>> -> memref<128x128xf32, #tpu.memory_space<vmem>>
        %dma_start3A_122 = arith.constant 0 : i32
        %dma_start3A_123 = tpu.memref_slice %arg5[%add3A_104, %dma_start3A_122] : memref<10240x128xf32, #tpu.memory_space<hbm>> -> memref<128x128xf32, #tpu.memory_space<hbm>>
        %dma_start3A_124 = arith.constant 0 : i32
        %dma_start3A_125 = tpu.memref_slice %arg5[%add3A_104, %dma_start3A_124] : memref<10240x128xf32, #tpu.memory_space<hbm>> -> memref<128x128xf32, #tpu.memory_space<hbm>>
        %dma_start3A_126 = arith.constant 0 : i32
        %dma_start3A_127 = arith.constant 0 : i32
        %dma_start3A_128 = tpu.memref_slice %arg8[%run_scoped3A_116, %dma_start3A_126, %dma_start3A_127] : memref<2x128x128xf32, #tpu.memory_space<vmem>> -> memref<1x128x128xf32, #tpu.memory_space<vmem>>
        %dma_start3A_129 = tpu.memref_squeeze %dma_start3A_128 : memref<1x128x128xf32, #tpu.memory_space<vmem>> -> memref<128x128xf32, #tpu.memory_space<vmem>>
        tpu.enqueue_dma source(%dma_start3A_129 : memref<128x128xf32, #tpu.memory_space<vmem>>) target(%dma_start3A_125 : memref<128x128xf32, #tpu.memory_space<hbm>>) target_semaphore(%run_scoped3A_117 : memref<!tpu.dma_semaphore, #tpu.memory_space<semaphore_mem>>)
        %dma_wait3A_130 = arith.constant 0 : i32
        %dma_wait3A_131 = arith.constant 0 : i32
        %dma_wait3A_132 = tpu.memref_slice %arg8[%run_scoped3A_116, %dma_wait3A_130, %dma_wait3A_131] : memref<2x128x128xf32, #tpu.memory_space<vmem>> -> memref<1x128x128xf32, #tpu.memory_space<vmem>>
        %dma_wait3A_133 = tpu.memref_squeeze %dma_wait3A_132 : memref<1x128x128xf32, #tpu.memory_space<vmem>> -> memref<128x128xf32, #tpu.memory_space<vmem>>
        %dma_wait3A_134 = arith.constant 0 : i32
        %dma_wait3A_135 = tpu.memref_slice %arg5[%add3A_104, %dma_wait3A_134] : memref<10240x128xf32, #tpu.memory_space<hbm>> -> memref<128x128xf32, #tpu.memory_space<hbm>>
        %dma_wait3A_136 = arith.constant 0 : i32
        %dma_wait3A_137 = tpu.memref_slice %arg5[%add3A_104, %dma_wait3A_136] : memref<10240x128xf32, #tpu.memory_space<hbm>> -> memref<128x128xf32, #tpu.memory_space<hbm>>
        %dma_wait3A_138 = arith.constant 0 : i32
        %dma_wait3A_139 = arith.constant 0 : i32
        %dma_wait3A_140 = tpu.memref_slice %arg8[%run_scoped3A_116, %dma_wait3A_138, %dma_wait3A_139] : memref<2x128x128xf32, #tpu.memory_space<vmem>> -> memref<1x128x128xf32, #tpu.memory_space<vmem>>
        %dma_wait3A_141 = tpu.memref_squeeze %dma_wait3A_140 : memref<1x128x128xf32, #tpu.memory_space<vmem>> -> memref<128x128xf32, #tpu.memory_space<vmem>>
        tpu.wait_dma2 semaphore(%run_scoped3A_117 : memref<!tpu.dma_semaphore, #tpu.memory_space<semaphore_mem>>) src(%dma_wait3A_141 : memref<128x128xf32, #tpu.memory_space<vmem>>) dst(%dma_wait3A_137 : memref<128x128xf32, #tpu.memory_space<hbm>>)
        tpu.yield
      }) : () -> ()
    } else {
    }
    %eq3A_111 = arith.constant 1 : i32
    %eq3A_112 = arith.cmpi eq, %arg0, %eq3A_111 : i32
    %convert_element_type3A_113 = arith.extui %eq3A_112 : i1 to i32
    %cond3A_114 = arith.constant 0 : i32
    %cond3A_115 = arith.cmpi ne, %convert_element_type3A_113, %cond3A_114 : i32
    scf.if %cond3A_115 {
      %run_scoped3A_116 = arith.constant 0 : i32
      "tpu.region"() ({
        %run_scoped3A_117 = tpu.sem_alloc : memref<!tpu.dma_semaphore, #tpu.memory_space<semaphore_mem>>
        %dma_start3A_118 = arith.constant 0 : i32
        %dma_start3A_119 = arith.constant 0 : i32
        %dma_start3A_120 = tpu.memref_slice %arg8[%run_scoped3A_116, %dma_start3A_118, %dma_start3A_119] : memref<2x128x128xf32, #tpu.memory_space<vmem>> -> memref<1x128x128xf32, #tpu.memory_space<vmem>>
        %dma_start3A_121 = tpu.memref_squeeze %dma_start3A_120 : memref<1x128x128xf32, #tpu.memory_space<vmem>> -> memref<128x128xf32, #tpu.memory_space<vmem>>
        %dma_start3A_122 = arith.constant 0 : i32
        %dma_start3A_123 = tpu.memref_slice %arg6[%add3A_104, %dma_start3A_122] : memref<10240x128xf32, #tpu.memory_space<hbm>> -> memref<128x128xf32, #tpu.memory_space<hbm>>
        %dma_start3A_124 = arith.constant 0 : i32
        %dma_start3A_125 = tpu.memref_slice %arg6[%add3A_104, %dma_start3A_124] : memref<10240x128xf32, #tpu.memory_space<hbm>> -> memref<128x128xf32, #tpu.memory_space<hbm>>
        %dma_start3A_126 = arith.constant 0 : i32
        %dma_start3A_127 = arith.constant 0 : i32
        %dma_start3A_128 = tpu.memref_slice %arg8[%run_scoped3A_116, %dma_start3A_126, %dma_start3A_127] : memref<2x128x128xf32, #tpu.memory_space<vmem>> -> memref<1x128x128xf32, #tpu.memory_space<vmem>>
        %dma_start3A_129 = tpu.memref_squeeze %dma_start3A_128 : memref<1x128x128xf32, #tpu.memory_space<vmem>> -> memref<128x128xf32, #tpu.memory_space<vmem>>
        tpu.enqueue_dma source(%dma_start3A_129 : memref<128x128xf32, #tpu.memory_space<vmem>>) target(%dma_start3A_125 : memref<128x128xf32, #tpu.memory_space<hbm>>) target_semaphore(%run_scoped3A_117 : memref<!tpu.dma_semaphore, #tpu.memory_space<semaphore_mem>>)
        %dma_wait3A_130 = arith.constant 0 : i32
        %dma_wait3A_131 = arith.constant 0 : i32
        %dma_wait3A_132 = tpu.memref_slice %arg8[%run_scoped3A_116, %dma_wait3A_130, %dma_wait3A_131] : memref<2x128x128xf32, #tpu.memory_space<vmem>> -> memref<1x128x128xf32, #tpu.memory_space<vmem>>
        %dma_wait3A_133 = tpu.memref_squeeze %dma_wait3A_132 : memref<1x128x128xf32, #tpu.memory_space<vmem>> -> memref<128x128xf32, #tpu.memory_space<vmem>>
        %dma_wait3A_134 = arith.constant 0 : i32
        %dma_wait3A_135 = tpu.memref_slice %arg6[%add3A_104, %dma_wait3A_134] : memref<10240x128xf32, #tpu.memory_space<hbm>> -> memref<128x128xf32, #tpu.memory_space<hbm>>
        %dma_wait3A_136 = arith.constant 0 : i32
        %dma_wait3A_137 = tpu.memref_slice %arg6[%add3A_104, %dma_wait3A_136] : memref<10240x128xf32, #tpu.memory_space<hbm>> -> memref<128x128xf32, #tpu.memory_space<hbm>>
        %dma_wait3A_138 = arith.constant 0 : i32
        %dma_wait3A_139 = arith.constant 0 : i32
        %dma_wait3A_140 = tpu.memref_slice %arg8[%run_scoped3A_116, %dma_wait3A_138, %dma_wait3A_139] : memref<2x128x128xf32, #tpu.memory_space<vmem>> -> memref<1x128x128xf32, #tpu.memory_space<vmem>>
        %dma_wait3A_141 = tpu.memref_squeeze %dma_wait3A_140 : memref<1x128x128xf32, #tpu.memory_space<vmem>> -> memref<128x128xf32, #tpu.memory_space<vmem>>
        tpu.wait_dma2 semaphore(%run_scoped3A_117 : memref<!tpu.dma_semaphore, #tpu.memory_space<semaphore_mem>>) src(%dma_wait3A_141 : memref<128x128xf32, #tpu.memory_space<vmem>>) dst(%dma_wait3A_137 : memref<128x128xf32, #tpu.memory_space<hbm>>)
        tpu.yield
      }) : () -> ()
    } else {
    }
    return
  }
}

#map = affine_map<(d0, d1) -> (0, 0)>
#map1 = affine_map<(d0, d1) -> (0)>
module attributes {stable_mosaic.version = 14 : i64} {
  func.func @body(%arg0: i32, %arg1: i32, %arg2: memref<20016x128xf32, #tpu.memory_space<hbm>>, %arg3: memref<163968xi32, #tpu.memory_space<hbm>>, %arg4: memref<163968xi32, #tpu.memory_space<hbm>>, %arg5: memref<128x128xf32, #tpu.memory_space<hbm>>, %arg6: memref<10240x128xf32, #tpu.memory_space<hbm>>, %arg7: memref<10240x128xf32, #tpu.memory_space<hbm>>, %arg8: memref<2x128xi32, #tpu.memory_space<vmem>>, %arg9: memref<2x128xi32, #tpu.memory_space<vmem>>, %arg10: memref<2x128x128xf32, #tpu.memory_space<vmem>>, %arg11: memref<10240x128xf32, #tpu.memory_space<vmem_shared>>, %arg12: memref<!tpu.dma_semaphore, #tpu.memory_space<semaphore_mem>>) attributes {dimension_semantics = [#tpu.dimension_semantics<core_parallel>, #tpu.dimension_semantics<subcore_parallel>], iteration_bounds = array<i64: 2, 16>, scalar_prefetch = 0 : i64, scratch_operands = 5 : i64, tpu.core_type = #tpu.core_type<sc_vector_subcore>, window_params = [{transform_indices = #map}, {transform_indices = #map1}, {transform_indices = #map1}, {transform_indices = #map}, {transform_indices = #map}, {transform_indices = #map}]} {
    %mul3A = arith.constant 640 : i32
    %mul3A_0 = arith.muli %arg1, %mul3A : i32
    %run_scoped3A = arith.constant 0 : i32
    "tpu.region"() ({
      %run_scoped3A_212 = tpu.sem_alloc : memref<!tpu.dma_semaphore, #tpu.memory_space<semaphore_mem>>
      %dma_start3A_213 = arith.constant 0 : i32
      %dma_start3A_214 = arith.constant 0 : i32
      %dma_start3A_215 = tpu.memref_slice %arg10[%run_scoped3A, %dma_start3A_213, %dma_start3A_214] : memref<2x128x128xf32, #tpu.memory_space<vmem>> -> memref<1x128x128xf32, #tpu.memory_space<vmem>>
      %dma_start3A_216 = tpu.memref_squeeze %dma_start3A_215 : memref<1x128x128xf32, #tpu.memory_space<vmem>> -> memref<128x128xf32, #tpu.memory_space<vmem>>
      %dma_start3A_217 = arith.constant 0 : i32
      %dma_start3A_218 = arith.constant 0 : i32
      %dma_start3A_219 = tpu.memref_slice %arg10[%run_scoped3A, %dma_start3A_217, %dma_start3A_218] : memref<2x128x128xf32, #tpu.memory_space<vmem>> -> memref<1x128x128xf32, #tpu.memory_space<vmem>>
      %dma_start3A_220 = tpu.memref_squeeze %dma_start3A_219 : memref<1x128x128xf32, #tpu.memory_space<vmem>> -> memref<128x128xf32, #tpu.memory_space<vmem>>
      tpu.enqueue_dma source(%arg5 : memref<128x128xf32, #tpu.memory_space<hbm>>) target(%dma_start3A_220 : memref<128x128xf32, #tpu.memory_space<vmem>>) target_semaphore(%run_scoped3A_212 : memref<!tpu.dma_semaphore, #tpu.memory_space<semaphore_mem>>)
      %dma_wait3A_221 = arith.constant 0 : i32
      %dma_wait3A_222 = arith.constant 0 : i32
      %dma_wait3A_223 = tpu.memref_slice %arg10[%run_scoped3A, %dma_wait3A_221, %dma_wait3A_222] : memref<2x128x128xf32, #tpu.memory_space<vmem>> -> memref<1x128x128xf32, #tpu.memory_space<vmem>>
      %dma_wait3A_224 = tpu.memref_squeeze %dma_wait3A_223 : memref<1x128x128xf32, #tpu.memory_space<vmem>> -> memref<128x128xf32, #tpu.memory_space<vmem>>
      %dma_wait3A_225 = arith.constant 0 : i32
      %dma_wait3A_226 = arith.constant 0 : i32
      %dma_wait3A_227 = tpu.memref_slice %arg10[%run_scoped3A, %dma_wait3A_225, %dma_wait3A_226] : memref<2x128x128xf32, #tpu.memory_space<vmem>> -> memref<1x128x128xf32, #tpu.memory_space<vmem>>
      %dma_wait3A_228 = tpu.memref_squeeze %dma_wait3A_227 : memref<1x128x128xf32, #tpu.memory_space<vmem>> -> memref<128x128xf32, #tpu.memory_space<vmem>>
      tpu.wait_dma2 semaphore(%run_scoped3A_212 : memref<!tpu.dma_semaphore, #tpu.memory_space<semaphore_mem>>) src(%arg5 : memref<128x128xf32, #tpu.memory_space<hbm>>) dst(%dma_wait3A_228 : memref<128x128xf32, #tpu.memory_space<vmem>>)
      tpu.yield
    }) : () -> ()
    %add3A = arith.constant 0 : i32
    %add3A_1 = arith.addi %mul3A_0, %add3A : i32
    %run_scoped3A_2 = arith.constant 0 : i32
    "tpu.region"() ({
      %run_scoped3A_212 = tpu.sem_alloc : memref<!tpu.dma_semaphore, #tpu.memory_space<semaphore_mem>>
      %dma_start3A_213 = arith.constant 0 : i32
      %dma_start3A_214 = arith.constant 0 : i32
      %dma_start3A_215 = tpu.memref_slice %arg10[%run_scoped3A_2, %dma_start3A_213, %dma_start3A_214] : memref<2x128x128xf32, #tpu.memory_space<vmem>> -> memref<1x128x128xf32, #tpu.memory_space<vmem>>
      %dma_start3A_216 = tpu.memref_squeeze %dma_start3A_215 : memref<1x128x128xf32, #tpu.memory_space<vmem>> -> memref<128x128xf32, #tpu.memory_space<vmem>>
      %dma_start3A_217 = arith.constant 0 : i32
      %dma_start3A_218 = tpu.memref_slice %arg11[%add3A_1, %dma_start3A_217] : memref<10240x128xf32, #tpu.memory_space<vmem_shared>> -> memref<128x128xf32, #tpu.memory_space<vmem_shared>>
      %dma_start3A_219 = arith.constant 0 : i32
      %dma_start3A_220 = tpu.memref_slice %arg11[%add3A_1, %dma_start3A_219] : memref<10240x128xf32, #tpu.memory_space<vmem_shared>> -> memref<128x128xf32, #tpu.memory_space<vmem_shared>>
      %dma_start3A_221 = arith.constant 0 : i32
      %dma_start3A_222 = arith.constant 0 : i32
      %dma_start3A_223 = tpu.memref_slice %arg10[%run_scoped3A_2, %dma_start3A_221, %dma_start3A_222] : memref<2x128x128xf32, #tpu.memory_space<vmem>> -> memref<1x128x128xf32, #tpu.memory_space<vmem>>
      %dma_start3A_224 = tpu.memref_squeeze %dma_start3A_223 : memref<1x128x128xf32, #tpu.memory_space<vmem>> -> memref<128x128xf32, #tpu.memory_space<vmem>>
      tpu.enqueue_dma source(%dma_start3A_224 : memref<128x128xf32, #tpu.memory_space<vmem>>) target(%dma_start3A_220 : memref<128x128xf32, #tpu.memory_space<vmem_shared>>) target_semaphore(%run_scoped3A_212 : memref<!tpu.dma_semaphore, #tpu.memory_space<semaphore_mem>>)
      %dma_wait3A_225 = arith.constant 0 : i32
      %dma_wait3A_226 = arith.constant 0 : i32
      %dma_wait3A_227 = tpu.memref_slice %arg10[%run_scoped3A_2, %dma_wait3A_225, %dma_wait3A_226] : memref<2x128x128xf32, #tpu.memory_space<vmem>> -> memref<1x128x128xf32, #tpu.memory_space<vmem>>
      %dma_wait3A_228 = tpu.memref_squeeze %dma_wait3A_227 : memref<1x128x128xf32, #tpu.memory_space<vmem>> -> memref<128x128xf32, #tpu.memory_space<vmem>>
      %dma_wait3A_229 = arith.constant 0 : i32
      %dma_wait3A_230 = tpu.memref_slice %arg11[%add3A_1, %dma_wait3A_229] : memref<10240x128xf32, #tpu.memory_space<vmem_shared>> -> memref<128x128xf32, #tpu.memory_space<vmem_shared>>
      %dma_wait3A_231 = arith.constant 0 : i32
      %dma_wait3A_232 = tpu.memref_slice %arg11[%add3A_1, %dma_wait3A_231] : memref<10240x128xf32, #tpu.memory_space<vmem_shared>> -> memref<128x128xf32, #tpu.memory_space<vmem_shared>>
      %dma_wait3A_233 = arith.constant 0 : i32
      %dma_wait3A_234 = arith.constant 0 : i32
      %dma_wait3A_235 = tpu.memref_slice %arg10[%run_scoped3A_2, %dma_wait3A_233, %dma_wait3A_234] : memref<2x128x128xf32, #tpu.memory_space<vmem>> -> memref<1x128x128xf32, #tpu.memory_space<vmem>>
      %dma_wait3A_236 = tpu.memref_squeeze %dma_wait3A_235 : memref<1x128x128xf32, #tpu.memory_space<vmem>> -> memref<128x128xf32, #tpu.memory_space<vmem>>
      tpu.wait_dma2 semaphore(%run_scoped3A_212 : memref<!tpu.dma_semaphore, #tpu.memory_space<semaphore_mem>>) src(%dma_wait3A_236 : memref<128x128xf32, #tpu.memory_space<vmem>>) dst(%dma_wait3A_232 : memref<128x128xf32, #tpu.memory_space<vmem_shared>>)
      tpu.yield
    }) : () -> ()
    %add3A_3 = arith.constant 128 : i32
    %add3A_4 = arith.addi %mul3A_0, %add3A_3 : i32
    %run_scoped3A_5 = arith.constant 0 : i32
    "tpu.region"() ({
      %run_scoped3A_212 = tpu.sem_alloc : memref<!tpu.dma_semaphore, #tpu.memory_space<semaphore_mem>>
      %dma_start3A_213 = arith.constant 0 : i32
      %dma_start3A_214 = arith.constant 0 : i32
      %dma_start3A_215 = tpu.memref_slice %arg10[%run_scoped3A_5, %dma_start3A_213, %dma_start3A_214] : memref<2x128x128xf32, #tpu.memory_space<vmem>> -> memref<1x128x128xf32, #tpu.memory_space<vmem>>
      %dma_start3A_216 = tpu.memref_squeeze %dma_start3A_215 : memref<1x128x128xf32, #tpu.memory_space<vmem>> -> memref<128x128xf32, #tpu.memory_space<vmem>>
      %dma_start3A_217 = arith.constant 0 : i32
      %dma_start3A_218 = tpu.memref_slice %arg11[%add3A_4, %dma_start3A_217] : memref<10240x128xf32, #tpu.memory_space<vmem_shared>> -> memref<128x128xf32, #tpu.memory_space<vmem_shared>>
      %dma_start3A_219 = arith.constant 0 : i32
      %dma_start3A_220 = tpu.memref_slice %arg11[%add3A_4, %dma_start3A_219] : memref<10240x128xf32, #tpu.memory_space<vmem_shared>> -> memref<128x128xf32, #tpu.memory_space<vmem_shared>>
      %dma_start3A_221 = arith.constant 0 : i32
      %dma_start3A_222 = arith.constant 0 : i32
      %dma_start3A_223 = tpu.memref_slice %arg10[%run_scoped3A_5, %dma_start3A_221, %dma_start3A_222] : memref<2x128x128xf32, #tpu.memory_space<vmem>> -> memref<1x128x128xf32, #tpu.memory_space<vmem>>
      %dma_start3A_224 = tpu.memref_squeeze %dma_start3A_223 : memref<1x128x128xf32, #tpu.memory_space<vmem>> -> memref<128x128xf32, #tpu.memory_space<vmem>>
      tpu.enqueue_dma source(%dma_start3A_224 : memref<128x128xf32, #tpu.memory_space<vmem>>) target(%dma_start3A_220 : memref<128x128xf32, #tpu.memory_space<vmem_shared>>) target_semaphore(%run_scoped3A_212 : memref<!tpu.dma_semaphore, #tpu.memory_space<semaphore_mem>>)
      %dma_wait3A_225 = arith.constant 0 : i32
      %dma_wait3A_226 = arith.constant 0 : i32
      %dma_wait3A_227 = tpu.memref_slice %arg10[%run_scoped3A_5, %dma_wait3A_225, %dma_wait3A_226] : memref<2x128x128xf32, #tpu.memory_space<vmem>> -> memref<1x128x128xf32, #tpu.memory_space<vmem>>
      %dma_wait3A_228 = tpu.memref_squeeze %dma_wait3A_227 : memref<1x128x128xf32, #tpu.memory_space<vmem>> -> memref<128x128xf32, #tpu.memory_space<vmem>>
      %dma_wait3A_229 = arith.constant 0 : i32
      %dma_wait3A_230 = tpu.memref_slice %arg11[%add3A_4, %dma_wait3A_229] : memref<10240x128xf32, #tpu.memory_space<vmem_shared>> -> memref<128x128xf32, #tpu.memory_space<vmem_shared>>
      %dma_wait3A_231 = arith.constant 0 : i32
      %dma_wait3A_232 = tpu.memref_slice %arg11[%add3A_4, %dma_wait3A_231] : memref<10240x128xf32, #tpu.memory_space<vmem_shared>> -> memref<128x128xf32, #tpu.memory_space<vmem_shared>>
      %dma_wait3A_233 = arith.constant 0 : i32
      %dma_wait3A_234 = arith.constant 0 : i32
      %dma_wait3A_235 = tpu.memref_slice %arg10[%run_scoped3A_5, %dma_wait3A_233, %dma_wait3A_234] : memref<2x128x128xf32, #tpu.memory_space<vmem>> -> memref<1x128x128xf32, #tpu.memory_space<vmem>>
      %dma_wait3A_236 = tpu.memref_squeeze %dma_wait3A_235 : memref<1x128x128xf32, #tpu.memory_space<vmem>> -> memref<128x128xf32, #tpu.memory_space<vmem>>
      tpu.wait_dma2 semaphore(%run_scoped3A_212 : memref<!tpu.dma_semaphore, #tpu.memory_space<semaphore_mem>>) src(%dma_wait3A_236 : memref<128x128xf32, #tpu.memory_space<vmem>>) dst(%dma_wait3A_232 : memref<128x128xf32, #tpu.memory_space<vmem_shared>>)
      tpu.yield
    }) : () -> ()
    %add3A_6 = arith.constant 256 : i32
    %add3A_7 = arith.addi %mul3A_0, %add3A_6 : i32
    %run_scoped3A_8 = arith.constant 0 : i32
    "tpu.region"() ({
      %run_scoped3A_212 = tpu.sem_alloc : memref<!tpu.dma_semaphore, #tpu.memory_space<semaphore_mem>>
      %dma_start3A_213 = arith.constant 0 : i32
      %dma_start3A_214 = arith.constant 0 : i32
      %dma_start3A_215 = tpu.memref_slice %arg10[%run_scoped3A_8, %dma_start3A_213, %dma_start3A_214] : memref<2x128x128xf32, #tpu.memory_space<vmem>> -> memref<1x128x128xf32, #tpu.memory_space<vmem>>
      %dma_start3A_216 = tpu.memref_squeeze %dma_start3A_215 : memref<1x128x128xf32, #tpu.memory_space<vmem>> -> memref<128x128xf32, #tpu.memory_space<vmem>>
      %dma_start3A_217 = arith.constant 0 : i32
      %dma_start3A_218 = tpu.memref_slice %arg11[%add3A_7, %dma_start3A_217] : memref<10240x128xf32, #tpu.memory_space<vmem_shared>> -> memref<128x128xf32, #tpu.memory_space<vmem_shared>>
      %dma_start3A_219 = arith.constant 0 : i32
      %dma_start3A_220 = tpu.memref_slice %arg11[%add3A_7, %dma_start3A_219] : memref<10240x128xf32, #tpu.memory_space<vmem_shared>> -> memref<128x128xf32, #tpu.memory_space<vmem_shared>>
      %dma_start3A_221 = arith.constant 0 : i32
      %dma_start3A_222 = arith.constant 0 : i32
      %dma_start3A_223 = tpu.memref_slice %arg10[%run_scoped3A_8, %dma_start3A_221, %dma_start3A_222] : memref<2x128x128xf32, #tpu.memory_space<vmem>> -> memref<1x128x128xf32, #tpu.memory_space<vmem>>
      %dma_start3A_224 = tpu.memref_squeeze %dma_start3A_223 : memref<1x128x128xf32, #tpu.memory_space<vmem>> -> memref<128x128xf32, #tpu.memory_space<vmem>>
      tpu.enqueue_dma source(%dma_start3A_224 : memref<128x128xf32, #tpu.memory_space<vmem>>) target(%dma_start3A_220 : memref<128x128xf32, #tpu.memory_space<vmem_shared>>) target_semaphore(%run_scoped3A_212 : memref<!tpu.dma_semaphore, #tpu.memory_space<semaphore_mem>>)
      %dma_wait3A_225 = arith.constant 0 : i32
      %dma_wait3A_226 = arith.constant 0 : i32
      %dma_wait3A_227 = tpu.memref_slice %arg10[%run_scoped3A_8, %dma_wait3A_225, %dma_wait3A_226] : memref<2x128x128xf32, #tpu.memory_space<vmem>> -> memref<1x128x128xf32, #tpu.memory_space<vmem>>
      %dma_wait3A_228 = tpu.memref_squeeze %dma_wait3A_227 : memref<1x128x128xf32, #tpu.memory_space<vmem>> -> memref<128x128xf32, #tpu.memory_space<vmem>>
      %dma_wait3A_229 = arith.constant 0 : i32
      %dma_wait3A_230 = tpu.memref_slice %arg11[%add3A_7, %dma_wait3A_229] : memref<10240x128xf32, #tpu.memory_space<vmem_shared>> -> memref<128x128xf32, #tpu.memory_space<vmem_shared>>
      %dma_wait3A_231 = arith.constant 0 : i32
      %dma_wait3A_232 = tpu.memref_slice %arg11[%add3A_7, %dma_wait3A_231] : memref<10240x128xf32, #tpu.memory_space<vmem_shared>> -> memref<128x128xf32, #tpu.memory_space<vmem_shared>>
      %dma_wait3A_233 = arith.constant 0 : i32
      %dma_wait3A_234 = arith.constant 0 : i32
      %dma_wait3A_235 = tpu.memref_slice %arg10[%run_scoped3A_8, %dma_wait3A_233, %dma_wait3A_234] : memref<2x128x128xf32, #tpu.memory_space<vmem>> -> memref<1x128x128xf32, #tpu.memory_space<vmem>>
      %dma_wait3A_236 = tpu.memref_squeeze %dma_wait3A_235 : memref<1x128x128xf32, #tpu.memory_space<vmem>> -> memref<128x128xf32, #tpu.memory_space<vmem>>
      tpu.wait_dma2 semaphore(%run_scoped3A_212 : memref<!tpu.dma_semaphore, #tpu.memory_space<semaphore_mem>>) src(%dma_wait3A_236 : memref<128x128xf32, #tpu.memory_space<vmem>>) dst(%dma_wait3A_232 : memref<128x128xf32, #tpu.memory_space<vmem_shared>>)
      tpu.yield
    }) : () -> ()
    %add3A_9 = arith.constant 384 : i32
    %add3A_10 = arith.addi %mul3A_0, %add3A_9 : i32
    %run_scoped3A_11 = arith.constant 0 : i32
    "tpu.region"() ({
      %run_scoped3A_212 = tpu.sem_alloc : memref<!tpu.dma_semaphore, #tpu.memory_space<semaphore_mem>>
      %dma_start3A_213 = arith.constant 0 : i32
      %dma_start3A_214 = arith.constant 0 : i32
      %dma_start3A_215 = tpu.memref_slice %arg10[%run_scoped3A_11, %dma_start3A_213, %dma_start3A_214] : memref<2x128x128xf32, #tpu.memory_space<vmem>> -> memref<1x128x128xf32, #tpu.memory_space<vmem>>
      %dma_start3A_216 = tpu.memref_squeeze %dma_start3A_215 : memref<1x128x128xf32, #tpu.memory_space<vmem>> -> memref<128x128xf32, #tpu.memory_space<vmem>>
      %dma_start3A_217 = arith.constant 0 : i32
      %dma_start3A_218 = tpu.memref_slice %arg11[%add3A_10, %dma_start3A_217] : memref<10240x128xf32, #tpu.memory_space<vmem_shared>> -> memref<128x128xf32, #tpu.memory_space<vmem_shared>>
      %dma_start3A_219 = arith.constant 0 : i32
      %dma_start3A_220 = tpu.memref_slice %arg11[%add3A_10, %dma_start3A_219] : memref<10240x128xf32, #tpu.memory_space<vmem_shared>> -> memref<128x128xf32, #tpu.memory_space<vmem_shared>>
      %dma_start3A_221 = arith.constant 0 : i32
      %dma_start3A_222 = arith.constant 0 : i32
      %dma_start3A_223 = tpu.memref_slice %arg10[%run_scoped3A_11, %dma_start3A_221, %dma_start3A_222] : memref<2x128x128xf32, #tpu.memory_space<vmem>> -> memref<1x128x128xf32, #tpu.memory_space<vmem>>
      %dma_start3A_224 = tpu.memref_squeeze %dma_start3A_223 : memref<1x128x128xf32, #tpu.memory_space<vmem>> -> memref<128x128xf32, #tpu.memory_space<vmem>>
      tpu.enqueue_dma source(%dma_start3A_224 : memref<128x128xf32, #tpu.memory_space<vmem>>) target(%dma_start3A_220 : memref<128x128xf32, #tpu.memory_space<vmem_shared>>) target_semaphore(%run_scoped3A_212 : memref<!tpu.dma_semaphore, #tpu.memory_space<semaphore_mem>>)
      %dma_wait3A_225 = arith.constant 0 : i32
      %dma_wait3A_226 = arith.constant 0 : i32
      %dma_wait3A_227 = tpu.memref_slice %arg10[%run_scoped3A_11, %dma_wait3A_225, %dma_wait3A_226] : memref<2x128x128xf32, #tpu.memory_space<vmem>> -> memref<1x128x128xf32, #tpu.memory_space<vmem>>
      %dma_wait3A_228 = tpu.memref_squeeze %dma_wait3A_227 : memref<1x128x128xf32, #tpu.memory_space<vmem>> -> memref<128x128xf32, #tpu.memory_space<vmem>>
      %dma_wait3A_229 = arith.constant 0 : i32
      %dma_wait3A_230 = tpu.memref_slice %arg11[%add3A_10, %dma_wait3A_229] : memref<10240x128xf32, #tpu.memory_space<vmem_shared>> -> memref<128x128xf32, #tpu.memory_space<vmem_shared>>
      %dma_wait3A_231 = arith.constant 0 : i32
      %dma_wait3A_232 = tpu.memref_slice %arg11[%add3A_10, %dma_wait3A_231] : memref<10240x128xf32, #tpu.memory_space<vmem_shared>> -> memref<128x128xf32, #tpu.memory_space<vmem_shared>>
      %dma_wait3A_233 = arith.constant 0 : i32
      %dma_wait3A_234 = arith.constant 0 : i32
      %dma_wait3A_235 = tpu.memref_slice %arg10[%run_scoped3A_11, %dma_wait3A_233, %dma_wait3A_234] : memref<2x128x128xf32, #tpu.memory_space<vmem>> -> memref<1x128x128xf32, #tpu.memory_space<vmem>>
      %dma_wait3A_236 = tpu.memref_squeeze %dma_wait3A_235 : memref<1x128x128xf32, #tpu.memory_space<vmem>> -> memref<128x128xf32, #tpu.memory_space<vmem>>
      tpu.wait_dma2 semaphore(%run_scoped3A_212 : memref<!tpu.dma_semaphore, #tpu.memory_space<semaphore_mem>>) src(%dma_wait3A_236 : memref<128x128xf32, #tpu.memory_space<vmem>>) dst(%dma_wait3A_232 : memref<128x128xf32, #tpu.memory_space<vmem_shared>>)
      tpu.yield
    }) : () -> ()
    %add3A_12 = arith.constant 512 : i32
    %add3A_13 = arith.addi %mul3A_0, %add3A_12 : i32
    %run_scoped3A_14 = arith.constant 0 : i32
    "tpu.region"() ({
      %run_scoped3A_212 = tpu.sem_alloc : memref<!tpu.dma_semaphore, #tpu.memory_space<semaphore_mem>>
      %dma_start3A_213 = arith.constant 0 : i32
      %dma_start3A_214 = arith.constant 0 : i32
      %dma_start3A_215 = tpu.memref_slice %arg10[%run_scoped3A_14, %dma_start3A_213, %dma_start3A_214] : memref<2x128x128xf32, #tpu.memory_space<vmem>> -> memref<1x128x128xf32, #tpu.memory_space<vmem>>
      %dma_start3A_216 = tpu.memref_squeeze %dma_start3A_215 : memref<1x128x128xf32, #tpu.memory_space<vmem>> -> memref<128x128xf32, #tpu.memory_space<vmem>>
      %dma_start3A_217 = arith.constant 0 : i32
      %dma_start3A_218 = tpu.memref_slice %arg11[%add3A_13, %dma_start3A_217] : memref<10240x128xf32, #tpu.memory_space<vmem_shared>> -> memref<128x128xf32, #tpu.memory_space<vmem_shared>>
      %dma_start3A_219 = arith.constant 0 : i32
      %dma_start3A_220 = tpu.memref_slice %arg11[%add3A_13, %dma_start3A_219] : memref<10240x128xf32, #tpu.memory_space<vmem_shared>> -> memref<128x128xf32, #tpu.memory_space<vmem_shared>>
      %dma_start3A_221 = arith.constant 0 : i32
      %dma_start3A_222 = arith.constant 0 : i32
      %dma_start3A_223 = tpu.memref_slice %arg10[%run_scoped3A_14, %dma_start3A_221, %dma_start3A_222] : memref<2x128x128xf32, #tpu.memory_space<vmem>> -> memref<1x128x128xf32, #tpu.memory_space<vmem>>
      %dma_start3A_224 = tpu.memref_squeeze %dma_start3A_223 : memref<1x128x128xf32, #tpu.memory_space<vmem>> -> memref<128x128xf32, #tpu.memory_space<vmem>>
      tpu.enqueue_dma source(%dma_start3A_224 : memref<128x128xf32, #tpu.memory_space<vmem>>) target(%dma_start3A_220 : memref<128x128xf32, #tpu.memory_space<vmem_shared>>) target_semaphore(%run_scoped3A_212 : memref<!tpu.dma_semaphore, #tpu.memory_space<semaphore_mem>>)
      %dma_wait3A_225 = arith.constant 0 : i32
      %dma_wait3A_226 = arith.constant 0 : i32
      %dma_wait3A_227 = tpu.memref_slice %arg10[%run_scoped3A_14, %dma_wait3A_225, %dma_wait3A_226] : memref<2x128x128xf32, #tpu.memory_space<vmem>> -> memref<1x128x128xf32, #tpu.memory_space<vmem>>
      %dma_wait3A_228 = tpu.memref_squeeze %dma_wait3A_227 : memref<1x128x128xf32, #tpu.memory_space<vmem>> -> memref<128x128xf32, #tpu.memory_space<vmem>>
      %dma_wait3A_229 = arith.constant 0 : i32
      %dma_wait3A_230 = tpu.memref_slice %arg11[%add3A_13, %dma_wait3A_229] : memref<10240x128xf32, #tpu.memory_space<vmem_shared>> -> memref<128x128xf32, #tpu.memory_space<vmem_shared>>
      %dma_wait3A_231 = arith.constant 0 : i32
      %dma_wait3A_232 = tpu.memref_slice %arg11[%add3A_13, %dma_wait3A_231] : memref<10240x128xf32, #tpu.memory_space<vmem_shared>> -> memref<128x128xf32, #tpu.memory_space<vmem_shared>>
      %dma_wait3A_233 = arith.constant 0 : i32
      %dma_wait3A_234 = arith.constant 0 : i32
      %dma_wait3A_235 = tpu.memref_slice %arg10[%run_scoped3A_14, %dma_wait3A_233, %dma_wait3A_234] : memref<2x128x128xf32, #tpu.memory_space<vmem>> -> memref<1x128x128xf32, #tpu.memory_space<vmem>>
      %dma_wait3A_236 = tpu.memref_squeeze %dma_wait3A_235 : memref<1x128x128xf32, #tpu.memory_space<vmem>> -> memref<128x128xf32, #tpu.memory_space<vmem>>
      tpu.wait_dma2 semaphore(%run_scoped3A_212 : memref<!tpu.dma_semaphore, #tpu.memory_space<semaphore_mem>>) src(%dma_wait3A_236 : memref<128x128xf32, #tpu.memory_space<vmem>>) dst(%dma_wait3A_232 : memref<128x128xf32, #tpu.memory_space<vmem_shared>>)
      tpu.yield
    }) : () -> ()
    %barrier3A = arith.constant 0 : index
    tpu.barrier barrier_id(%barrier3A)
    %mul3A_15 = arith.constant 10240 : i32
    %mul3A_16 = arith.muli %arg1, %mul3A_15 : i32
    %add3A_17 = arith.constant 0 : i32
    %add3A_18 = arith.addi %mul3A_16, %add3A_17 : i32
    %run_scoped3A_19 = arith.constant 0 : i32
    "tpu.region"() ({
      %run_scoped3A_212 = tpu.sem_alloc : memref<!tpu.dma_semaphore, #tpu.memory_space<semaphore_mem>>
      %dma_start3A_213 = arith.constant 0 : i32
      %dma_start3A_214 = tpu.memref_slice %arg8[%run_scoped3A_19, %dma_start3A_213] : memref<2x128xi32, #tpu.memory_space<vmem>> -> memref<1x128xi32, #tpu.memory_space<vmem>>
      %dma_start3A_215 = tpu.memref_squeeze %dma_start3A_214 : memref<1x128xi32, #tpu.memory_space<vmem>> -> memref<128xi32, #tpu.memory_space<vmem>>
      %dma_start3A_216 = tpu.memref_slice %arg3[%add3A_18] : memref<163968xi32, #tpu.memory_space<hbm>> -> memref<128xi32, #tpu.memory_space<hbm>>
      %dma_start3A_217 = arith.constant 0 : i32
      %dma_start3A_218 = tpu.memref_slice %arg8[%run_scoped3A_19, %dma_start3A_217] : memref<2x128xi32, #tpu.memory_space<vmem>> -> memref<1x128xi32, #tpu.memory_space<vmem>>
      %dma_start3A_219 = tpu.memref_squeeze %dma_start3A_218 : memref<1x128xi32, #tpu.memory_space<vmem>> -> memref<128xi32, #tpu.memory_space<vmem>>
      %dma_start3A_220 = tpu.memref_slice %arg3[%add3A_18] : memref<163968xi32, #tpu.memory_space<hbm>> -> memref<128xi32, #tpu.memory_space<hbm>>
      tpu.enqueue_dma source(%dma_start3A_220 : memref<128xi32, #tpu.memory_space<hbm>>) target(%dma_start3A_219 : memref<128xi32, #tpu.memory_space<vmem>>) target_semaphore(%run_scoped3A_212 : memref<!tpu.dma_semaphore, #tpu.memory_space<semaphore_mem>>)
      %dma_wait3A_221 = arith.constant 0 : i32
      %dma_wait3A_222 = tpu.memref_slice %arg8[%run_scoped3A_19, %dma_wait3A_221] : memref<2x128xi32, #tpu.memory_space<vmem>> -> memref<1x128xi32, #tpu.memory_space<vmem>>
      %dma_wait3A_223 = tpu.memref_squeeze %dma_wait3A_222 : memref<1x128xi32, #tpu.memory_space<vmem>> -> memref<128xi32, #tpu.memory_space<vmem>>
      %dma_wait3A_224 = tpu.memref_slice %arg3[%add3A_18] : memref<163968xi32, #tpu.memory_space<hbm>> -> memref<128xi32, #tpu.memory_space<hbm>>
      %dma_wait3A_225 = arith.constant 0 : i32
      %dma_wait3A_226 = tpu.memref_slice %arg8[%run_scoped3A_19, %dma_wait3A_225] : memref<2x128xi32, #tpu.memory_space<vmem>> -> memref<1x128xi32, #tpu.memory_space<vmem>>
      %dma_wait3A_227 = tpu.memref_squeeze %dma_wait3A_226 : memref<1x128xi32, #tpu.memory_space<vmem>> -> memref<128xi32, #tpu.memory_space<vmem>>
      %dma_wait3A_228 = tpu.memref_slice %arg3[%add3A_18] : memref<163968xi32, #tpu.memory_space<hbm>> -> memref<128xi32, #tpu.memory_space<hbm>>
      tpu.wait_dma2 semaphore(%run_scoped3A_212 : memref<!tpu.dma_semaphore, #tpu.memory_space<semaphore_mem>>) src(%dma_wait3A_228 : memref<128xi32, #tpu.memory_space<hbm>>) dst(%dma_wait3A_227 : memref<128xi32, #tpu.memory_space<vmem>>)
      tpu.yield
    }) : () -> ()
    %run_scoped3A_20 = arith.constant 0 : i32
    "tpu.region"() ({
      %run_scoped3A_212 = tpu.sem_alloc : memref<!tpu.dma_semaphore, #tpu.memory_space<semaphore_mem>>
      %dma_start3A_213 = arith.constant 0 : i32
      %dma_start3A_214 = tpu.memref_slice %arg9[%run_scoped3A_20, %dma_start3A_213] : memref<2x128xi32, #tpu.memory_space<vmem>> -> memref<1x128xi32, #tpu.memory_space<vmem>>
      %dma_start3A_215 = tpu.memref_squeeze %dma_start3A_214 : memref<1x128xi32, #tpu.memory_space<vmem>> -> memref<128xi32, #tpu.memory_space<vmem>>
      %dma_start3A_216 = tpu.memref_slice %arg4[%add3A_18] : memref<163968xi32, #tpu.memory_space<hbm>> -> memref<128xi32, #tpu.memory_space<hbm>>
      %dma_start3A_217 = arith.constant 0 : i32
      %dma_start3A_218 = tpu.memref_slice %arg9[%run_scoped3A_20, %dma_start3A_217] : memref<2x128xi32, #tpu.memory_space<vmem>> -> memref<1x128xi32, #tpu.memory_space<vmem>>
      %dma_start3A_219 = tpu.memref_squeeze %dma_start3A_218 : memref<1x128xi32, #tpu.memory_space<vmem>> -> memref<128xi32, #tpu.memory_space<vmem>>
      %dma_start3A_220 = tpu.memref_slice %arg4[%add3A_18] : memref<163968xi32, #tpu.memory_space<hbm>> -> memref<128xi32, #tpu.memory_space<hbm>>
      tpu.enqueue_dma source(%dma_start3A_220 : memref<128xi32, #tpu.memory_space<hbm>>) target(%dma_start3A_219 : memref<128xi32, #tpu.memory_space<vmem>>) target_semaphore(%run_scoped3A_212 : memref<!tpu.dma_semaphore, #tpu.memory_space<semaphore_mem>>)
      %dma_wait3A_221 = arith.constant 0 : i32
      %dma_wait3A_222 = tpu.memref_slice %arg9[%run_scoped3A_20, %dma_wait3A_221] : memref<2x128xi32, #tpu.memory_space<vmem>> -> memref<1x128xi32, #tpu.memory_space<vmem>>
      %dma_wait3A_223 = tpu.memref_squeeze %dma_wait3A_222 : memref<1x128xi32, #tpu.memory_space<vmem>> -> memref<128xi32, #tpu.memory_space<vmem>>
      %dma_wait3A_224 = tpu.memref_slice %arg4[%add3A_18] : memref<163968xi32, #tpu.memory_space<hbm>> -> memref<128xi32, #tpu.memory_space<hbm>>
      %dma_wait3A_225 = arith.constant 0 : i32
      %dma_wait3A_226 = tpu.memref_slice %arg9[%run_scoped3A_20, %dma_wait3A_225] : memref<2x128xi32, #tpu.memory_space<vmem>> -> memref<1x128xi32, #tpu.memory_space<vmem>>
      %dma_wait3A_227 = tpu.memref_squeeze %dma_wait3A_226 : memref<1x128xi32, #tpu.memory_space<vmem>> -> memref<128xi32, #tpu.memory_space<vmem>>
      %dma_wait3A_228 = tpu.memref_slice %arg4[%add3A_18] : memref<163968xi32, #tpu.memory_space<hbm>> -> memref<128xi32, #tpu.memory_space<hbm>>
      tpu.wait_dma2 semaphore(%run_scoped3A_212 : memref<!tpu.dma_semaphore, #tpu.memory_space<semaphore_mem>>) src(%dma_wait3A_228 : memref<128xi32, #tpu.memory_space<hbm>>) dst(%dma_wait3A_227 : memref<128xi32, #tpu.memory_space<vmem>>)
      tpu.yield
    }) : () -> ()
    %get3A = arith.constant 0 : i32
    %get3A_21 = arith.index_cast %get3A : i32 to index
    %get3A_22 = arith.constant 0 : index
    %get3A_23 = tpu.vector_load %arg8[%get3A_21, %get3A_22] {strides = array<i32>} : memref<2x128xi32, #tpu.memory_space<vmem>>, vector<1x16xi32>,
    %get3A_24 = vector.shape_cast %get3A_23 : vector<1x16xi32> to vector<16xi32>
    %add3A_25 = vector.broadcast %arg0 : i32 to vector<16xi32>
    %add3A_26 = arith.addi %get3A_24, %add3A_25 : vector<16xi32>
    %swap3A = arith.constant 0 : i32
    %swap3A_27 = arith.index_cast %swap3A : i32 to index
    %swap3A_28 = arith.constant 0 : index
    %swap3A_29 = tpu.vector_load %arg8[%swap3A_27, %swap3A_28] {strides = array<i32>} : memref<2x128xi32, #tpu.memory_space<vmem>>, vector<1x16xi32>,
    %swap3A_30 = vector.shape_cast %swap3A_29 : vector<1x16xi32> to vector<16xi32>
    %swap3A_31 = vector.shape_cast %add3A_26 : vector<16xi32> to vector<1x16xi32>
    tpu.vector_store %arg8[%swap3A_27, %swap3A_28], %swap3A_31 {strides = array<i32>} : memref<2x128xi32, #tpu.memory_space<vmem>>, vector<1x16xi32>,
    %get3A_32 = arith.constant 0 : i32
    %get3A_33 = arith.index_cast %get3A_32 : i32 to index
    %get3A_34 = arith.constant 16 : index
    %get3A_35 = tpu.vector_load %arg8[%get3A_33, %get3A_34] {strides = array<i32>} : memref<2x128xi32, #tpu.memory_space<vmem>>, vector<1x16xi32>,
    %get3A_36 = vector.shape_cast %get3A_35 : vector<1x16xi32> to vector<16xi32>
    %add3A_37 = vector.broadcast %arg0 : i32 to vector<16xi32>
    %add3A_38 = arith.addi %get3A_36, %add3A_37 : vector<16xi32>
    %swap3A_39 = arith.constant 0 : i32
    %swap3A_40 = arith.index_cast %swap3A_39 : i32 to index
    %swap3A_41 = arith.constant 16 : index
    %swap3A_42 = tpu.vector_load %arg8[%swap3A_40, %swap3A_41] {strides = array<i32>} : memref<2x128xi32, #tpu.memory_space<vmem>>, vector<1x16xi32>,
    %swap3A_43 = vector.shape_cast %swap3A_42 : vector<1x16xi32> to vector<16xi32>
    %swap3A_44 = vector.shape_cast %add3A_38 : vector<16xi32> to vector<1x16xi32>
    tpu.vector_store %arg8[%swap3A_40, %swap3A_41], %swap3A_44 {strides = array<i32>} : memref<2x128xi32, #tpu.memory_space<vmem>>, vector<1x16xi32>,
    %get3A_45 = arith.constant 0 : i32
    %get3A_46 = arith.index_cast %get3A_45 : i32 to index
    %get3A_47 = arith.constant 32 : index
    %get3A_48 = tpu.vector_load %arg8[%get3A_46, %get3A_47] {strides = array<i32>} : memref<2x128xi32, #tpu.memory_space<vmem>>, vector<1x16xi32>,
    %get3A_49 = vector.shape_cast %get3A_48 : vector<1x16xi32> to vector<16xi32>
    %add3A_50 = vector.broadcast %arg0 : i32 to vector<16xi32>
    %add3A_51 = arith.addi %get3A_49, %add3A_50 : vector<16xi32>
    %swap3A_52 = arith.constant 0 : i32
    %swap3A_53 = arith.index_cast %swap3A_52 : i32 to index
    %swap3A_54 = arith.constant 32 : index
    %swap3A_55 = tpu.vector_load %arg8[%swap3A_53, %swap3A_54] {strides = array<i32>} : memref<2x128xi32, #tpu.memory_space<vmem>>, vector<1x16xi32>,
    %swap3A_56 = vector.shape_cast %swap3A_55 : vector<1x16xi32> to vector<16xi32>
    %swap3A_57 = vector.shape_cast %add3A_51 : vector<16xi32> to vector<1x16xi32>
    tpu.vector_store %arg8[%swap3A_53, %swap3A_54], %swap3A_57 {strides = array<i32>} : memref<2x128xi32, #tpu.memory_space<vmem>>, vector<1x16xi32>,
    %get3A_58 = arith.constant 0 : i32
    %get3A_59 = arith.index_cast %get3A_58 : i32 to index
    %get3A_60 = arith.constant 48 : index
    %get3A_61 = tpu.vector_load %arg8[%get3A_59, %get3A_60] {strides = array<i32>} : memref<2x128xi32, #tpu.memory_space<vmem>>, vector<1x16xi32>,
    %get3A_62 = vector.shape_cast %get3A_61 : vector<1x16xi32> to vector<16xi32>
    %add3A_63 = vector.broadcast %arg0 : i32 to vector<16xi32>
    %add3A_64 = arith.addi %get3A_62, %add3A_63 : vector<16xi32>
    %swap3A_65 = arith.constant 0 : i32
    %swap3A_66 = arith.index_cast %swap3A_65 : i32 to index
    %swap3A_67 = arith.constant 48 : index
    %swap3A_68 = tpu.vector_load %arg8[%swap3A_66, %swap3A_67] {strides = array<i32>} : memref<2x128xi32, #tpu.memory_space<vmem>>, vector<1x16xi32>,
    %swap3A_69 = vector.shape_cast %swap3A_68 : vector<1x16xi32> to vector<16xi32>
    %swap3A_70 = vector.shape_cast %add3A_64 : vector<16xi32> to vector<1x16xi32>
    tpu.vector_store %arg8[%swap3A_66, %swap3A_67], %swap3A_70 {strides = array<i32>} : memref<2x128xi32, #tpu.memory_space<vmem>>, vector<1x16xi32>,
    %get3A_71 = arith.constant 0 : i32
    %get3A_72 = arith.index_cast %get3A_71 : i32 to index
    %get3A_73 = arith.constant 64 : index
    %get3A_74 = tpu.vector_load %arg8[%get3A_72, %get3A_73] {strides = array<i32>} : memref<2x128xi32, #tpu.memory_space<vmem>>, vector<1x16xi32>,
    %get3A_75 = vector.shape_cast %get3A_74 : vector<1x16xi32> to vector<16xi32>
    %add3A_76 = vector.broadcast %arg0 : i32 to vector<16xi32>
    %add3A_77 = arith.addi %get3A_75, %add3A_76 : vector<16xi32>
    %swap3A_78 = arith.constant 0 : i32
    %swap3A_79 = arith.index_cast %swap3A_78 : i32 to index
    %swap3A_80 = arith.constant 64 : index
    %swap3A_81 = tpu.vector_load %arg8[%swap3A_79, %swap3A_80] {strides = array<i32>} : memref<2x128xi32, #tpu.memory_space<vmem>>, vector<1x16xi32>,
    %swap3A_82 = vector.shape_cast %swap3A_81 : vector<1x16xi32> to vector<16xi32>
    %swap3A_83 = vector.shape_cast %add3A_77 : vector<16xi32> to vector<1x16xi32>
    tpu.vector_store %arg8[%swap3A_79, %swap3A_80], %swap3A_83 {strides = array<i32>} : memref<2x128xi32, #tpu.memory_space<vmem>>, vector<1x16xi32>,
    %get3A_84 = arith.constant 0 : i32
    %get3A_85 = arith.index_cast %get3A_84 : i32 to index
    %get3A_86 = arith.constant 80 : index
    %get3A_87 = tpu.vector_load %arg8[%get3A_85, %get3A_86] {strides = array<i32>} : memref<2x128xi32, #tpu.memory_space<vmem>>, vector<1x16xi32>,
    %get3A_88 = vector.shape_cast %get3A_87 : vector<1x16xi32> to vector<16xi32>
    %add3A_89 = vector.broadcast %arg0 : i32 to vector<16xi32>
    %add3A_90 = arith.addi %get3A_88, %add3A_89 : vector<16xi32>
    %swap3A_91 = arith.constant 0 : i32
    %swap3A_92 = arith.index_cast %swap3A_91 : i32 to index
    %swap3A_93 = arith.constant 80 : index
    %swap3A_94 = tpu.vector_load %arg8[%swap3A_92, %swap3A_93] {strides = array<i32>} : memref<2x128xi32, #tpu.memory_space<vmem>>, vector<1x16xi32>,
    %swap3A_95 = vector.shape_cast %swap3A_94 : vector<1x16xi32> to vector<16xi32>
    %swap3A_96 = vector.shape_cast %add3A_90 : vector<16xi32> to vector<1x16xi32>
    tpu.vector_store %arg8[%swap3A_92, %swap3A_93], %swap3A_96 {strides = array<i32>} : memref<2x128xi32, #tpu.memory_space<vmem>>, vector<1x16xi32>,
    %get3A_97 = arith.constant 0 : i32
    %get3A_98 = arith.index_cast %get3A_97 : i32 to index
    %get3A_99 = arith.constant 96 : index
    %get3A_100 = tpu.vector_load %arg8[%get3A_98, %get3A_99] {strides = array<i32>} : memref<2x128xi32, #tpu.memory_space<vmem>>, vector<1x16xi32>,
    %get3A_101 = vector.shape_cast %get3A_100 : vector<1x16xi32> to vector<16xi32>
    %add3A_102 = vector.broadcast %arg0 : i32 to vector<16xi32>
    %add3A_103 = arith.addi %get3A_101, %add3A_102 : vector<16xi32>
    %swap3A_104 = arith.constant 0 : i32
    %swap3A_105 = arith.index_cast %swap3A_104 : i32 to index
    %swap3A_106 = arith.constant 96 : index
    %swap3A_107 = tpu.vector_load %arg8[%swap3A_105, %swap3A_106] {strides = array<i32>} : memref<2x128xi32, #tpu.memory_space<vmem>>, vector<1x16xi32>,
    %swap3A_108 = vector.shape_cast %swap3A_107 : vector<1x16xi32> to vector<16xi32>
    %swap3A_109 = vector.shape_cast %add3A_103 : vector<16xi32> to vector<1x16xi32>
    tpu.vector_store %arg8[%swap3A_105, %swap3A_106], %swap3A_109 {strides = array<i32>} : memref<2x128xi32, #tpu.memory_space<vmem>>, vector<1x16xi32>,
    %get3A_110 = arith.constant 0 : i32
    %get3A_111 = arith.index_cast %get3A_110 : i32 to index
    %get3A_112 = arith.constant 112 : index
    %get3A_113 = tpu.vector_load %arg8[%get3A_111, %get3A_112] {strides = array<i32>} : memref<2x128xi32, #tpu.memory_space<vmem>>, vector<1x16xi32>,
    %get3A_114 = vector.shape_cast %get3A_113 : vector<1x16xi32> to vector<16xi32>
    %add3A_115 = vector.broadcast %arg0 : i32 to vector<16xi32>
    %add3A_116 = arith.addi %get3A_114, %add3A_115 : vector<16xi32>
    %swap3A_117 = arith.constant 0 : i32
    %swap3A_118 = arith.index_cast %swap3A_117 : i32 to index
    %swap3A_119 = arith.constant 112 : index
    %swap3A_120 = tpu.vector_load %arg8[%swap3A_118, %swap3A_119] {strides = array<i32>} : memref<2x128xi32, #tpu.memory_space<vmem>>, vector<1x16xi32>,
    %swap3A_121 = vector.shape_cast %swap3A_120 : vector<1x16xi32> to vector<16xi32>
    %swap3A_122 = vector.shape_cast %add3A_116 : vector<16xi32> to vector<1x16xi32>
    tpu.vector_store %arg8[%swap3A_118, %swap3A_119], %swap3A_122 {strides = array<i32>} : memref<2x128xi32, #tpu.memory_space<vmem>>, vector<1x16xi32>,
    %dma_start3A = arith.constant 0 : i32
    %dma_start3A_123 = arith.constant 0 : i32
    %dma_start3A_124 = arith.constant 0 : i32
    %dma_start3A_125 = arith.constant 0 : i32
    %dma_start3A_126 = tpu.memref_slice %arg10[%dma_start3A_123, %dma_start3A_124, %dma_start3A_125] : memref<2x128x128xf32, #tpu.memory_space<vmem>> -> memref<1x128x128xf32, #tpu.memory_space<vmem>>
    %dma_start3A_127 = tpu.memref_squeeze %dma_start3A_126 : memref<1x128x128xf32, #tpu.memory_space<vmem>> -> memref<128x128xf32, #tpu.memory_space<vmem>>
    %dma_start3A_128 = arith.constant 0 : i32
    %dma_start3A_129 = tpu.memref_slice %arg8[%dma_start3A, %dma_start3A_128] : memref<2x128xi32, #tpu.memory_space<vmem>> -> memref<1x128xi32, #tpu.memory_space<vmem>>
    %dma_start3A_130 = tpu.memref_squeeze %dma_start3A_129 : memref<1x128xi32, #tpu.memory_space<vmem>> -> memref<128xi32, #tpu.memory_space<vmem>>
    %dma_start3A_131 = arith.constant 0 : i32
    %dma_start3A_132 = arith.constant 0 : i32
    %dma_start3A_133 = tpu.memref_slice %arg2[%dma_start3A_131, %dma_start3A_132] : memref<20016x128xf32, #tpu.memory_space<hbm>> -> memref<20016x128xf32, #tpu.memory_space<hbm>>
    tpu.enqueue_indirect_dma source(%dma_start3A_133 : memref<20016x128xf32, #tpu.memory_space<hbm>>) target(%dma_start3A_127 : memref<128x128xf32, #tpu.memory_space<vmem>>) offsets(%dma_start3A_130 : memref<128xi32, #tpu.memory_space<vmem>>) semaphore(%arg12 : memref<!tpu.dma_semaphore, #tpu.memory_space<semaphore_mem>>)
    %scan3A = arith.constant 0 : i32
    %scan3A_134 = arith.constant 40 : i32
    %scan3A_135 = arith.addi %scan3A, %scan3A_134 : i32
    %scan3A_136 = arith.constant 1 : i32
    scf.for %scan3A_212 = %scan3A to %scan3A_135 step %scan3A_136  : i32 {
      %mul3A_213 = arith.constant 2 : i32
      %mul3A_214 = arith.muli %scan3A_212, %mul3A_213 : i32
      %add3A_215 = arith.constant 0 : i32
      %add3A_216 = arith.addi %add3A_215, %mul3A_214 : i32
      %add3A_217 = arith.constant 0 : i32
      %add3A_218 = arith.addi %add3A_216, %add3A_217 : i32
      %add3A_219 = arith.constant 1 : i32
      %add3A_220 = arith.addi %add3A_218, %add3A_219 : i32
      %mul3A_221 = arith.constant 10240 : i32
      %mul3A_222 = arith.muli %arg1, %mul3A_221 : i32
      %mul3A_223 = arith.constant 128 : i32
      %mul3A_224 = arith.muli %add3A_220, %mul3A_223 : i32
      %add3A_225 = arith.addi %mul3A_222, %mul3A_224 : i32
      %run_scoped3A_226 = arith.constant 1 : i32
      "tpu.region"() ({
        %run_scoped3A_499 = tpu.sem_alloc : memref<!tpu.dma_semaphore, #tpu.memory_space<semaphore_mem>>
        %dma_start3A_500 = arith.constant 0 : i32
        %dma_start3A_501 = tpu.memref_slice %arg8[%run_scoped3A_226, %dma_start3A_500] : memref<2x128xi32, #tpu.memory_space<vmem>> -> memref<1x128xi32, #tpu.memory_space<vmem>>
        %dma_start3A_502 = tpu.memref_squeeze %dma_start3A_501 : memref<1x128xi32, #tpu.memory_space<vmem>> -> memref<128xi32, #tpu.memory_space<vmem>>
        %dma_start3A_503 = tpu.memref_slice %arg3[%add3A_225] : memref<163968xi32, #tpu.memory_space<hbm>> -> memref<128xi32, #tpu.memory_space<hbm>>
        %dma_start3A_504 = arith.constant 0 : i32
        %dma_start3A_505 = tpu.memref_slice %arg8[%run_scoped3A_226, %dma_start3A_504] : memref<2x128xi32, #tpu.memory_space<vmem>> -> memref<1x128xi32, #tpu.memory_space<vmem>>
        %dma_start3A_506 = tpu.memref_squeeze %dma_start3A_505 : memref<1x128xi32, #tpu.memory_space<vmem>> -> memref<128xi32, #tpu.memory_space<vmem>>
        %dma_start3A_507 = tpu.memref_slice %arg3[%add3A_225] : memref<163968xi32, #tpu.memory_space<hbm>> -> memref<128xi32, #tpu.memory_space<hbm>>
        tpu.enqueue_dma source(%dma_start3A_507 : memref<128xi32, #tpu.memory_space<hbm>>) target(%dma_start3A_506 : memref<128xi32, #tpu.memory_space<vmem>>) target_semaphore(%run_scoped3A_499 : memref<!tpu.dma_semaphore, #tpu.memory_space<semaphore_mem>>)
        %dma_wait3A_508 = arith.constant 0 : i32
        %dma_wait3A_509 = tpu.memref_slice %arg8[%run_scoped3A_226, %dma_wait3A_508] : memref<2x128xi32, #tpu.memory_space<vmem>> -> memref<1x128xi32, #tpu.memory_space<vmem>>
        %dma_wait3A_510 = tpu.memref_squeeze %dma_wait3A_509 : memref<1x128xi32, #tpu.memory_space<vmem>> -> memref<128xi32, #tpu.memory_space<vmem>>
        %dma_wait3A_511 = tpu.memref_slice %arg3[%add3A_225] : memref<163968xi32, #tpu.memory_space<hbm>> -> memref<128xi32, #tpu.memory_space<hbm>>
        %dma_wait3A_512 = arith.constant 0 : i32
        %dma_wait3A_513 = tpu.memref_slice %arg8[%run_scoped3A_226, %dma_wait3A_512] : memref<2x128xi32, #tpu.memory_space<vmem>> -> memref<1x128xi32, #tpu.memory_space<vmem>>
        %dma_wait3A_514 = tpu.memref_squeeze %dma_wait3A_513 : memref<1x128xi32, #tpu.memory_space<vmem>> -> memref<128xi32, #tpu.memory_space<vmem>>
        %dma_wait3A_515 = tpu.memref_slice %arg3[%add3A_225] : memref<163968xi32, #tpu.memory_space<hbm>> -> memref<128xi32, #tpu.memory_space<hbm>>
        tpu.wait_dma2 semaphore(%run_scoped3A_499 : memref<!tpu.dma_semaphore, #tpu.memory_space<semaphore_mem>>) src(%dma_wait3A_515 : memref<128xi32, #tpu.memory_space<hbm>>) dst(%dma_wait3A_514 : memref<128xi32, #tpu.memory_space<vmem>>)
        tpu.yield
      }) : () -> ()
      %run_scoped3A_227 = arith.constant 1 : i32
      "tpu.region"() ({
        %run_scoped3A_499 = tpu.sem_alloc : memref<!tpu.dma_semaphore, #tpu.memory_space<semaphore_mem>>
        %dma_start3A_500 = arith.constant 0 : i32
        %dma_start3A_501 = tpu.memref_slice %arg9[%run_scoped3A_227, %dma_start3A_500] : memref<2x128xi32, #tpu.memory_space<vmem>> -> memref<1x128xi32, #tpu.memory_space<vmem>>
        %dma_start3A_502 = tpu.memref_squeeze %dma_start3A_501 : memref<1x128xi32, #tpu.memory_space<vmem>> -> memref<128xi32, #tpu.memory_space<vmem>>
        %dma_start3A_503 = tpu.memref_slice %arg4[%add3A_225] : memref<163968xi32, #tpu.memory_space<hbm>> -> memref<128xi32, #tpu.memory_space<hbm>>
        %dma_start3A_504 = arith.constant 0 : i32
        %dma_start3A_505 = tpu.memref_slice %arg9[%run_scoped3A_227, %dma_start3A_504] : memref<2x128xi32, #tpu.memory_space<vmem>> -> memref<1x128xi32, #tpu.memory_space<vmem>>
        %dma_start3A_506 = tpu.memref_squeeze %dma_start3A_505 : memref<1x128xi32, #tpu.memory_space<vmem>> -> memref<128xi32, #tpu.memory_space<vmem>>
        %dma_start3A_507 = tpu.memref_slice %arg4[%add3A_225] : memref<163968xi32, #tpu.memory_space<hbm>> -> memref<128xi32, #tpu.memory_space<hbm>>
        tpu.enqueue_dma source(%dma_start3A_507 : memref<128xi32, #tpu.memory_space<hbm>>) target(%dma_start3A_506 : memref<128xi32, #tpu.memory_space<vmem>>) target_semaphore(%run_scoped3A_499 : memref<!tpu.dma_semaphore, #tpu.memory_space<semaphore_mem>>)
        %dma_wait3A_508 = arith.constant 0 : i32
        %dma_wait3A_509 = tpu.memref_slice %arg9[%run_scoped3A_227, %dma_wait3A_508] : memref<2x128xi32, #tpu.memory_space<vmem>> -> memref<1x128xi32, #tpu.memory_space<vmem>>
        %dma_wait3A_510 = tpu.memref_squeeze %dma_wait3A_509 : memref<1x128xi32, #tpu.memory_space<vmem>> -> memref<128xi32, #tpu.memory_space<vmem>>
        %dma_wait3A_511 = tpu.memref_slice %arg4[%add3A_225] : memref<163968xi32, #tpu.memory_space<hbm>> -> memref<128xi32, #tpu.memory_space<hbm>>
        %dma_wait3A_512 = arith.constant 0 : i32
        %dma_wait3A_513 = tpu.memref_slice %arg9[%run_scoped3A_227, %dma_wait3A_512] : memref<2x128xi32, #tpu.memory_space<vmem>> -> memref<1x128xi32, #tpu.memory_space<vmem>>
        %dma_wait3A_514 = tpu.memref_squeeze %dma_wait3A_513 : memref<1x128xi32, #tpu.memory_space<vmem>> -> memref<128xi32, #tpu.memory_space<vmem>>
        %dma_wait3A_515 = tpu.memref_slice %arg4[%add3A_225] : memref<163968xi32, #tpu.memory_space<hbm>> -> memref<128xi32, #tpu.memory_space<hbm>>
        tpu.wait_dma2 semaphore(%run_scoped3A_499 : memref<!tpu.dma_semaphore, #tpu.memory_space<semaphore_mem>>) src(%dma_wait3A_515 : memref<128xi32, #tpu.memory_space<hbm>>) dst(%dma_wait3A_514 : memref<128xi32, #tpu.memory_space<vmem>>)
        tpu.yield
      }) : () -> ()
      %get3A_228 = arith.constant 1 : i32
      %get3A_229 = arith.index_cast %get3A_228 : i32 to index
      %get3A_230 = arith.constant 0 : index
      %get3A_231 = tpu.vector_load %arg8[%get3A_229, %get3A_230] {strides = array<i32>} : memref<2x128xi32, #tpu.memory_space<vmem>>, vector<1x16xi32>,
      %get3A_232 = vector.shape_cast %get3A_231 : vector<1x16xi32> to vector<16xi32>
      %add3A_233 = vector.broadcast %arg0 : i32 to vector<16xi32>
      %add3A_234 = arith.addi %get3A_232, %add3A_233 : vector<16xi32>
      %swap3A_235 = arith.constant 1 : i32
      %swap3A_236 = arith.index_cast %swap3A_235 : i32 to index
      %swap3A_237 = arith.constant 0 : index
      %swap3A_238 = tpu.vector_load %arg8[%swap3A_236, %swap3A_237] {strides = array<i32>} : memref<2x128xi32, #tpu.memory_space<vmem>>, vector<1x16xi32>,
      %swap3A_239 = vector.shape_cast %swap3A_238 : vector<1x16xi32> to vector<16xi32>
      %swap3A_240 = vector.shape_cast %add3A_234 : vector<16xi32> to vector<1x16xi32>
      tpu.vector_store %arg8[%swap3A_236, %swap3A_237], %swap3A_240 {strides = array<i32>} : memref<2x128xi32, #tpu.memory_space<vmem>>, vector<1x16xi32>,
      %get3A_241 = arith.constant 1 : i32
      %get3A_242 = arith.index_cast %get3A_241 : i32 to index
      %get3A_243 = arith.constant 16 : index
      %get3A_244 = tpu.vector_load %arg8[%get3A_242, %get3A_243] {strides = array<i32>} : memref<2x128xi32, #tpu.memory_space<vmem>>, vector<1x16xi32>,
      %get3A_245 = vector.shape_cast %get3A_244 : vector<1x16xi32> to vector<16xi32>
      %add3A_246 = vector.broadcast %arg0 : i32 to vector<16xi32>
      %add3A_247 = arith.addi %get3A_245, %add3A_246 : vector<16xi32>
      %swap3A_248 = arith.constant 1 : i32
      %swap3A_249 = arith.index_cast %swap3A_248 : i32 to index
      %swap3A_250 = arith.constant 16 : index
      %swap3A_251 = tpu.vector_load %arg8[%swap3A_249, %swap3A_250] {strides = array<i32>} : memref<2x128xi32, #tpu.memory_space<vmem>>, vector<1x16xi32>,
      %swap3A_252 = vector.shape_cast %swap3A_251 : vector<1x16xi32> to vector<16xi32>
      %swap3A_253 = vector.shape_cast %add3A_247 : vector<16xi32> to vector<1x16xi32>
      tpu.vector_store %arg8[%swap3A_249, %swap3A_250], %swap3A_253 {strides = array<i32>} : memref<2x128xi32, #tpu.memory_space<vmem>>, vector<1x16xi32>,
      %get3A_254 = arith.constant 1 : i32
      %get3A_255 = arith.index_cast %get3A_254 : i32 to index
      %get3A_256 = arith.constant 32 : index
      %get3A_257 = tpu.vector_load %arg8[%get3A_255, %get3A_256] {strides = array<i32>} : memref<2x128xi32, #tpu.memory_space<vmem>>, vector<1x16xi32>,
      %get3A_258 = vector.shape_cast %get3A_257 : vector<1x16xi32> to vector<16xi32>
      %add3A_259 = vector.broadcast %arg0 : i32 to vector<16xi32>
      %add3A_260 = arith.addi %get3A_258, %add3A_259 : vector<16xi32>
      %swap3A_261 = arith.constant 1 : i32
      %swap3A_262 = arith.index_cast %swap3A_261 : i32 to index
      %swap3A_263 = arith.constant 32 : index
      %swap3A_264 = tpu.vector_load %arg8[%swap3A_262, %swap3A_263] {strides = array<i32>} : memref<2x128xi32, #tpu.memory_space<vmem>>, vector<1x16xi32>,
      %swap3A_265 = vector.shape_cast %swap3A_264 : vector<1x16xi32> to vector<16xi32>
      %swap3A_266 = vector.shape_cast %add3A_260 : vector<16xi32> to vector<1x16xi32>
      tpu.vector_store %arg8[%swap3A_262, %swap3A_263], %swap3A_266 {strides = array<i32>} : memref<2x128xi32, #tpu.memory_space<vmem>>, vector<1x16xi32>,
      %get3A_267 = arith.constant 1 : i32
      %get3A_268 = arith.index_cast %get3A_267 : i32 to index
      %get3A_269 = arith.constant 48 : index
      %get3A_270 = tpu.vector_load %arg8[%get3A_268, %get3A_269] {strides = array<i32>} : memref<2x128xi32, #tpu.memory_space<vmem>>, vector<1x16xi32>,
      %get3A_271 = vector.shape_cast %get3A_270 : vector<1x16xi32> to vector<16xi32>
      %add3A_272 = vector.broadcast %arg0 : i32 to vector<16xi32>
      %add3A_273 = arith.addi %get3A_271, %add3A_272 : vector<16xi32>
      %swap3A_274 = arith.constant 1 : i32
      %swap3A_275 = arith.index_cast %swap3A_274 : i32 to index
      %swap3A_276 = arith.constant 48 : index
      %swap3A_277 = tpu.vector_load %arg8[%swap3A_275, %swap3A_276] {strides = array<i32>} : memref<2x128xi32, #tpu.memory_space<vmem>>, vector<1x16xi32>,
      %swap3A_278 = vector.shape_cast %swap3A_277 : vector<1x16xi32> to vector<16xi32>
      %swap3A_279 = vector.shape_cast %add3A_273 : vector<16xi32> to vector<1x16xi32>
      tpu.vector_store %arg8[%swap3A_275, %swap3A_276], %swap3A_279 {strides = array<i32>} : memref<2x128xi32, #tpu.memory_space<vmem>>, vector<1x16xi32>,
      %get3A_280 = arith.constant 1 : i32
      %get3A_281 = arith.index_cast %get3A_280 : i32 to index
      %get3A_282 = arith.constant 64 : index
      %get3A_283 = tpu.vector_load %arg8[%get3A_281, %get3A_282] {strides = array<i32>} : memref<2x128xi32, #tpu.memory_space<vmem>>, vector<1x16xi32>,
      %get3A_284 = vector.shape_cast %get3A_283 : vector<1x16xi32> to vector<16xi32>
      %add3A_285 = vector.broadcast %arg0 : i32 to vector<16xi32>
      %add3A_286 = arith.addi %get3A_284, %add3A_285 : vector<16xi32>
      %swap3A_287 = arith.constant 1 : i32
      %swap3A_288 = arith.index_cast %swap3A_287 : i32 to index
      %swap3A_289 = arith.constant 64 : index
      %swap3A_290 = tpu.vector_load %arg8[%swap3A_288, %swap3A_289] {strides = array<i32>} : memref<2x128xi32, #tpu.memory_space<vmem>>, vector<1x16xi32>,
      %swap3A_291 = vector.shape_cast %swap3A_290 : vector<1x16xi32> to vector<16xi32>
      %swap3A_292 = vector.shape_cast %add3A_286 : vector<16xi32> to vector<1x16xi32>
      tpu.vector_store %arg8[%swap3A_288, %swap3A_289], %swap3A_292 {strides = array<i32>} : memref<2x128xi32, #tpu.memory_space<vmem>>, vector<1x16xi32>,
      %get3A_293 = arith.constant 1 : i32
      %get3A_294 = arith.index_cast %get3A_293 : i32 to index
      %get3A_295 = arith.constant 80 : index
      %get3A_296 = tpu.vector_load %arg8[%get3A_294, %get3A_295] {strides = array<i32>} : memref<2x128xi32, #tpu.memory_space<vmem>>, vector<1x16xi32>,
      %get3A_297 = vector.shape_cast %get3A_296 : vector<1x16xi32> to vector<16xi32>
      %add3A_298 = vector.broadcast %arg0 : i32 to vector<16xi32>
      %add3A_299 = arith.addi %get3A_297, %add3A_298 : vector<16xi32>
      %swap3A_300 = arith.constant 1 : i32
      %swap3A_301 = arith.index_cast %swap3A_300 : i32 to index
      %swap3A_302 = arith.constant 80 : index
      %swap3A_303 = tpu.vector_load %arg8[%swap3A_301, %swap3A_302] {strides = array<i32>} : memref<2x128xi32, #tpu.memory_space<vmem>>, vector<1x16xi32>,
      %swap3A_304 = vector.shape_cast %swap3A_303 : vector<1x16xi32> to vector<16xi32>
      %swap3A_305 = vector.shape_cast %add3A_299 : vector<16xi32> to vector<1x16xi32>
      tpu.vector_store %arg8[%swap3A_301, %swap3A_302], %swap3A_305 {strides = array<i32>} : memref<2x128xi32, #tpu.memory_space<vmem>>, vector<1x16xi32>,
      %get3A_306 = arith.constant 1 : i32
      %get3A_307 = arith.index_cast %get3A_306 : i32 to index
      %get3A_308 = arith.constant 96 : index
      %get3A_309 = tpu.vector_load %arg8[%get3A_307, %get3A_308] {strides = array<i32>} : memref<2x128xi32, #tpu.memory_space<vmem>>, vector<1x16xi32>,
      %get3A_310 = vector.shape_cast %get3A_309 : vector<1x16xi32> to vector<16xi32>
      %add3A_311 = vector.broadcast %arg0 : i32 to vector<16xi32>
      %add3A_312 = arith.addi %get3A_310, %add3A_311 : vector<16xi32>
      %swap3A_313 = arith.constant 1 : i32
      %swap3A_314 = arith.index_cast %swap3A_313 : i32 to index
      %swap3A_315 = arith.constant 96 : index
      %swap3A_316 = tpu.vector_load %arg8[%swap3A_314, %swap3A_315] {strides = array<i32>} : memref<2x128xi32, #tpu.memory_space<vmem>>, vector<1x16xi32>,
      %swap3A_317 = vector.shape_cast %swap3A_316 : vector<1x16xi32> to vector<16xi32>
      %swap3A_318 = vector.shape_cast %add3A_312 : vector<16xi32> to vector<1x16xi32>
      tpu.vector_store %arg8[%swap3A_314, %swap3A_315], %swap3A_318 {strides = array<i32>} : memref<2x128xi32, #tpu.memory_space<vmem>>, vector<1x16xi32>,
      %get3A_319 = arith.constant 1 : i32
      %get3A_320 = arith.index_cast %get3A_319 : i32 to index
      %get3A_321 = arith.constant 112 : index
      %get3A_322 = tpu.vector_load %arg8[%get3A_320, %get3A_321] {strides = array<i32>} : memref<2x128xi32, #tpu.memory_space<vmem>>, vector<1x16xi32>,
      %get3A_323 = vector.shape_cast %get3A_322 : vector<1x16xi32> to vector<16xi32>
      %add3A_324 = vector.broadcast %arg0 : i32 to vector<16xi32>
      %add3A_325 = arith.addi %get3A_323, %add3A_324 : vector<16xi32>
      %swap3A_326 = arith.constant 1 : i32
      %swap3A_327 = arith.index_cast %swap3A_326 : i32 to index
      %swap3A_328 = arith.constant 112 : index
      %swap3A_329 = tpu.vector_load %arg8[%swap3A_327, %swap3A_328] {strides = array<i32>} : memref<2x128xi32, #tpu.memory_space<vmem>>, vector<1x16xi32>,
      %swap3A_330 = vector.shape_cast %swap3A_329 : vector<1x16xi32> to vector<16xi32>
      %swap3A_331 = vector.shape_cast %add3A_325 : vector<16xi32> to vector<1x16xi32>
      tpu.vector_store %arg8[%swap3A_327, %swap3A_328], %swap3A_331 {strides = array<i32>} : memref<2x128xi32, #tpu.memory_space<vmem>>, vector<1x16xi32>,
      %dma_start3A_332 = arith.constant 1 : i32
      %dma_start3A_333 = arith.constant 1 : i32
      %dma_start3A_334 = arith.constant 0 : i32
      %dma_start3A_335 = arith.constant 0 : i32
      %dma_start3A_336 = tpu.memref_slice %arg10[%dma_start3A_333, %dma_start3A_334, %dma_start3A_335] : memref<2x128x128xf32, #tpu.memory_space<vmem>> -> memref<1x128x128xf32, #tpu.memory_space<vmem>>
      %dma_start3A_337 = tpu.memref_squeeze %dma_start3A_336 : memref<1x128x128xf32, #tpu.memory_space<vmem>> -> memref<128x128xf32, #tpu.memory_space<vmem>>
      %dma_start3A_338 = arith.constant 0 : i32
      %dma_start3A_339 = tpu.memref_slice %arg8[%dma_start3A_332, %dma_start3A_338] : memref<2x128xi32, #tpu.memory_space<vmem>> -> memref<1x128xi32, #tpu.memory_space<vmem>>
      %dma_start3A_340 = tpu.memref_squeeze %dma_start3A_339 : memref<1x128xi32, #tpu.memory_space<vmem>> -> memref<128xi32, #tpu.memory_space<vmem>>
      %dma_start3A_341 = arith.constant 0 : i32
      %dma_start3A_342 = arith.constant 0 : i32
      %dma_start3A_343 = tpu.memref_slice %arg2[%dma_start3A_341, %dma_start3A_342] : memref<20016x128xf32, #tpu.memory_space<hbm>> -> memref<20016x128xf32, #tpu.memory_space<hbm>>
      tpu.enqueue_indirect_dma source(%dma_start3A_343 : memref<20016x128xf32, #tpu.memory_space<hbm>>) target(%dma_start3A_337 : memref<128x128xf32, #tpu.memory_space<vmem>>) offsets(%dma_start3A_340 : memref<128xi32, #tpu.memory_space<vmem>>) semaphore(%arg12 : memref<!tpu.dma_semaphore, #tpu.memory_space<semaphore_mem>>)
      %dma_wait3A_344 = arith.constant 0 : i32
      %dma_wait3A_345 = arith.constant 0 : i32
      %dma_wait3A_346 = arith.constant 0 : i32
      %dma_wait3A_347 = arith.constant 0 : i32
      %dma_wait3A_348 = tpu.memref_slice %arg10[%dma_wait3A_345, %dma_wait3A_346, %dma_wait3A_347] : memref<2x128x128xf32, #tpu.memory_space<vmem>> -> memref<1x128x128xf32, #tpu.memory_space<vmem>>
      %dma_wait3A_349 = tpu.memref_squeeze %dma_wait3A_348 : memref<1x128x128xf32, #tpu.memory_space<vmem>> -> memref<128x128xf32, #tpu.memory_space<vmem>>
      %dma_wait3A_350 = arith.constant 0 : i32
      %dma_wait3A_351 = tpu.memref_slice %arg8[%dma_wait3A_344, %dma_wait3A_350] : memref<2x128xi32, #tpu.memory_space<vmem>> -> memref<1x128xi32, #tpu.memory_space<vmem>>
      %dma_wait3A_352 = tpu.memref_squeeze %dma_wait3A_351 : memref<1x128xi32, #tpu.memory_space<vmem>> -> memref<128xi32, #tpu.memory_space<vmem>>
      %dma_wait3A_353 = arith.constant 0 : i32
      %dma_wait3A_354 = arith.constant 0 : i32
      %dma_wait3A_355 = tpu.memref_slice %arg2[%dma_wait3A_353, %dma_wait3A_354] : memref<20016x128xf32, #tpu.memory_space<hbm>> -> memref<20016x128xf32, #tpu.memory_space<hbm>>
      tpu.wait_indirect_dma semaphore(%arg12 : memref<!tpu.dma_semaphore, #tpu.memory_space<semaphore_mem>>) src(%dma_wait3A_355 : memref<20016x128xf32, #tpu.memory_space<hbm>>) dst(%dma_wait3A_349 : memref<128x128xf32, #tpu.memory_space<vmem>>)
      %run_scoped3A_356 = arith.constant 0 : i32
      %run_scoped3A_357 = arith.constant 0 : i32
      "tpu.region"() ({
        %run_scoped3A_499 = tpu.sem_alloc : memref<!tpu.dma_semaphore, #tpu.memory_space<semaphore_mem>>
        %dma_start3A_500 = arith.constant 0 : i32
        %dma_start3A_501 = arith.constant 0 : i32
        %dma_start3A_502 = tpu.memref_slice %arg10[%run_scoped3A_356, %dma_start3A_500, %dma_start3A_501] : memref<2x128x128xf32, #tpu.memory_space<vmem>> -> memref<1x128x128xf32, #tpu.memory_space<vmem>>
        %dma_start3A_503 = tpu.memref_squeeze %dma_start3A_502 : memref<1x128x128xf32, #tpu.memory_space<vmem>> -> memref<128x128xf32, #tpu.memory_space<vmem>>
        %dma_start3A_504 = arith.constant 0 : i32
        %dma_start3A_505 = tpu.memref_slice %arg9[%run_scoped3A_357, %dma_start3A_504] : memref<2x128xi32, #tpu.memory_space<vmem>> -> memref<1x128xi32, #tpu.memory_space<vmem>>
        %dma_start3A_506 = tpu.memref_squeeze %dma_start3A_505 : memref<1x128xi32, #tpu.memory_space<vmem>> -> memref<128xi32, #tpu.memory_space<vmem>>
        %dma_start3A_507 = arith.constant 0 : i32
        %dma_start3A_508 = arith.constant 0 : i32
        %dma_start3A_509 = tpu.memref_slice %arg11[%dma_start3A_507, %dma_start3A_508] : memref<10240x128xf32, #tpu.memory_space<vmem_shared>> -> memref<10240x128xf32, #tpu.memory_space<vmem_shared>>
        tpu.enqueue_indirect_dma source(%dma_start3A_503 : memref<128x128xf32, #tpu.memory_space<vmem>>) target(%dma_start3A_509 : memref<10240x128xf32, #tpu.memory_space<vmem_shared>>) offsets(%dma_start3A_506 : memref<128xi32, #tpu.memory_space<vmem>>) semaphore(%run_scoped3A_499 : memref<!tpu.dma_semaphore, #tpu.memory_space<semaphore_mem>>) {add = true}
        %dma_wait3A_510 = arith.constant 0 : i32
        %dma_wait3A_511 = arith.constant 0 : i32
        %dma_wait3A_512 = tpu.memref_slice %arg10[%run_scoped3A_356, %dma_wait3A_510, %dma_wait3A_511] : memref<2x128x128xf32, #tpu.memory_space<vmem>> -> memref<1x128x128xf32, #tpu.memory_space<vmem>>
        %dma_wait3A_513 = tpu.memref_squeeze %dma_wait3A_512 : memref<1x128x128xf32, #tpu.memory_space<vmem>> -> memref<128x128xf32, #tpu.memory_space<vmem>>
        %dma_wait3A_514 = arith.constant 0 : i32
        %dma_wait3A_515 = tpu.memref_slice %arg9[%run_scoped3A_357, %dma_wait3A_514] : memref<2x128xi32, #tpu.memory_space<vmem>> -> memref<1x128xi32, #tpu.memory_space<vmem>>
        %dma_wait3A_516 = tpu.memref_squeeze %dma_wait3A_515 : memref<1x128xi32, #tpu.memory_space<vmem>> -> memref<128xi32, #tpu.memory_space<vmem>>
        %dma_wait3A_517 = arith.constant 0 : i32
        %dma_wait3A_518 = arith.constant 0 : i32
        %dma_wait3A_519 = tpu.memref_slice %arg11[%dma_wait3A_517, %dma_wait3A_518] : memref<10240x128xf32, #tpu.memory_space<vmem_shared>> -> memref<10240x128xf32, #tpu.memory_space<vmem_shared>>
        tpu.wait_indirect_dma semaphore(%run_scoped3A_499 : memref<!tpu.dma_semaphore, #tpu.memory_space<semaphore_mem>>) src(%dma_wait3A_513 : memref<128x128xf32, #tpu.memory_space<vmem>>) dst(%dma_wait3A_519 : memref<10240x128xf32, #tpu.memory_space<vmem_shared>>)
        tpu.yield
      }) : () -> ()
      %add3A_358 = arith.constant 1 : i32
      %add3A_359 = arith.addi %add3A_216, %add3A_358 : i32
      %add3A_360 = arith.constant 1 : i32
      %add3A_361 = arith.addi %add3A_359, %add3A_360 : i32
      %mul3A_362 = arith.constant 10240 : i32
      %mul3A_363 = arith.muli %arg1, %mul3A_362 : i32
      %mul3A_364 = arith.constant 128 : i32
      %mul3A_365 = arith.muli %add3A_361, %mul3A_364 : i32
      %add3A_366 = arith.addi %mul3A_363, %mul3A_365 : i32
      %run_scoped3A_367 = arith.constant 0 : i32
      "tpu.region"() ({
        %run_scoped3A_499 = tpu.sem_alloc : memref<!tpu.dma_semaphore, #tpu.memory_space<semaphore_mem>>
        %dma_start3A_500 = arith.constant 0 : i32
        %dma_start3A_501 = tpu.memref_slice %arg8[%run_scoped3A_367, %dma_start3A_500] : memref<2x128xi32, #tpu.memory_space<vmem>> -> memref<1x128xi32, #tpu.memory_space<vmem>>
        %dma_start3A_502 = tpu.memref_squeeze %dma_start3A_501 : memref<1x128xi32, #tpu.memory_space<vmem>> -> memref<128xi32, #tpu.memory_space<vmem>>
        %dma_start3A_503 = tpu.memref_slice %arg3[%add3A_366] : memref<163968xi32, #tpu.memory_space<hbm>> -> memref<128xi32, #tpu.memory_space<hbm>>
        %dma_start3A_504 = arith.constant 0 : i32
        %dma_start3A_505 = tpu.memref_slice %arg8[%run_scoped3A_367, %dma_start3A_504] : memref<2x128xi32, #tpu.memory_space<vmem>> -> memref<1x128xi32, #tpu.memory_space<vmem>>
        %dma_start3A_506 = tpu.memref_squeeze %dma_start3A_505 : memref<1x128xi32, #tpu.memory_space<vmem>> -> memref<128xi32, #tpu.memory_space<vmem>>
        %dma_start3A_507 = tpu.memref_slice %arg3[%add3A_366] : memref<163968xi32, #tpu.memory_space<hbm>> -> memref<128xi32, #tpu.memory_space<hbm>>
        tpu.enqueue_dma source(%dma_start3A_507 : memref<128xi32, #tpu.memory_space<hbm>>) target(%dma_start3A_506 : memref<128xi32, #tpu.memory_space<vmem>>) target_semaphore(%run_scoped3A_499 : memref<!tpu.dma_semaphore, #tpu.memory_space<semaphore_mem>>)
        %dma_wait3A_508 = arith.constant 0 : i32
        %dma_wait3A_509 = tpu.memref_slice %arg8[%run_scoped3A_367, %dma_wait3A_508] : memref<2x128xi32, #tpu.memory_space<vmem>> -> memref<1x128xi32, #tpu.memory_space<vmem>>
        %dma_wait3A_510 = tpu.memref_squeeze %dma_wait3A_509 : memref<1x128xi32, #tpu.memory_space<vmem>> -> memref<128xi32, #tpu.memory_space<vmem>>
        %dma_wait3A_511 = tpu.memref_slice %arg3[%add3A_366] : memref<163968xi32, #tpu.memory_space<hbm>> -> memref<128xi32, #tpu.memory_space<hbm>>
        %dma_wait3A_512 = arith.constant 0 : i32
        %dma_wait3A_513 = tpu.memref_slice %arg8[%run_scoped3A_367, %dma_wait3A_512] : memref<2x128xi32, #tpu.memory_space<vmem>> -> memref<1x128xi32, #tpu.memory_space<vmem>>
        %dma_wait3A_514 = tpu.memref_squeeze %dma_wait3A_513 : memref<1x128xi32, #tpu.memory_space<vmem>> -> memref<128xi32, #tpu.memory_space<vmem>>
        %dma_wait3A_515 = tpu.memref_slice %arg3[%add3A_366] : memref<163968xi32, #tpu.memory_space<hbm>> -> memref<128xi32, #tpu.memory_space<hbm>>
        tpu.wait_dma2 semaphore(%run_scoped3A_499 : memref<!tpu.dma_semaphore, #tpu.memory_space<semaphore_mem>>) src(%dma_wait3A_515 : memref<128xi32, #tpu.memory_space<hbm>>) dst(%dma_wait3A_514 : memref<128xi32, #tpu.memory_space<vmem>>)
        tpu.yield
      }) : () -> ()
      %run_scoped3A_368 = arith.constant 0 : i32
      "tpu.region"() ({
        %run_scoped3A_499 = tpu.sem_alloc : memref<!tpu.dma_semaphore, #tpu.memory_space<semaphore_mem>>
        %dma_start3A_500 = arith.constant 0 : i32
        %dma_start3A_501 = tpu.memref_slice %arg9[%run_scoped3A_368, %dma_start3A_500] : memref<2x128xi32, #tpu.memory_space<vmem>> -> memref<1x128xi32, #tpu.memory_space<vmem>>
        %dma_start3A_502 = tpu.memref_squeeze %dma_start3A_501 : memref<1x128xi32, #tpu.memory_space<vmem>> -> memref<128xi32, #tpu.memory_space<vmem>>
        %dma_start3A_503 = tpu.memref_slice %arg4[%add3A_366] : memref<163968xi32, #tpu.memory_space<hbm>> -> memref<128xi32, #tpu.memory_space<hbm>>
        %dma_start3A_504 = arith.constant 0 : i32
        %dma_start3A_505 = tpu.memref_slice %arg9[%run_scoped3A_368, %dma_start3A_504] : memref<2x128xi32, #tpu.memory_space<vmem>> -> memref<1x128xi32, #tpu.memory_space<vmem>>
        %dma_start3A_506 = tpu.memref_squeeze %dma_start3A_505 : memref<1x128xi32, #tpu.memory_space<vmem>> -> memref<128xi32, #tpu.memory_space<vmem>>
        %dma_start3A_507 = tpu.memref_slice %arg4[%add3A_366] : memref<163968xi32, #tpu.memory_space<hbm>> -> memref<128xi32, #tpu.memory_space<hbm>>
        tpu.enqueue_dma source(%dma_start3A_507 : memref<128xi32, #tpu.memory_space<hbm>>) target(%dma_start3A_506 : memref<128xi32, #tpu.memory_space<vmem>>) target_semaphore(%run_scoped3A_499 : memref<!tpu.dma_semaphore, #tpu.memory_space<semaphore_mem>>)
        %dma_wait3A_508 = arith.constant 0 : i32
        %dma_wait3A_509 = tpu.memref_slice %arg9[%run_scoped3A_368, %dma_wait3A_508] : memref<2x128xi32, #tpu.memory_space<vmem>> -> memref<1x128xi32, #tpu.memory_space<vmem>>
        %dma_wait3A_510 = tpu.memref_squeeze %dma_wait3A_509 : memref<1x128xi32, #tpu.memory_space<vmem>> -> memref<128xi32, #tpu.memory_space<vmem>>
        %dma_wait3A_511 = tpu.memref_slice %arg4[%add3A_366] : memref<163968xi32, #tpu.memory_space<hbm>> -> memref<128xi32, #tpu.memory_space<hbm>>
        %dma_wait3A_512 = arith.constant 0 : i32
        %dma_wait3A_513 = tpu.memref_slice %arg9[%run_scoped3A_368, %dma_wait3A_512] : memref<2x128xi32, #tpu.memory_space<vmem>> -> memref<1x128xi32, #tpu.memory_space<vmem>>
        %dma_wait3A_514 = tpu.memref_squeeze %dma_wait3A_513 : memref<1x128xi32, #tpu.memory_space<vmem>> -> memref<128xi32, #tpu.memory_space<vmem>>
        %dma_wait3A_515 = tpu.memref_slice %arg4[%add3A_366] : memref<163968xi32, #tpu.memory_space<hbm>> -> memref<128xi32, #tpu.memory_space<hbm>>
        tpu.wait_dma2 semaphore(%run_scoped3A_499 : memref<!tpu.dma_semaphore, #tpu.memory_space<semaphore_mem>>) src(%dma_wait3A_515 : memref<128xi32, #tpu.memory_space<hbm>>) dst(%dma_wait3A_514 : memref<128xi32, #tpu.memory_space<vmem>>)
        tpu.yield
      }) : () -> ()
      %get3A_369 = arith.constant 0 : i32
      %get3A_370 = arith.index_cast %get3A_369 : i32 to index
      %get3A_371 = arith.constant 0 : index
      %get3A_372 = tpu.vector_load %arg8[%get3A_370, %get3A_371] {strides = array<i32>} : memref<2x128xi32, #tpu.memory_space<vmem>>, vector<1x16xi32>,
      %get3A_373 = vector.shape_cast %get3A_372 : vector<1x16xi32> to vector<16xi32>
      %add3A_374 = vector.broadcast %arg0 : i32 to vector<16xi32>
      %add3A_375 = arith.addi %get3A_373, %add3A_374 : vector<16xi32>
      %swap3A_376 = arith.constant 0 : i32
      %swap3A_377 = arith.index_cast %swap3A_376 : i32 to index
      %swap3A_378 = arith.constant 0 : index
      %swap3A_379 = tpu.vector_load %arg8[%swap3A_377, %swap3A_378] {strides = array<i32>} : memref<2x128xi32, #tpu.memory_space<vmem>>, vector<1x16xi32>,
      %swap3A_380 = vector.shape_cast %swap3A_379 : vector<1x16xi32> to vector<16xi32>
      %swap3A_381 = vector.shape_cast %add3A_375 : vector<16xi32> to vector<1x16xi32>
      tpu.vector_store %arg8[%swap3A_377, %swap3A_378], %swap3A_381 {strides = array<i32>} : memref<2x128xi32, #tpu.memory_space<vmem>>, vector<1x16xi32>,
      %get3A_382 = arith.constant 0 : i32
      %get3A_383 = arith.index_cast %get3A_382 : i32 to index
      %get3A_384 = arith.constant 16 : index
      %get3A_385 = tpu.vector_load %arg8[%get3A_383, %get3A_384] {strides = array<i32>} : memref<2x128xi32, #tpu.memory_space<vmem>>, vector<1x16xi32>,
      %get3A_386 = vector.shape_cast %get3A_385 : vector<1x16xi32> to vector<16xi32>
      %add3A_387 = vector.broadcast %arg0 : i32 to vector<16xi32>
      %add3A_388 = arith.addi %get3A_386, %add3A_387 : vector<16xi32>
      %swap3A_389 = arith.constant 0 : i32
      %swap3A_390 = arith.index_cast %swap3A_389 : i32 to index
      %swap3A_391 = arith.constant 16 : index
      %swap3A_392 = tpu.vector_load %arg8[%swap3A_390, %swap3A_391] {strides = array<i32>} : memref<2x128xi32, #tpu.memory_space<vmem>>, vector<1x16xi32>,
      %swap3A_393 = vector.shape_cast %swap3A_392 : vector<1x16xi32> to vector<16xi32>
      %swap3A_394 = vector.shape_cast %add3A_388 : vector<16xi32> to vector<1x16xi32>
      tpu.vector_store %arg8[%swap3A_390, %swap3A_391], %swap3A_394 {strides = array<i32>} : memref<2x128xi32, #tpu.memory_space<vmem>>, vector<1x16xi32>,
      %get3A_395 = arith.constant 0 : i32
      %get3A_396 = arith.index_cast %get3A_395 : i32 to index
      %get3A_397 = arith.constant 32 : index
      %get3A_398 = tpu.vector_load %arg8[%get3A_396, %get3A_397] {strides = array<i32>} : memref<2x128xi32, #tpu.memory_space<vmem>>, vector<1x16xi32>,
      %get3A_399 = vector.shape_cast %get3A_398 : vector<1x16xi32> to vector<16xi32>
      %add3A_400 = vector.broadcast %arg0 : i32 to vector<16xi32>
      %add3A_401 = arith.addi %get3A_399, %add3A_400 : vector<16xi32>
      %swap3A_402 = arith.constant 0 : i32
      %swap3A_403 = arith.index_cast %swap3A_402 : i32 to index
      %swap3A_404 = arith.constant 32 : index
      %swap3A_405 = tpu.vector_load %arg8[%swap3A_403, %swap3A_404] {strides = array<i32>} : memref<2x128xi32, #tpu.memory_space<vmem>>, vector<1x16xi32>,
      %swap3A_406 = vector.shape_cast %swap3A_405 : vector<1x16xi32> to vector<16xi32>
      %swap3A_407 = vector.shape_cast %add3A_401 : vector<16xi32> to vector<1x16xi32>
      tpu.vector_store %arg8[%swap3A_403, %swap3A_404], %swap3A_407 {strides = array<i32>} : memref<2x128xi32, #tpu.memory_space<vmem>>, vector<1x16xi32>,
      %get3A_408 = arith.constant 0 : i32
      %get3A_409 = arith.index_cast %get3A_408 : i32 to index
      %get3A_410 = arith.constant 48 : index
      %get3A_411 = tpu.vector_load %arg8[%get3A_409, %get3A_410] {strides = array<i32>} : memref<2x128xi32, #tpu.memory_space<vmem>>, vector<1x16xi32>,
      %get3A_412 = vector.shape_cast %get3A_411 : vector<1x16xi32> to vector<16xi32>
      %add3A_413 = vector.broadcast %arg0 : i32 to vector<16xi32>
      %add3A_414 = arith.addi %get3A_412, %add3A_413 : vector<16xi32>
      %swap3A_415 = arith.constant 0 : i32
      %swap3A_416 = arith.index_cast %swap3A_415 : i32 to index
      %swap3A_417 = arith.constant 48 : index
      %swap3A_418 = tpu.vector_load %arg8[%swap3A_416, %swap3A_417] {strides = array<i32>} : memref<2x128xi32, #tpu.memory_space<vmem>>, vector<1x16xi32>,
      %swap3A_419 = vector.shape_cast %swap3A_418 : vector<1x16xi32> to vector<16xi32>
      %swap3A_420 = vector.shape_cast %add3A_414 : vector<16xi32> to vector<1x16xi32>
      tpu.vector_store %arg8[%swap3A_416, %swap3A_417], %swap3A_420 {strides = array<i32>} : memref<2x128xi32, #tpu.memory_space<vmem>>, vector<1x16xi32>,
      %get3A_421 = arith.constant 0 : i32
      %get3A_422 = arith.index_cast %get3A_421 : i32 to index
      %get3A_423 = arith.constant 64 : index
      %get3A_424 = tpu.vector_load %arg8[%get3A_422, %get3A_423] {strides = array<i32>} : memref<2x128xi32, #tpu.memory_space<vmem>>, vector<1x16xi32>,
      %get3A_425 = vector.shape_cast %get3A_424 : vector<1x16xi32> to vector<16xi32>
      %add3A_426 = vector.broadcast %arg0 : i32 to vector<16xi32>
      %add3A_427 = arith.addi %get3A_425, %add3A_426 : vector<16xi32>
      %swap3A_428 = arith.constant 0 : i32
      %swap3A_429 = arith.index_cast %swap3A_428 : i32 to index
      %swap3A_430 = arith.constant 64 : index
      %swap3A_431 = tpu.vector_load %arg8[%swap3A_429, %swap3A_430] {strides = array<i32>} : memref<2x128xi32, #tpu.memory_space<vmem>>, vector<1x16xi32>,
      %swap3A_432 = vector.shape_cast %swap3A_431 : vector<1x16xi32> to vector<16xi32>
      %swap3A_433 = vector.shape_cast %add3A_427 : vector<16xi32> to vector<1x16xi32>
      tpu.vector_store %arg8[%swap3A_429, %swap3A_430], %swap3A_433 {strides = array<i32>} : memref<2x128xi32, #tpu.memory_space<vmem>>, vector<1x16xi32>,
      %get3A_434 = arith.constant 0 : i32
      %get3A_435 = arith.index_cast %get3A_434 : i32 to index
      %get3A_436 = arith.constant 80 : index
      %get3A_437 = tpu.vector_load %arg8[%get3A_435, %get3A_436] {strides = array<i32>} : memref<2x128xi32, #tpu.memory_space<vmem>>, vector<1x16xi32>,
      %get3A_438 = vector.shape_cast %get3A_437 : vector<1x16xi32> to vector<16xi32>
      %add3A_439 = vector.broadcast %arg0 : i32 to vector<16xi32>
      %add3A_440 = arith.addi %get3A_438, %add3A_439 : vector<16xi32>
      %swap3A_441 = arith.constant 0 : i32
      %swap3A_442 = arith.index_cast %swap3A_441 : i32 to index
      %swap3A_443 = arith.constant 80 : index
      %swap3A_444 = tpu.vector_load %arg8[%swap3A_442, %swap3A_443] {strides = array<i32>} : memref<2x128xi32, #tpu.memory_space<vmem>>, vector<1x16xi32>,
      %swap3A_445 = vector.shape_cast %swap3A_444 : vector<1x16xi32> to vector<16xi32>
      %swap3A_446 = vector.shape_cast %add3A_440 : vector<16xi32> to vector<1x16xi32>
      tpu.vector_store %arg8[%swap3A_442, %swap3A_443], %swap3A_446 {strides = array<i32>} : memref<2x128xi32, #tpu.memory_space<vmem>>, vector<1x16xi32>,
      %get3A_447 = arith.constant 0 : i32
      %get3A_448 = arith.index_cast %get3A_447 : i32 to index
      %get3A_449 = arith.constant 96 : index
      %get3A_450 = tpu.vector_load %arg8[%get3A_448, %get3A_449] {strides = array<i32>} : memref<2x128xi32, #tpu.memory_space<vmem>>, vector<1x16xi32>,
      %get3A_451 = vector.shape_cast %get3A_450 : vector<1x16xi32> to vector<16xi32>
      %add3A_452 = vector.broadcast %arg0 : i32 to vector<16xi32>
      %add3A_453 = arith.addi %get3A_451, %add3A_452 : vector<16xi32>
      %swap3A_454 = arith.constant 0 : i32
      %swap3A_455 = arith.index_cast %swap3A_454 : i32 to index
      %swap3A_456 = arith.constant 96 : index
      %swap3A_457 = tpu.vector_load %arg8[%swap3A_455, %swap3A_456] {strides = array<i32>} : memref<2x128xi32, #tpu.memory_space<vmem>>, vector<1x16xi32>,
      %swap3A_458 = vector.shape_cast %swap3A_457 : vector<1x16xi32> to vector<16xi32>
      %swap3A_459 = vector.shape_cast %add3A_453 : vector<16xi32> to vector<1x16xi32>
      tpu.vector_store %arg8[%swap3A_455, %swap3A_456], %swap3A_459 {strides = array<i32>} : memref<2x128xi32, #tpu.memory_space<vmem>>, vector<1x16xi32>,
      %get3A_460 = arith.constant 0 : i32
      %get3A_461 = arith.index_cast %get3A_460 : i32 to index
      %get3A_462 = arith.constant 112 : index
      %get3A_463 = tpu.vector_load %arg8[%get3A_461, %get3A_462] {strides = array<i32>} : memref<2x128xi32, #tpu.memory_space<vmem>>, vector<1x16xi32>,
      %get3A_464 = vector.shape_cast %get3A_463 : vector<1x16xi32> to vector<16xi32>
      %add3A_465 = vector.broadcast %arg0 : i32 to vector<16xi32>
      %add3A_466 = arith.addi %get3A_464, %add3A_465 : vector<16xi32>
      %swap3A_467 = arith.constant 0 : i32
      %swap3A_468 = arith.index_cast %swap3A_467 : i32 to index
      %swap3A_469 = arith.constant 112 : index
      %swap3A_470 = tpu.vector_load %arg8[%swap3A_468, %swap3A_469] {strides = array<i32>} : memref<2x128xi32, #tpu.memory_space<vmem>>, vector<1x16xi32>,
      %swap3A_471 = vector.shape_cast %swap3A_470 : vector<1x16xi32> to vector<16xi32>
      %swap3A_472 = vector.shape_cast %add3A_466 : vector<16xi32> to vector<1x16xi32>
      tpu.vector_store %arg8[%swap3A_468, %swap3A_469], %swap3A_472 {strides = array<i32>} : memref<2x128xi32, #tpu.memory_space<vmem>>, vector<1x16xi32>,
      %dma_start3A_473 = arith.constant 0 : i32
      %dma_start3A_474 = arith.constant 0 : i32
      %dma_start3A_475 = arith.constant 0 : i32
      %dma_start3A_476 = arith.constant 0 : i32
      %dma_start3A_477 = tpu.memref_slice %arg10[%dma_start3A_474, %dma_start3A_475, %dma_start3A_476] : memref<2x128x128xf32, #tpu.memory_space<vmem>> -> memref<1x128x128xf32, #tpu.memory_space<vmem>>
      %dma_start3A_478 = tpu.memref_squeeze %dma_start3A_477 : memref<1x128x128xf32, #tpu.memory_space<vmem>> -> memref<128x128xf32, #tpu.memory_space<vmem>>
      %dma_start3A_479 = arith.constant 0 : i32
      %dma_start3A_480 = tpu.memref_slice %arg8[%dma_start3A_473, %dma_start3A_479] : memref<2x128xi32, #tpu.memory_space<vmem>> -> memref<1x128xi32, #tpu.memory_space<vmem>>
      %dma_start3A_481 = tpu.memref_squeeze %dma_start3A_480 : memref<1x128xi32, #tpu.memory_space<vmem>> -> memref<128xi32, #tpu.memory_space<vmem>>
      %dma_start3A_482 = arith.constant 0 : i32
      %dma_start3A_483 = arith.constant 0 : i32
      %dma_start3A_484 = tpu.memref_slice %arg2[%dma_start3A_482, %dma_start3A_483] : memref<20016x128xf32, #tpu.memory_space<hbm>> -> memref<20016x128xf32, #tpu.memory_space<hbm>>
      tpu.enqueue_indirect_dma source(%dma_start3A_484 : memref<20016x128xf32, #tpu.memory_space<hbm>>) target(%dma_start3A_478 : memref<128x128xf32, #tpu.memory_space<vmem>>) offsets(%dma_start3A_481 : memref<128xi32, #tpu.memory_space<vmem>>) semaphore(%arg12 : memref<!tpu.dma_semaphore, #tpu.memory_space<semaphore_mem>>)
      %dma_wait3A_485 = arith.constant 1 : i32
      %dma_wait3A_486 = arith.constant 1 : i32
      %dma_wait3A_487 = arith.constant 0 : i32
      %dma_wait3A_488 = arith.constant 0 : i32
      %dma_wait3A_489 = tpu.memref_slice %arg10[%dma_wait3A_486, %dma_wait3A_487, %dma_wait3A_488] : memref<2x128x128xf32, #tpu.memory_space<vmem>> -> memref<1x128x128xf32, #tpu.memory_space<vmem>>
      %dma_wait3A_490 = tpu.memref_squeeze %dma_wait3A_489 : memref<1x128x128xf32, #tpu.memory_space<vmem>> -> memref<128x128xf32, #tpu.memory_space<vmem>>
      %dma_wait3A_491 = arith.constant 0 : i32
      %dma_wait3A_492 = tpu.memref_slice %arg8[%dma_wait3A_485, %dma_wait3A_491] : memref<2x128xi32, #tpu.memory_space<vmem>> -> memref<1x128xi32, #tpu.memory_space<vmem>>
      %dma_wait3A_493 = tpu.memref_squeeze %dma_wait3A_492 : memref<1x128xi32, #tpu.memory_space<vmem>> -> memref<128xi32, #tpu.memory_space<vmem>>
      %dma_wait3A_494 = arith.constant 0 : i32
      %dma_wait3A_495 = arith.constant 0 : i32
      %dma_wait3A_496 = tpu.memref_slice %arg2[%dma_wait3A_494, %dma_wait3A_495] : memref<20016x128xf32, #tpu.memory_space<hbm>> -> memref<20016x128xf32, #tpu.memory_space<hbm>>
      tpu.wait_indirect_dma semaphore(%arg12 : memref<!tpu.dma_semaphore, #tpu.memory_space<semaphore_mem>>) src(%dma_wait3A_496 : memref<20016x128xf32, #tpu.memory_space<hbm>>) dst(%dma_wait3A_490 : memref<128x128xf32, #tpu.memory_space<vmem>>)
      %run_scoped3A_497 = arith.constant 1 : i32
      %run_scoped3A_498 = arith.constant 1 : i32
      "tpu.region"() ({
        %run_scoped3A_499 = tpu.sem_alloc : memref<!tpu.dma_semaphore, #tpu.memory_space<semaphore_mem>>
        %dma_start3A_500 = arith.constant 0 : i32
        %dma_start3A_501 = arith.constant 0 : i32
        %dma_start3A_502 = tpu.memref_slice %arg10[%run_scoped3A_497, %dma_start3A_500, %dma_start3A_501] : memref<2x128x128xf32, #tpu.memory_space<vmem>> -> memref<1x128x128xf32, #tpu.memory_space<vmem>>
        %dma_start3A_503 = tpu.memref_squeeze %dma_start3A_502 : memref<1x128x128xf32, #tpu.memory_space<vmem>> -> memref<128x128xf32, #tpu.memory_space<vmem>>
        %dma_start3A_504 = arith.constant 0 : i32
        %dma_start3A_505 = tpu.memref_slice %arg9[%run_scoped3A_498, %dma_start3A_504] : memref<2x128xi32, #tpu.memory_space<vmem>> -> memref<1x128xi32, #tpu.memory_space<vmem>>
        %dma_start3A_506 = tpu.memref_squeeze %dma_start3A_505 : memref<1x128xi32, #tpu.memory_space<vmem>> -> memref<128xi32, #tpu.memory_space<vmem>>
        %dma_start3A_507 = arith.constant 0 : i32
        %dma_start3A_508 = arith.constant 0 : i32
        %dma_start3A_509 = tpu.memref_slice %arg11[%dma_start3A_507, %dma_start3A_508] : memref<10240x128xf32, #tpu.memory_space<vmem_shared>> -> memref<10240x128xf32, #tpu.memory_space<vmem_shared>>
        tpu.enqueue_indirect_dma source(%dma_start3A_503 : memref<128x128xf32, #tpu.memory_space<vmem>>) target(%dma_start3A_509 : memref<10240x128xf32, #tpu.memory_space<vmem_shared>>) offsets(%dma_start3A_506 : memref<128xi32, #tpu.memory_space<vmem>>) semaphore(%run_scoped3A_499 : memref<!tpu.dma_semaphore, #tpu.memory_space<semaphore_mem>>) {add = true}
        %dma_wait3A_510 = arith.constant 0 : i32
        %dma_wait3A_511 = arith.constant 0 : i32
        %dma_wait3A_512 = tpu.memref_slice %arg10[%run_scoped3A_497, %dma_wait3A_510, %dma_wait3A_511] : memref<2x128x128xf32, #tpu.memory_space<vmem>> -> memref<1x128x128xf32, #tpu.memory_space<vmem>>
        %dma_wait3A_513 = tpu.memref_squeeze %dma_wait3A_512 : memref<1x128x128xf32, #tpu.memory_space<vmem>> -> memref<128x128xf32, #tpu.memory_space<vmem>>
        %dma_wait3A_514 = arith.constant 0 : i32
        %dma_wait3A_515 = tpu.memref_slice %arg9[%run_scoped3A_498, %dma_wait3A_514] : memref<2x128xi32, #tpu.memory_space<vmem>> -> memref<1x128xi32, #tpu.memory_space<vmem>>
        %dma_wait3A_516 = tpu.memref_squeeze %dma_wait3A_515 : memref<1x128xi32, #tpu.memory_space<vmem>> -> memref<128xi32, #tpu.memory_space<vmem>>
        %dma_wait3A_517 = arith.constant 0 : i32
        %dma_wait3A_518 = arith.constant 0 : i32
        %dma_wait3A_519 = tpu.memref_slice %arg11[%dma_wait3A_517, %dma_wait3A_518] : memref<10240x128xf32, #tpu.memory_space<vmem_shared>> -> memref<10240x128xf32, #tpu.memory_space<vmem_shared>>
        tpu.wait_indirect_dma semaphore(%run_scoped3A_499 : memref<!tpu.dma_semaphore, #tpu.memory_space<semaphore_mem>>) src(%dma_wait3A_513 : memref<128x128xf32, #tpu.memory_space<vmem>>) dst(%dma_wait3A_519 : memref<10240x128xf32, #tpu.memory_space<vmem_shared>>)
        tpu.yield
      }) : () -> ()
    }
    %scan3A_137 = arith.constant 40 : i32
    %dma_wait3A = arith.constant 0 : i32
    %dma_wait3A_138 = arith.constant 0 : i32
    %dma_wait3A_139 = arith.constant 0 : i32
    %dma_wait3A_140 = arith.constant 0 : i32
    %dma_wait3A_141 = tpu.memref_slice %arg10[%dma_wait3A_138, %dma_wait3A_139, %dma_wait3A_140] : memref<2x128x128xf32, #tpu.memory_space<vmem>> -> memref<1x128x128xf32, #tpu.memory_space<vmem>>
    %dma_wait3A_142 = tpu.memref_squeeze %dma_wait3A_141 : memref<1x128x128xf32, #tpu.memory_space<vmem>> -> memref<128x128xf32, #tpu.memory_space<vmem>>
    %dma_wait3A_143 = arith.constant 0 : i32
    %dma_wait3A_144 = tpu.memref_slice %arg8[%dma_wait3A, %dma_wait3A_143] : memref<2x128xi32, #tpu.memory_space<vmem>> -> memref<1x128xi32, #tpu.memory_space<vmem>>
    %dma_wait3A_145 = tpu.memref_squeeze %dma_wait3A_144 : memref<1x128xi32, #tpu.memory_space<vmem>> -> memref<128xi32, #tpu.memory_space<vmem>>
    %dma_wait3A_146 = arith.constant 0 : i32
    %dma_wait3A_147 = arith.constant 0 : i32
    %dma_wait3A_148 = tpu.memref_slice %arg2[%dma_wait3A_146, %dma_wait3A_147] : memref<20016x128xf32, #tpu.memory_space<hbm>> -> memref<20016x128xf32, #tpu.memory_space<hbm>>
    tpu.wait_indirect_dma semaphore(%arg12 : memref<!tpu.dma_semaphore, #tpu.memory_space<semaphore_mem>>) src(%dma_wait3A_148 : memref<20016x128xf32, #tpu.memory_space<hbm>>) dst(%dma_wait3A_142 : memref<128x128xf32, #tpu.memory_space<vmem>>)
    %barrier3A_149 = arith.constant 0 : index
    tpu.barrier barrier_id(%barrier3A_149)
    %add3A_150 = arith.constant 0 : i32
    %add3A_151 = arith.addi %mul3A_0, %add3A_150 : i32
    %run_scoped3A_152 = arith.constant 0 : i32
    "tpu.region"() ({
      %run_scoped3A_212 = tpu.sem_alloc : memref<!tpu.dma_semaphore, #tpu.memory_space<semaphore_mem>>
      %dma_start3A_213 = arith.constant 0 : i32
      %dma_start3A_214 = arith.constant 0 : i32
      %dma_start3A_215 = tpu.memref_slice %arg10[%run_scoped3A_152, %dma_start3A_213, %dma_start3A_214] : memref<2x128x128xf32, #tpu.memory_space<vmem>> -> memref<1x128x128xf32, #tpu.memory_space<vmem>>
      %dma_start3A_216 = tpu.memref_squeeze %dma_start3A_215 : memref<1x128x128xf32, #tpu.memory_space<vmem>> -> memref<128x128xf32, #tpu.memory_space<vmem>>
      %dma_start3A_217 = arith.constant 0 : i32
      %dma_start3A_218 = tpu.memref_slice %arg11[%add3A_151, %dma_start3A_217] : memref<10240x128xf32, #tpu.memory_space<vmem_shared>> -> memref<128x128xf32, #tpu.memory_space<vmem_shared>>
      %dma_start3A_219 = arith.constant 0 : i32
      %dma_start3A_220 = arith.constant 0 : i32
      %dma_start3A_221 = tpu.memref_slice %arg10[%run_scoped3A_152, %dma_start3A_219, %dma_start3A_220] : memref<2x128x128xf32, #tpu.memory_space<vmem>> -> memref<1x128x128xf32, #tpu.memory_space<vmem>>
      %dma_start3A_222 = tpu.memref_squeeze %dma_start3A_221 : memref<1x128x128xf32, #tpu.memory_space<vmem>> -> memref<128x128xf32, #tpu.memory_space<vmem>>
      %dma_start3A_223 = arith.constant 0 : i32
      %dma_start3A_224 = tpu.memref_slice %arg11[%add3A_151, %dma_start3A_223] : memref<10240x128xf32, #tpu.memory_space<vmem_shared>> -> memref<128x128xf32, #tpu.memory_space<vmem_shared>>
      tpu.enqueue_dma source(%dma_start3A_224 : memref<128x128xf32, #tpu.memory_space<vmem_shared>>) target(%dma_start3A_222 : memref<128x128xf32, #tpu.memory_space<vmem>>) target_semaphore(%run_scoped3A_212 : memref<!tpu.dma_semaphore, #tpu.memory_space<semaphore_mem>>)
      %dma_wait3A_225 = arith.constant 0 : i32
      %dma_wait3A_226 = arith.constant 0 : i32
      %dma_wait3A_227 = tpu.memref_slice %arg10[%run_scoped3A_152, %dma_wait3A_225, %dma_wait3A_226] : memref<2x128x128xf32, #tpu.memory_space<vmem>> -> memref<1x128x128xf32, #tpu.memory_space<vmem>>
      %dma_wait3A_228 = tpu.memref_squeeze %dma_wait3A_227 : memref<1x128x128xf32, #tpu.memory_space<vmem>> -> memref<128x128xf32, #tpu.memory_space<vmem>>
      %dma_wait3A_229 = arith.constant 0 : i32
      %dma_wait3A_230 = tpu.memref_slice %arg11[%add3A_151, %dma_wait3A_229] : memref<10240x128xf32, #tpu.memory_space<vmem_shared>> -> memref<128x128xf32, #tpu.memory_space<vmem_shared>>
      %dma_wait3A_231 = arith.constant 0 : i32
      %dma_wait3A_232 = arith.constant 0 : i32
      %dma_wait3A_233 = tpu.memref_slice %arg10[%run_scoped3A_152, %dma_wait3A_231, %dma_wait3A_232] : memref<2x128x128xf32, #tpu.memory_space<vmem>> -> memref<1x128x128xf32, #tpu.memory_space<vmem>>
      %dma_wait3A_234 = tpu.memref_squeeze %dma_wait3A_233 : memref<1x128x128xf32, #tpu.memory_space<vmem>> -> memref<128x128xf32, #tpu.memory_space<vmem>>
      %dma_wait3A_235 = arith.constant 0 : i32
      %dma_wait3A_236 = tpu.memref_slice %arg11[%add3A_151, %dma_wait3A_235] : memref<10240x128xf32, #tpu.memory_space<vmem_shared>> -> memref<128x128xf32, #tpu.memory_space<vmem_shared>>
      tpu.wait_dma2 semaphore(%run_scoped3A_212 : memref<!tpu.dma_semaphore, #tpu.memory_space<semaphore_mem>>) src(%dma_wait3A_236 : memref<128x128xf32, #tpu.memory_space<vmem_shared>>) dst(%dma_wait3A_234 : memref<128x128xf32, #tpu.memory_space<vmem>>)
      tpu.yield
    }) : () -> ()
    %eq3A = arith.constant 0 : i32
    %eq3A_153 = arith.cmpi eq, %arg0, %eq3A : i32
    %convert_element_type3A = arith.extui %eq3A_153 : i1 to i32
    %cond3A = arith.constant 0 : i32
    %cond3A_154 = arith.cmpi ne, %convert_element_type3A, %cond3A : i32
    scf.if %cond3A_154 {
      %run_scoped3A_212 = arith.constant 0 : i32
      "tpu.region"() ({
        %run_scoped3A_213 = tpu.sem_alloc : memref<!tpu.dma_semaphore, #tpu.memory_space<semaphore_mem>>
        %dma_start3A_214 = arith.constant 0 : i32
        %dma_start3A_215 = arith.constant 0 : i32
        %dma_start3A_216 = tpu.memref_slice %arg10[%run_scoped3A_212, %dma_start3A_214, %dma_start3A_215] : memref<2x128x128xf32, #tpu.memory_space<vmem>> -> memref<1x128x128xf32, #tpu.memory_space<vmem>>
        %dma_start3A_217 = tpu.memref_squeeze %dma_start3A_216 : memref<1x128x128xf32, #tpu.memory_space<vmem>> -> memref<128x128xf32, #tpu.memory_space<vmem>>
        %dma_start3A_218 = arith.constant 0 : i32
        %dma_start3A_219 = tpu.memref_slice %arg6[%add3A_151, %dma_start3A_218] : memref<10240x128xf32, #tpu.memory_space<hbm>> -> memref<128x128xf32, #tpu.memory_space<hbm>>
        %dma_start3A_220 = arith.constant 0 : i32
        %dma_start3A_221 = tpu.memref_slice %arg6[%add3A_151, %dma_start3A_220] : memref<10240x128xf32, #tpu.memory_space<hbm>> -> memref<128x128xf32, #tpu.memory_space<hbm>>
        %dma_start3A_222 = arith.constant 0 : i32
        %dma_start3A_223 = arith.constant 0 : i32
        %dma_start3A_224 = tpu.memref_slice %arg10[%run_scoped3A_212, %dma_start3A_222, %dma_start3A_223] : memref<2x128x128xf32, #tpu.memory_space<vmem>> -> memref<1x128x128xf32, #tpu.memory_space<vmem>>
        %dma_start3A_225 = tpu.memref_squeeze %dma_start3A_224 : memref<1x128x128xf32, #tpu.memory_space<vmem>> -> memref<128x128xf32, #tpu.memory_space<vmem>>
        tpu.enqueue_dma source(%dma_start3A_225 : memref<128x128xf32, #tpu.memory_space<vmem>>) target(%dma_start3A_221 : memref<128x128xf32, #tpu.memory_space<hbm>>) target_semaphore(%run_scoped3A_213 : memref<!tpu.dma_semaphore, #tpu.memory_space<semaphore_mem>>)
        %dma_wait3A_226 = arith.constant 0 : i32
        %dma_wait3A_227 = arith.constant 0 : i32
        %dma_wait3A_228 = tpu.memref_slice %arg10[%run_scoped3A_212, %dma_wait3A_226, %dma_wait3A_227] : memref<2x128x128xf32, #tpu.memory_space<vmem>> -> memref<1x128x128xf32, #tpu.memory_space<vmem>>
        %dma_wait3A_229 = tpu.memref_squeeze %dma_wait3A_228 : memref<1x128x128xf32, #tpu.memory_space<vmem>> -> memref<128x128xf32, #tpu.memory_space<vmem>>
        %dma_wait3A_230 = arith.constant 0 : i32
        %dma_wait3A_231 = tpu.memref_slice %arg6[%add3A_151, %dma_wait3A_230] : memref<10240x128xf32, #tpu.memory_space<hbm>> -> memref<128x128xf32, #tpu.memory_space<hbm>>
        %dma_wait3A_232 = arith.constant 0 : i32
        %dma_wait3A_233 = tpu.memref_slice %arg6[%add3A_151, %dma_wait3A_232] : memref<10240x128xf32, #tpu.memory_space<hbm>> -> memref<128x128xf32, #tpu.memory_space<hbm>>
        %dma_wait3A_234 = arith.constant 0 : i32
        %dma_wait3A_235 = arith.constant 0 : i32
        %dma_wait3A_236 = tpu.memref_slice %arg10[%run_scoped3A_212, %dma_wait3A_234, %dma_wait3A_235] : memref<2x128x128xf32, #tpu.memory_space<vmem>> -> memref<1x128x128xf32, #tpu.memory_space<vmem>>
        %dma_wait3A_237 = tpu.memref_squeeze %dma_wait3A_236 : memref<1x128x128xf32, #tpu.memory_space<vmem>> -> memref<128x128xf32, #tpu.memory_space<vmem>>
        tpu.wait_dma2 semaphore(%run_scoped3A_213 : memref<!tpu.dma_semaphore, #tpu.memory_space<semaphore_mem>>) src(%dma_wait3A_237 : memref<128x128xf32, #tpu.memory_space<vmem>>) dst(%dma_wait3A_233 : memref<128x128xf32, #tpu.memory_space<hbm>>)
        tpu.yield
      }) : () -> ()
    } else {
    }
    %eq3A_155 = arith.constant 1 : i32
    %eq3A_156 = arith.cmpi eq, %arg0, %eq3A_155 : i32
    %convert_element_type3A_157 = arith.extui %eq3A_156 : i1 to i32
    %cond3A_158 = arith.constant 0 : i32
    %cond3A_159 = arith.cmpi ne, %convert_element_type3A_157, %cond3A_158 : i32
    scf.if %cond3A_159 {
      %run_scoped3A_212 = arith.constant 0 : i32
      "tpu.region"() ({
        %run_scoped3A_213 = tpu.sem_alloc : memref<!tpu.dma_semaphore, #tpu.memory_space<semaphore_mem>>
        %dma_start3A_214 = arith.constant 0 : i32
        %dma_start3A_215 = arith.constant 0 : i32
        %dma_start3A_216 = tpu.memref_slice %arg10[%run_scoped3A_212, %dma_start3A_214, %dma_start3A_215] : memref<2x128x128xf32, #tpu.memory_space<vmem>> -> memref<1x128x128xf32, #tpu.memory_space<vmem>>
        %dma_start3A_217 = tpu.memref_squeeze %dma_start3A_216 : memref<1x128x128xf32, #tpu.memory_space<vmem>> -> memref<128x128xf32, #tpu.memory_space<vmem>>
        %dma_start3A_218 = arith.constant 0 : i32
        %dma_start3A_219 = tpu.memref_slice %arg7[%add3A_151, %dma_start3A_218] : memref<10240x128xf32, #tpu.memory_space<hbm>> -> memref<128x128xf32, #tpu.memory_space<hbm>>
        %dma_start3A_220 = arith.constant 0 : i32
        %dma_start3A_221 = tpu.memref_slice %arg7[%add3A_151, %dma_start3A_220] : memref<10240x128xf32, #tpu.memory_space<hbm>> -> memref<128x128xf32, #tpu.memory_space<hbm>>
        %dma_start3A_222 = arith.constant 0 : i32
        %dma_start3A_223 = arith.constant 0 : i32
        %dma_start3A_224 = tpu.memref_slice %arg10[%run_scoped3A_212, %dma_start3A_222, %dma_start3A_223] : memref<2x128x128xf32, #tpu.memory_space<vmem>> -> memref<1x128x128xf32, #tpu.memory_space<vmem>>
        %dma_start3A_225 = tpu.memref_squeeze %dma_start3A_224 : memref<1x128x128xf32, #tpu.memory_space<vmem>> -> memref<128x128xf32, #tpu.memory_space<vmem>>
        tpu.enqueue_dma source(%dma_start3A_225 : memref<128x128xf32, #tpu.memory_space<vmem>>) target(%dma_start3A_221 : memref<128x128xf32, #tpu.memory_space<hbm>>) target_semaphore(%run_scoped3A_213 : memref<!tpu.dma_semaphore, #tpu.memory_space<semaphore_mem>>)
        %dma_wait3A_226 = arith.constant 0 : i32
        %dma_wait3A_227 = arith.constant 0 : i32
        %dma_wait3A_228 = tpu.memref_slice %arg10[%run_scoped3A_212, %dma_wait3A_226, %dma_wait3A_227] : memref<2x128x128xf32, #tpu.memory_space<vmem>> -> memref<1x128x128xf32, #tpu.memory_space<vmem>>
        %dma_wait3A_229 = tpu.memref_squeeze %dma_wait3A_228 : memref<1x128x128xf32, #tpu.memory_space<vmem>> -> memref<128x128xf32, #tpu.memory_space<vmem>>
        %dma_wait3A_230 = arith.constant 0 : i32
        %dma_wait3A_231 = tpu.memref_slice %arg7[%add3A_151, %dma_wait3A_230] : memref<10240x128xf32, #tpu.memory_space<hbm>> -> memref<128x128xf32, #tpu.memory_space<hbm>>
        %dma_wait3A_232 = arith.constant 0 : i32
        %dma_wait3A_233 = tpu.memref_slice %arg7[%add3A_151, %dma_wait3A_232] : memref<10240x128xf32, #tpu.memory_space<hbm>> -> memref<128x128xf32, #tpu.memory_space<hbm>>
        %dma_wait3A_234 = arith.constant 0 : i32
        %dma_wait3A_235 = arith.constant 0 : i32
        %dma_wait3A_236 = tpu.memref_slice %arg10[%run_scoped3A_212, %dma_wait3A_234, %dma_wait3A_235] : memref<2x128x128xf32, #tpu.memory_space<vmem>> -> memref<1x128x128xf32, #tpu.memory_space<vmem>>
        %dma_wait3A_237 = tpu.memref_squeeze %dma_wait3A_236 : memref<1x128x128xf32, #tpu.memory_space<vmem>> -> memref<128x128xf32, #tpu.memory_space<vmem>>
        tpu.wait_dma2 semaphore(%run_scoped3A_213 : memref<!tpu.dma_semaphore, #tpu.memory_space<semaphore_mem>>) src(%dma_wait3A_237 : memref<128x128xf32, #tpu.memory_space<vmem>>) dst(%dma_wait3A_233 : memref<128x128xf32, #tpu.memory_space<hbm>>)
        tpu.yield
      }) : () -> ()
    } else {
    }
    %add3A_160 = arith.constant 128 : i32
    %add3A_161 = arith.addi %mul3A_0, %add3A_160 : i32
    %run_scoped3A_162 = arith.constant 0 : i32
    "tpu.region"() ({
      %run_scoped3A_212 = tpu.sem_alloc : memref<!tpu.dma_semaphore, #tpu.memory_space<semaphore_mem>>
      %dma_start3A_213 = arith.constant 0 : i32
      %dma_start3A_214 = arith.constant 0 : i32
      %dma_start3A_215 = tpu.memref_slice %arg10[%run_scoped3A_162, %dma_start3A_213, %dma_start3A_214] : memref<2x128x128xf32, #tpu.memory_space<vmem>> -> memref<1x128x128xf32, #tpu.memory_space<vmem>>
      %dma_start3A_216 = tpu.memref_squeeze %dma_start3A_215 : memref<1x128x128xf32, #tpu.memory_space<vmem>> -> memref<128x128xf32, #tpu.memory_space<vmem>>
      %dma_start3A_217 = arith.constant 0 : i32
      %dma_start3A_218 = tpu.memref_slice %arg11[%add3A_161, %dma_start3A_217] : memref<10240x128xf32, #tpu.memory_space<vmem_shared>> -> memref<128x128xf32, #tpu.memory_space<vmem_shared>>
      %dma_start3A_219 = arith.constant 0 : i32
      %dma_start3A_220 = arith.constant 0 : i32
      %dma_start3A_221 = tpu.memref_slice %arg10[%run_scoped3A_162, %dma_start3A_219, %dma_start3A_220] : memref<2x128x128xf32, #tpu.memory_space<vmem>> -> memref<1x128x128xf32, #tpu.memory_space<vmem>>
      %dma_start3A_222 = tpu.memref_squeeze %dma_start3A_221 : memref<1x128x128xf32, #tpu.memory_space<vmem>> -> memref<128x128xf32, #tpu.memory_space<vmem>>
      %dma_start3A_223 = arith.constant 0 : i32
      %dma_start3A_224 = tpu.memref_slice %arg11[%add3A_161, %dma_start3A_223] : memref<10240x128xf32, #tpu.memory_space<vmem_shared>> -> memref<128x128xf32, #tpu.memory_space<vmem_shared>>
      tpu.enqueue_dma source(%dma_start3A_224 : memref<128x128xf32, #tpu.memory_space<vmem_shared>>) target(%dma_start3A_222 : memref<128x128xf32, #tpu.memory_space<vmem>>) target_semaphore(%run_scoped3A_212 : memref<!tpu.dma_semaphore, #tpu.memory_space<semaphore_mem>>)
      %dma_wait3A_225 = arith.constant 0 : i32
      %dma_wait3A_226 = arith.constant 0 : i32
      %dma_wait3A_227 = tpu.memref_slice %arg10[%run_scoped3A_162, %dma_wait3A_225, %dma_wait3A_226] : memref<2x128x128xf32, #tpu.memory_space<vmem>> -> memref<1x128x128xf32, #tpu.memory_space<vmem>>
      %dma_wait3A_228 = tpu.memref_squeeze %dma_wait3A_227 : memref<1x128x128xf32, #tpu.memory_space<vmem>> -> memref<128x128xf32, #tpu.memory_space<vmem>>
      %dma_wait3A_229 = arith.constant 0 : i32
      %dma_wait3A_230 = tpu.memref_slice %arg11[%add3A_161, %dma_wait3A_229] : memref<10240x128xf32, #tpu.memory_space<vmem_shared>> -> memref<128x128xf32, #tpu.memory_space<vmem_shared>>
      %dma_wait3A_231 = arith.constant 0 : i32
      %dma_wait3A_232 = arith.constant 0 : i32
      %dma_wait3A_233 = tpu.memref_slice %arg10[%run_scoped3A_162, %dma_wait3A_231, %dma_wait3A_232] : memref<2x128x128xf32, #tpu.memory_space<vmem>> -> memref<1x128x128xf32, #tpu.memory_space<vmem>>
      %dma_wait3A_234 = tpu.memref_squeeze %dma_wait3A_233 : memref<1x128x128xf32, #tpu.memory_space<vmem>> -> memref<128x128xf32, #tpu.memory_space<vmem>>
      %dma_wait3A_235 = arith.constant 0 : i32
      %dma_wait3A_236 = tpu.memref_slice %arg11[%add3A_161, %dma_wait3A_235] : memref<10240x128xf32, #tpu.memory_space<vmem_shared>> -> memref<128x128xf32, #tpu.memory_space<vmem_shared>>
      tpu.wait_dma2 semaphore(%run_scoped3A_212 : memref<!tpu.dma_semaphore, #tpu.memory_space<semaphore_mem>>) src(%dma_wait3A_236 : memref<128x128xf32, #tpu.memory_space<vmem_shared>>) dst(%dma_wait3A_234 : memref<128x128xf32, #tpu.memory_space<vmem>>)
      tpu.yield
    }) : () -> ()
    %eq3A_163 = arith.constant 0 : i32
    %eq3A_164 = arith.cmpi eq, %arg0, %eq3A_163 : i32
    %convert_element_type3A_165 = arith.extui %eq3A_164 : i1 to i32
    %cond3A_166 = arith.constant 0 : i32
    %cond3A_167 = arith.cmpi ne, %convert_element_type3A_165, %cond3A_166 : i32
    scf.if %cond3A_167 {
      %run_scoped3A_212 = arith.constant 0 : i32
      "tpu.region"() ({
        %run_scoped3A_213 = tpu.sem_alloc : memref<!tpu.dma_semaphore, #tpu.memory_space<semaphore_mem>>
        %dma_start3A_214 = arith.constant 0 : i32
        %dma_start3A_215 = arith.constant 0 : i32
        %dma_start3A_216 = tpu.memref_slice %arg10[%run_scoped3A_212, %dma_start3A_214, %dma_start3A_215] : memref<2x128x128xf32, #tpu.memory_space<vmem>> -> memref<1x128x128xf32, #tpu.memory_space<vmem>>
        %dma_start3A_217 = tpu.memref_squeeze %dma_start3A_216 : memref<1x128x128xf32, #tpu.memory_space<vmem>> -> memref<128x128xf32, #tpu.memory_space<vmem>>
        %dma_start3A_218 = arith.constant 0 : i32
        %dma_start3A_219 = tpu.memref_slice %arg6[%add3A_161, %dma_start3A_218] : memref<10240x128xf32, #tpu.memory_space<hbm>> -> memref<128x128xf32, #tpu.memory_space<hbm>>
        %dma_start3A_220 = arith.constant 0 : i32
        %dma_start3A_221 = tpu.memref_slice %arg6[%add3A_161, %dma_start3A_220] : memref<10240x128xf32, #tpu.memory_space<hbm>> -> memref<128x128xf32, #tpu.memory_space<hbm>>
        %dma_start3A_222 = arith.constant 0 : i32
        %dma_start3A_223 = arith.constant 0 : i32
        %dma_start3A_224 = tpu.memref_slice %arg10[%run_scoped3A_212, %dma_start3A_222, %dma_start3A_223] : memref<2x128x128xf32, #tpu.memory_space<vmem>> -> memref<1x128x128xf32, #tpu.memory_space<vmem>>
        %dma_start3A_225 = tpu.memref_squeeze %dma_start3A_224 : memref<1x128x128xf32, #tpu.memory_space<vmem>> -> memref<128x128xf32, #tpu.memory_space<vmem>>
        tpu.enqueue_dma source(%dma_start3A_225 : memref<128x128xf32, #tpu.memory_space<vmem>>) target(%dma_start3A_221 : memref<128x128xf32, #tpu.memory_space<hbm>>) target_semaphore(%run_scoped3A_213 : memref<!tpu.dma_semaphore, #tpu.memory_space<semaphore_mem>>)
        %dma_wait3A_226 = arith.constant 0 : i32
        %dma_wait3A_227 = arith.constant 0 : i32
        %dma_wait3A_228 = tpu.memref_slice %arg10[%run_scoped3A_212, %dma_wait3A_226, %dma_wait3A_227] : memref<2x128x128xf32, #tpu.memory_space<vmem>> -> memref<1x128x128xf32, #tpu.memory_space<vmem>>
        %dma_wait3A_229 = tpu.memref_squeeze %dma_wait3A_228 : memref<1x128x128xf32, #tpu.memory_space<vmem>> -> memref<128x128xf32, #tpu.memory_space<vmem>>
        %dma_wait3A_230 = arith.constant 0 : i32
        %dma_wait3A_231 = tpu.memref_slice %arg6[%add3A_161, %dma_wait3A_230] : memref<10240x128xf32, #tpu.memory_space<hbm>> -> memref<128x128xf32, #tpu.memory_space<hbm>>
        %dma_wait3A_232 = arith.constant 0 : i32
        %dma_wait3A_233 = tpu.memref_slice %arg6[%add3A_161, %dma_wait3A_232] : memref<10240x128xf32, #tpu.memory_space<hbm>> -> memref<128x128xf32, #tpu.memory_space<hbm>>
        %dma_wait3A_234 = arith.constant 0 : i32
        %dma_wait3A_235 = arith.constant 0 : i32
        %dma_wait3A_236 = tpu.memref_slice %arg10[%run_scoped3A_212, %dma_wait3A_234, %dma_wait3A_235] : memref<2x128x128xf32, #tpu.memory_space<vmem>> -> memref<1x128x128xf32, #tpu.memory_space<vmem>>
        %dma_wait3A_237 = tpu.memref_squeeze %dma_wait3A_236 : memref<1x128x128xf32, #tpu.memory_space<vmem>> -> memref<128x128xf32, #tpu.memory_space<vmem>>
        tpu.wait_dma2 semaphore(%run_scoped3A_213 : memref<!tpu.dma_semaphore, #tpu.memory_space<semaphore_mem>>) src(%dma_wait3A_237 : memref<128x128xf32, #tpu.memory_space<vmem>>) dst(%dma_wait3A_233 : memref<128x128xf32, #tpu.memory_space<hbm>>)
        tpu.yield
      }) : () -> ()
    } else {
    }
    %eq3A_168 = arith.constant 1 : i32
    %eq3A_169 = arith.cmpi eq, %arg0, %eq3A_168 : i32
    %convert_element_type3A_170 = arith.extui %eq3A_169 : i1 to i32
    %cond3A_171 = arith.constant 0 : i32
    %cond3A_172 = arith.cmpi ne, %convert_element_type3A_170, %cond3A_171 : i32
    scf.if %cond3A_172 {
      %run_scoped3A_212 = arith.constant 0 : i32
      "tpu.region"() ({
        %run_scoped3A_213 = tpu.sem_alloc : memref<!tpu.dma_semaphore, #tpu.memory_space<semaphore_mem>>
        %dma_start3A_214 = arith.constant 0 : i32
        %dma_start3A_215 = arith.constant 0 : i32
        %dma_start3A_216 = tpu.memref_slice %arg10[%run_scoped3A_212, %dma_start3A_214, %dma_start3A_215] : memref<2x128x128xf32, #tpu.memory_space<vmem>> -> memref<1x128x128xf32, #tpu.memory_space<vmem>>
        %dma_start3A_217 = tpu.memref_squeeze %dma_start3A_216 : memref<1x128x128xf32, #tpu.memory_space<vmem>> -> memref<128x128xf32, #tpu.memory_space<vmem>>
        %dma_start3A_218 = arith.constant 0 : i32
        %dma_start3A_219 = tpu.memref_slice %arg7[%add3A_161, %dma_start3A_218] : memref<10240x128xf32, #tpu.memory_space<hbm>> -> memref<128x128xf32, #tpu.memory_space<hbm>>
        %dma_start3A_220 = arith.constant 0 : i32
        %dma_start3A_221 = tpu.memref_slice %arg7[%add3A_161, %dma_start3A_220] : memref<10240x128xf32, #tpu.memory_space<hbm>> -> memref<128x128xf32, #tpu.memory_space<hbm>>
        %dma_start3A_222 = arith.constant 0 : i32
        %dma_start3A_223 = arith.constant 0 : i32
        %dma_start3A_224 = tpu.memref_slice %arg10[%run_scoped3A_212, %dma_start3A_222, %dma_start3A_223] : memref<2x128x128xf32, #tpu.memory_space<vmem>> -> memref<1x128x128xf32, #tpu.memory_space<vmem>>
        %dma_start3A_225 = tpu.memref_squeeze %dma_start3A_224 : memref<1x128x128xf32, #tpu.memory_space<vmem>> -> memref<128x128xf32, #tpu.memory_space<vmem>>
        tpu.enqueue_dma source(%dma_start3A_225 : memref<128x128xf32, #tpu.memory_space<vmem>>) target(%dma_start3A_221 : memref<128x128xf32, #tpu.memory_space<hbm>>) target_semaphore(%run_scoped3A_213 : memref<!tpu.dma_semaphore, #tpu.memory_space<semaphore_mem>>)
        %dma_wait3A_226 = arith.constant 0 : i32
        %dma_wait3A_227 = arith.constant 0 : i32
        %dma_wait3A_228 = tpu.memref_slice %arg10[%run_scoped3A_212, %dma_wait3A_226, %dma_wait3A_227] : memref<2x128x128xf32, #tpu.memory_space<vmem>> -> memref<1x128x128xf32, #tpu.memory_space<vmem>>
        %dma_wait3A_229 = tpu.memref_squeeze %dma_wait3A_228 : memref<1x128x128xf32, #tpu.memory_space<vmem>> -> memref<128x128xf32, #tpu.memory_space<vmem>>
        %dma_wait3A_230 = arith.constant 0 : i32
        %dma_wait3A_231 = tpu.memref_slice %arg7[%add3A_161, %dma_wait3A_230] : memref<10240x128xf32, #tpu.memory_space<hbm>> -> memref<128x128xf32, #tpu.memory_space<hbm>>
        %dma_wait3A_232 = arith.constant 0 : i32
        %dma_wait3A_233 = tpu.memref_slice %arg7[%add3A_161, %dma_wait3A_232] : memref<10240x128xf32, #tpu.memory_space<hbm>> -> memref<128x128xf32, #tpu.memory_space<hbm>>
        %dma_wait3A_234 = arith.constant 0 : i32
        %dma_wait3A_235 = arith.constant 0 : i32
        %dma_wait3A_236 = tpu.memref_slice %arg10[%run_scoped3A_212, %dma_wait3A_234, %dma_wait3A_235] : memref<2x128x128xf32, #tpu.memory_space<vmem>> -> memref<1x128x128xf32, #tpu.memory_space<vmem>>
        %dma_wait3A_237 = tpu.memref_squeeze %dma_wait3A_236 : memref<1x128x128xf32, #tpu.memory_space<vmem>> -> memref<128x128xf32, #tpu.memory_space<vmem>>
        tpu.wait_dma2 semaphore(%run_scoped3A_213 : memref<!tpu.dma_semaphore, #tpu.memory_space<semaphore_mem>>) src(%dma_wait3A_237 : memref<128x128xf32, #tpu.memory_space<vmem>>) dst(%dma_wait3A_233 : memref<128x128xf32, #tpu.memory_space<hbm>>)
        tpu.yield
      }) : () -> ()
    } else {
    }
    %add3A_173 = arith.constant 256 : i32
    %add3A_174 = arith.addi %mul3A_0, %add3A_173 : i32
    %run_scoped3A_175 = arith.constant 0 : i32
    "tpu.region"() ({
      %run_scoped3A_212 = tpu.sem_alloc : memref<!tpu.dma_semaphore, #tpu.memory_space<semaphore_mem>>
      %dma_start3A_213 = arith.constant 0 : i32
      %dma_start3A_214 = arith.constant 0 : i32
      %dma_start3A_215 = tpu.memref_slice %arg10[%run_scoped3A_175, %dma_start3A_213, %dma_start3A_214] : memref<2x128x128xf32, #tpu.memory_space<vmem>> -> memref<1x128x128xf32, #tpu.memory_space<vmem>>
      %dma_start3A_216 = tpu.memref_squeeze %dma_start3A_215 : memref<1x128x128xf32, #tpu.memory_space<vmem>> -> memref<128x128xf32, #tpu.memory_space<vmem>>
      %dma_start3A_217 = arith.constant 0 : i32
      %dma_start3A_218 = tpu.memref_slice %arg11[%add3A_174, %dma_start3A_217] : memref<10240x128xf32, #tpu.memory_space<vmem_shared>> -> memref<128x128xf32, #tpu.memory_space<vmem_shared>>
      %dma_start3A_219 = arith.constant 0 : i32
      %dma_start3A_220 = arith.constant 0 : i32
      %dma_start3A_221 = tpu.memref_slice %arg10[%run_scoped3A_175, %dma_start3A_219, %dma_start3A_220] : memref<2x128x128xf32, #tpu.memory_space<vmem>> -> memref<1x128x128xf32, #tpu.memory_space<vmem>>
      %dma_start3A_222 = tpu.memref_squeeze %dma_start3A_221 : memref<1x128x128xf32, #tpu.memory_space<vmem>> -> memref<128x128xf32, #tpu.memory_space<vmem>>
      %dma_start3A_223 = arith.constant 0 : i32
      %dma_start3A_224 = tpu.memref_slice %arg11[%add3A_174, %dma_start3A_223] : memref<10240x128xf32, #tpu.memory_space<vmem_shared>> -> memref<128x128xf32, #tpu.memory_space<vmem_shared>>
      tpu.enqueue_dma source(%dma_start3A_224 : memref<128x128xf32, #tpu.memory_space<vmem_shared>>) target(%dma_start3A_222 : memref<128x128xf32, #tpu.memory_space<vmem>>) target_semaphore(%run_scoped3A_212 : memref<!tpu.dma_semaphore, #tpu.memory_space<semaphore_mem>>)
      %dma_wait3A_225 = arith.constant 0 : i32
      %dma_wait3A_226 = arith.constant 0 : i32
      %dma_wait3A_227 = tpu.memref_slice %arg10[%run_scoped3A_175, %dma_wait3A_225, %dma_wait3A_226] : memref<2x128x128xf32, #tpu.memory_space<vmem>> -> memref<1x128x128xf32, #tpu.memory_space<vmem>>
      %dma_wait3A_228 = tpu.memref_squeeze %dma_wait3A_227 : memref<1x128x128xf32, #tpu.memory_space<vmem>> -> memref<128x128xf32, #tpu.memory_space<vmem>>
      %dma_wait3A_229 = arith.constant 0 : i32
      %dma_wait3A_230 = tpu.memref_slice %arg11[%add3A_174, %dma_wait3A_229] : memref<10240x128xf32, #tpu.memory_space<vmem_shared>> -> memref<128x128xf32, #tpu.memory_space<vmem_shared>>
      %dma_wait3A_231 = arith.constant 0 : i32
      %dma_wait3A_232 = arith.constant 0 : i32
      %dma_wait3A_233 = tpu.memref_slice %arg10[%run_scoped3A_175, %dma_wait3A_231, %dma_wait3A_232] : memref<2x128x128xf32, #tpu.memory_space<vmem>> -> memref<1x128x128xf32, #tpu.memory_space<vmem>>
      %dma_wait3A_234 = tpu.memref_squeeze %dma_wait3A_233 : memref<1x128x128xf32, #tpu.memory_space<vmem>> -> memref<128x128xf32, #tpu.memory_space<vmem>>
      %dma_wait3A_235 = arith.constant 0 : i32
      %dma_wait3A_236 = tpu.memref_slice %arg11[%add3A_174, %dma_wait3A_235] : memref<10240x128xf32, #tpu.memory_space<vmem_shared>> -> memref<128x128xf32, #tpu.memory_space<vmem_shared>>
      tpu.wait_dma2 semaphore(%run_scoped3A_212 : memref<!tpu.dma_semaphore, #tpu.memory_space<semaphore_mem>>) src(%dma_wait3A_236 : memref<128x128xf32, #tpu.memory_space<vmem_shared>>) dst(%dma_wait3A_234 : memref<128x128xf32, #tpu.memory_space<vmem>>)
      tpu.yield
    }) : () -> ()
    %eq3A_176 = arith.constant 0 : i32
    %eq3A_177 = arith.cmpi eq, %arg0, %eq3A_176 : i32
    %convert_element_type3A_178 = arith.extui %eq3A_177 : i1 to i32
    %cond3A_179 = arith.constant 0 : i32
    %cond3A_180 = arith.cmpi ne, %convert_element_type3A_178, %cond3A_179 : i32
    scf.if %cond3A_180 {
      %run_scoped3A_212 = arith.constant 0 : i32
      "tpu.region"() ({
        %run_scoped3A_213 = tpu.sem_alloc : memref<!tpu.dma_semaphore, #tpu.memory_space<semaphore_mem>>
        %dma_start3A_214 = arith.constant 0 : i32
        %dma_start3A_215 = arith.constant 0 : i32
        %dma_start3A_216 = tpu.memref_slice %arg10[%run_scoped3A_212, %dma_start3A_214, %dma_start3A_215] : memref<2x128x128xf32, #tpu.memory_space<vmem>> -> memref<1x128x128xf32, #tpu.memory_space<vmem>>
        %dma_start3A_217 = tpu.memref_squeeze %dma_start3A_216 : memref<1x128x128xf32, #tpu.memory_space<vmem>> -> memref<128x128xf32, #tpu.memory_space<vmem>>
        %dma_start3A_218 = arith.constant 0 : i32
        %dma_start3A_219 = tpu.memref_slice %arg6[%add3A_174, %dma_start3A_218] : memref<10240x128xf32, #tpu.memory_space<hbm>> -> memref<128x128xf32, #tpu.memory_space<hbm>>
        %dma_start3A_220 = arith.constant 0 : i32
        %dma_start3A_221 = tpu.memref_slice %arg6[%add3A_174, %dma_start3A_220] : memref<10240x128xf32, #tpu.memory_space<hbm>> -> memref<128x128xf32, #tpu.memory_space<hbm>>
        %dma_start3A_222 = arith.constant 0 : i32
        %dma_start3A_223 = arith.constant 0 : i32
        %dma_start3A_224 = tpu.memref_slice %arg10[%run_scoped3A_212, %dma_start3A_222, %dma_start3A_223] : memref<2x128x128xf32, #tpu.memory_space<vmem>> -> memref<1x128x128xf32, #tpu.memory_space<vmem>>
        %dma_start3A_225 = tpu.memref_squeeze %dma_start3A_224 : memref<1x128x128xf32, #tpu.memory_space<vmem>> -> memref<128x128xf32, #tpu.memory_space<vmem>>
        tpu.enqueue_dma source(%dma_start3A_225 : memref<128x128xf32, #tpu.memory_space<vmem>>) target(%dma_start3A_221 : memref<128x128xf32, #tpu.memory_space<hbm>>) target_semaphore(%run_scoped3A_213 : memref<!tpu.dma_semaphore, #tpu.memory_space<semaphore_mem>>)
        %dma_wait3A_226 = arith.constant 0 : i32
        %dma_wait3A_227 = arith.constant 0 : i32
        %dma_wait3A_228 = tpu.memref_slice %arg10[%run_scoped3A_212, %dma_wait3A_226, %dma_wait3A_227] : memref<2x128x128xf32, #tpu.memory_space<vmem>> -> memref<1x128x128xf32, #tpu.memory_space<vmem>>
        %dma_wait3A_229 = tpu.memref_squeeze %dma_wait3A_228 : memref<1x128x128xf32, #tpu.memory_space<vmem>> -> memref<128x128xf32, #tpu.memory_space<vmem>>
        %dma_wait3A_230 = arith.constant 0 : i32
        %dma_wait3A_231 = tpu.memref_slice %arg6[%add3A_174, %dma_wait3A_230] : memref<10240x128xf32, #tpu.memory_space<hbm>> -> memref<128x128xf32, #tpu.memory_space<hbm>>
        %dma_wait3A_232 = arith.constant 0 : i32
        %dma_wait3A_233 = tpu.memref_slice %arg6[%add3A_174, %dma_wait3A_232] : memref<10240x128xf32, #tpu.memory_space<hbm>> -> memref<128x128xf32, #tpu.memory_space<hbm>>
        %dma_wait3A_234 = arith.constant 0 : i32
        %dma_wait3A_235 = arith.constant 0 : i32
        %dma_wait3A_236 = tpu.memref_slice %arg10[%run_scoped3A_212, %dma_wait3A_234, %dma_wait3A_235] : memref<2x128x128xf32, #tpu.memory_space<vmem>> -> memref<1x128x128xf32, #tpu.memory_space<vmem>>
        %dma_wait3A_237 = tpu.memref_squeeze %dma_wait3A_236 : memref<1x128x128xf32, #tpu.memory_space<vmem>> -> memref<128x128xf32, #tpu.memory_space<vmem>>
        tpu.wait_dma2 semaphore(%run_scoped3A_213 : memref<!tpu.dma_semaphore, #tpu.memory_space<semaphore_mem>>) src(%dma_wait3A_237 : memref<128x128xf32, #tpu.memory_space<vmem>>) dst(%dma_wait3A_233 : memref<128x128xf32, #tpu.memory_space<hbm>>)
        tpu.yield
      }) : () -> ()
    } else {
    }
    %eq3A_181 = arith.constant 1 : i32
    %eq3A_182 = arith.cmpi eq, %arg0, %eq3A_181 : i32
    %convert_element_type3A_183 = arith.extui %eq3A_182 : i1 to i32
    %cond3A_184 = arith.constant 0 : i32
    %cond3A_185 = arith.cmpi ne, %convert_element_type3A_183, %cond3A_184 : i32
    scf.if %cond3A_185 {
      %run_scoped3A_212 = arith.constant 0 : i32
      "tpu.region"() ({
        %run_scoped3A_213 = tpu.sem_alloc : memref<!tpu.dma_semaphore, #tpu.memory_space<semaphore_mem>>
        %dma_start3A_214 = arith.constant 0 : i32
        %dma_start3A_215 = arith.constant 0 : i32
        %dma_start3A_216 = tpu.memref_slice %arg10[%run_scoped3A_212, %dma_start3A_214, %dma_start3A_215] : memref<2x128x128xf32, #tpu.memory_space<vmem>> -> memref<1x128x128xf32, #tpu.memory_space<vmem>>
        %dma_start3A_217 = tpu.memref_squeeze %dma_start3A_216 : memref<1x128x128xf32, #tpu.memory_space<vmem>> -> memref<128x128xf32, #tpu.memory_space<vmem>>
        %dma_start3A_218 = arith.constant 0 : i32
        %dma_start3A_219 = tpu.memref_slice %arg7[%add3A_174, %dma_start3A_218] : memref<10240x128xf32, #tpu.memory_space<hbm>> -> memref<128x128xf32, #tpu.memory_space<hbm>>
        %dma_start3A_220 = arith.constant 0 : i32
        %dma_start3A_221 = tpu.memref_slice %arg7[%add3A_174, %dma_start3A_220] : memref<10240x128xf32, #tpu.memory_space<hbm>> -> memref<128x128xf32, #tpu.memory_space<hbm>>
        %dma_start3A_222 = arith.constant 0 : i32
        %dma_start3A_223 = arith.constant 0 : i32
        %dma_start3A_224 = tpu.memref_slice %arg10[%run_scoped3A_212, %dma_start3A_222, %dma_start3A_223] : memref<2x128x128xf32, #tpu.memory_space<vmem>> -> memref<1x128x128xf32, #tpu.memory_space<vmem>>
        %dma_start3A_225 = tpu.memref_squeeze %dma_start3A_224 : memref<1x128x128xf32, #tpu.memory_space<vmem>> -> memref<128x128xf32, #tpu.memory_space<vmem>>
        tpu.enqueue_dma source(%dma_start3A_225 : memref<128x128xf32, #tpu.memory_space<vmem>>) target(%dma_start3A_221 : memref<128x128xf32, #tpu.memory_space<hbm>>) target_semaphore(%run_scoped3A_213 : memref<!tpu.dma_semaphore, #tpu.memory_space<semaphore_mem>>)
        %dma_wait3A_226 = arith.constant 0 : i32
        %dma_wait3A_227 = arith.constant 0 : i32
        %dma_wait3A_228 = tpu.memref_slice %arg10[%run_scoped3A_212, %dma_wait3A_226, %dma_wait3A_227] : memref<2x128x128xf32, #tpu.memory_space<vmem>> -> memref<1x128x128xf32, #tpu.memory_space<vmem>>
        %dma_wait3A_229 = tpu.memref_squeeze %dma_wait3A_228 : memref<1x128x128xf32, #tpu.memory_space<vmem>> -> memref<128x128xf32, #tpu.memory_space<vmem>>
        %dma_wait3A_230 = arith.constant 0 : i32
        %dma_wait3A_231 = tpu.memref_slice %arg7[%add3A_174, %dma_wait3A_230] : memref<10240x128xf32, #tpu.memory_space<hbm>> -> memref<128x128xf32, #tpu.memory_space<hbm>>
        %dma_wait3A_232 = arith.constant 0 : i32
        %dma_wait3A_233 = tpu.memref_slice %arg7[%add3A_174, %dma_wait3A_232] : memref<10240x128xf32, #tpu.memory_space<hbm>> -> memref<128x128xf32, #tpu.memory_space<hbm>>
        %dma_wait3A_234 = arith.constant 0 : i32
        %dma_wait3A_235 = arith.constant 0 : i32
        %dma_wait3A_236 = tpu.memref_slice %arg10[%run_scoped3A_212, %dma_wait3A_234, %dma_wait3A_235] : memref<2x128x128xf32, #tpu.memory_space<vmem>> -> memref<1x128x128xf32, #tpu.memory_space<vmem>>
        %dma_wait3A_237 = tpu.memref_squeeze %dma_wait3A_236 : memref<1x128x128xf32, #tpu.memory_space<vmem>> -> memref<128x128xf32, #tpu.memory_space<vmem>>
        tpu.wait_dma2 semaphore(%run_scoped3A_213 : memref<!tpu.dma_semaphore, #tpu.memory_space<semaphore_mem>>) src(%dma_wait3A_237 : memref<128x128xf32, #tpu.memory_space<vmem>>) dst(%dma_wait3A_233 : memref<128x128xf32, #tpu.memory_space<hbm>>)
        tpu.yield
      }) : () -> ()
    } else {
    }
    %add3A_186 = arith.constant 384 : i32
    %add3A_187 = arith.addi %mul3A_0, %add3A_186 : i32
    %run_scoped3A_188 = arith.constant 0 : i32
    "tpu.region"() ({
      %run_scoped3A_212 = tpu.sem_alloc : memref<!tpu.dma_semaphore, #tpu.memory_space<semaphore_mem>>
      %dma_start3A_213 = arith.constant 0 : i32
      %dma_start3A_214 = arith.constant 0 : i32
      %dma_start3A_215 = tpu.memref_slice %arg10[%run_scoped3A_188, %dma_start3A_213, %dma_start3A_214] : memref<2x128x128xf32, #tpu.memory_space<vmem>> -> memref<1x128x128xf32, #tpu.memory_space<vmem>>
      %dma_start3A_216 = tpu.memref_squeeze %dma_start3A_215 : memref<1x128x128xf32, #tpu.memory_space<vmem>> -> memref<128x128xf32, #tpu.memory_space<vmem>>
      %dma_start3A_217 = arith.constant 0 : i32
      %dma_start3A_218 = tpu.memref_slice %arg11[%add3A_187, %dma_start3A_217] : memref<10240x128xf32, #tpu.memory_space<vmem_shared>> -> memref<128x128xf32, #tpu.memory_space<vmem_shared>>
      %dma_start3A_219 = arith.constant 0 : i32
      %dma_start3A_220 = arith.constant 0 : i32
      %dma_start3A_221 = tpu.memref_slice %arg10[%run_scoped3A_188, %dma_start3A_219, %dma_start3A_220] : memref<2x128x128xf32, #tpu.memory_space<vmem>> -> memref<1x128x128xf32, #tpu.memory_space<vmem>>
      %dma_start3A_222 = tpu.memref_squeeze %dma_start3A_221 : memref<1x128x128xf32, #tpu.memory_space<vmem>> -> memref<128x128xf32, #tpu.memory_space<vmem>>
      %dma_start3A_223 = arith.constant 0 : i32
      %dma_start3A_224 = tpu.memref_slice %arg11[%add3A_187, %dma_start3A_223] : memref<10240x128xf32, #tpu.memory_space<vmem_shared>> -> memref<128x128xf32, #tpu.memory_space<vmem_shared>>
      tpu.enqueue_dma source(%dma_start3A_224 : memref<128x128xf32, #tpu.memory_space<vmem_shared>>) target(%dma_start3A_222 : memref<128x128xf32, #tpu.memory_space<vmem>>) target_semaphore(%run_scoped3A_212 : memref<!tpu.dma_semaphore, #tpu.memory_space<semaphore_mem>>)
      %dma_wait3A_225 = arith.constant 0 : i32
      %dma_wait3A_226 = arith.constant 0 : i32
      %dma_wait3A_227 = tpu.memref_slice %arg10[%run_scoped3A_188, %dma_wait3A_225, %dma_wait3A_226] : memref<2x128x128xf32, #tpu.memory_space<vmem>> -> memref<1x128x128xf32, #tpu.memory_space<vmem>>
      %dma_wait3A_228 = tpu.memref_squeeze %dma_wait3A_227 : memref<1x128x128xf32, #tpu.memory_space<vmem>> -> memref<128x128xf32, #tpu.memory_space<vmem>>
      %dma_wait3A_229 = arith.constant 0 : i32
      %dma_wait3A_230 = tpu.memref_slice %arg11[%add3A_187, %dma_wait3A_229] : memref<10240x128xf32, #tpu.memory_space<vmem_shared>> -> memref<128x128xf32, #tpu.memory_space<vmem_shared>>
      %dma_wait3A_231 = arith.constant 0 : i32
      %dma_wait3A_232 = arith.constant 0 : i32
      %dma_wait3A_233 = tpu.memref_slice %arg10[%run_scoped3A_188, %dma_wait3A_231, %dma_wait3A_232] : memref<2x128x128xf32, #tpu.memory_space<vmem>> -> memref<1x128x128xf32, #tpu.memory_space<vmem>>
      %dma_wait3A_234 = tpu.memref_squeeze %dma_wait3A_233 : memref<1x128x128xf32, #tpu.memory_space<vmem>> -> memref<128x128xf32, #tpu.memory_space<vmem>>
      %dma_wait3A_235 = arith.constant 0 : i32
      %dma_wait3A_236 = tpu.memref_slice %arg11[%add3A_187, %dma_wait3A_235] : memref<10240x128xf32, #tpu.memory_space<vmem_shared>> -> memref<128x128xf32, #tpu.memory_space<vmem_shared>>
      tpu.wait_dma2 semaphore(%run_scoped3A_212 : memref<!tpu.dma_semaphore, #tpu.memory_space<semaphore_mem>>) src(%dma_wait3A_236 : memref<128x128xf32, #tpu.memory_space<vmem_shared>>) dst(%dma_wait3A_234 : memref<128x128xf32, #tpu.memory_space<vmem>>)
      tpu.yield
    }) : () -> ()
    %eq3A_189 = arith.constant 0 : i32
    %eq3A_190 = arith.cmpi eq, %arg0, %eq3A_189 : i32
    %convert_element_type3A_191 = arith.extui %eq3A_190 : i1 to i32
    %cond3A_192 = arith.constant 0 : i32
    %cond3A_193 = arith.cmpi ne, %convert_element_type3A_191, %cond3A_192 : i32
    scf.if %cond3A_193 {
      %run_scoped3A_212 = arith.constant 0 : i32
      "tpu.region"() ({
        %run_scoped3A_213 = tpu.sem_alloc : memref<!tpu.dma_semaphore, #tpu.memory_space<semaphore_mem>>
        %dma_start3A_214 = arith.constant 0 : i32
        %dma_start3A_215 = arith.constant 0 : i32
        %dma_start3A_216 = tpu.memref_slice %arg10[%run_scoped3A_212, %dma_start3A_214, %dma_start3A_215] : memref<2x128x128xf32, #tpu.memory_space<vmem>> -> memref<1x128x128xf32, #tpu.memory_space<vmem>>
        %dma_start3A_217 = tpu.memref_squeeze %dma_start3A_216 : memref<1x128x128xf32, #tpu.memory_space<vmem>> -> memref<128x128xf32, #tpu.memory_space<vmem>>
        %dma_start3A_218 = arith.constant 0 : i32
        %dma_start3A_219 = tpu.memref_slice %arg6[%add3A_187, %dma_start3A_218] : memref<10240x128xf32, #tpu.memory_space<hbm>> -> memref<128x128xf32, #tpu.memory_space<hbm>>
        %dma_start3A_220 = arith.constant 0 : i32
        %dma_start3A_221 = tpu.memref_slice %arg6[%add3A_187, %dma_start3A_220] : memref<10240x128xf32, #tpu.memory_space<hbm>> -> memref<128x128xf32, #tpu.memory_space<hbm>>
        %dma_start3A_222 = arith.constant 0 : i32
        %dma_start3A_223 = arith.constant 0 : i32
        %dma_start3A_224 = tpu.memref_slice %arg10[%run_scoped3A_212, %dma_start3A_222, %dma_start3A_223] : memref<2x128x128xf32, #tpu.memory_space<vmem>> -> memref<1x128x128xf32, #tpu.memory_space<vmem>>
        %dma_start3A_225 = tpu.memref_squeeze %dma_start3A_224 : memref<1x128x128xf32, #tpu.memory_space<vmem>> -> memref<128x128xf32, #tpu.memory_space<vmem>>
        tpu.enqueue_dma source(%dma_start3A_225 : memref<128x128xf32, #tpu.memory_space<vmem>>) target(%dma_start3A_221 : memref<128x128xf32, #tpu.memory_space<hbm>>) target_semaphore(%run_scoped3A_213 : memref<!tpu.dma_semaphore, #tpu.memory_space<semaphore_mem>>)
        %dma_wait3A_226 = arith.constant 0 : i32
        %dma_wait3A_227 = arith.constant 0 : i32
        %dma_wait3A_228 = tpu.memref_slice %arg10[%run_scoped3A_212, %dma_wait3A_226, %dma_wait3A_227] : memref<2x128x128xf32, #tpu.memory_space<vmem>> -> memref<1x128x128xf32, #tpu.memory_space<vmem>>
        %dma_wait3A_229 = tpu.memref_squeeze %dma_wait3A_228 : memref<1x128x128xf32, #tpu.memory_space<vmem>> -> memref<128x128xf32, #tpu.memory_space<vmem>>
        %dma_wait3A_230 = arith.constant 0 : i32
        %dma_wait3A_231 = tpu.memref_slice %arg6[%add3A_187, %dma_wait3A_230] : memref<10240x128xf32, #tpu.memory_space<hbm>> -> memref<128x128xf32, #tpu.memory_space<hbm>>
        %dma_wait3A_232 = arith.constant 0 : i32
        %dma_wait3A_233 = tpu.memref_slice %arg6[%add3A_187, %dma_wait3A_232] : memref<10240x128xf32, #tpu.memory_space<hbm>> -> memref<128x128xf32, #tpu.memory_space<hbm>>
        %dma_wait3A_234 = arith.constant 0 : i32
        %dma_wait3A_235 = arith.constant 0 : i32
        %dma_wait3A_236 = tpu.memref_slice %arg10[%run_scoped3A_212, %dma_wait3A_234, %dma_wait3A_235] : memref<2x128x128xf32, #tpu.memory_space<vmem>> -> memref<1x128x128xf32, #tpu.memory_space<vmem>>
        %dma_wait3A_237 = tpu.memref_squeeze %dma_wait3A_236 : memref<1x128x128xf32, #tpu.memory_space<vmem>> -> memref<128x128xf32, #tpu.memory_space<vmem>>
        tpu.wait_dma2 semaphore(%run_scoped3A_213 : memref<!tpu.dma_semaphore, #tpu.memory_space<semaphore_mem>>) src(%dma_wait3A_237 : memref<128x128xf32, #tpu.memory_space<vmem>>) dst(%dma_wait3A_233 : memref<128x128xf32, #tpu.memory_space<hbm>>)
        tpu.yield
      }) : () -> ()
    } else {
    }
    %eq3A_194 = arith.constant 1 : i32
    %eq3A_195 = arith.cmpi eq, %arg0, %eq3A_194 : i32
    %convert_element_type3A_196 = arith.extui %eq3A_195 : i1 to i32
    %cond3A_197 = arith.constant 0 : i32
    %cond3A_198 = arith.cmpi ne, %convert_element_type3A_196, %cond3A_197 : i32
    scf.if %cond3A_198 {
      %run_scoped3A_212 = arith.constant 0 : i32
      "tpu.region"() ({
        %run_scoped3A_213 = tpu.sem_alloc : memref<!tpu.dma_semaphore, #tpu.memory_space<semaphore_mem>>
        %dma_start3A_214 = arith.constant 0 : i32
        %dma_start3A_215 = arith.constant 0 : i32
        %dma_start3A_216 = tpu.memref_slice %arg10[%run_scoped3A_212, %dma_start3A_214, %dma_start3A_215] : memref<2x128x128xf32, #tpu.memory_space<vmem>> -> memref<1x128x128xf32, #tpu.memory_space<vmem>>
        %dma_start3A_217 = tpu.memref_squeeze %dma_start3A_216 : memref<1x128x128xf32, #tpu.memory_space<vmem>> -> memref<128x128xf32, #tpu.memory_space<vmem>>
        %dma_start3A_218 = arith.constant 0 : i32
        %dma_start3A_219 = tpu.memref_slice %arg7[%add3A_187, %dma_start3A_218] : memref<10240x128xf32, #tpu.memory_space<hbm>> -> memref<128x128xf32, #tpu.memory_space<hbm>>
        %dma_start3A_220 = arith.constant 0 : i32
        %dma_start3A_221 = tpu.memref_slice %arg7[%add3A_187, %dma_start3A_220] : memref<10240x128xf32, #tpu.memory_space<hbm>> -> memref<128x128xf32, #tpu.memory_space<hbm>>
        %dma_start3A_222 = arith.constant 0 : i32
        %dma_start3A_223 = arith.constant 0 : i32
        %dma_start3A_224 = tpu.memref_slice %arg10[%run_scoped3A_212, %dma_start3A_222, %dma_start3A_223] : memref<2x128x128xf32, #tpu.memory_space<vmem>> -> memref<1x128x128xf32, #tpu.memory_space<vmem>>
        %dma_start3A_225 = tpu.memref_squeeze %dma_start3A_224 : memref<1x128x128xf32, #tpu.memory_space<vmem>> -> memref<128x128xf32, #tpu.memory_space<vmem>>
        tpu.enqueue_dma source(%dma_start3A_225 : memref<128x128xf32, #tpu.memory_space<vmem>>) target(%dma_start3A_221 : memref<128x128xf32, #tpu.memory_space<hbm>>) target_semaphore(%run_scoped3A_213 : memref<!tpu.dma_semaphore, #tpu.memory_space<semaphore_mem>>)
        %dma_wait3A_226 = arith.constant 0 : i32
        %dma_wait3A_227 = arith.constant 0 : i32
        %dma_wait3A_228 = tpu.memref_slice %arg10[%run_scoped3A_212, %dma_wait3A_226, %dma_wait3A_227] : memref<2x128x128xf32, #tpu.memory_space<vmem>> -> memref<1x128x128xf32, #tpu.memory_space<vmem>>
        %dma_wait3A_229 = tpu.memref_squeeze %dma_wait3A_228 : memref<1x128x128xf32, #tpu.memory_space<vmem>> -> memref<128x128xf32, #tpu.memory_space<vmem>>
        %dma_wait3A_230 = arith.constant 0 : i32
        %dma_wait3A_231 = tpu.memref_slice %arg7[%add3A_187, %dma_wait3A_230] : memref<10240x128xf32, #tpu.memory_space<hbm>> -> memref<128x128xf32, #tpu.memory_space<hbm>>
        %dma_wait3A_232 = arith.constant 0 : i32
        %dma_wait3A_233 = tpu.memref_slice %arg7[%add3A_187, %dma_wait3A_232] : memref<10240x128xf32, #tpu.memory_space<hbm>> -> memref<128x128xf32, #tpu.memory_space<hbm>>
        %dma_wait3A_234 = arith.constant 0 : i32
        %dma_wait3A_235 = arith.constant 0 : i32
        %dma_wait3A_236 = tpu.memref_slice %arg10[%run_scoped3A_212, %dma_wait3A_234, %dma_wait3A_235] : memref<2x128x128xf32, #tpu.memory_space<vmem>> -> memref<1x128x128xf32, #tpu.memory_space<vmem>>
        %dma_wait3A_237 = tpu.memref_squeeze %dma_wait3A_236 : memref<1x128x128xf32, #tpu.memory_space<vmem>> -> memref<128x128xf32, #tpu.memory_space<vmem>>
        tpu.wait_dma2 semaphore(%run_scoped3A_213 : memref<!tpu.dma_semaphore, #tpu.memory_space<semaphore_mem>>) src(%dma_wait3A_237 : memref<128x128xf32, #tpu.memory_space<vmem>>) dst(%dma_wait3A_233 : memref<128x128xf32, #tpu.memory_space<hbm>>)
        tpu.yield
      }) : () -> ()
    } else {
    }
    %add3A_199 = arith.constant 512 : i32
    %add3A_200 = arith.addi %mul3A_0, %add3A_199 : i32
    %run_scoped3A_201 = arith.constant 0 : i32
    "tpu.region"() ({
      %run_scoped3A_212 = tpu.sem_alloc : memref<!tpu.dma_semaphore, #tpu.memory_space<semaphore_mem>>
      %dma_start3A_213 = arith.constant 0 : i32
      %dma_start3A_214 = arith.constant 0 : i32
      %dma_start3A_215 = tpu.memref_slice %arg10[%run_scoped3A_201, %dma_start3A_213, %dma_start3A_214] : memref<2x128x128xf32, #tpu.memory_space<vmem>> -> memref<1x128x128xf32, #tpu.memory_space<vmem>>
      %dma_start3A_216 = tpu.memref_squeeze %dma_start3A_215 : memref<1x128x128xf32, #tpu.memory_space<vmem>> -> memref<128x128xf32, #tpu.memory_space<vmem>>
      %dma_start3A_217 = arith.constant 0 : i32
      %dma_start3A_218 = tpu.memref_slice %arg11[%add3A_200, %dma_start3A_217] : memref<10240x128xf32, #tpu.memory_space<vmem_shared>> -> memref<128x128xf32, #tpu.memory_space<vmem_shared>>
      %dma_start3A_219 = arith.constant 0 : i32
      %dma_start3A_220 = arith.constant 0 : i32
      %dma_start3A_221 = tpu.memref_slice %arg10[%run_scoped3A_201, %dma_start3A_219, %dma_start3A_220] : memref<2x128x128xf32, #tpu.memory_space<vmem>> -> memref<1x128x128xf32, #tpu.memory_space<vmem>>
      %dma_start3A_222 = tpu.memref_squeeze %dma_start3A_221 : memref<1x128x128xf32, #tpu.memory_space<vmem>> -> memref<128x128xf32, #tpu.memory_space<vmem>>
      %dma_start3A_223 = arith.constant 0 : i32
      %dma_start3A_224 = tpu.memref_slice %arg11[%add3A_200, %dma_start3A_223] : memref<10240x128xf32, #tpu.memory_space<vmem_shared>> -> memref<128x128xf32, #tpu.memory_space<vmem_shared>>
      tpu.enqueue_dma source(%dma_start3A_224 : memref<128x128xf32, #tpu.memory_space<vmem_shared>>) target(%dma_start3A_222 : memref<128x128xf32, #tpu.memory_space<vmem>>) target_semaphore(%run_scoped3A_212 : memref<!tpu.dma_semaphore, #tpu.memory_space<semaphore_mem>>)
      %dma_wait3A_225 = arith.constant 0 : i32
      %dma_wait3A_226 = arith.constant 0 : i32
      %dma_wait3A_227 = tpu.memref_slice %arg10[%run_scoped3A_201, %dma_wait3A_225, %dma_wait3A_226] : memref<2x128x128xf32, #tpu.memory_space<vmem>> -> memref<1x128x128xf32, #tpu.memory_space<vmem>>
      %dma_wait3A_228 = tpu.memref_squeeze %dma_wait3A_227 : memref<1x128x128xf32, #tpu.memory_space<vmem>> -> memref<128x128xf32, #tpu.memory_space<vmem>>
      %dma_wait3A_229 = arith.constant 0 : i32
      %dma_wait3A_230 = tpu.memref_slice %arg11[%add3A_200, %dma_wait3A_229] : memref<10240x128xf32, #tpu.memory_space<vmem_shared>> -> memref<128x128xf32, #tpu.memory_space<vmem_shared>>
      %dma_wait3A_231 = arith.constant 0 : i32
      %dma_wait3A_232 = arith.constant 0 : i32
      %dma_wait3A_233 = tpu.memref_slice %arg10[%run_scoped3A_201, %dma_wait3A_231, %dma_wait3A_232] : memref<2x128x128xf32, #tpu.memory_space<vmem>> -> memref<1x128x128xf32, #tpu.memory_space<vmem>>
      %dma_wait3A_234 = tpu.memref_squeeze %dma_wait3A_233 : memref<1x128x128xf32, #tpu.memory_space<vmem>> -> memref<128x128xf32, #tpu.memory_space<vmem>>
      %dma_wait3A_235 = arith.constant 0 : i32
      %dma_wait3A_236 = tpu.memref_slice %arg11[%add3A_200, %dma_wait3A_235] : memref<10240x128xf32, #tpu.memory_space<vmem_shared>> -> memref<128x128xf32, #tpu.memory_space<vmem_shared>>
      tpu.wait_dma2 semaphore(%run_scoped3A_212 : memref<!tpu.dma_semaphore, #tpu.memory_space<semaphore_mem>>) src(%dma_wait3A_236 : memref<128x128xf32, #tpu.memory_space<vmem_shared>>) dst(%dma_wait3A_234 : memref<128x128xf32, #tpu.memory_space<vmem>>)
      tpu.yield
    }) : () -> ()
    %eq3A_202 = arith.constant 0 : i32
    %eq3A_203 = arith.cmpi eq, %arg0, %eq3A_202 : i32
    %convert_element_type3A_204 = arith.extui %eq3A_203 : i1 to i32
    %cond3A_205 = arith.constant 0 : i32
    %cond3A_206 = arith.cmpi ne, %convert_element_type3A_204, %cond3A_205 : i32
    scf.if %cond3A_206 {
      %run_scoped3A_212 = arith.constant 0 : i32
      "tpu.region"() ({
        %run_scoped3A_213 = tpu.sem_alloc : memref<!tpu.dma_semaphore, #tpu.memory_space<semaphore_mem>>
        %dma_start3A_214 = arith.constant 0 : i32
        %dma_start3A_215 = arith.constant 0 : i32
        %dma_start3A_216 = tpu.memref_slice %arg10[%run_scoped3A_212, %dma_start3A_214, %dma_start3A_215] : memref<2x128x128xf32, #tpu.memory_space<vmem>> -> memref<1x128x128xf32, #tpu.memory_space<vmem>>
        %dma_start3A_217 = tpu.memref_squeeze %dma_start3A_216 : memref<1x128x128xf32, #tpu.memory_space<vmem>> -> memref<128x128xf32, #tpu.memory_space<vmem>>
        %dma_start3A_218 = arith.constant 0 : i32
        %dma_start3A_219 = tpu.memref_slice %arg6[%add3A_200, %dma_start3A_218] : memref<10240x128xf32, #tpu.memory_space<hbm>> -> memref<128x128xf32, #tpu.memory_space<hbm>>
        %dma_start3A_220 = arith.constant 0 : i32
        %dma_start3A_221 = tpu.memref_slice %arg6[%add3A_200, %dma_start3A_220] : memref<10240x128xf32, #tpu.memory_space<hbm>> -> memref<128x128xf32, #tpu.memory_space<hbm>>
        %dma_start3A_222 = arith.constant 0 : i32
        %dma_start3A_223 = arith.constant 0 : i32
        %dma_start3A_224 = tpu.memref_slice %arg10[%run_scoped3A_212, %dma_start3A_222, %dma_start3A_223] : memref<2x128x128xf32, #tpu.memory_space<vmem>> -> memref<1x128x128xf32, #tpu.memory_space<vmem>>
        %dma_start3A_225 = tpu.memref_squeeze %dma_start3A_224 : memref<1x128x128xf32, #tpu.memory_space<vmem>> -> memref<128x128xf32, #tpu.memory_space<vmem>>
        tpu.enqueue_dma source(%dma_start3A_225 : memref<128x128xf32, #tpu.memory_space<vmem>>) target(%dma_start3A_221 : memref<128x128xf32, #tpu.memory_space<hbm>>) target_semaphore(%run_scoped3A_213 : memref<!tpu.dma_semaphore, #tpu.memory_space<semaphore_mem>>)
        %dma_wait3A_226 = arith.constant 0 : i32
        %dma_wait3A_227 = arith.constant 0 : i32
        %dma_wait3A_228 = tpu.memref_slice %arg10[%run_scoped3A_212, %dma_wait3A_226, %dma_wait3A_227] : memref<2x128x128xf32, #tpu.memory_space<vmem>> -> memref<1x128x128xf32, #tpu.memory_space<vmem>>
        %dma_wait3A_229 = tpu.memref_squeeze %dma_wait3A_228 : memref<1x128x128xf32, #tpu.memory_space<vmem>> -> memref<128x128xf32, #tpu.memory_space<vmem>>
        %dma_wait3A_230 = arith.constant 0 : i32
        %dma_wait3A_231 = tpu.memref_slice %arg6[%add3A_200, %dma_wait3A_230] : memref<10240x128xf32, #tpu.memory_space<hbm>> -> memref<128x128xf32, #tpu.memory_space<hbm>>
        %dma_wait3A_232 = arith.constant 0 : i32
        %dma_wait3A_233 = tpu.memref_slice %arg6[%add3A_200, %dma_wait3A_232] : memref<10240x128xf32, #tpu.memory_space<hbm>> -> memref<128x128xf32, #tpu.memory_space<hbm>>
        %dma_wait3A_234 = arith.constant 0 : i32
        %dma_wait3A_235 = arith.constant 0 : i32
        %dma_wait3A_236 = tpu.memref_slice %arg10[%run_scoped3A_212, %dma_wait3A_234, %dma_wait3A_235] : memref<2x128x128xf32, #tpu.memory_space<vmem>> -> memref<1x128x128xf32, #tpu.memory_space<vmem>>
        %dma_wait3A_237 = tpu.memref_squeeze %dma_wait3A_236 : memref<1x128x128xf32, #tpu.memory_space<vmem>> -> memref<128x128xf32, #tpu.memory_space<vmem>>
        tpu.wait_dma2 semaphore(%run_scoped3A_213 : memref<!tpu.dma_semaphore, #tpu.memory_space<semaphore_mem>>) src(%dma_wait3A_237 : memref<128x128xf32, #tpu.memory_space<vmem>>) dst(%dma_wait3A_233 : memref<128x128xf32, #tpu.memory_space<hbm>>)
        tpu.yield
      }) : () -> ()
    } else {
    }
    %eq3A_207 = arith.constant 1 : i32
    %eq3A_208 = arith.cmpi eq, %arg0, %eq3A_207 : i32
    %convert_element_type3A_209 = arith.extui %eq3A_208 : i1 to i32
    %cond3A_210 = arith.constant 0 : i32
    %cond3A_211 = arith.cmpi ne, %convert_element_type3A_209, %cond3A_210 : i32
    scf.if %cond3A_211 {
      %run_scoped3A_212 = arith.constant 0 : i32
      "tpu.region"() ({
        %run_scoped3A_213 = tpu.sem_alloc : memref<!tpu.dma_semaphore, #tpu.memory_space<semaphore_mem>>
        %dma_start3A_214 = arith.constant 0 : i32
        %dma_start3A_215 = arith.constant 0 : i32
        %dma_start3A_216 = tpu.memref_slice %arg10[%run_scoped3A_212, %dma_start3A_214, %dma_start3A_215] : memref<2x128x128xf32, #tpu.memory_space<vmem>> -> memref<1x128x128xf32, #tpu.memory_space<vmem>>
        %dma_start3A_217 = tpu.memref_squeeze %dma_start3A_216 : memref<1x128x128xf32, #tpu.memory_space<vmem>> -> memref<128x128xf32, #tpu.memory_space<vmem>>
        %dma_start3A_218 = arith.constant 0 : i32
        %dma_start3A_219 = tpu.memref_slice %arg7[%add3A_200, %dma_start3A_218] : memref<10240x128xf32, #tpu.memory_space<hbm>> -> memref<128x128xf32, #tpu.memory_space<hbm>>
        %dma_start3A_220 = arith.constant 0 : i32
        %dma_start3A_221 = tpu.memref_slice %arg7[%add3A_200, %dma_start3A_220] : memref<10240x128xf32, #tpu.memory_space<hbm>> -> memref<128x128xf32, #tpu.memory_space<hbm>>
        %dma_start3A_222 = arith.constant 0 : i32
        %dma_start3A_223 = arith.constant 0 : i32
        %dma_start3A_224 = tpu.memref_slice %arg10[%run_scoped3A_212, %dma_start3A_222, %dma_start3A_223] : memref<2x128x128xf32, #tpu.memory_space<vmem>> -> memref<1x128x128xf32, #tpu.memory_space<vmem>>
        %dma_start3A_225 = tpu.memref_squeeze %dma_start3A_224 : memref<1x128x128xf32, #tpu.memory_space<vmem>> -> memref<128x128xf32, #tpu.memory_space<vmem>>
        tpu.enqueue_dma source(%dma_start3A_225 : memref<128x128xf32, #tpu.memory_space<vmem>>) target(%dma_start3A_221 : memref<128x128xf32, #tpu.memory_space<hbm>>) target_semaphore(%run_scoped3A_213 : memref<!tpu.dma_semaphore, #tpu.memory_space<semaphore_mem>>)
        %dma_wait3A_226 = arith.constant 0 : i32
        %dma_wait3A_227 = arith.constant 0 : i32
        %dma_wait3A_228 = tpu.memref_slice %arg10[%run_scoped3A_212, %dma_wait3A_226, %dma_wait3A_227] : memref<2x128x128xf32, #tpu.memory_space<vmem>> -> memref<1x128x128xf32, #tpu.memory_space<vmem>>
        %dma_wait3A_229 = tpu.memref_squeeze %dma_wait3A_228 : memref<1x128x128xf32, #tpu.memory_space<vmem>> -> memref<128x128xf32, #tpu.memory_space<vmem>>
        %dma_wait3A_230 = arith.constant 0 : i32
        %dma_wait3A_231 = tpu.memref_slice %arg7[%add3A_200, %dma_wait3A_230] : memref<10240x128xf32, #tpu.memory_space<hbm>> -> memref<128x128xf32, #tpu.memory_space<hbm>>
        %dma_wait3A_232 = arith.constant 0 : i32
        %dma_wait3A_233 = tpu.memref_slice %arg7[%add3A_200, %dma_wait3A_232] : memref<10240x128xf32, #tpu.memory_space<hbm>> -> memref<128x128xf32, #tpu.memory_space<hbm>>
        %dma_wait3A_234 = arith.constant 0 : i32
        %dma_wait3A_235 = arith.constant 0 : i32
        %dma_wait3A_236 = tpu.memref_slice %arg10[%run_scoped3A_212, %dma_wait3A_234, %dma_wait3A_235] : memref<2x128x128xf32, #tpu.memory_space<vmem>> -> memref<1x128x128xf32, #tpu.memory_space<vmem>>
        %dma_wait3A_237 = tpu.memref_squeeze %dma_wait3A_236 : memref<1x128x128xf32, #tpu.memory_space<vmem>> -> memref<128x128xf32, #tpu.memory_space<vmem>>
        tpu.wait_dma2 semaphore(%run_scoped3A_213 : memref<!tpu.dma_semaphore, #tpu.memory_space<semaphore_mem>>) src(%dma_wait3A_237 : memref<128x128xf32, #tpu.memory_space<vmem>>) dst(%dma_wait3A_233 : memref<128x128xf32, #tpu.memory_space<hbm>>)
        tpu.yield
      }) : () -> ()
    } else {
    }
    return
  }
}

module attributes {stable_mosaic.version = 14 : i64} {
  func.func @body(%arg0: i32, %arg1: memref<1000x256xf32, #tpu.memory_space<vmem>>, %arg2: memref<1000x128xf32, #tpu.memory_space<vmem>>, %arg3: memref<1000x128xf32, #tpu.memory_space<vmem>>, %arg4: memref<1000x16xf32, #tpu.memory_space<vmem>>, %arg5: memref<16x256xf32, #tpu.memory_space<vmem>>, %arg6: memref<256x512xf32, #tpu.memory_space<vmem>>, %arg7: memref<8x256xf32, #tpu.memory_space<vmem>>, %arg8: memref<8x512xf32, #tpu.memory_space<vmem>>, %arg9: memref<1000x512xf32, #tpu.memory_space<vmem>>, %arg10: memref<8x512xf32, #tpu.memory_space<vmem>>, %arg11: memref<8x512xf32, #tpu.memory_space<vmem>>) attributes {dimension_semantics = [#tpu.dimension_semantics<arbitrary>], iteration_bounds = array<i64: 10>, scalar_prefetch = 0 : i64, scratch_operands = 1 : i64, tpu.core_type = #tpu.core_type<tc>, window_params = [{transform_indices = @transform_0, window_bounds = array<i64: 1000, 256>}, {transform_indices = @transform_1, window_bounds = array<i64: 1000, 128>}, {transform_indices = @transform_2, window_bounds = array<i64: 1000, 128>}, {transform_indices = @transform_3, window_bounds = array<i64: 1000, 16>}, {pipeline_mode = #tpu.pipeline_mode<synchronous>, transform_indices = @transform_4, window_bounds = array<i64: 16, 256>}, {pipeline_mode = #tpu.pipeline_mode<synchronous>, transform_indices = @transform_5, window_bounds = array<i64: 256, 512>}, {pipeline_mode = #tpu.pipeline_mode<synchronous>, transform_indices = @transform_6, window_bounds = array<i64: 8, 256>}, {pipeline_mode = #tpu.pipeline_mode<synchronous>, transform_indices = @transform_7, window_bounds = array<i64: 8, 512>}, {transform_indices = @transform_8, window_bounds = array<i64: 1000, 512>}, {pipeline_mode = #tpu.pipeline_mode<synchronous>, transform_indices = @transform_9, window_bounds = array<i64: 8, 512>}]} {
    %eq3A = arith.constant 0 : i32
    %eq3A_0 = arith.cmpi eq, %arg0, %eq3A : i32
    %convert_element_type3A = arith.extui %eq3A_0 : i1 to i32
    %cond3A = arith.constant 0 : i32
    %cond3A_1 = arith.cmpi ne, %convert_element_type3A, %cond3A : i32
    scf.if %cond3A_1 {
      %broadcast_in_dim3A_58 = arith.constant 0.000000e+00 : f32
      %broadcast_in_dim3A_59 = vector.broadcast %broadcast_in_dim3A_58 : f32 to vector<8x512xf32>
      %swap3A_60 = arith.constant 0 : index
      %swap3A_61 = arith.constant 0 : index
      %swap3A_62 = vector.load %arg11[%swap3A_60, %swap3A_61] : memref<8x512xf32, #tpu.memory_space<vmem>>, vector<8x512xf32>
      tpu.vector_store %arg11[%swap3A_60, %swap3A_61], %broadcast_in_dim3A_59 {strides = array<i32>} : memref<8x512xf32, #tpu.memory_space<vmem>>, vector<8x512xf32>,
    } else {
    }
    %get3A = arith.constant 0 : index
    %get3A_2 = arith.constant 0 : index
    %get3A_3 = vector.load %arg2[%get3A, %get3A_2] : memref<1000x128xf32, #tpu.memory_space<vmem>>, vector<1000x128xf32>
    %get3A_4 = arith.constant 0 : index
    %get3A_5 = arith.constant 0 : index
    %get3A_6 = vector.load %arg3[%get3A_4, %get3A_5] : memref<1000x128xf32, #tpu.memory_space<vmem>>, vector<1000x128xf32>
    %concatenate3A = tpu.concatenate %get3A_3, %get3A_6 in 1 : vector<1000x128xf32>, vector<1000x128xf32> -> vector<1000x256xf32>
    %get3A_7 = arith.constant 0 : index
    %get3A_8 = arith.constant 0 : index
    %get3A_9 = vector.load %arg1[%get3A_7, %get3A_8] : memref<1000x256xf32, #tpu.memory_space<vmem>>, vector<1000x256xf32>
    %add3A = arith.addf %get3A_9, %concatenate3A : vector<1000x256xf32>
    %get3A_10 = arith.constant 0 : index
    %get3A_11 = arith.constant 0 : index
    %get3A_12 = vector.load %arg7[%get3A_10, %get3A_11] : memref<8x256xf32, #tpu.memory_space<vmem>>, vector<1x256xf32>
    %add3A_13 = vector.broadcast %get3A_12 : vector<1x256xf32> to vector<1000x256xf32>
    %add3A_14 = arith.addf %add3A, %add3A_13 : vector<1000x256xf32>
    %get3A_15 = arith.constant 0 : index
    %get3A_16 = arith.constant 0 : index
    %get3A_17 = vector.load %arg4[%get3A_15, %get3A_16] : memref<1000x16xf32, #tpu.memory_space<vmem>>, vector<1000x16xf32>
    %get3A_18 = arith.constant 0 : index
    %get3A_19 = arith.constant 0 : index
    %get3A_20 = vector.load %arg5[%get3A_18, %get3A_19] : memref<16x256xf32, #tpu.memory_space<vmem>>, vector<16x256xf32>
    %dot_general3A = arith.constant dense<0.000000e+00> : vector<1000x256xf32>
    %dot_general3A_21 = tpu.matmul %get3A_17, %get3A_20, %dot_general3A {dimension_numbers = #tpu.dot_dimension_numbers<[1], [0], [0], [1], [0, 0, 1, 1], [], []>, transpose_lhs_hint = false} : vector<1000x16xf32>, vector<16x256xf32>, vector<1000x256xf32> -> vector<1000x256xf32>
    %add3A_22 = arith.addf %add3A_14, %dot_general3A_21 : vector<1000x256xf32>
    %get3A_23 = arith.constant 0 : index
    %get3A_24 = arith.constant 0 : index
    %get3A_25 = vector.load %arg6[%get3A_23, %get3A_24] : memref<256x512xf32, #tpu.memory_space<vmem>>, vector<256x512xf32>
    %dot_general3A_26 = arith.constant dense<0.000000e+00> : vector<1000x512xf32>
    %dot_general3A_27 = tpu.matmul %add3A_22, %get3A_25, %dot_general3A_26 {dimension_numbers = #tpu.dot_dimension_numbers<[1], [0], [0], [1], [0, 0, 1, 1], [], []>, transpose_lhs_hint = false} : vector<1000x256xf32>, vector<256x512xf32>, vector<1000x512xf32> -> vector<1000x512xf32>
    %get3A_28 = arith.constant 0 : index
    %get3A_29 = arith.constant 0 : index
    %get3A_30 = vector.load %arg8[%get3A_28, %get3A_29] : memref<8x512xf32, #tpu.memory_space<vmem>>, vector<1x512xf32>
    %add3A_31 = vector.broadcast %get3A_30 : vector<1x512xf32> to vector<1000x512xf32>
    %add3A_32 = arith.addf %dot_general3A_27, %add3A_31 : vector<1000x512xf32>
    %swap3A = arith.constant 0 : index
    %swap3A_33 = arith.constant 0 : index
    %swap3A_34 = vector.load %arg9[%swap3A, %swap3A_33] : memref<1000x512xf32, #tpu.memory_space<vmem>>, vector<1000x512xf32>
    tpu.vector_store %arg9[%swap3A, %swap3A_33], %add3A_32 {strides = array<i32>} : memref<1000x512xf32, #tpu.memory_space<vmem>>, vector<1000x512xf32>,
    %get3A_35 = arith.constant 0 : index
    %get3A_36 = arith.constant 0 : index
    %get3A_37 = vector.load %arg11[%get3A_35, %get3A_36] : memref<8x512xf32, #tpu.memory_space<vmem>>, vector<1x512xf32>
    %reduce_sum3A = arith.constant dense<0.000000e+00> : vector<512xf32>
    %reduce_sum3A_38 = vector.multi_reduction <add>, %add3A_32, %reduce_sum3A [0] : vector<1000x512xf32> to vector<512xf32>
    %broadcast_in_dim3A = vector.shape_cast %reduce_sum3A_38 : vector<512xf32> to vector<1x512xf32>
    %add3A_39 = arith.addf %get3A_37, %broadcast_in_dim3A : vector<1x512xf32>
    %swap3A_40 = arith.constant 0 : index
    %swap3A_41 = arith.constant 0 : index
    %swap3A_42 = vector.load %arg11[%swap3A_40, %swap3A_41] : memref<8x512xf32, #tpu.memory_space<vmem>>, vector<1x512xf32>
    tpu.vector_store %arg11[%swap3A_40, %swap3A_41], %add3A_39 {strides = array<i32>} : memref<8x512xf32, #tpu.memory_space<vmem>>, vector<1x512xf32>,
    %get3A_43 = arith.constant 1 : index
    %get3A_44 = arith.constant 0 : index
    %get3A_45 = vector.load %arg11[%get3A_43, %get3A_44] : memref<8x512xf32, #tpu.memory_space<vmem>>, vector<1x512xf32>
    %mul3A = arith.mulf %add3A_32, %add3A_32 : vector<1000x512xf32>
    %reduce_sum3A_46 = arith.constant dense<0.000000e+00> : vector<512xf32>
    %reduce_sum3A_47 = vector.multi_reduction <add>, %mul3A, %reduce_sum3A_46 [0] : vector<1000x512xf32> to vector<512xf32>
    %broadcast_in_dim3A_48 = vector.shape_cast %reduce_sum3A_47 : vector<512xf32> to vector<1x512xf32>
    %add3A_49 = arith.addf %get3A_45, %broadcast_in_dim3A_48 : vector<1x512xf32>
    %swap3A_50 = arith.constant 1 : index
    %swap3A_51 = arith.constant 0 : index
    %swap3A_52 = vector.load %arg11[%swap3A_50, %swap3A_51] : memref<8x512xf32, #tpu.memory_space<vmem>>, vector<1x512xf32>
    tpu.vector_store %arg11[%swap3A_50, %swap3A_51], %add3A_49 {strides = array<i32>} : memref<8x512xf32, #tpu.memory_space<vmem>>, vector<1x512xf32>,
    %eq3A_53 = arith.constant 9 : i32
    %eq3A_54 = arith.cmpi eq, %arg0, %eq3A_53 : i32
    %convert_element_type3A_55 = arith.extui %eq3A_54 : i1 to i32
    %cond3A_56 = arith.constant 0 : i32
    %cond3A_57 = arith.cmpi ne, %convert_element_type3A_55, %cond3A_56 : i32
    scf.if %cond3A_57 {
      %get3A_58 = arith.constant 0 : index
      %get3A_59 = arith.constant 0 : index
      %get3A_60 = vector.load %arg11[%get3A_58, %get3A_59] : memref<8x512xf32, #tpu.memory_space<vmem>>, vector<8x512xf32>
      %swap3A_61 = arith.constant 0 : index
      %swap3A_62 = arith.constant 0 : index
      %swap3A_63 = vector.load %arg10[%swap3A_61, %swap3A_62] : memref<8x512xf32, #tpu.memory_space<vmem>>, vector<8x512xf32>
      tpu.vector_store %arg10[%swap3A_61, %swap3A_62], %get3A_60 {strides = array<i32>} : memref<8x512xf32, #tpu.memory_space<vmem>>, vector<8x512xf32>,
    } else {
    }
    return
  }
  func.func @transform_0(%arg0: i32) -> (i32, i32) {
    %c0_i32 = arith.constant 0 : i32
    %c0_i32_0 = arith.constant 0 : i32
    return %arg0, %c0_i32 : i32, i32
  }
  func.func @transform_1(%arg0: i32) -> (i32, i32) {
    %c0_i32 = arith.constant 0 : i32
    %c0_i32_0 = arith.constant 0 : i32
    return %arg0, %c0_i32 : i32, i32
  }
  func.func @transform_2(%arg0: i32) -> (i32, i32) {
    %c0_i32 = arith.constant 0 : i32
    %c0_i32_0 = arith.constant 0 : i32
    return %arg0, %c0_i32 : i32, i32
  }
  func.func @transform_3(%arg0: i32) -> (i32, i32) {
    %c0_i32 = arith.constant 0 : i32
    %c0_i32_0 = arith.constant 0 : i32
    return %arg0, %c0_i32 : i32, i32
  }
  func.func @transform_4(%arg0: i32) -> (i32, i32) {
    %c0_i32 = arith.constant 0 : i32
    %c0_i32_0 = arith.constant 0 : i32
    %c0_i32_1 = arith.constant 0 : i32
    return %c0_i32, %c0_i32_0 : i32, i32
  }
  func.func @transform_5(%arg0: i32) -> (i32, i32) {
    %c0_i32 = arith.constant 0 : i32
    %c0_i32_0 = arith.constant 0 : i32
    %c0_i32_1 = arith.constant 0 : i32
    return %c0_i32, %c0_i32_0 : i32, i32
  }
  func.func @transform_6(%arg0: i32) -> (i32, i32) {
    %c0_i32 = arith.constant 0 : i32
    %c0_i32_0 = arith.constant 0 : i32
    %c0_i32_1 = arith.constant 0 : i32
    return %c0_i32, %c0_i32_0 : i32, i32
  }
  func.func @transform_7(%arg0: i32) -> (i32, i32) {
    %c0_i32 = arith.constant 0 : i32
    %c0_i32_0 = arith.constant 0 : i32
    %c0_i32_1 = arith.constant 0 : i32
    return %c0_i32, %c0_i32_0 : i32, i32
  }
  func.func @transform_8(%arg0: i32) -> (i32, i32) {
    %c0_i32 = arith.constant 0 : i32
    %c0_i32_0 = arith.constant 0 : i32
    return %arg0, %c0_i32 : i32, i32
  }
  func.func @transform_9(%arg0: i32) -> (i32, i32) {
    %c0_i32 = arith.constant 0 : i32
    %c0_i32_0 = arith.constant 0 : i32
    %c0_i32_1 = arith.constant 0 : i32
    return %c0_i32, %c0_i32_0 : i32, i32
  }
}

module attributes {stable_mosaic.version = 14 : i64} {
  func.func @body(%arg0: i32, %arg1: memref<1000x512xf32, #tpu.memory_space<vmem>>, %arg2: memref<8x512xf32, #tpu.memory_space<vmem>>, %arg3: memref<8x512xf32, #tpu.memory_space<vmem>>, %arg4: memref<512x256xf32, #tpu.memory_space<vmem>>, %arg5: memref<8x256xf32, #tpu.memory_space<vmem>>, %arg6: memref<1000x256xf32, #tpu.memory_space<vmem>>) attributes {dimension_semantics = [#tpu.dimension_semantics<arbitrary>], iteration_bounds = array<i64: 10>, scalar_prefetch = 0 : i64, scratch_operands = 0 : i64, tpu.core_type = #tpu.core_type<tc>, window_params = [{transform_indices = @transform_0, window_bounds = array<i64: 1000, 512>}, {pipeline_mode = #tpu.pipeline_mode<synchronous>, transform_indices = @transform_1, window_bounds = array<i64: 8, 512>}, {pipeline_mode = #tpu.pipeline_mode<synchronous>, transform_indices = @transform_2, window_bounds = array<i64: 8, 512>}, {pipeline_mode = #tpu.pipeline_mode<synchronous>, transform_indices = @transform_3, window_bounds = array<i64: 512, 256>}, {pipeline_mode = #tpu.pipeline_mode<synchronous>, transform_indices = @transform_4, window_bounds = array<i64: 8, 256>}, {transform_indices = @transform_5, window_bounds = array<i64: 1000, 256>}]} {
    %get3A = arith.constant 0 : index
    %get3A_0 = arith.constant 0 : index
    %get3A_1 = vector.load %arg2[%get3A, %get3A_0] : memref<8x512xf32, #tpu.memory_space<vmem>>, vector<1x512xf32>
    %mul3A = arith.constant 9.99999974E-5 : f32
    %mul3A_2 = vector.broadcast %mul3A : f32 to vector<1x512xf32>
    %mul3A_3 = arith.mulf %get3A_1, %mul3A_2 : vector<1x512xf32>
    %get3A_4 = arith.constant 1 : index
    %get3A_5 = arith.constant 0 : index
    %get3A_6 = vector.load %arg2[%get3A_4, %get3A_5] : memref<8x512xf32, #tpu.memory_space<vmem>>, vector<1x512xf32>
    %mul3A_7 = arith.constant 9.99999974E-5 : f32
    %mul3A_8 = vector.broadcast %mul3A_7 : f32 to vector<1x512xf32>
    %mul3A_9 = arith.mulf %get3A_6, %mul3A_8 : vector<1x512xf32>
    %mul3A_10 = arith.mulf %mul3A_3, %mul3A_3 : vector<1x512xf32>
    %sub3A = arith.subf %mul3A_9, %mul3A_10 : vector<1x512xf32>
    %add3A = arith.constant 9.99999974E-6 : f32
    %add3A_11 = vector.broadcast %add3A : f32 to vector<1x512xf32>
    %add3A_12 = arith.addf %sub3A, %add3A_11 : vector<1x512xf32>
    %rsqrt3A = math.rsqrt %add3A_12 : vector<1x512xf32>
    %get3A_13 = arith.constant 0 : index
    %get3A_14 = arith.constant 0 : index
    %get3A_15 = vector.load %arg3[%get3A_13, %get3A_14] : memref<8x512xf32, #tpu.memory_space<vmem>>, vector<1x512xf32>
    %mul3A_16 = arith.mulf %rsqrt3A, %get3A_15 : vector<1x512xf32>
    %get3A_17 = arith.constant 1 : index
    %get3A_18 = arith.constant 0 : index
    %get3A_19 = vector.load %arg3[%get3A_17, %get3A_18] : memref<8x512xf32, #tpu.memory_space<vmem>>, vector<1x512xf32>
    %mul3A_20 = arith.mulf %mul3A_3, %mul3A_16 : vector<1x512xf32>
    %sub3A_21 = arith.subf %get3A_19, %mul3A_20 : vector<1x512xf32>
    %get3A_22 = arith.constant 0 : index
    %get3A_23 = arith.constant 0 : index
    %get3A_24 = vector.load %arg1[%get3A_22, %get3A_23] : memref<1000x512xf32, #tpu.memory_space<vmem>>, vector<1000x512xf32>
    %mul3A_25 = vector.broadcast %mul3A_16 : vector<1x512xf32> to vector<1000x512xf32>
    %mul3A_26 = arith.mulf %get3A_24, %mul3A_25 : vector<1000x512xf32>
    %add3A_27 = vector.broadcast %sub3A_21 : vector<1x512xf32> to vector<1000x512xf32>
    %add3A_28 = arith.addf %mul3A_26, %add3A_27 : vector<1000x512xf32>
    %max3A = arith.constant 0.000000e+00 : f32
    %max3A_29 = vector.broadcast %max3A : f32 to vector<1000x512xf32>
    %max3A_30 = arith.maximumf %add3A_28, %max3A_29 : vector<1000x512xf32>
    %get3A_31 = arith.constant 0 : index
    %get3A_32 = arith.constant 0 : index
    %get3A_33 = vector.load %arg4[%get3A_31, %get3A_32] : memref<512x256xf32, #tpu.memory_space<vmem>>, vector<512x256xf32>
    %dot_general3A = arith.constant dense<0.000000e+00> : vector<1000x256xf32>
    %dot_general3A_34 = tpu.matmul %max3A_30, %get3A_33, %dot_general3A {dimension_numbers = #tpu.dot_dimension_numbers<[1], [0], [0], [1], [0, 0, 1, 1], [], []>, transpose_lhs_hint = false} : vector<1000x512xf32>, vector<512x256xf32>, vector<1000x256xf32> -> vector<1000x256xf32>
    %get3A_35 = arith.constant 0 : index
    %get3A_36 = arith.constant 0 : index
    %get3A_37 = vector.load %arg5[%get3A_35, %get3A_36] : memref<8x256xf32, #tpu.memory_space<vmem>>, vector<1x256xf32>
    %add3A_38 = vector.broadcast %get3A_37 : vector<1x256xf32> to vector<1000x256xf32>
    %add3A_39 = arith.addf %dot_general3A_34, %add3A_38 : vector<1000x256xf32>
    %swap3A = arith.constant 0 : index
    %swap3A_40 = arith.constant 0 : index
    %swap3A_41 = vector.load %arg6[%swap3A, %swap3A_40] : memref<1000x256xf32, #tpu.memory_space<vmem>>, vector<1000x256xf32>
    tpu.vector_store %arg6[%swap3A, %swap3A_40], %add3A_39 {strides = array<i32>} : memref<1000x256xf32, #tpu.memory_space<vmem>>, vector<1000x256xf32>,
    return
  }
  func.func @transform_0(%arg0: i32) -> (i32, i32) {
    %c0_i32 = arith.constant 0 : i32
    %c0_i32_0 = arith.constant 0 : i32
    return %arg0, %c0_i32 : i32, i32
  }
  func.func @transform_1(%arg0: i32) -> (i32, i32) {
    %c0_i32 = arith.constant 0 : i32
    %c0_i32_0 = arith.constant 0 : i32
    %c0_i32_1 = arith.constant 0 : i32
    return %c0_i32, %c0_i32_0 : i32, i32
  }
  func.func @transform_2(%arg0: i32) -> (i32, i32) {
    %c0_i32 = arith.constant 0 : i32
    %c0_i32_0 = arith.constant 0 : i32
    %c0_i32_1 = arith.constant 0 : i32
    return %c0_i32, %c0_i32_0 : i32, i32
  }
  func.func @transform_3(%arg0: i32) -> (i32, i32) {
    %c0_i32 = arith.constant 0 : i32
    %c0_i32_0 = arith.constant 0 : i32
    %c0_i32_1 = arith.constant 0 : i32
    return %c0_i32, %c0_i32_0 : i32, i32
  }
  func.func @transform_4(%arg0: i32) -> (i32, i32) {
    %c0_i32 = arith.constant 0 : i32
    %c0_i32_0 = arith.constant 0 : i32
    %c0_i32_1 = arith.constant 0 : i32
    return %c0_i32, %c0_i32_0 : i32, i32
  }
  func.func @transform_5(%arg0: i32) -> (i32, i32) {
    %c0_i32 = arith.constant 0 : i32
    %c0_i32_0 = arith.constant 0 : i32
    return %arg0, %c0_i32 : i32, i32
  }
}

</mosaic_0001>

<sc_bundles>
// kernel: kernel.6.cloned.1.call-start
scs
__scs_entry_jumppad:
0x0: {  	(pc) =	sbr.rel $0x88, $3  }
0x1: {  	(tag) =	ssettag $0x0;
	lr =	simm.s32 $0x1  }
0x2: {  	[smem:$0x3F94] =	sst lr;
	_ =	strace $0xD0000000  }
0x3: {  	_ = 	snop  }
0x4: {  	_ = 	snop  }
0x5: {  	_ = 	snop  }
0x6: {  	_ = 	snop  }
0x7: {  	_ = 	snop  }
__scs_overlays_trampoline_lowered:
0x8: {  	[smem:$0x3FA3] =	sst s0  }
0x9: {  	[smem:$0x3FA4] =	sst s1  }
0xa: {  	[smem:$0x3FA5] =	sst s2  }
0xb: {  	[smem:$0x3FA6] =	sst s3  }
0xc: {  	[smem:$0x3FA7] =	sst s4  }
0xd: {  	[smem:$0x3FA8] =	sst s5  }
0xe: {  	[smem:$0x3FA9] =	sst s6  }
0xf: {  	[smem:$0x3FAA] =	sst s7  }
0x10: {  	[smem:$0x3FAB] =	sst s8  }
0x11: {  	[smem:$0x3FAC] =	sst s9;
	s0 =	simm.s32 @!p0 $0x0  }
0x12: {  	s1 =	sld [smem:$0x3F92];
	s0 =	simm.s32 @p0 $0x1  }
0x13: {  	[smem:$0x3FAD] =	sst s0;
	s0 =	simm.s32 @!p1 $0x0  }
0x14: {  	s2 =	sld [smem:$0x3F91];
	s0 =	simm.s32 @p1 $0x1  }
0x15: {  	[smem:$0x3FAE] =	sst s0;
	s0 =	simm.s32 @!p2 $0x0  }
0x16: {  	s3 =	sld [smem:$0x3FDB];
	s0 =	simm.s32 @p2 $0x1  }
0x17: {  	s4 =	simm.s32 $0x1BF5;
	[smem:$0x3FB0] =	sst s0  }
0x18: {  	s0 =	sld [smem:$0x3F93];
	_ =	swait.ge [sflag:s4], $0x0  }
0x19: {  	s7 =	sld [smem:$0x3F94]  }
0x1a: {  	s8 =	sadd.s32 $0xFFFFE003, lr  }
0x1b: {  	s9 =	sadd.s32 $0xFFFFFEF7, lr;
	s5 =	simm.s32 $0xFFFFFFFF;
	p2 =	slt.u32 s8, $0xFFFFF086  }
0x1c: {  	p1 =	slt.u32 s9, $0xF7A;
	s5 =	simm.s32 @!p2 $0x0  }
0x1d: {  	s5 =	simm.s32 @p1 $0x1;
	p0 =	seq.s32 s7, s2  }
0x1e: {  	s7 =	smul.u32 @!p0 $0xF7A, s2;
	p2 =	seq.s32 @!p0 s5, $0x0  }
0x1f: {  	s9 =	smul.u32 $0xF7A, s1;
	s8 =	simm.s32 @!p0 $0x1BF5;
	p2 =	por !p2, p0  }
0x20: {  	[sflag:s8] =	ssyncset.s32 @!p0 $0xFFFFF086;
	s6 =	sadd.s32 @!p0 s3, s7;
	s7 =	simm.s32 @!p0 $0x108  }
0x21: {  	s3 =	sadd.s32 s3, s9;
	s6 =	sadd.s32 @!p0 $0x88, s6;
	s7 =	simm.s32 @p2 $0x1082  }
0x22: {  	[simem:s7], [sflag:s8] =	dma.local @!p0 [hbm:s6], $0xF7A  }
0x23: {  	s9 =	sor.u32 $0xD0000000, s2;
	s6 =	simm.s32 $0x108;
	_ =	swait.ge @!p0 [sflag:s8], $0x0  }
0x24: {  	s3 =	sadd.s32 $0x88, s3;
	s6 =	simm.s32 @!p1 $0x1082;
	[sflag:s4] =	ssyncset.s32 $0xFFFFF086  }
0x25: {  	[simem:s6], [sflag:s4] =	dma.local [hbm:s3], $0xF7A  }
0x26: {  	[smem:$0x3F94] =	sst s1;
	(tag) =	ssettag s2;
	_ =	strace s9  }
0x27: {  	s1 =	sld [smem:$0x3FA4]  }
0x28: {  	s2 =	sld [smem:$0x3FA5]  }
0x29: {  	s4 =	sld [smem:$0x3FA7]  }
0x2a: {  	p0 =	seq.s32 s5, $0x0;
	s5 =	sld [smem:$0x3FA8]  }
0x2b: {  	s6 =	sld [smem:$0x3FA9]  }
0x2c: {  	s7 =	sld [smem:$0x3FAA]  }
0x2d: {  	s3 =	simm.s32 $0x108;
	s8 =	sld [smem:$0x3FAB]  }
0x2e: {  	s3 =	simm.s32 @!p0 $0x1082;
	s9 =	sld [smem:$0x3FAC]  }
0x2f: {  	lr =	sadd.s32 s0, s3;
	s0 =	sld [smem:$0x3FA3]  }
0x30: {  	s3 =	sld [smem:$0x3FA6]  }
0x31: {  	[smem:$0x3FAF] =	sst s10  }
0x32: {  	s10 =	sld [smem:$0x3FAD];
	_ =	sdelay $0x3  }
0x33: {  	p0 =	seq.s32 s10, $0x1;
	s10 =	sld [smem:$0x3FAF];
	_ =	sdelay $0x3  }
0x34: {  	[smem:$0x3FAF] =	sst s10  }
0x35: {  	s10 =	sld [smem:$0x3FAE];
	_ =	sdelay $0x3  }
0x36: {  	p1 =	seq.s32 s10, $0x1;
	s10 =	sld [smem:$0x3FAF];
	_ =	sdelay $0x3  }
0x37: {  	[smem:$0x3FAF] =	sst s10  }
0x38: {  	s10 =	sld [smem:$0x3FB0]  }
0x39: {  	_ = 	snop;
	(pc) =	sbr.ind lr, $3  }
0x3a: {  	_ = 	snop  }
0x3b: {  	_ = 	snop  }
0x3c: {  	p2 =	seq.s32 s10, $0x1;
	s10 =	sld [smem:$0x3FAF]  }
0x3d: {  	_ =	shalt  }
0x3e: {  	_ =	shalt  }
0x3f: {  	_ =	shalt  }
0x40: {  	_ =	shalt  }
0x41: {  	_ =	shalt  }
0x42: {  	_ =	shalt  }
0x43: {  	_ =	shalt  }
0x44: {  	_ =	shalt  }
0x45: {  	_ =	shalt  }
0x46: {  	_ =	shalt  }
0x47: {  	_ =	shalt  }
0x48: {  	_ =	shalt  }
0x49: {  	_ =	shalt  }
0x4a: {  	_ =	shalt  }
0x4b: {  	_ =	shalt  }
0x4c: {  	_ =	shalt  }
0x4d: {  	_ =	shalt  }
0x4e: {  	_ =	shalt  }
0x4f: {  	_ =	shalt  }
0x50: {  	_ =	shalt  }
0x51: {  	_ =	shalt  }
0x52: {  	_ =	shalt  }
0x53: {  	_ =	shalt  }
0x54: {  	_ =	shalt  }
0x55: {  	_ =	shalt  }
0x56: {  	_ =	shalt  }
0x57: {  	_ =	shalt  }
0x58: {  	_ =	shalt  }
0x59: {  	_ =	shalt  }
0x5a: {  	_ =	shalt  }
0x5b: {  	_ =	shalt  }
0x5c: {  	_ =	shalt  }
0x5d: {  	_ =	shalt  }
0x5e: {  	_ =	shalt  }
0x5f: {  	_ =	shalt  }
0x60: {  	_ =	shalt  }
0x61: {  	_ =	shalt  }
0x62: {  	_ =	shalt  }
0x63: {  	_ =	shalt  }
0x64: {  	_ =	shalt  }
0x65: {  	_ =	shalt  }
0x66: {  	_ =	shalt  }
0x67: {  	_ =	shalt  }
0x68: {  	_ =	shalt  }
0x69: {  	_ =	shalt  }
0x6a: {  	_ =	shalt  }
0x6b: {  	_ =	shalt  }
0x6c: {  	_ =	shalt  }
0x6d: {  	_ =	shalt  }
0x6e: {  	_ =	shalt  }
0x6f: {  	_ =	shalt  }
0x70: {  	_ =	shalt  }
0x71: {  	_ =	shalt  }
0x72: {  	_ =	shalt  }
0x73: {  	_ =	shalt  }
0x74: {  	_ =	shalt  }
0x75: {  	_ =	shalt  }
0x76: {  	_ =	shalt  }
0x77: {  	_ =	shalt  }
0x78: {  	_ =	shalt  }
0x79: {  	_ =	shalt  }
0x7a: {  	_ =	shalt  }
0x7b: {  	_ =	shalt  }
0x7c: {  	_ =	shalt  }
0x7d: {  	_ =	shalt  }
0x7e: {  	_ =	shalt  }
0x7f: {  	_ =	shalt  }
0x80: {  	_ =	shalt  }
0x81: {  	_ =	shalt  }
0x82: {  	_ =	shalt  }
0x83: {  	_ =	shalt  }
0x84: {  	_ =	shalt  }
0x85: {  	_ =	shalt  }
0x86: {  	_ =	shalt  }
0x87: {  	_ =	shalt  }
.Lfunc_end0:
.L_simem_size_0:
called_computation_lowered:
.L_overlay_start_0:
0x88: {  	s2 =	sld [smem:$0x3FD9]  }
0x89: {  	s3 =	sld [smem:$0x3FFE];
	_ =	sdelay $0x1  }
0x8a: {  	s1 =	srdreg.scid  }
0x8b: {  	s0 =	sand.u32 $0x1, s1  }
0x8c: {  	s17 =	sshll.u32 s0, $0xA;
	s2 =	sadd.s32 s3, s2  }
0x8d: {  	s2 =	sadd.s32 s2, s17  }
0x8e: {  	[smem:$0x3FBB] =	sst s2  }
0x8f: {  	_ = 	snop  }
0x90: {  	s2 =	sld [smem:$0x3FD0];
	(tm) =	ssettm $0x1  }
0x91: {  	s18 =	sld [smem:$0x3FFB];
	_ =	sdelay $0x3  }
0x92: {  	_ =	strace s18  }
0x93: {  	s3 =	sld [smem:$0x3FFC];
	_ =	sdelay $0x3  }
0x94: {  	_ =	strace s3  }
0x95: {  	s3 =	sld [smem:$0x3FFD];
	_ =	sdelay $0x3  }
0x96: {  	_ =	strace s3  }
0x97: {  	_ =	strace $0x8FFFFFFF  }
0x98: {  	s19 =	sld [smem:$0x3FDB];
	_ =	sdelay $0x1  }
0x99: {  	s4 =	simm.s32 $_scs_section_size  }
0x9a: {  	s5 =	simm.s32 $_size__tile_overlayer_lowered;
	s6 =	simm.s32 $_tile_overlayer_lowered  }
0x9b: {  	s22 =	simm.s32 $0x1BFF;
	s21 =	sshll.u32 s6, $0x1;
	s3 =	sadd.s32 s4, s19  }
0x9c: {  	s7 =	simm.s32 $0x0;
	s20 =	sshll.u32 s5, $0x1;
	s5 =	sadd.s32 s21, s3  }
0x9d: {  	[timem:s7], [sflag:s22] =	dma.local [hbm:s5], s20  }
0x9e: {  	_ =	swait.ge [sflag:s22], s20  }
0x9f: {  	s4 =	ssub.s32 $0x0, s20;
	[sflag:s22] =	ssyncset.done $0x0  }
0xa0: {  	[sflag:s22] =	ssyncadd.s32 s4;
	_ =	sdelay $0x1  }
0xa1: {  	s23 =	simm.s32 $0x1B8B  }
0xa2: {  	_ =	swait.ge [sflag:s23], $0x1  }
0xa3: {  	[sflag:s23] =	ssyncset.done $0x0  }
0xa4: {  	s25 =	simm.s32 $0x1B8E;
	s24 =	sld [smem:$0x3FFE];
	[sflag:s23] =	ssyncadd.s32 $0xFFFFFFFF  }
0xa5: {  	s26 =	simm.s32 $execute0_lowered;
	[smem:$0x3FD2] =	sst s25  }
0xa6: {  	s5 =	sshll.u32 s26, $0x1;
	_ =	strace $0x80000046;
	[dreg:$0x1] =	wrdreg $0xFFFFFFFF  }
0xa7: {  	s28 =	simm.s32 $_size_execute0_lowered;
	s3 =	sadd.s32 s3, s5;
	[dreg:$0x0] =	wrdreg $0x0  }
0xa8: {  	s5 =	sshll.u32 s28, $0x1;
	[dreg:$0x2] =	wrdreg s3  }
0xa9: {  	[dreg:$0x3] =	wrdreg s5  }
0xaa: {  	[dreg:$0x4] =	wrdreg $0xC0  }
0xab: {  	_ =	task [dreg:s7], $0x5FFFF  }
0xac: {  	[dreg:$0x1] =	wrdreg $0xFFFFFFFF  }
0xad: {  	[dreg:$0x0] =	wrdreg $0x60  }
0xae: {  	[dreg:$0x2] =	wrdreg s24  }
0xaf: {  	[dreg:$0x3] =	wrdreg s2  }
0xb0: {  	[dreg:$0x4] =	wrdreg $0x82000  }
0xb1: {  	[dreg:$0x5] =	wrdreg $0x9  }
0xb2: {  	_ =	task.clear_ibuf [dreg:s7], $0x6FFFF;
	_ =	strace $0x90000046  }
0xb3: {  	s29 =	simm.s32 $0x9;
	_ =	strace $0x80000048  }
0xb4: {  	_ =	swait.ge [sflag:s29], $0x1  }
0xb5: {  	[sflag:s29] =	ssyncadd.s32 $0xFFFFFFFF  }
0xb6: {  	_ =	strace $0x90000048  }
0xb7: {  	_ =	sfence  }
0xb8: {  	s30 =	sld [smem:$0x0];
	_ =	sdelay $0x2  }
0xb9: {  	s31 =	sshll.u32 s1, $0xD;
	s1 =	sshrl.u32 s1, $0x2  }
0xba: {  	s3 =	sand.u32 $0x4000, s31;
	s1 =	sadd.s32 s1, s30  }
0xbb: {  	s0 =	sor.u32 s3, s0;
	s1 =	sshll.u32 s1, $0x11  }
0xbc: {  	s0 =	sor.u32 s1, s0  }
0xbd: {  	s0 =	sadd.s32 $0x8F2B, s0  }
0xbe: {  	[sflag:s0] =	ssyncadd.remote.s32 $0x1  }
0xbf: {  	_ =	sfence.sel $0xFFFF  }
0xc0: {  	[dreg:$0x0] =	wrdreg $0xFFFFFFFF;
	(pc) =	sbr.abs _section_cstart, $3  }
0xc1: {  	[dreg:$0x1] =	wrdreg $0xFFFFFFFF  }
0xc2: {  	_ =	task.clear_ibuf [dreg:s7], $0x2FFFF;
	_ =	strace $0x9FFFFFFF  }
0xc3: {  	(tm) =	ssettm $0x7FFFFFFF  }
tec
execute0_lowered:
.L_overlay_start_1:
0x0: {  	(tag) =	ssettag $0x1  }
0x1: {  	s0 =	rddreg [dreg:$0x0]  }
0x2: {  	s2 =	rddreg [dreg:$0x1]  }
0x3: {  	s1 =	rddreg [dreg:$0x2];
	s3 =	simm.s32 $0x0  }
0x4: {  	s4 =	srdreg.scid;
	s5 =	stileid.u32;
	s28 =	simm.s32 $0x1  }
0x5: {  	s29 =	simm.s32 $0x0;
	[smem:$0x7FF] =	sst s3;
	s8 =	smul.u32 $0x280, s5  }
0x6: {  	s26 =	sand.u32 $0x1, s4;
	s4 =	sadd.s32 $0x3200, s0;
	s9 =	smul.u32 $0x50000, s5  }
0x7: {  	s19 =	sadd.s32 $0x51600, s0;
	s10 =	sadd.s32 $0x56800, s0;
	s18 =	smul.u32 $0x2800, s5  }
0x8: {  	_ =	strace $0x80000047;
	s6 =	ssub.s32 $0x2, s26;
	[dreg:$0x4] =	wrdreg s10  }
0x9: {  	p0 =	seq.s32 s26, $0x0;
	v0 =	vmov s26;
	s26 =	simm.s32 $0x4200;
	s7 =	sshrl.u32 s6, $0x1  }
0xa: {  	s14 =	sadd.s32 $0x80, s8;
	s23 =	sshrl.u32 s9, $0x2;
	s15 =	sadd.s32 $0x100, s8  }
0xb: {  	s16 =	sadd.s32 $0x180, s8;
	s17 =	sadd.s32 $0x200, s8;
	s12 =	sshrl.u32 s18, $0x3  }
0xc: {  	s13 =	ssub.s32 s6, s7;
	s24 =	sshll.u32 s14, $0x7;
	s6 =	sadd.s32 s23, s1  }
0xd: {  	s25 =	sshll.u32 s15, $0x7;
	s30 =	sshll.u32 s16, $0x7;
	s31 =	sshll.u32 s17, $0x7  }
0xe: {  	s11 =	sadd.s32 s2, s12;
	s12 =	sadd.s32 s19, s12;
	s20 =	sshll.u32 s14, $0x4  }
0xf: {  	s21 =	sshll.u32 s15, $0x4;
	s14 =	simm.s32 $0x57000;
	s22 =	sshll.u32 s16, $0x4  }
0x10: {  	s23 =	sshll.u32 s17, $0x4;
	s7 =	sadd.s32 s24, s1;
	s8 =	sadd.s32 s25, s1  }
0x11: {  	s9 =	sadd.s32 s30, s1;
	s10 =	sadd.s32 s31, s1;
	s14 =	simm.s32 @!p0 $0x7F000  }
0x12: {  	s13 =	smax.u32 s13, $0x1;
	s24 =	smul.u32 $0x500, s5;
	s0 =	sadd.s32 s14, s0  }
0x13: {  	s25 =	simm.s32 $0x180;
	s14 =	sadd.s32 s0, s18;
	s15 =	sadd.s32 s0, s20  }
0x14: {  	s16 =	sadd.s32 s0, s21;
	s17 =	sadd.s32 s0, s22;
	s18 =	sadd.s32 s0, s23  }
0x15: {  	s19 =	sadd.s32 s24, s19;
	s20 =	sadd.s32 s24, s2;
	s21 =	simm.s32 $0x200  }
0x16: {  	s22 =	simm.s32 $0x2;
	s23 =	simm.s32 $0x100;
	s24 =	simm.s32 $0x80  }
.LBB2_1:
0x17: {  	s0 =	rddreg [dreg:$0x4]  }
0x18: {  	[tilespmem:s21], [sflag:$0x2] =	stream.linear.gather [hbm4b:s0+s3], $0x4000, $0x38;
	[tilespmem:$0x1C200] =	vst v63  }
0x19: {  	_ =	swait.ge [sflag:s22], $0x4000  }
0x1a: {  	[sflag:s22] =	ssyncset.done $0x0  }
0x1b: {  	[sflag:s22] =	ssyncadd.s32 $0xFFFFC000  }
0x1c: {  	[spmem:s6] =	stream.linear.scatter [tilespmem:s21], [sflag:$0x2], $0x4000, $0x38;
	[tilespmem:$0x1C200] =	vst v63  }
0x1d: {  	_ =	swait.ge [sflag:s22], $0x4000  }
0x1e: {  	[sflag:s22] =	ssyncset.done $0x0  }
0x1f: {  	[sflag:s22] =	ssyncadd.s32 $0xFFFFC000  }
0x20: {  	[spmem:s7] =	stream.linear.scatter [tilespmem:s21], [sflag:$0x2], $0x4000, $0x38;
	[tilespmem:$0x1C200] =	vst v63  }
0x21: {  	_ =	swait.ge [sflag:s22], $0x4000  }
0x22: {  	[sflag:s22] =	ssyncset.done $0x0  }
0x23: {  	[sflag:s22] =	ssyncadd.s32 $0xFFFFC000  }
0x24: {  	[spmem:s8] =	stream.linear.scatter [tilespmem:s21], [sflag:$0x2], $0x4000, $0x38;
	[tilespmem:$0x1C200] =	vst v63  }
0x25: {  	_ =	swait.ge [sflag:s22], $0x4000  }
0x26: {  	[sflag:s22] =	ssyncset.done $0x0  }
0x27: {  	[sflag:s22] =	ssyncadd.s32 $0xFFFFC000  }
0x28: {  	[spmem:s9] =	stream.linear.scatter [tilespmem:s21], [sflag:$0x2], $0x4000, $0x38;
	[tilespmem:$0x1C200] =	vst v63  }
0x29: {  	_ =	swait.ge [sflag:s22], $0x4000  }
0x2a: {  	[sflag:s22] =	ssyncset.done $0x0  }
0x2b: {  	[sflag:s22] =	ssyncadd.s32 $0xFFFFC000  }
0x2c: {  	[spmem:s10] =	stream.linear.scatter [tilespmem:s21], [sflag:$0x2], $0x4000, $0x38;
	[tilespmem:$0x1C200] =	vst v63  }
0x2d: {  	_ =	swait.ge [sflag:s22], $0x4000  }
0x2e: {  	[sflag:s22] =	ssyncset.done $0x0  }
0x2f: {  	[sflag:s22] =	ssyncadd.s32 $0xFFFFC000  }
0x30: {  	[bflag:$0x0] =	sbarrier.arrive $0xFFFF  }
0x31: {  	[tilespmem:s3], [sflag:$0x2] =	stream.linear.gather [hbm4b:s11+s3], $0x80, $0x38;
	[tilespmem:$0x1C200] =	vst v63  }
0x32: {  	_ =	swait.ge [sflag:s22], $0x80  }
0x33: {  	[sflag:s22] =	ssyncset.done $0x0  }
0x34: {  	[sflag:s22] =	ssyncadd.s32 $0xFFFFFF80  }
0x35: {  	[tilespmem:s23], [sflag:$0x2] =	stream.linear.gather [hbm4b:s12+s3], $0x80, $0x38;
	[tilespmem:$0x1C200] =	vst v63  }
0x36: {  	_ =	swait.ge [sflag:s22], $0x80  }
0x37: {  	[sflag:s22] =	ssyncset.done $0x0  }
0x38: {  	[sflag:s22] =	ssyncadd.s32 $0xFFFFFF80  }
0x39: {  	v1 =	vld [tilespmem:$0x0]  }
0x3a: {  	v2 =	vld [tilespmem:$0x10]  }
0x3b: {  	v3 =	vld [tilespmem:$0x20]  }
0x3c: {  	v4 =	vld [tilespmem:$0x30]  }
0x3d: {  	v5 =	vld [tilespmem:$0x40]  }
0x3e: {  	v6 =	vld [tilespmem:$0x50];
	v1 =	vadd.s32 v0, v1  }
0x3f: {  	[tilespmem:$0x0] =	vst v1;
	v1 =	vadd.s32 v0, v2;
	v2 =	vld [tilespmem:$0x60]  }
0x40: {  	[tilespmem:$0x10] =	vst v1;
	v1 =	vadd.s32 v0, v3;
	v3 =	vld [tilespmem:$0x70]  }
0x41: {  	[tilespmem:$0x20] =	vst v1;
	v1 =	vadd.s32 v0, v4  }
0x42: {  	[tilespmem:$0x30] =	vst v1;
	v1 =	vadd.s32 v0, v5  }
0x43: {  	[tilespmem:$0x40] =	vst v1;
	v1 =	vadd.s32 v0, v6  }
0x44: {  	[tilespmem:$0x50] =	vst v1;
	v1 =	vadd.s32 v0, v2  }
0x45: {  	[tilespmem:$0x60] =	vst v1;
	v1 =	vadd.s32 v0, v3  }
0x46: {  	s0 =	sadd.s32 $0xFFFFFB00, s20;
	[tilespmem:$0x70] =	vst v1  }
0x47: {  	[tilespmem:s21], [sflag:$0x1] =	stream.indirect.gather [hbm4b:s4+s24], $0x80, s3, s24, $0xb8;
	[tilespmem:$0x1C200] =	vst v63  }
0x48: {  	s2 =	sadd.s32 $0x510, s0  }
0x49: {  	[tilespmem:s24], [sflag:$0x2] =	stream.linear.gather [hbm4b:s2+s3], $0x80, $0x38;
	[tilespmem:$0x1C200] =	vst v63  }
0x4a: {  	_ =	swait.ge [sflag:s22], $0x80  }
0x4b: {  	s5 =	sadd.s32 $0xFFFFFB00, s19;
	[sflag:s22] =	ssyncset.done $0x0  }
0x4c: {  	s30 =	sadd.s32 $0x510, s5;
	[sflag:s22] =	ssyncadd.s32 $0xFFFFFF80  }
0x4d: {  	[tilespmem:s25], [sflag:$0x2] =	stream.linear.gather [hbm4b:s30+s3], $0x80, $0x38;
	[tilespmem:$0x1C200] =	vst v63  }
0x4e: {  	_ =	swait.ge [sflag:s22], $0x80  }
0x4f: {  	[sflag:s22] =	ssyncset.done $0x0  }
0x50: {  	[sflag:s22] =	ssyncadd.s32 $0xFFFFFF80  }
0x51: {  	v1 =	vld [tilespmem:$0xF0]  }
0x52: {  	v2 =	vld [tilespmem:$0xC0]  }
0x53: {  	v3 =	vld [tilespmem:$0x90]  }
0x54: {  	v58 =	vld [tilespmem:$0xB0]  }
0x55: {  	v60 =	vld [tilespmem:$0x80]  }
0x56: {  	v59 =	vld [tilespmem:$0xD0];
	v1 =	vadd.s32 v0, v1  }
0x57: {  	v7 =	vld [tilespmem:$0xE0];
	v2 =	vadd.s32 v0, v2;
	[tilespmem:$0xF0] =	vst v1  }
0x58: {  	v3 =	vadd.s32 v0, v3;
	v1 =	vld [tilespmem:$0xA0];
	[tilespmem:$0xC0] =	vst v2  }
0x59: {  	v2 =	vadd.s32 v0, v58;
	[tilespmem:$0x90] =	vst v3  }
0x5a: {  	v3 =	vadd.s32 v0, v60;
	[tilespmem:$0xB0] =	vst v2  }
0x5b: {  	v2 =	vadd.s32 v0, v59;
	[tilespmem:$0x80] =	vst v3  }
0x5c: {  	[tilespmem:$0xD0] =	vst v2;
	v2 =	vadd.s32 v0, v7  }
0x5d: {  	[tilespmem:$0xE0] =	vst v2;
	v1 =	vadd.s32 v0, v1  }
0x5e: {  	[tilespmem:$0xA0] =	vst v1  }
0x5f: {  	[tilespmem:s26], [sflag:$0x1] =	stream.indirect.gather [hbm4b:s4+s24], $0x80, s24, s24, $0xb8;
	[tilespmem:$0x1C200] =	vst v63  }
0x60: {  	_ =	swait.ge [sflag:s28], $0x4000  }
0x61: {  	[sflag:s28] =	ssyncset.done $0x0  }
0x62: {  	[sflag:s28] =	ssyncadd.s32 $0xFFFFC000  }
0x63: {  	[spmem:s1] =	stream.indirect.scatter.add.f32 [tilespmem:s21], [sflag:$0x2], $0x80, s23, s24, $0xb8;
	[tilespmem:$0x1C200] =	vst v63  }
0x64: {  	_ =	swait.ge [sflag:s22], $0x4000  }
0x65: {  	[sflag:s22] =	ssyncset.done $0x0  }
0x66: {  	s0 =	sadd.s32 $0x520, s0;
	[sflag:s22] =	ssyncadd.s32 $0xFFFFC000  }
0x67: {  	[tilespmem:s3], [sflag:$0x2] =	stream.linear.gather [hbm4b:s0+s3], $0x80, $0x38;
	[tilespmem:$0x1C200] =	vst v63  }
0x68: {  	_ =	swait.ge [sflag:s22], $0x80  }
0x69: {  	[sflag:s22] =	ssyncset.done $0x0  }
0x6a: {  	s5 =	sadd.s32 $0x520, s5;
	[sflag:s22] =	ssyncadd.s32 $0xFFFFFF80  }
0x6b: {  	[tilespmem:s23], [sflag:$0x2] =	stream.linear.gather [hbm4b:s5+s3], $0x80, $0x38;
	[tilespmem:$0x1C200] =	vst v63  }
0x6c: {  	_ =	swait.ge [sflag:s22], $0x80  }
0x6d: {  	[sflag:s22] =	ssyncset.done $0x0  }
0x6e: {  	[sflag:s22] =	ssyncadd.s32 $0xFFFFFF80  }
0x6f: {  	v1 =	vld [tilespmem:$0x0]  }
0x70: {  	v2 =	vld [tilespmem:$0x10]  }
0x71: {  	v3 =	vld [tilespmem:$0x20]  }
0x72: {  	v61 =	vld [tilespmem:$0x30]  }
0x73: {  	v62 =	vld [tilespmem:$0x40]  }
0x74: {  	v63 =	vld [tilespmem:$0x50];
	v1 =	vadd.s32 v0, v1  }
0x75: {  	[tilespmem:$0x0] =	vst v1;
	v1 =	vadd.s32 v0, v2;
	v2 =	vld [tilespmem:$0x60]  }
0x76: {  	[tilespmem:$0x10] =	vst v1;
	v1 =	vadd.s32 v0, v3;
	v3 =	vld [tilespmem:$0x70]  }
0x77: {  	[tilespmem:$0x20] =	vst v1;
	v1 =	vadd.s32 v0, v61  }
0x78: {  	[tilespmem:$0x30] =	vst v1;
	v1 =	vadd.s32 v0, v62  }
0x79: {  	[tilespmem:$0x40] =	vst v1;
	v1 =	vadd.s32 v0, v63  }
0x7a: {  	[tilespmem:$0x50] =	vst v1;
	v1 =	vadd.s32 v0, v2  }
0x7b: {  	[tilespmem:$0x60] =	vst v1;
	v1 =	vadd.s32 v0, v3  }
0x7c: {  	s31 =	simm.s32 $0xFFFFFB40;
	s30 =	simm.s32 $0xFFFFFB20;
	[tilespmem:$0x70] =	vst v1  }
0x7d: {  	[tilespmem:s21], [sflag:$0x1] =	stream.indirect.gather [hbm4b:s4+s24], $0x80, s3, s24, $0xb8;
	[tilespmem:$0x1C200] =	vst v63  }
.LBB2_2:
0x7e: {  	p0 =	sne.s32 s31, $0xFFFFFFE0  }
0x7f: {  	_ =	swait.ge [sflag:s28], $0x4000;
	s5 =	smov.u32 s31;
	s31 =	sadd.s32 $0x20, s31  }
0x80: {  	[sflag:s28] =	ssyncset.done $0x0  }
0x81: {  	[sflag:s28] =	ssyncadd.s32 $0xFFFFC000  }
0x82: {  	[spmem:s1] =	stream.indirect.scatter.add.f32 [tilespmem:s26], [sflag:$0x2], $0x80, s25, s24, $0xb8;
	[tilespmem:$0x1C200] =	vst v63  }
0x83: {  	_ =	swait.ge [sflag:s22], $0x4000  }
0x84: {  	s0 =	sadd.s32 s30, s20;
	[sflag:s22] =	ssyncset.done $0x0  }
0x85: {  	s2 =	sadd.s32 $0x510, s0;
	[sflag:s22] =	ssyncadd.s32 $0xFFFFC000  }
0x86: {  	[tilespmem:s24], [sflag:$0x2] =	stream.linear.gather [hbm4b:s2+s3], $0x80, $0x38;
	[tilespmem:$0x1C200] =	vst v63  }
0x87: {  	_ =	swait.ge [sflag:s22], $0x80  }
0x88: {  	s2 =	sadd.s32 s30, s19;
	s30 =	smov.u32 s5;
	[sflag:s22] =	ssyncset.done $0x0  }
0x89: {  	s5 =	sadd.s32 $0x510, s2;
	[sflag:s22] =	ssyncadd.s32 $0xFFFFFF80  }
0x8a: {  	[tilespmem:s25], [sflag:$0x2] =	stream.linear.gather [hbm4b:s5+s3], $0x80, $0x38;
	[tilespmem:$0x1C200] =	vst v63  }
0x8b: {  	_ =	swait.ge [sflag:s22], $0x80  }
0x8c: {  	[sflag:s22] =	ssyncset.done $0x0  }
0x8d: {  	[sflag:s22] =	ssyncadd.s32 $0xFFFFFF80  }
0x8e: {  	v1 =	vld [tilespmem:$0xF0]  }
0x8f: {  	v2 =	vld [tilespmem:$0xB0]  }
0x90: {  	v3 =	vld [tilespmem:$0xC0]  }
0x91: {  	v4 =	vld [tilespmem:$0x90]  }
0x92: {  	v5 =	vld [tilespmem:$0xE0]  }
0x93: {  	v6 =	vld [tilespmem:$0xD0];
	v1 =	vadd.s32 v0, v1  }
0x94: {  	v7 =	vld [tilespmem:$0x80];
	[tilespmem:$0xF0] =	vst v1  }
0x95: {  	v1 =	vld [tilespmem:$0xA0];
	v3 =	vadd.s32 v0, v3  }
0x96: {  	v2 =	vadd.s32 v0, v2;
	v4 =	vadd.s32 v0, v4;
	[tilespmem:$0xC0] =	vst v3  }
0x97: {  	[tilespmem:$0x90] =	vst v4;
	v3 =	vadd.s32 v0, v5  }
0x98: {  	[tilespmem:$0xB0] =	vst v2;
	v2 =	vadd.s32 v0, v6  }
0x99: {  	v4 =	vadd.s32 v0, v7;
	[tilespmem:$0xD0] =	vst v2  }
0x9a: {  	[tilespmem:$0x80] =	vst v4;
	v1 =	vadd.s32 v0, v1  }
0x9b: {  	[tilespmem:$0xA0] =	vst v1  }
0x9c: {  	[tilespmem:$0xE0] =	vst v3  }
0x9d: {  	[tilespmem:s26], [sflag:$0x1] =	stream.indirect.gather [hbm4b:s4+s24], $0x80, s24, s24, $0xb8;
	[tilespmem:$0x1C200] =	vst v63  }
0x9e: {  	_ =	swait.ge [sflag:s28], $0x4000  }
0x9f: {  	[sflag:s28] =	ssyncset.done $0x0  }
0xa0: {  	[sflag:s28] =	ssyncadd.s32 $0xFFFFC000  }
0xa1: {  	[spmem:s1] =	stream.indirect.scatter.add.f32 [tilespmem:s21], [sflag:$0x2], $0x80, s23, s24, $0xb8;
	[tilespmem:$0x1C200] =	vst v63  }
0xa2: {  	_ =	swait.ge [sflag:s22], $0x4000  }
0xa3: {  	[sflag:s22] =	ssyncset.done $0x0  }
0xa4: {  	s0 =	sadd.s32 $0x520, s0;
	[sflag:s22] =	ssyncadd.s32 $0xFFFFC000  }
0xa5: {  	[tilespmem:s3], [sflag:$0x2] =	stream.linear.gather [hbm4b:s0+s3], $0x80, $0x38;
	[tilespmem:$0x1C200] =	vst v63  }
0xa6: {  	_ =	swait.ge [sflag:s22], $0x80  }
0xa7: {  	[sflag:s22] =	ssyncset.done $0x0  }
0xa8: {  	s0 =	sadd.s32 $0x520, s2;
	[sflag:s22] =	ssyncadd.s32 $0xFFFFFF80  }
0xa9: {  	[tilespmem:s23], [sflag:$0x2] =	stream.linear.gather [hbm4b:s0+s3], $0x80, $0x38;
	[tilespmem:$0x1C200] =	vst v63  }
0xaa: {  	_ =	swait.ge [sflag:s22], $0x80  }
0xab: {  	[sflag:s22] =	ssyncset.done $0x0  }
0xac: {  	[sflag:s22] =	ssyncadd.s32 $0xFFFFFF80  }
0xad: {  	v1 =	vld [tilespmem:$0x0]  }
0xae: {  	v2 =	vld [tilespmem:$0x10]  }
0xaf: {  	v3 =	vld [tilespmem:$0x20]  }
0xb0: {  	v4 =	vld [tilespmem:$0x30]  }
0xb1: {  	v5 =	vld [tilespmem:$0x40]  }
0xb2: {  	v1 =	vadd.s32 v0, v1;
	v6 =	vld [tilespmem:$0x50]  }
0xb3: {  	[tilespmem:$0x0] =	vst v1;
	v1 =	vadd.s32 v0, v2;
	v2 =	vld [tilespmem:$0x60]  }
0xb4: {  	[tilespmem:$0x10] =	vst v1;
	v1 =	vadd.s32 v0, v3;
	v3 =	vld [tilespmem:$0x70]  }
0xb5: {  	[tilespmem:$0x20] =	vst v1;
	v1 =	vadd.s32 v0, v4  }
0xb6: {  	[tilespmem:$0x30] =	vst v1;
	v1 =	vadd.s32 v0, v5  }
.Ltmp0:
0xb7: {  	[tilespmem:$0x40] =	vst v1;
	v1 =	vadd.s32 v0, v6;
	(pc) =	sbr.rel @p0 .LBB2_2-.Ltmp0, $4  }
0xb8: {  	[tilespmem:$0x50] =	vst v1;
	v1 =	vadd.s32 v0, v2  }
0xb9: {  	[tilespmem:$0x60] =	vst v1;
	v1 =	vadd.s32 v0, v3  }
0xba: {  	[tilespmem:$0x70] =	vst v1  }
0xbb: {  	[tilespmem:s21], [sflag:$0x1] =	stream.indirect.gather [hbm4b:s4+s24], $0x80, s3, s24, $0xb8;
	[tilespmem:$0x1C200] =	vst v63  }
0xbc: {  	_ =	swait.ge [sflag:s28], $0x4000  }
0xbd: {  	[sflag:s28] =	ssyncset.done $0x0  }
0xbe: {  	[sflag:s28] =	ssyncadd.s32 $0xFFFFC000  }
0xbf: {  	[spmem:s1] =	stream.indirect.scatter.add.f32 [tilespmem:s26], [sflag:$0x2], $0x80, s25, s24, $0xb8;
	[tilespmem:$0x1C200] =	vst v63  }
0xc0: {  	_ =	swait.ge [sflag:s22], $0x4000  }
0xc1: {  	s0 =	sadd.s32 s30, s20;
	[sflag:s22] =	ssyncset.done $0x0  }
0xc2: {  	s2 =	sadd.s32 $0x510, s0;
	[sflag:s22] =	ssyncadd.s32 $0xFFFFC000  }
0xc3: {  	[tilespmem:s24], [sflag:$0x2] =	stream.linear.gather [hbm4b:s2+s3], $0x80, $0x38;
	[tilespmem:$0x1C200] =	vst v63  }
0xc4: {  	_ =	swait.ge [sflag:s22], $0x80  }
0xc5: {  	s30 =	sadd.s32 s30, s19;
	[sflag:s22] =	ssyncset.done $0x0  }
0xc6: {  	s5 =	sadd.s32 $0x510, s30;
	[sflag:s22] =	ssyncadd.s32 $0xFFFFFF80  }
0xc7: {  	[tilespmem:s25], [sflag:$0x2] =	stream.linear.gather [hbm4b:s5+s3], $0x80, $0x38;
	[tilespmem:$0x1C200] =	vst v63  }
0xc8: {  	_ =	swait.ge [sflag:s22], $0x80  }
0xc9: {  	[sflag:s22] =	ssyncset.done $0x0  }
0xca: {  	[sflag:s22] =	ssyncadd.s32 $0xFFFFFF80  }
0xcb: {  	v1 =	vld [tilespmem:$0xF0]  }
0xcc: {  	v2 =	vld [tilespmem:$0xC0]  }
0xcd: {  	v3 =	vld [tilespmem:$0x90]  }
0xce: {  	v4 =	vld [tilespmem:$0xB0]  }
0xcf: {  	v6 =	vld [tilespmem:$0x80]  }
0xd0: {  	v5 =	vld [tilespmem:$0xD0];
	v1 =	vadd.s32 v0, v1  }
0xd1: {  	v7 =	vld [tilespmem:$0xE0];
	v2 =	vadd.s32 v0, v2;
	[tilespmem:$0xF0] =	vst v1  }
0xd2: {  	v3 =	vadd.s32 v0, v3;
	v1 =	vld [tilespmem:$0xA0];
	[tilespmem:$0xC0] =	vst v2  }
0xd3: {  	v2 =	vadd.s32 v0, v4;
	[tilespmem:$0x90] =	vst v3  }
0xd4: {  	v3 =	vadd.s32 v0, v6;
	[tilespmem:$0xB0] =	vst v2  }
0xd5: {  	v2 =	vadd.s32 v0, v5;
	[tilespmem:$0x80] =	vst v3  }
0xd6: {  	[tilespmem:$0xD0] =	vst v2;
	v2 =	vadd.s32 v0, v7  }
0xd7: {  	[tilespmem:$0xE0] =	vst v2;
	v1 =	vadd.s32 v0, v1  }
0xd8: {  	[tilespmem:$0xA0] =	vst v1  }
0xd9: {  	[tilespmem:s26], [sflag:$0x1] =	stream.indirect.gather [hbm4b:s4+s24], $0x80, s24, s24, $0xb8;
	[tilespmem:$0x1C200] =	vst v63  }
0xda: {  	_ =	swait.ge [sflag:s28], $0x4000  }
0xdb: {  	[sflag:s28] =	ssyncset.done $0x0  }
0xdc: {  	[sflag:s28] =	ssyncadd.s32 $0xFFFFC000  }
0xdd: {  	[spmem:s1] =	stream.indirect.scatter.add.f32 [tilespmem:s21], [sflag:$0x2], $0x80, s23, s24, $0xb8;
	[tilespmem:$0x1C200] =	vst v63  }
0xde: {  	_ =	swait.ge [sflag:s22], $0x4000  }
0xdf: {  	[sflag:s22] =	ssyncset.done $0x0  }
0xe0: {  	s0 =	sadd.s32 $0x520, s0;
	[sflag:s22] =	ssyncadd.s32 $0xFFFFC000  }
0xe1: {  	[tilespmem:s3], [sflag:$0x2] =	stream.linear.gather [hbm4b:s0+s3], $0x80, $0x38;
	[tilespmem:$0x1C200] =	vst v63  }
0xe2: {  	_ =	swait.ge [sflag:s22], $0x80  }
0xe3: {  	[sflag:s22] =	ssyncset.done $0x0  }
0xe4: {  	s31 =	sadd.s32 $0x520, s30;
	[sflag:s22] =	ssyncadd.s32 $0xFFFFFF80  }
0xe5: {  	[tilespmem:s23], [sflag:$0x2] =	stream.linear.gather [hbm4b:s31+s3], $0x80, $0x38;
	[tilespmem:$0x1C200] =	vst v63  }
0xe6: {  	_ =	swait.ge [sflag:s22], $0x80  }
0xe7: {  	[sflag:s22] =	ssyncset.done $0x0  }
0xe8: {  	[sflag:s22] =	ssyncadd.s32 $0xFFFFFF80  }
0xe9: {  	v1 =	vld [tilespmem:$0x0]  }
0xea: {  	v2 =	vld [tilespmem:$0x10]  }
0xeb: {  	v3 =	vld [tilespmem:$0x20]  }
0xec: {  	v61 =	vld [tilespmem:$0x30]  }
0xed: {  	v62 =	vld [tilespmem:$0x40]  }
0xee: {  	v63 =	vld [tilespmem:$0x50];
	v1 =	vadd.s32 v0, v1  }
0xef: {  	[tilespmem:$0x0] =	vst v1;
	v1 =	vadd.s32 v0, v2;
	v2 =	vld [tilespmem:$0x60]  }
0xf0: {  	[tilespmem:$0x10] =	vst v1;
	v1 =	vadd.s32 v0, v3;
	v3 =	vld [tilespmem:$0x70]  }
0xf1: {  	[tilespmem:$0x20] =	vst v1;
	v1 =	vadd.s32 v0, v61  }
0xf2: {  	[tilespmem:$0x30] =	vst v1;
	v1 =	vadd.s32 v0, v62  }
0xf3: {  	[tilespmem:$0x40] =	vst v1;
	v1 =	vadd.s32 v0, v63  }
0xf4: {  	[tilespmem:$0x50] =	vst v1;
	v1 =	vadd.s32 v0, v2  }
0xf5: {  	[tilespmem:$0x60] =	vst v1;
	v1 =	vadd.s32 v0, v3  }
0xf6: {  	[tilespmem:$0x70] =	vst v1  }
0xf7: {  	[tilespmem:s21], [sflag:$0x1] =	stream.indirect.gather [hbm4b:s4+s24], $0x80, s3, s24, $0xb8;
	[tilespmem:$0x1C200] =	vst v63  }
0xf8: {  	_ =	swait.ge [sflag:s28], $0x4000  }
0xf9: {  	[sflag:s28] =	ssyncset.done $0x0  }
0xfa: {  	[sflag:s28] =	ssyncadd.s32 $0xFFFFC000  }
0xfb: {  	[spmem:s1] =	stream.indirect.scatter.add.f32 [tilespmem:s26], [sflag:$0x2], $0x80, s25, s24, $0xb8;
	[tilespmem:$0x1C200] =	vst v63  }
0xfc: {  	_ =	swait.ge [sflag:s22], $0x4000  }
0xfd: {  	[sflag:s22] =	ssyncset.done $0x0  }
0xfe: {  	[sflag:s22] =	ssyncadd.s32 $0xFFFFC000  }
0xff: {  	_ =	swait.ge [sflag:s28], $0x4000  }
0x100: {  	[sflag:s28] =	ssyncset.done $0x0  }
0x101: {  	[sflag:s28] =	ssyncadd.s32 $0xFFFFC000  }
0x102: {  	[bflag:$0x0] =	sbarrier.arrive $0xFFFF  }
0x103: {  	[tilespmem:s21], [sflag:$0x2] =	stream.linear.gather [spmem:s6], $0x4000, $0x38;
	[tilespmem:$0x1C200] =	vst v63  }
0x104: {  	_ =	swait.ge [sflag:s22], $0x4000  }
0x105: {  	[sflag:s22] =	ssyncset.done $0x0  }
0x106: {  	[sflag:s22] =	ssyncadd.s32 $0xFFFFC000  }
0x107: {  	[hbm4b:s14+s3] =	stream.linear.scatter [tilespmem:s21], [sflag:$0x2], $0x4000, $0x38;
	[tilespmem:$0x1C200] =	vst v63  }
0x108: {  	_ =	swait.ge [sflag:s22], $0x4000  }
0x109: {  	[sflag:s22] =	ssyncset.done $0x0  }
0x10a: {  	[sflag:s22] =	ssyncadd.s32 $0xFFFFC000  }
0x10b: {  	[tilespmem:s21], [sflag:$0x2] =	stream.linear.gather [spmem:s7], $0x4000, $0x38;
	[tilespmem:$0x1C200] =	vst v63  }
0x10c: {  	_ =	swait.ge [sflag:s22], $0x4000  }
0x10d: {  	[sflag:s22] =	ssyncset.done $0x0  }
0x10e: {  	[sflag:s22] =	ssyncadd.s32 $0xFFFFC000  }
0x10f: {  	[hbm4b:s15+s3] =	stream.linear.scatter [tilespmem:s21], [sflag:$0x2], $0x4000, $0x38;
	[tilespmem:$0x1C200] =	vst v63  }
0x110: {  	_ =	swait.ge [sflag:s22], $0x4000  }
0x111: {  	[sflag:s22] =	ssyncset.done $0x0  }
0x112: {  	[sflag:s22] =	ssyncadd.s32 $0xFFFFC000  }
0x113: {  	[tilespmem:s21], [sflag:$0x2] =	stream.linear.gather [spmem:s8], $0x4000, $0x38;
	[tilespmem:$0x1C200] =	vst v63  }
0x114: {  	_ =	swait.ge [sflag:s22], $0x4000  }
0x115: {  	[sflag:s22] =	ssyncset.done $0x0  }
0x116: {  	[sflag:s22] =	ssyncadd.s32 $0xFFFFC000  }
0x117: {  	[hbm4b:s16+s3] =	stream.linear.scatter [tilespmem:s21], [sflag:$0x2], $0x4000, $0x38;
	[tilespmem:$0x1C200] =	vst v63  }
0x118: {  	_ =	swait.ge [sflag:s22], $0x4000  }
0x119: {  	[sflag:s22] =	ssyncset.done $0x0  }
0x11a: {  	[sflag:s22] =	ssyncadd.s32 $0xFFFFC000  }
0x11b: {  	[tilespmem:s21], [sflag:$0x2] =	stream.linear.gather [spmem:s9], $0x4000, $0x38;
	[tilespmem:$0x1C200] =	vst v63  }
0x11c: {  	_ =	swait.ge [sflag:s22], $0x4000  }
0x11d: {  	[sflag:s22] =	ssyncset.done $0x0  }
0x11e: {  	[sflag:s22] =	ssyncadd.s32 $0xFFFFC000  }
0x11f: {  	[hbm4b:s17+s3] =	stream.linear.scatter [tilespmem:s21], [sflag:$0x2], $0x4000, $0x38;
	[tilespmem:$0x1C200] =	vst v63  }
0x120: {  	_ =	swait.ge [sflag:s22], $0x4000  }
0x121: {  	[sflag:s22] =	ssyncset.done $0x0  }
0x122: {  	[sflag:s22] =	ssyncadd.s32 $0xFFFFC000  }
0x123: {  	[tilespmem:s21], [sflag:$0x2] =	stream.linear.gather [spmem:s10], $0x4000, $0x38;
	[tilespmem:$0x1C200] =	vst v63  }
0x124: {  	s29 =	sadd.s32 $0x1, s29;
	_ =	swait.ge [sflag:s22], $0x4000  }
0x125: {  	p0 =	sne.s32 s29, s13;
	[sflag:s22] =	ssyncset.done $0x0  }
.Ltmp1:
0x126: {  	[sflag:s22] =	ssyncadd.s32 $0xFFFFC000;
	(pc) =	sbr.rel @p0 .LBB2_1-.Ltmp1, $4  }
0x127: {  	[hbm4b:s18+s3] =	stream.linear.scatter [tilespmem:s21], [sflag:$0x2], $0x4000, $0x38;
	[tilespmem:$0x1C200] =	vst v63  }
0x128: {  	_ =	swait.ge [sflag:s22], $0x4000  }
0x129: {  	[sflag:s22] =	ssyncset.done $0x0  }
0x12a: {  	[sflag:s22] =	ssyncadd.s32 $0xFFFFC000  }
0x12b: {  	_ =	sfence.sel $0x180000  }
0x12c: {  	[bflag:$0x0] =	sbarrier.arrive $0xFFFF  }
0x12d: {  	_ =	strace $0x90000047  }
0x12e: {  	s0 =	stileid.u32;
	[bflag:$0x2] =	sbarrier.arrive $0xFFFF  }
0x12f: {  	p0 =	sne.s32 s0, $0x0;
	s0 =	rddreg [dreg:$0x3]  }
0x130: {  	s0 =	sadd.s32 @!p0 $0x100000, s0  }
0x131: {  	[sflag:s0] =	ssyncadd.tile.s32 @!p0 $0x1;
	_ =	shalt  }
.Lfunc_end2:
_tile_overlayer_lowered:
.L_overlay_start_2:
0x132: {  	(tag) =	ssettag $0x2  }
0x133: {  	s0 =	rddreg [dreg:$0x0];
	s2 =	stileid.u32  }
0x134: {  	s1 =	rddreg [dreg:$0x1];
	p0 =	sne.s32 s2, $0x0  }
0x135: {  	s3 =	rddreg [dreg:$0x2];
	[bflag:$0x3] =	sbarrier.arrive $0xFFFF;
	s2 =	simm.s32 @!p0 $0x1C02  }
0x136: {  	[timem:s3], [sflag:s2] =	dma.local @!p0 [hbm:s0], s1  }
0x137: {  	s0 =	simm.s32 @!p0 $0x2  }
0x138: {  	_ =	swait.ge @!p0 [sflag:s0], s1  }
0x139: {  	s1 =	ssub.s32 @!p0 $0x0, s1;
	[sflag:s0] =	ssyncset.done @!p0 $0x0  }
0x13a: {  	[sflag:s0] =	ssyncadd.s32 @!p0 s1  }
0x13b: {  	[bflag:$0x3] =	sbarrier.arrive $0xFFFF  }
0x13c: {  	_ =	shalt  }

// kernel: kernel.9.cloned.1.call-start
scs
__scs_entry_jumppad:
0x0: {  	(pc) =	sbr.rel $0x88, $3  }
0x1: {  	(tag) =	ssettag $0x0;
	lr =	simm.s32 $0x1  }
0x2: {  	[smem:$0x3F94] =	sst lr;
	_ =	strace $0xD0000000  }
0x3: {  	_ = 	snop  }
0x4: {  	_ = 	snop  }
0x5: {  	_ = 	snop  }
0x6: {  	_ = 	snop  }
0x7: {  	_ = 	snop  }
__scs_overlays_trampoline_lowered:
0x8: {  	[smem:$0x3FA3] =	sst s0  }
0x9: {  	[smem:$0x3FA4] =	sst s1  }
0xa: {  	[smem:$0x3FA5] =	sst s2  }
0xb: {  	[smem:$0x3FA6] =	sst s3  }
0xc: {  	[smem:$0x3FA7] =	sst s4  }
0xd: {  	[smem:$0x3FA8] =	sst s5  }
0xe: {  	[smem:$0x3FA9] =	sst s6  }
0xf: {  	[smem:$0x3FAA] =	sst s7  }
0x10: {  	[smem:$0x3FAB] =	sst s8  }
0x11: {  	[smem:$0x3FAC] =	sst s9;
	s0 =	simm.s32 @!p0 $0x0  }
0x12: {  	s1 =	sld [smem:$0x3F92];
	s0 =	simm.s32 @p0 $0x1  }
0x13: {  	[smem:$0x3FAD] =	sst s0;
	s0 =	simm.s32 @!p1 $0x0  }
0x14: {  	s2 =	sld [smem:$0x3F91];
	s0 =	simm.s32 @p1 $0x1  }
0x15: {  	[smem:$0x3FAE] =	sst s0;
	s0 =	simm.s32 @!p2 $0x0  }
0x16: {  	s3 =	sld [smem:$0x3FDB];
	s0 =	simm.s32 @p2 $0x1  }
0x17: {  	s4 =	simm.s32 $0x1BF5;
	[smem:$0x3FB0] =	sst s0  }
0x18: {  	s0 =	sld [smem:$0x3F93];
	_ =	swait.ge [sflag:s4], $0x0  }
0x19: {  	s7 =	sld [smem:$0x3F94]  }
0x1a: {  	s8 =	sadd.s32 $0xFFFFE003, lr  }
0x1b: {  	s9 =	sadd.s32 $0xFFFFFEF7, lr;
	s5 =	simm.s32 $0xFFFFFFFF;
	p2 =	slt.u32 s8, $0xFFFFF086  }
0x1c: {  	p1 =	slt.u32 s9, $0xF7A;
	s5 =	simm.s32 @!p2 $0x0  }
0x1d: {  	s5 =	simm.s32 @p1 $0x1;
	p0 =	seq.s32 s7, s2  }
0x1e: {  	s7 =	smul.u32 @!p0 $0xF7A, s2;
	p2 =	seq.s32 @!p0 s5, $0x0  }
0x1f: {  	s9 =	smul.u32 $0xF7A, s1;
	s8 =	simm.s32 @!p0 $0x1BF5;
	p2 =	por !p2, p0  }
0x20: {  	[sflag:s8] =	ssyncset.s32 @!p0 $0xFFFFF086;
	s6 =	sadd.s32 @!p0 s3, s7;
	s7 =	simm.s32 @!p0 $0x108  }
0x21: {  	s3 =	sadd.s32 s3, s9;
	s6 =	sadd.s32 @!p0 $0x88, s6;
	s7 =	simm.s32 @p2 $0x1082  }
0x22: {  	[simem:s7], [sflag:s8] =	dma.local @!p0 [hbm:s6], $0xF7A  }
0x23: {  	s9 =	sor.u32 $0xD0000000, s2;
	s6 =	simm.s32 $0x108;
	_ =	swait.ge @!p0 [sflag:s8], $0x0  }
0x24: {  	s3 =	sadd.s32 $0x88, s3;
	s6 =	simm.s32 @!p1 $0x1082;
	[sflag:s4] =	ssyncset.s32 $0xFFFFF086  }
0x25: {  	[simem:s6], [sflag:s4] =	dma.local [hbm:s3], $0xF7A  }
0x26: {  	[smem:$0x3F94] =	sst s1;
	(tag) =	ssettag s2;
	_ =	strace s9  }
0x27: {  	s1 =	sld [smem:$0x3FA4]  }
0x28: {  	s2 =	sld [smem:$0x3FA5]  }
0x29: {  	s4 =	sld [smem:$0x3FA7]  }
0x2a: {  	p0 =	seq.s32 s5, $0x0;
	s5 =	sld [smem:$0x3FA8]  }
0x2b: {  	s6 =	sld [smem:$0x3FA9]  }
0x2c: {  	s7 =	sld [smem:$0x3FAA]  }
0x2d: {  	s3 =	simm.s32 $0x108;
	s8 =	sld [smem:$0x3FAB]  }
0x2e: {  	s3 =	simm.s32 @!p0 $0x1082;
	s9 =	sld [smem:$0x3FAC]  }
0x2f: {  	lr =	sadd.s32 s0, s3;
	s0 =	sld [smem:$0x3FA3]  }
0x30: {  	s3 =	sld [smem:$0x3FA6]  }
0x31: {  	[smem:$0x3FAF] =	sst s10  }
0x32: {  	s10 =	sld [smem:$0x3FAD];
	_ =	sdelay $0x3  }
0x33: {  	p0 =	seq.s32 s10, $0x1;
	s10 =	sld [smem:$0x3FAF];
	_ =	sdelay $0x3  }
0x34: {  	[smem:$0x3FAF] =	sst s10  }
0x35: {  	s10 =	sld [smem:$0x3FAE];
	_ =	sdelay $0x3  }
0x36: {  	p1 =	seq.s32 s10, $0x1;
	s10 =	sld [smem:$0x3FAF];
	_ =	sdelay $0x3  }
0x37: {  	[smem:$0x3FAF] =	sst s10  }
0x38: {  	s10 =	sld [smem:$0x3FB0]  }
0x39: {  	_ = 	snop;
	(pc) =	sbr.ind lr, $3  }
0x3a: {  	_ = 	snop  }
0x3b: {  	_ = 	snop  }
0x3c: {  	p2 =	seq.s32 s10, $0x1;
	s10 =	sld [smem:$0x3FAF]  }
0x3d: {  	_ =	shalt  }
0x3e: {  	_ =	shalt  }
0x3f: {  	_ =	shalt  }
0x40: {  	_ =	shalt  }
0x41: {  	_ =	shalt  }
0x42: {  	_ =	shalt  }
0x43: {  	_ =	shalt  }
0x44: {  	_ =	shalt  }
0x45: {  	_ =	shalt  }
0x46: {  	_ =	shalt  }
0x47: {  	_ =	shalt  }
0x48: {  	_ =	shalt  }
0x49: {  	_ =	shalt  }
0x4a: {  	_ =	shalt  }
0x4b: {  	_ =	shalt  }
0x4c: {  	_ =	shalt  }
0x4d: {  	_ =	shalt  }
0x4e: {  	_ =	shalt  }
0x4f: {  	_ =	shalt  }
0x50: {  	_ =	shalt  }
0x51: {  	_ =	shalt  }
0x52: {  	_ =	shalt  }
0x53: {  	_ =	shalt  }
0x54: {  	_ =	shalt  }
0x55: {  	_ =	shalt  }
0x56: {  	_ =	shalt  }
0x57: {  	_ =	shalt  }
0x58: {  	_ =	shalt  }
0x59: {  	_ =	shalt  }
0x5a: {  	_ =	shalt  }
0x5b: {  	_ =	shalt  }
0x5c: {  	_ =	shalt  }
0x5d: {  	_ =	shalt  }
0x5e: {  	_ =	shalt  }
0x5f: {  	_ =	shalt  }
0x60: {  	_ =	shalt  }
0x61: {  	_ =	shalt  }
0x62: {  	_ =	shalt  }
0x63: {  	_ =	shalt  }
0x64: {  	_ =	shalt  }
0x65: {  	_ =	shalt  }
0x66: {  	_ =	shalt  }
0x67: {  	_ =	shalt  }
0x68: {  	_ =	shalt  }
0x69: {  	_ =	shalt  }
0x6a: {  	_ =	shalt  }
0x6b: {  	_ =	shalt  }
0x6c: {  	_ =	shalt  }
0x6d: {  	_ =	shalt  }
0x6e: {  	_ =	shalt  }
0x6f: {  	_ =	shalt  }
0x70: {  	_ =	shalt  }
0x71: {  	_ =	shalt  }
0x72: {  	_ =	shalt  }
0x73: {  	_ =	shalt  }
0x74: {  	_ =	shalt  }
0x75: {  	_ =	shalt  }
0x76: {  	_ =	shalt  }
0x77: {  	_ =	shalt  }
0x78: {  	_ =	shalt  }
0x79: {  	_ =	shalt  }
0x7a: {  	_ =	shalt  }
0x7b: {  	_ =	shalt  }
0x7c: {  	_ =	shalt  }
0x7d: {  	_ =	shalt  }
0x7e: {  	_ =	shalt  }
0x7f: {  	_ =	shalt  }
0x80: {  	_ =	shalt  }
0x81: {  	_ =	shalt  }
0x82: {  	_ =	shalt  }
0x83: {  	_ =	shalt  }
0x84: {  	_ =	shalt  }
0x85: {  	_ =	shalt  }
0x86: {  	_ =	shalt  }
0x87: {  	_ =	shalt  }
.Lfunc_end0:
.L_simem_size_0:
called_computation.1_lowered:
.L_overlay_start_0:
0x88: {  	s2 =	sld [smem:$0x3FD9]  }
0x89: {  	s3 =	sld [smem:$0x3FFE];
	_ =	sdelay $0x1  }
0x8a: {  	s1 =	srdreg.scid  }
0x8b: {  	s0 =	sand.u32 $0x1, s1  }
0x8c: {  	s17 =	sshll.u32 s0, $0xA;
	s2 =	sadd.s32 s3, s2  }
0x8d: {  	s2 =	sadd.s32 s2, s17  }
0x8e: {  	[smem:$0x3FBB] =	sst s2  }
0x8f: {  	_ = 	snop  }
0x90: {  	s2 =	sld [smem:$0x3FD0];
	(tm) =	ssettm $0x1  }
0x91: {  	s18 =	sld [smem:$0x3FFB];
	_ =	sdelay $0x3  }
0x92: {  	_ =	strace s18  }
0x93: {  	s3 =	sld [smem:$0x3FFC];
	_ =	sdelay $0x3  }
0x94: {  	_ =	strace s3  }
0x95: {  	s3 =	sld [smem:$0x3FFD];
	_ =	sdelay $0x3  }
0x96: {  	_ =	strace s3  }
0x97: {  	_ =	strace $0x8FFFFFFF  }
0x98: {  	s19 =	sld [smem:$0x3FDB];
	_ =	sdelay $0x1  }
0x99: {  	s4 =	simm.s32 $_scs_section_size  }
0x9a: {  	s5 =	simm.s32 $_size__tile_overlayer_lowered;
	s6 =	simm.s32 $_tile_overlayer_lowered  }
0x9b: {  	s22 =	simm.s32 $0x1BFF;
	s21 =	sshll.u32 s6, $0x1;
	s3 =	sadd.s32 s4, s19  }
0x9c: {  	s7 =	simm.s32 $0x0;
	s20 =	sshll.u32 s5, $0x1;
	s5 =	sadd.s32 s21, s3  }
0x9d: {  	[timem:s7], [sflag:s22] =	dma.local [hbm:s5], s20  }
0x9e: {  	_ =	swait.ge [sflag:s22], s20  }
0x9f: {  	s4 =	ssub.s32 $0x0, s20;
	[sflag:s22] =	ssyncset.done $0x0  }
0xa0: {  	[sflag:s22] =	ssyncadd.s32 s4;
	_ =	sdelay $0x1  }
0xa1: {  	s23 =	simm.s32 $0x1B8B  }
0xa2: {  	_ =	swait.ge [sflag:s23], $0x1  }
0xa3: {  	[sflag:s23] =	ssyncset.done $0x0  }
0xa4: {  	s25 =	simm.s32 $0x1B8E;
	s24 =	sld [smem:$0x3FFE];
	[sflag:s23] =	ssyncadd.s32 $0xFFFFFFFF  }
0xa5: {  	s26 =	simm.s32 $execute0_lowered;
	[smem:$0x3FD2] =	sst s25  }
0xa6: {  	s5 =	sshll.u32 s26, $0x1;
	_ =	strace $0x80000049;
	[dreg:$0x1] =	wrdreg $0xFFFFFFFF  }
0xa7: {  	s28 =	simm.s32 $_size_execute0_lowered;
	s3 =	sadd.s32 s3, s5;
	[dreg:$0x0] =	wrdreg $0x0  }
0xa8: {  	s5 =	sshll.u32 s28, $0x1;
	[dreg:$0x2] =	wrdreg s3  }
0xa9: {  	[dreg:$0x3] =	wrdreg s5  }
0xaa: {  	[dreg:$0x4] =	wrdreg $0xC0  }
0xab: {  	_ =	task [dreg:s7], $0x5FFFF  }
0xac: {  	[dreg:$0x1] =	wrdreg $0xFFFFFFFF  }
0xad: {  	[dreg:$0x0] =	wrdreg $0x60  }
0xae: {  	[dreg:$0x2] =	wrdreg s24  }
0xaf: {  	[dreg:$0x3] =	wrdreg s2  }
0xb0: {  	[dreg:$0x4] =	wrdreg $0x81000  }
0xb1: {  	[dreg:$0x5] =	wrdreg $0x9  }
0xb2: {  	_ =	task.clear_ibuf [dreg:s7], $0x6FFFF;
	_ =	strace $0x90000049  }
0xb3: {  	s29 =	simm.s32 $0x9;
	_ =	strace $0x8000004B  }
0xb4: {  	_ =	swait.ge [sflag:s29], $0x1  }
0xb5: {  	[sflag:s29] =	ssyncadd.s32 $0xFFFFFFFF  }
0xb6: {  	_ =	strace $0x9000004B  }
0xb7: {  	_ =	sfence  }
0xb8: {  	s30 =	sld [smem:$0x0];
	_ =	sdelay $0x2  }
0xb9: {  	s31 =	sshll.u32 s1, $0xD;
	s1 =	sshrl.u32 s1, $0x2  }
0xba: {  	s3 =	sand.u32 $0x4000, s31;
	s1 =	sadd.s32 s1, s30  }
0xbb: {  	s0 =	sor.u32 s3, s0;
	s1 =	sshll.u32 s1, $0x11  }
0xbc: {  	s0 =	sor.u32 s1, s0  }
0xbd: {  	s0 =	sadd.s32 $0x8F2B, s0  }
0xbe: {  	[sflag:s0] =	ssyncadd.remote.s32 $0x1  }
0xbf: {  	_ =	sfence.sel $0xFFFF  }
0xc0: {  	[dreg:$0x0] =	wrdreg $0xFFFFFFFF;
	(pc) =	sbr.abs _section_cstart, $3  }
0xc1: {  	[dreg:$0x1] =	wrdreg $0xFFFFFFFF  }
0xc2: {  	_ =	task.clear_ibuf [dreg:s7], $0x2FFFF;
	_ =	strace $0x9FFFFFFF  }
0xc3: {  	(tm) =	ssettm $0x7FFFFFFF  }
tec
execute0_lowered:
.L_overlay_start_1:
0x0: {  	(tag) =	ssettag $0x1  }
0x1: {  	s5 =	rddreg [dreg:$0x0]  }
0x2: {  	s13 =	rddreg [dreg:$0x1]  }
0x3: {  	s1 =	rddreg [dreg:$0x2];
	s2 =	simm.s32 $0x0;
	s4 =	srdreg.scid  }
0x4: {  	s0 =	stileid.u32;
	[smem:$0x7FF] =	sst s2;
	s20 =	sadd.s32 $0x51600, s5  }
0x5: {  	s18 =	sadd.s32 $0x318000, s5;
	s19 =	sand.u32 $0x1, s4;
	s8 =	smul.u32 $0x280, s0  }
0x6: {  	s4 =	sadd.s32 $0x56800, s5;
	s17 =	sadd.s32 $0x3200, s5;
	s7 =	smul.u32 $0x50000, s0  }
0x7: {  	s23 =	sshll.u32 s0, $0x1;
	s28 =	smul.u32 $0x2800, s0;
	_ =	strace $0x8000004A  }
0x8: {  	s6 =	ssub.s32 $0x2, s19;
	s9 =	sor.u32 s19, s23;
	s29 =	smul.u32 $0x1400, s19  }
0x9: {  	p0 =	seq.s32 s19, $0x0;
	s19 =	smul.u32 $0x14000, s19;
	s22 =	sshrl.u32 s6, $0x1  }
0xa: {  	s14 =	sadd.s32 $0x80, s8;
	s24 =	sshrl.u32 s7, $0x2;
	s15 =	sadd.s32 $0x100, s8  }
0xb: {  	s16 =	sadd.s32 $0x180, s8;
	s10 =	smul.u32 $0x1400, s9;
	s21 =	sadd.s32 $0x200, s8  }
0xc: {  	s23 =	smul.u32 $0x14000, s9;
	s17 =	smov.u32 @p0 s13;
	s12 =	ssub.s32 s6, s22  }
0xd: {  	s25 =	sshll.u32 s14, $0x7;
	s5 =	sadd.s32 s24, s1;
	s26 =	sshll.u32 s15, $0x7  }
0xe: {  	s11 =	sshll.u32 s16, $0x7;
	s22 =	sshll.u32 s21, $0x7;
	s14 =	sshll.u32 s14, $0x4  }
0xf: {  	s15 =	sshll.u32 s15, $0x4;
	s16 =	sshll.u32 s16, $0x4;
	s21 =	sshll.u32 s21, $0x4  }
0x10: {  	s13 =	sadd.s32 s17, s28;
	s24 =	smul.u32 $0x28000, s0;
	s30 =	sadd.s32 s29, s28  }
0x11: {  	s6 =	sadd.s32 s25, s1;
	s7 =	sadd.s32 s26, s1;
	s10 =	sshrl.u32 s10, $0x3  }
0x12: {  	s8 =	sadd.s32 s11, s1;
	s9 =	sadd.s32 s22, s1;
	s11 =	sadd.s32 s18, s23  }
0x13: {  	s12 =	smax.u32 s12, $0x1;
	s14 =	sadd.s32 s17, s14;
	s15 =	sadd.s32 s17, s15  }
0x14: {  	s16 =	sadd.s32 s17, s16;
	s17 =	sadd.s32 s17, s21;
	s22 =	sor.u32 $0x100, s30  }
0x15: {  	s21 =	sor.u32 $0x80, s30;
	s23 =	simm.s32 $0x80;
	s25 =	simm.s32 $0x1  }
0x16: {  	s26 =	simm.s32 $0x0;
	s10 =	sadd.s32 s20, s10;
	s18 =	sadd.s32 s24, s18  }
0x17: {  	s31 =	sshrl.u32 s22, $0x3;
	s21 =	sshrl.u32 s21, $0x3;
	s22 =	simm.s32 $0x2  }
0x18: {  	s24 =	simm.s32 $0x4100;
	s18 =	sadd.s32 s19, s18;
	s19 =	sadd.s32 s31, s20  }
0x19: {  	s20 =	sadd.s32 s21, s20;
	s21 =	simm.s32 $0x100;
	s18 =	sadd.s32 $0x1000, s18  }
.LBB2_1:
0x1a: {  	[tilespmem:s21], [sflag:$0x2] =	stream.linear.gather [hbm4b:s4+s2], $0x4000, $0x38;
	[tilespmem:$0x1C100] =	vst v63  }
0x1b: {  	_ =	swait.ge [sflag:s22], $0x4000  }
0x1c: {  	[sflag:s22] =	ssyncset.done $0x0  }
0x1d: {  	[sflag:s22] =	ssyncadd.s32 $0xFFFFC000  }
0x1e: {  	[spmem:s5] =	stream.linear.scatter [tilespmem:s21], [sflag:$0x2], $0x4000, $0x38;
	[tilespmem:$0x1C100] =	vst v63  }
0x1f: {  	_ =	swait.ge [sflag:s22], $0x4000  }
0x20: {  	[sflag:s22] =	ssyncset.done $0x0  }
0x21: {  	[sflag:s22] =	ssyncadd.s32 $0xFFFFC000  }
0x22: {  	[spmem:s6] =	stream.linear.scatter [tilespmem:s21], [sflag:$0x2], $0x4000, $0x38;
	[tilespmem:$0x1C100] =	vst v63  }
0x23: {  	_ =	swait.ge [sflag:s22], $0x4000  }
0x24: {  	[sflag:s22] =	ssyncset.done $0x0  }
0x25: {  	[sflag:s22] =	ssyncadd.s32 $0xFFFFC000  }
0x26: {  	[spmem:s7] =	stream.linear.scatter [tilespmem:s21], [sflag:$0x2], $0x4000, $0x38;
	[tilespmem:$0x1C100] =	vst v63  }
0x27: {  	_ =	swait.ge [sflag:s22], $0x4000  }
0x28: {  	[sflag:s22] =	ssyncset.done $0x0  }
0x29: {  	[sflag:s22] =	ssyncadd.s32 $0xFFFFC000  }
0x2a: {  	[spmem:s8] =	stream.linear.scatter [tilespmem:s21], [sflag:$0x2], $0x4000, $0x38;
	[tilespmem:$0x1C100] =	vst v63  }
0x2b: {  	_ =	swait.ge [sflag:s22], $0x4000  }
0x2c: {  	[sflag:s22] =	ssyncset.done $0x0  }
0x2d: {  	[sflag:s22] =	ssyncadd.s32 $0xFFFFC000  }
0x2e: {  	[spmem:s9] =	stream.linear.scatter [tilespmem:s21], [sflag:$0x2], $0x4000, $0x38;
	[tilespmem:$0x1C100] =	vst v63  }
0x2f: {  	_ =	swait.ge [sflag:s22], $0x4000  }
0x30: {  	[sflag:s22] =	ssyncset.done $0x0  }
0x31: {  	[sflag:s22] =	ssyncadd.s32 $0xFFFFC000  }
0x32: {  	[bflag:$0x0] =	sbarrier.arrive $0xFFFF  }
0x33: {  	[tilespmem:s2], [sflag:$0x2] =	stream.linear.gather [hbm4b:s10+s2], $0x80, $0x38;
	[tilespmem:$0x1C100] =	vst v63  }
0x34: {  	_ =	swait.ge [sflag:s22], $0x80  }
0x35: {  	[sflag:s22] =	ssyncset.done $0x0  }
0x36: {  	[sflag:s22] =	ssyncadd.s32 $0xFFFFFF80  }
0x37: {  	[tilespmem:s21], [sflag:$0x1] =	stream.linear.gather [hbm4b:s11+s2], $0x4000, $0x38;
	[tilespmem:$0x1C100] =	vst v63  }
0x38: {  	s28 =	sadd.s32 $0x0, s20  }
0x39: {  	[tilespmem:s23], [sflag:$0x2] =	stream.linear.gather [hbm4b:s28+s2], $0x80, $0x38;
	[tilespmem:$0x1C100] =	vst v63  }
0x3a: {  	_ =	swait.ge [sflag:s22], $0x80  }
0x3b: {  	[sflag:s22] =	ssyncset.done $0x0  }
0x3c: {  	s28 =	sadd.s32 $0xFFFFF800, s18;
	[sflag:s22] =	ssyncadd.s32 $0xFFFFFF80  }
0x3d: {  	[tilespmem:s24], [sflag:$0x1] =	stream.linear.gather [hbm4b:s28+s2], $0x4000, $0x38;
	[tilespmem:$0x1C100] =	vst v63  }
0x3e: {  	_ =	swait.ge [sflag:s25], $0x4000  }
0x3f: {  	[sflag:s25] =	ssyncset.done $0x0  }
0x40: {  	[sflag:s25] =	ssyncadd.s32 $0xFFFFC000  }
0x41: {  	[spmem:s1] =	stream.indirect.scatter.add.f32 [tilespmem:s21], [sflag:$0x2], $0x80, s2, s23, $0xb8;
	[tilespmem:$0x1C100] =	vst v63  }
0x42: {  	_ =	swait.ge [sflag:s22], $0x4000  }
0x43: {  	[sflag:s22] =	ssyncset.done $0x0  }
0x44: {  	s28 =	sadd.s32 $0x0, s19;
	[sflag:s22] =	ssyncadd.s32 $0xFFFFC000  }
0x45: {  	[tilespmem:s2], [sflag:$0x2] =	stream.linear.gather [hbm4b:s28+s2], $0x80, $0x38;
	[tilespmem:$0x1C100] =	vst v63  }
0x46: {  	_ =	swait.ge [sflag:s22], $0x80  }
0x47: {  	[sflag:s22] =	ssyncset.done $0x0  }
0x48: {  	[sflag:s22] =	ssyncadd.s32 $0xFFFFFF80  }
0x49: {  	[tilespmem:s21], [sflag:$0x1] =	stream.linear.gather [hbm4b:s18+s2], $0x4000, $0x38;
	[tilespmem:$0x1C100] =	vst v63  }
0x4a: {  	_ =	swait.ge [sflag:s25], $0x4000  }
0x4b: {  	[sflag:s25] =	ssyncset.done $0x0  }
0x4c: {  	[sflag:s25] =	ssyncadd.s32 $0xFFFFC000  }
0x4d: {  	[spmem:s1] =	stream.indirect.scatter.add.f32 [tilespmem:s24], [sflag:$0x2], $0x80, s23, s23, $0xb8;
	[tilespmem:$0x1C100] =	vst v63  }
0x4e: {  	s29 =	simm.s32 $0x20;
	_ =	swait.ge [sflag:s22], $0x4000  }
0x4f: {  	s30 =	simm.s32 $0x40;
	s28 =	sadd.s32 $0x1000, s18;
	[sflag:s22] =	ssyncset.done $0x0  }
.LBB2_2:
0x50: {  	s31 =	sadd.s32 s29, s20  }
0x51: {  	[sflag:s22] =	ssyncadd.s32 $0xFFFFC000;
	s0 =	smov.u32 s30;
	s3 =	sadd.s32 $0x20, s30  }
0x52: {  	[tilespmem:s23], [sflag:$0x2] =	stream.linear.gather [hbm4b:s31+s2], $0x80, $0x38;
	[tilespmem:$0x1C100] =	vst v63  }
0x53: {  	p0 =	sne.s32 s30, $0x260;
	_ =	swait.ge [sflag:s22], $0x80  }
0x54: {  	[sflag:s22] =	ssyncset.done $0x0  }
0x55: {  	s30 =	sadd.s32 $0xFFFFF800, s28;
	[sflag:s22] =	ssyncadd.s32 $0xFFFFFF80  }
0x56: {  	[tilespmem:s24], [sflag:$0x1] =	stream.linear.gather [hbm4b:s30+s2], $0x4000, $0x38;
	[tilespmem:$0x1C100] =	vst v63  }
0x57: {  	_ =	swait.ge [sflag:s25], $0x4000  }
0x58: {  	[sflag:s25] =	ssyncset.done $0x0  }
0x59: {  	[sflag:s25] =	ssyncadd.s32 $0xFFFFC000  }
0x5a: {  	[spmem:s1] =	stream.indirect.scatter.add.f32 [tilespmem:s21], [sflag:$0x2], $0x80, s2, s23, $0xb8;
	[tilespmem:$0x1C100] =	vst v63  }
0x5b: {  	_ =	swait.ge [sflag:s22], $0x4000  }
0x5c: {  	[sflag:s22] =	ssyncset.done $0x0  }
0x5d: {  	s30 =	sadd.s32 s29, s19;
	s29 =	smov.u32 s0;
	[sflag:s22] =	ssyncadd.s32 $0xFFFFC000  }
0x5e: {  	[tilespmem:s2], [sflag:$0x2] =	stream.linear.gather [hbm4b:s30+s2], $0x80, $0x38;
	[tilespmem:$0x1C100] =	vst v63  }
0x5f: {  	_ =	swait.ge [sflag:s22], $0x80  }
0x60: {  	[sflag:s22] =	ssyncset.done $0x0  }
0x61: {  	[sflag:s22] =	ssyncadd.s32 $0xFFFFFF80  }
0x62: {  	[tilespmem:s21], [sflag:$0x1] =	stream.linear.gather [hbm4b:s28+s2], $0x4000, $0x38;
	[tilespmem:$0x1C100] =	vst v63  }
0x63: {  	_ =	swait.ge [sflag:s25], $0x4000  }
.Ltmp0:
0x64: {  	[sflag:s25] =	ssyncset.done $0x0;
	(pc) =	sbr.rel @p0 .LBB2_2-.Ltmp0, $4  }
0x65: {  	[sflag:s25] =	ssyncadd.s32 $0xFFFFC000  }
0x66: {  	[spmem:s1] =	stream.indirect.scatter.add.f32 [tilespmem:s24], [sflag:$0x2], $0x80, s23, s23, $0xb8;
	[tilespmem:$0x1C100] =	vst v63  }
0x67: {  	_ =	swait.ge [sflag:s22], $0x4000  }
0x68: {  	s30 =	smov.u32 s3;
	s28 =	sadd.s32 $0x1000, s28;
	[sflag:s22] =	ssyncset.done $0x0  }
0x69: {  	s0 =	sadd.s32 s29, s20;
	[sflag:s22] =	ssyncadd.s32 $0xFFFFC000  }
0x6a: {  	[tilespmem:s23], [sflag:$0x2] =	stream.linear.gather [hbm4b:s0+s2], $0x80, $0x38;
	[tilespmem:$0x1C100] =	vst v63  }
0x6b: {  	_ =	swait.ge [sflag:s22], $0x80  }
0x6c: {  	[sflag:s22] =	ssyncset.done $0x0  }
0x6d: {  	s30 =	sadd.s32 $0xFFFFF800, s28;
	[sflag:s22] =	ssyncadd.s32 $0xFFFFFF80  }
0x6e: {  	[tilespmem:s24], [sflag:$0x1] =	stream.linear.gather [hbm4b:s30+s2], $0x4000, $0x38;
	[tilespmem:$0x1C100] =	vst v63  }
0x6f: {  	_ =	swait.ge [sflag:s25], $0x4000  }
0x70: {  	[sflag:s25] =	ssyncset.done $0x0  }
0x71: {  	[sflag:s25] =	ssyncadd.s32 $0xFFFFC000  }
0x72: {  	[spmem:s1] =	stream.indirect.scatter.add.f32 [tilespmem:s21], [sflag:$0x2], $0x80, s2, s23, $0xb8;
	[tilespmem:$0x1C100] =	vst v63  }
0x73: {  	_ =	swait.ge [sflag:s22], $0x4000  }
0x74: {  	[sflag:s22] =	ssyncset.done $0x0  }
0x75: {  	s31 =	sadd.s32 s29, s19;
	[sflag:s22] =	ssyncadd.s32 $0xFFFFC000  }
0x76: {  	[tilespmem:s2], [sflag:$0x2] =	stream.linear.gather [hbm4b:s31+s2], $0x80, $0x38;
	[tilespmem:$0x1C100] =	vst v63  }
0x77: {  	_ =	swait.ge [sflag:s22], $0x80  }
0x78: {  	[sflag:s22] =	ssyncset.done $0x0  }
0x79: {  	[sflag:s22] =	ssyncadd.s32 $0xFFFFFF80  }
0x7a: {  	[tilespmem:s21], [sflag:$0x1] =	stream.linear.gather [hbm4b:s28+s2], $0x4000, $0x38;
	[tilespmem:$0x1C100] =	vst v63  }
0x7b: {  	_ =	swait.ge [sflag:s25], $0x4000  }
0x7c: {  	[sflag:s25] =	ssyncset.done $0x0  }
0x7d: {  	[sflag:s25] =	ssyncadd.s32 $0xFFFFC000  }
0x7e: {  	[spmem:s1] =	stream.indirect.scatter.add.f32 [tilespmem:s24], [sflag:$0x2], $0x80, s23, s23, $0xb8;
	[tilespmem:$0x1C100] =	vst v63  }
0x7f: {  	_ =	swait.ge [sflag:s22], $0x4000  }
0x80: {  	[sflag:s22] =	ssyncset.done $0x0  }
0x81: {  	[sflag:s22] =	ssyncadd.s32 $0xFFFFC000  }
0x82: {  	_ =	swait.ge [sflag:s25], $0x4000  }
0x83: {  	[sflag:s25] =	ssyncset.done $0x0  }
0x84: {  	[sflag:s25] =	ssyncadd.s32 $0xFFFFC000  }
0x85: {  	[bflag:$0x0] =	sbarrier.arrive $0xFFFF  }
0x86: {  	[tilespmem:s21], [sflag:$0x2] =	stream.linear.gather [spmem:s5], $0x4000, $0x38;
	[tilespmem:$0x1C100] =	vst v63  }
0x87: {  	_ =	swait.ge [sflag:s22], $0x4000  }
0x88: {  	[sflag:s22] =	ssyncset.done $0x0  }
0x89: {  	[sflag:s22] =	ssyncadd.s32 $0xFFFFC000  }
0x8a: {  	[hbm4b:s13+s2] =	stream.linear.scatter [tilespmem:s21], [sflag:$0x2], $0x4000, $0x38;
	[tilespmem:$0x1C100] =	vst v63  }
0x8b: {  	_ =	swait.ge [sflag:s22], $0x4000  }
0x8c: {  	[sflag:s22] =	ssyncset.done $0x0  }
0x8d: {  	[sflag:s22] =	ssyncadd.s32 $0xFFFFC000  }
0x8e: {  	[tilespmem:s21], [sflag:$0x2] =	stream.linear.gather [spmem:s6], $0x4000, $0x38;
	[tilespmem:$0x1C100] =	vst v63  }
0x8f: {  	_ =	swait.ge [sflag:s22], $0x4000  }
0x90: {  	[sflag:s22] =	ssyncset.done $0x0  }
0x91: {  	[sflag:s22] =	ssyncadd.s32 $0xFFFFC000  }
0x92: {  	[hbm4b:s14+s2] =	stream.linear.scatter [tilespmem:s21], [sflag:$0x2], $0x4000, $0x38;
	[tilespmem:$0x1C100] =	vst v63  }
0x93: {  	_ =	swait.ge [sflag:s22], $0x4000  }
0x94: {  	[sflag:s22] =	ssyncset.done $0x0  }
0x95: {  	[sflag:s22] =	ssyncadd.s32 $0xFFFFC000  }
0x96: {  	[tilespmem:s21], [sflag:$0x2] =	stream.linear.gather [spmem:s7], $0x4000, $0x38;
	[tilespmem:$0x1C100] =	vst v63  }
0x97: {  	_ =	swait.ge [sflag:s22], $0x4000  }
0x98: {  	[sflag:s22] =	ssyncset.done $0x0  }
0x99: {  	[sflag:s22] =	ssyncadd.s32 $0xFFFFC000  }
0x9a: {  	[hbm4b:s15+s2] =	stream.linear.scatter [tilespmem:s21], [sflag:$0x2], $0x4000, $0x38;
	[tilespmem:$0x1C100] =	vst v63  }
0x9b: {  	_ =	swait.ge [sflag:s22], $0x4000  }
0x9c: {  	[sflag:s22] =	ssyncset.done $0x0  }
0x9d: {  	[sflag:s22] =	ssyncadd.s32 $0xFFFFC000  }
0x9e: {  	[tilespmem:s21], [sflag:$0x2] =	stream.linear.gather [spmem:s8], $0x4000, $0x38;
	[tilespmem:$0x1C100] =	vst v63  }
0x9f: {  	_ =	swait.ge [sflag:s22], $0x4000  }
0xa0: {  	[sflag:s22] =	ssyncset.done $0x0  }
0xa1: {  	[sflag:s22] =	ssyncadd.s32 $0xFFFFC000  }
0xa2: {  	[hbm4b:s16+s2] =	stream.linear.scatter [tilespmem:s21], [sflag:$0x2], $0x4000, $0x38;
	[tilespmem:$0x1C100] =	vst v63  }
0xa3: {  	_ =	swait.ge [sflag:s22], $0x4000  }
0xa4: {  	[sflag:s22] =	ssyncset.done $0x0  }
0xa5: {  	[sflag:s22] =	ssyncadd.s32 $0xFFFFC000  }
0xa6: {  	[tilespmem:s21], [sflag:$0x2] =	stream.linear.gather [spmem:s9], $0x4000, $0x38;
	[tilespmem:$0x1C100] =	vst v63  }
0xa7: {  	s26 =	sadd.s32 $0x1, s26;
	_ =	swait.ge [sflag:s22], $0x4000  }
0xa8: {  	p0 =	sne.s32 s26, s12;
	[sflag:s22] =	ssyncset.done $0x0  }
.Ltmp1:
0xa9: {  	[sflag:s22] =	ssyncadd.s32 $0xFFFFC000;
	(pc) =	sbr.rel @p0 .LBB2_1-.Ltmp1, $4  }
0xaa: {  	[hbm4b:s17+s2] =	stream.linear.scatter [tilespmem:s21], [sflag:$0x2], $0x4000, $0x38;
	[tilespmem:$0x1C100] =	vst v63  }
0xab: {  	_ =	swait.ge [sflag:s22], $0x4000  }
0xac: {  	[sflag:s22] =	ssyncset.done $0x0  }
0xad: {  	[sflag:s22] =	ssyncadd.s32 $0xFFFFC000  }
0xae: {  	_ =	sfence.sel $0x180000  }
0xaf: {  	[bflag:$0x0] =	sbarrier.arrive $0xFFFF  }
0xb0: {  	_ =	strace $0x9000004A  }
0xb1: {  	s0 =	stileid.u32;
	[bflag:$0x2] =	sbarrier.arrive $0xFFFF  }
0xb2: {  	p0 =	sne.s32 s0, $0x0;
	s0 =	rddreg [dreg:$0x3]  }
0xb3: {  	s0 =	sadd.s32 @!p0 $0x100000, s0  }
0xb4: {  	[sflag:s0] =	ssyncadd.tile.s32 @!p0 $0x1;
	_ =	shalt  }
.Lfunc_end2:
_tile_overlayer_lowered:
.L_overlay_start_2:
0xb5: {  	(tag) =	ssettag $0x2  }
0xb6: {  	s0 =	rddreg [dreg:$0x0];
	s2 =	stileid.u32  }
0xb7: {  	s1 =	rddreg [dreg:$0x1];
	p0 =	sne.s32 s2, $0x0  }
0xb8: {  	s3 =	rddreg [dreg:$0x2];
	[bflag:$0x3] =	sbarrier.arrive $0xFFFF;
	s2 =	simm.s32 @!p0 $0x1C02  }
0xb9: {  	[timem:s3], [sflag:s2] =	dma.local @!p0 [hbm:s0], s1  }
0xba: {  	s0 =	simm.s32 @!p0 $0x2  }
0xbb: {  	_ =	swait.ge @!p0 [sflag:s0], s1  }
0xbc: {  	s1 =	ssub.s32 @!p0 $0x0, s1;
	[sflag:s0] =	ssyncset.done @!p0 $0x0  }
0xbd: {  	[sflag:s0] =	ssyncadd.s32 @!p0 s1  }
0xbe: {  	[bflag:$0x3] =	sbarrier.arrive $0xFFFF  }
0xbf: {  	_ =	shalt  }

</sc_bundles>
